<compile_context>
chip_gen: v7x
topology: tpu7x:2x2x1
jax: 0.10.2.dev20260603
libtpu: 0.0.44.dev20260713+nightly
codegen_flags: <defaults>
</compile_context>

<pallas_src>
import functools

import jax
import jax.numpy as jnp
from jax import lax
from jax.experimental import pallas as pl
from jax.experimental.pallas import tpu as pltpu
from jax.experimental.pallas import tpu_sc as plsc

_R = 16
_NV = 2 * _R + 1
_NC = 2
_NS = 16
_NW = _NC * _NS
_L = 16
_JT = 16
_NBUF = 4


def _sc_body(B, S, D, x_hbm, t_hbm, o_hbm, t2, p31, cr, pe, xb0, xb1, xb2, xb3,
             si0, si1, si2, si3, so0, so1, so2, so3):
    xbs = (xb0, xb1, xb2, xb3)
    sin = (si0, si1, si2, si3)
    sout = (so0, so1, so2, so3)
    ch = D // _L
    jc = S // _NW
    nsub = jc // _JT
    nit = 4 * nsub
    inv_s = jnp.float32(1.0 / S)

    cid = lax.axis_index("c")
    sid = lax.axis_index("s")
    wid = sid * _NC + cid
    jbase = wid * jc

    pltpu.sync_copy(t_hbm.at[pl.ds(1 * D, 16 * D)], xb0)
    pltpu.sync_copy(t_hbm.at[pl.ds(17 * D, 16 * D)], xb1)
    pltpu.sync_copy(t_hbm.at[pl.ds(0, D)], t2.at[pl.ds(0, D)])
    pltpu.sync_copy(t_hbm.at[pl.ds((_NV - 1) * D, D)], t2.at[pl.ds(D, D)])

    @plsc.parallel_loop(0, D, step=_L, unroll=4)
    def _(k):
        acc = xb0[pl.ds(k, _L)] + xb1[pl.ds(k, _L)]
        def acc_lo(v, a):
            return a + xb0[pl.ds(v * D + k, _L)]
        def acc_hi(v, a):
            return a + xb1[pl.ds(v * D + k, _L)]
        acc = lax.fori_loop(1, 16, acc_lo, acc)
        acc = lax.fori_loop(1, 15, acc_hi, acc)
        p31[pl.ds(k, _L)] = acc * inv_s

    @pl.when(wid == 0)
    def _():
        @plsc.parallel_loop(0, D, step=_L, unroll=4)
        def _(k):
            def acc_j(jj, acc):
                j = 14 - jj
                acc = acc + xb1[pl.ds(j * D + k, _L)]
                cr[pl.ds(j * D + k, _L)] = acc
                return acc
            lax.fori_loop(0, 15, acc_j, jnp.zeros((_L,), jnp.float32))

    @pl.when(wid == _NW - 1)
    def _():
        @plsc.parallel_loop(0, D, step=_L, unroll=4)
        def _(k):
            def acc_m(m, acc):
                acc = acc + xb0[pl.ds(m * D + k, _L)]
                cr[pl.ds(m * D + k, _L)] = acc
                return acc
            lax.fori_loop(0, 15, acc_m, jnp.zeros((_L,), jnp.float32))

    def row0(it):
        sub, b = divmod(it, _NBUF)
        return b * S + jbase + sub * _JT

    def start_in(it):
        i = it % _NBUF
        src = x_hbm.at[pl.ds(row0(it) * D, _JT * D)]
        return pltpu.async_copy(src, xbs[i], sin[i])

    def start_out(it):
        i = it % _NBUF
        dst = o_hbm.at[pl.ds(row0(it) * D, _JT * D)]
        return pltpu.async_copy(xbs[i], dst, sout[i])

    def build_pe(sub):
        def prow(r, _):
            j = jbase + sub * _JT + r
            a = jnp.maximum(S - _R - j, 0).astype(jnp.float32) * inv_s
            c = jnp.maximum(j - (_R - 1), 0).astype(jnp.float32) * inv_s
            rbase = r * D
            @plsc.parallel_loop(0, D, step=_L, unroll=4)
            def _(k):
                pe[pl.ds(rbase + k, _L)] = (
                    p31[pl.ds(k, _L)]
                    + a * t2[pl.ds(k, _L)]
                    + c * t2[pl.ds(D + k, _L)]
                )
            return 0
        lax.fori_loop(0, _JT, prow, 0)
        if sub == 0:
            @pl.when(wid == 0)
            def _():
                def fix(m, _):
                    @plsc.parallel_loop(0, D, step=_L, unroll=4)
                    def _(k):
                        idx = pl.ds(m * D + k, _L)
                        pe[idx] = pe[idx] - cr[idx] * inv_s
                    return 0
                lax.fori_loop(0, 15, fix, 0)
        if sub == nsub - 1:
            @pl.when(wid == _NW - 1)
            def _():
                def fix(m, _):
                    @plsc.parallel_loop(0, D, step=_L, unroll=4)
                    def _(k):
                        pe[pl.ds((_JT - 15 + m) * D + k, _L)] = (
                            pe[pl.ds((_JT - 15 + m) * D + k, _L)]
                            - cr[pl.ds(m * D + k, _L)] * inv_s
                        )
                    return 0
                lax.fori_loop(0, 15, fix, 0)

    pending_in = {0: start_in(0), 1: start_in(1)}
    pending_out = {}
    for it in range(nit):
        if it % _NBUF == 0:
            build_pe(it // _NBUF)
        if it - (_NBUF - 2) >= 0:
            pending_out.pop(it - (_NBUF - 2)).wait()
        if it + 2 < nit:
            pending_in[it + 2] = start_in(it + 2)
        pending_in.pop(it).wait()
        xb = xbs[it % _NBUF]
        @plsc.parallel_loop(0, _JT * D, step=_L, unroll=8)
        def _(k, xb=xb):
            idx = pl.ds(k, _L)
            xb[idx] = xb[idx] + pe[idx]
        pending_out[it] = start_out(it)
    for it in sorted(pending_out):
        pending_out.pop(it).wait()


def kernel(x, table):
    B, S, D = x.shape
    mesh = plsc.VectorSubcoreMesh(
        core_axis_name="c", subcore_axis_name="s",
        num_cores=_NC, num_subcores=_NS,
    )
    sc = functools.partial(
        pl.kernel,
        out_type=jax.ShapeDtypeStruct((B * S * D,), jnp.float32),
        mesh=mesh,
        scratch_types=[
            pltpu.VMEM((2 * D,), jnp.float32),
            pltpu.VMEM((D,), jnp.float32),
            pltpu.VMEM((15 * D,), jnp.float32),
            pltpu.VMEM((_JT * D,), jnp.float32),
            pltpu.VMEM((_JT * D,), jnp.float32),
            pltpu.VMEM((_JT * D,), jnp.float32),
            pltpu.VMEM((_JT * D,), jnp.float32),
            pltpu.VMEM((_JT * D,), jnp.float32),
            pltpu.SemaphoreType.DMA,
            pltpu.SemaphoreType.DMA,
            pltpu.SemaphoreType.DMA,
            pltpu.SemaphoreType.DMA,
            pltpu.SemaphoreType.DMA,
            pltpu.SemaphoreType.DMA,
            pltpu.SemaphoreType.DMA,
            pltpu.SemaphoreType.DMA,
        ],
    )(functools.partial(_sc_body, B, S, D))
    out = sc(x.reshape(B * S * D), table.reshape(_NV * D))
    return out.reshape(B, S, D)

# --- scband reference (transcript-rebuilt; emitter-appended) ---
"""Pipeline reference for scband-relative-positional-encoding-45114336477525 (READ-ONLY COPY).

The authoritative reference and input builder live on the scoring server;
editing this copy changes nothing except your own understanding.
"""

import jax, jax.numpy as jnp
import numpy as np

MAX_REL = 16

def setup_inputs(seed: int = 0) -> dict:
    key = jax.random.key(seed)
    k1, k2 = jax.random.split(key)
    x = jax.random.normal(k1, (4, 4096, 1024), dtype=jnp.float32)
    # learned relative position embedding table: (2*max_rel+1, d_model)
    table = jax.random.normal(k2, (2 * MAX_REL + 1, 1024), dtype=jnp.float32) * 0.02
    return {"x": x, "table": table}

def reference(x, table):
    B, S, D = x.shape
    range_vec = jnp.arange(S)
    # distance_mat[i, j] = j - i  (range_mat - range_mat.T with torch semantics)
    distance_mat = range_vec[None, :] - range_vec[:, None]
    idx = jnp.clip(distance_mat, -MAX_REL, MAX_REL) + MAX_REL  # int [S, S], values in [0, 2*MAX_REL]
    # torch computes table[idx] -> [S, S, D] then .mean(dim=0) -> [S, D].
    # Equivalently, for each column j: mean_i table[idx[i, j]] = (counts_j @ table) / S
    # where counts_j[v] = #{i : idx[i, j] == v}. This is the same math without
    # materializing the [S, S, D] tensor.
    counts = jax.vmap(lambda col: jnp.bincount(col, length=2 * MAX_REL + 1))(idx.T)  # [S, 2*MAX_REL+1]
    pe_mean = (counts.astype(x.dtype) @ table) / jnp.asarray(S, x.dtype)  # [S, D]
    # dropout in eval mode is identity
    return x + pe_mean[None, :, :]

if __name__ == "__main__":
    import jax
    _d = setup_inputs()
    print(jax.jit(kernel)(*tuple(_d.values())))

</pallas_src>

<mosaic_0001>
#map = affine_map<(d0, d1) -> (0)>
module attributes {stable_mosaic.version = 14 : i64} {
  func.func @_sc_body(%arg0: i32, %arg1: i32, %arg2: memref<16777216xf32, #tpu.memory_space<hbm>>, %arg3: memref<33792xf32, #tpu.memory_space<hbm>>, %arg4: memref<16777216xf32, #tpu.memory_space<hbm>>, %arg5: memref<2048xf32, #tpu.memory_space<vmem>>, %arg6: memref<1024xf32, #tpu.memory_space<vmem>>, %arg7: memref<15360xf32, #tpu.memory_space<vmem>>, %arg8: memref<16384xf32, #tpu.memory_space<vmem>>, %arg9: memref<16384xf32, #tpu.memory_space<vmem>>, %arg10: memref<16384xf32, #tpu.memory_space<vmem>>, %arg11: memref<16384xf32, #tpu.memory_space<vmem>>, %arg12: memref<16384xf32, #tpu.memory_space<vmem>>, %arg13: memref<!tpu.dma_semaphore, #tpu.memory_space<semaphore_mem>>, %arg14: memref<!tpu.dma_semaphore, #tpu.memory_space<semaphore_mem>>, %arg15: memref<!tpu.dma_semaphore, #tpu.memory_space<semaphore_mem>>, %arg16: memref<!tpu.dma_semaphore, #tpu.memory_space<semaphore_mem>>, %arg17: memref<!tpu.dma_semaphore, #tpu.memory_space<semaphore_mem>>, %arg18: memref<!tpu.dma_semaphore, #tpu.memory_space<semaphore_mem>>, %arg19: memref<!tpu.dma_semaphore, #tpu.memory_space<semaphore_mem>>, %arg20: memref<!tpu.dma_semaphore, #tpu.memory_space<semaphore_mem>>) attributes {dimension_semantics = [#tpu.dimension_semantics<core_parallel>, #tpu.dimension_semantics<subcore_parallel>], iteration_bounds = array<i64: 2, 16>, scalar_prefetch = 0 : i64, scratch_operands = 16 : i64, tpu.core_type = #tpu.core_type<sc_vector_subcore>, window_params = [{transform_indices = #map}, {transform_indices = #map}, {transform_indices = #map}]} {
    %mul3A = arith.constant 2 : i32
    %mul3A_0 = arith.muli %arg1, %mul3A : i32
    %add3A = arith.addi %mul3A_0, %arg0 : i32
    %mul3A_1 = arith.constant 128 : i32
    %mul3A_2 = arith.muli %add3A, %mul3A_1 : i32
    "tpu.region"() ({
      %run_scoped3A = tpu.sem_alloc : memref<!tpu.dma_semaphore, #tpu.memory_space<semaphore_mem>>
      %dma_start3A_822 = arith.constant 1024 : i32
      %dma_start3A_823 = tpu.memref_slice %arg3[%dma_start3A_822] : memref<33792xf32, #tpu.memory_space<hbm>> -> memref<16384xf32, #tpu.memory_space<hbm>>
      %dma_start3A_824 = arith.constant 1024 : i32
      %dma_start3A_825 = tpu.memref_slice %arg3[%dma_start3A_824] : memref<33792xf32, #tpu.memory_space<hbm>> -> memref<16384xf32, #tpu.memory_space<hbm>>
      tpu.enqueue_dma source(%dma_start3A_825 : memref<16384xf32, #tpu.memory_space<hbm>>) target(%arg9 : memref<16384xf32, #tpu.memory_space<vmem>>) target_semaphore(%run_scoped3A : memref<!tpu.dma_semaphore, #tpu.memory_space<semaphore_mem>>)
      %dma_wait3A_826 = arith.constant 1024 : i32
      %dma_wait3A_827 = tpu.memref_slice %arg3[%dma_wait3A_826] : memref<33792xf32, #tpu.memory_space<hbm>> -> memref<16384xf32, #tpu.memory_space<hbm>>
      %dma_wait3A_828 = arith.constant 1024 : i32
      %dma_wait3A_829 = tpu.memref_slice %arg3[%dma_wait3A_828] : memref<33792xf32, #tpu.memory_space<hbm>> -> memref<16384xf32, #tpu.memory_space<hbm>>
      tpu.wait_dma2 semaphore(%run_scoped3A : memref<!tpu.dma_semaphore, #tpu.memory_space<semaphore_mem>>) src(%dma_wait3A_829 : memref<16384xf32, #tpu.memory_space<hbm>>) dst(%arg9 : memref<16384xf32, #tpu.memory_space<vmem>>)
      tpu.yield
    }) : () -> ()
    "tpu.region"() ({
      %run_scoped3A = tpu.sem_alloc : memref<!tpu.dma_semaphore, #tpu.memory_space<semaphore_mem>>
      %dma_start3A_822 = arith.constant 17408 : i32
      %dma_start3A_823 = tpu.memref_slice %arg3[%dma_start3A_822] : memref<33792xf32, #tpu.memory_space<hbm>> -> memref<16384xf32, #tpu.memory_space<hbm>>
      %dma_start3A_824 = arith.constant 17408 : i32
      %dma_start3A_825 = tpu.memref_slice %arg3[%dma_start3A_824] : memref<33792xf32, #tpu.memory_space<hbm>> -> memref<16384xf32, #tpu.memory_space<hbm>>
      tpu.enqueue_dma source(%dma_start3A_825 : memref<16384xf32, #tpu.memory_space<hbm>>) target(%arg10 : memref<16384xf32, #tpu.memory_space<vmem>>) target_semaphore(%run_scoped3A : memref<!tpu.dma_semaphore, #tpu.memory_space<semaphore_mem>>)
      %dma_wait3A_826 = arith.constant 17408 : i32
      %dma_wait3A_827 = tpu.memref_slice %arg3[%dma_wait3A_826] : memref<33792xf32, #tpu.memory_space<hbm>> -> memref<16384xf32, #tpu.memory_space<hbm>>
      %dma_wait3A_828 = arith.constant 17408 : i32
      %dma_wait3A_829 = tpu.memref_slice %arg3[%dma_wait3A_828] : memref<33792xf32, #tpu.memory_space<hbm>> -> memref<16384xf32, #tpu.memory_space<hbm>>
      tpu.wait_dma2 semaphore(%run_scoped3A : memref<!tpu.dma_semaphore, #tpu.memory_space<semaphore_mem>>) src(%dma_wait3A_829 : memref<16384xf32, #tpu.memory_space<hbm>>) dst(%arg10 : memref<16384xf32, #tpu.memory_space<vmem>>)
      tpu.yield
    }) : () -> ()
    "tpu.region"() ({
      %run_scoped3A = tpu.sem_alloc : memref<!tpu.dma_semaphore, #tpu.memory_space<semaphore_mem>>
      %dma_start3A_822 = arith.constant 0 : i32
      %dma_start3A_823 = tpu.memref_slice %arg5[%dma_start3A_822] : memref<2048xf32, #tpu.memory_space<vmem>> -> memref<1024xf32, #tpu.memory_space<vmem>>
      %dma_start3A_824 = arith.constant 0 : i32
      %dma_start3A_825 = tpu.memref_slice %arg3[%dma_start3A_824] : memref<33792xf32, #tpu.memory_space<hbm>> -> memref<1024xf32, #tpu.memory_space<hbm>>
      %dma_start3A_826 = arith.constant 0 : i32
      %dma_start3A_827 = tpu.memref_slice %arg5[%dma_start3A_826] : memref<2048xf32, #tpu.memory_space<vmem>> -> memref<1024xf32, #tpu.memory_space<vmem>>
      %dma_start3A_828 = arith.constant 0 : i32
      %dma_start3A_829 = tpu.memref_slice %arg3[%dma_start3A_828] : memref<33792xf32, #tpu.memory_space<hbm>> -> memref<1024xf32, #tpu.memory_space<hbm>>
      tpu.enqueue_dma source(%dma_start3A_829 : memref<1024xf32, #tpu.memory_space<hbm>>) target(%dma_start3A_827 : memref<1024xf32, #tpu.memory_space<vmem>>) target_semaphore(%run_scoped3A : memref<!tpu.dma_semaphore, #tpu.memory_space<semaphore_mem>>)
      %dma_wait3A_830 = arith.constant 0 : i32
      %dma_wait3A_831 = tpu.memref_slice %arg5[%dma_wait3A_830] : memref<2048xf32, #tpu.memory_space<vmem>> -> memref<1024xf32, #tpu.memory_space<vmem>>
      %dma_wait3A_832 = arith.constant 0 : i32
      %dma_wait3A_833 = tpu.memref_slice %arg3[%dma_wait3A_832] : memref<33792xf32, #tpu.memory_space<hbm>> -> memref<1024xf32, #tpu.memory_space<hbm>>
      %dma_wait3A_834 = arith.constant 0 : i32
      %dma_wait3A_835 = tpu.memref_slice %arg5[%dma_wait3A_834] : memref<2048xf32, #tpu.memory_space<vmem>> -> memref<1024xf32, #tpu.memory_space<vmem>>
      %dma_wait3A_836 = arith.constant 0 : i32
      %dma_wait3A_837 = tpu.memref_slice %arg3[%dma_wait3A_836] : memref<33792xf32, #tpu.memory_space<hbm>> -> memref<1024xf32, #tpu.memory_space<hbm>>
      tpu.wait_dma2 semaphore(%run_scoped3A : memref<!tpu.dma_semaphore, #tpu.memory_space<semaphore_mem>>) src(%dma_wait3A_837 : memref<1024xf32, #tpu.memory_space<hbm>>) dst(%dma_wait3A_835 : memref<1024xf32, #tpu.memory_space<vmem>>)
      tpu.yield
    }) : () -> ()
    "tpu.region"() ({
      %run_scoped3A = tpu.sem_alloc : memref<!tpu.dma_semaphore, #tpu.memory_space<semaphore_mem>>
      %dma_start3A_822 = arith.constant 1024 : i32
      %dma_start3A_823 = tpu.memref_slice %arg5[%dma_start3A_822] : memref<2048xf32, #tpu.memory_space<vmem>> -> memref<1024xf32, #tpu.memory_space<vmem>>
      %dma_start3A_824 = arith.constant 32768 : i32
      %dma_start3A_825 = tpu.memref_slice %arg3[%dma_start3A_824] : memref<33792xf32, #tpu.memory_space<hbm>> -> memref<1024xf32, #tpu.memory_space<hbm>>
      %dma_start3A_826 = arith.constant 1024 : i32
      %dma_start3A_827 = tpu.memref_slice %arg5[%dma_start3A_826] : memref<2048xf32, #tpu.memory_space<vmem>> -> memref<1024xf32, #tpu.memory_space<vmem>>
      %dma_start3A_828 = arith.constant 32768 : i32
      %dma_start3A_829 = tpu.memref_slice %arg3[%dma_start3A_828] : memref<33792xf32, #tpu.memory_space<hbm>> -> memref<1024xf32, #tpu.memory_space<hbm>>
      tpu.enqueue_dma source(%dma_start3A_829 : memref<1024xf32, #tpu.memory_space<hbm>>) target(%dma_start3A_827 : memref<1024xf32, #tpu.memory_space<vmem>>) target_semaphore(%run_scoped3A : memref<!tpu.dma_semaphore, #tpu.memory_space<semaphore_mem>>)
      %dma_wait3A_830 = arith.constant 1024 : i32
      %dma_wait3A_831 = tpu.memref_slice %arg5[%dma_wait3A_830] : memref<2048xf32, #tpu.memory_space<vmem>> -> memref<1024xf32, #tpu.memory_space<vmem>>
      %dma_wait3A_832 = arith.constant 32768 : i32
      %dma_wait3A_833 = tpu.memref_slice %arg3[%dma_wait3A_832] : memref<33792xf32, #tpu.memory_space<hbm>> -> memref<1024xf32, #tpu.memory_space<hbm>>
      %dma_wait3A_834 = arith.constant 1024 : i32
      %dma_wait3A_835 = tpu.memref_slice %arg5[%dma_wait3A_834] : memref<2048xf32, #tpu.memory_space<vmem>> -> memref<1024xf32, #tpu.memory_space<vmem>>
      %dma_wait3A_836 = arith.constant 32768 : i32
      %dma_wait3A_837 = tpu.memref_slice %arg3[%dma_wait3A_836] : memref<33792xf32, #tpu.memory_space<hbm>> -> memref<1024xf32, #tpu.memory_space<hbm>>
      tpu.wait_dma2 semaphore(%run_scoped3A : memref<!tpu.dma_semaphore, #tpu.memory_space<semaphore_mem>>) src(%dma_wait3A_837 : memref<1024xf32, #tpu.memory_space<hbm>>) dst(%dma_wait3A_835 : memref<1024xf32, #tpu.memory_space<vmem>>)
      tpu.yield
    }) : () -> ()
    %parallel_loop3A = arith.constant 0 : i32
    %parallel_loop3A_3 = arith.constant 1024 : i32
    %parallel_loop3A_4 = arith.constant 16 : i32
    %parallel_loop3A_5 = arith.constant 2.44140625E-4 : f32
    scf.for %parallel_loop3A_822 = %parallel_loop3A to %parallel_loop3A_3 step %parallel_loop3A_4  : i32 {
      %parallel_loop3A_823 = arith.index_cast %parallel_loop3A_822 : i32 to index
      %parallel_loop3A_824 = tpu.vector_load %arg9[%parallel_loop3A_823] {strides = array<i32>} : memref<16384xf32, #tpu.memory_space<vmem>>, vector<16xf32>,
      %parallel_loop3A_825 = vector.shape_cast %parallel_loop3A_824 : vector<16xf32> to vector<16xf32>
      %parallel_loop3A_826 = arith.index_cast %parallel_loop3A_822 : i32 to index
      %parallel_loop3A_827 = tpu.vector_load %arg10[%parallel_loop3A_826] {strides = array<i32>} : memref<16384xf32, #tpu.memory_space<vmem>>, vector<16xf32>,
      %parallel_loop3A_828 = vector.shape_cast %parallel_loop3A_827 : vector<16xf32> to vector<16xf32>
      %parallel_loop3A_829 = arith.addf %parallel_loop3A_825, %parallel_loop3A_828 : vector<16xf32>
      %parallel_loop3A_830 = arith.constant 1 : i32
      %parallel_loop3A_831 = arith.constant 15 : i32
      %parallel_loop3A_832 = arith.addi %parallel_loop3A_830, %parallel_loop3A_831 : i32
      %parallel_loop3A_833 = arith.constant 1 : i32
      %parallel_loop3A_834 = scf.for %scan3A_848 = %parallel_loop3A_830 to %parallel_loop3A_832 step %parallel_loop3A_833 iter_args(%scan3A_849 = %parallel_loop3A_829) -> (vector<16xf32>)  : i32 {
        %parallel_loop3A_850 = arith.constant 1024 : i32
        %parallel_loop3A_851 = arith.muli %scan3A_848, %parallel_loop3A_850 : i32
        %parallel_loop3A_852 = arith.addi %parallel_loop3A_851, %parallel_loop3A_822 : i32
        %parallel_loop3A_853 = arith.index_cast %parallel_loop3A_852 : i32 to index
        %parallel_loop3A_854 = tpu.vector_load %arg9[%parallel_loop3A_853] {strides = array<i32>} : memref<16384xf32, #tpu.memory_space<vmem>>, vector<16xf32>,
        %parallel_loop3A_855 = vector.shape_cast %parallel_loop3A_854 : vector<16xf32> to vector<16xf32>
        %parallel_loop3A_856 = arith.addf %scan3A_849, %parallel_loop3A_855 : vector<16xf32>
        scf.yield %parallel_loop3A_856 : vector<16xf32>
      }
      %parallel_loop3A_835 = arith.constant 15 : i32
      %parallel_loop3A_836 = arith.constant 1 : i32
      %parallel_loop3A_837 = arith.constant 14 : i32
      %parallel_loop3A_838 = arith.addi %parallel_loop3A_836, %parallel_loop3A_837 : i32
      %parallel_loop3A_839 = arith.constant 1 : i32
      %parallel_loop3A_840 = scf.for %scan3A_848 = %parallel_loop3A_836 to %parallel_loop3A_838 step %parallel_loop3A_839 iter_args(%scan3A_849 = %parallel_loop3A_834) -> (vector<16xf32>)  : i32 {
        %parallel_loop3A_850 = arith.constant 1024 : i32
        %parallel_loop3A_851 = arith.muli %scan3A_848, %parallel_loop3A_850 : i32
        %parallel_loop3A_852 = arith.addi %parallel_loop3A_851, %parallel_loop3A_822 : i32
        %parallel_loop3A_853 = arith.index_cast %parallel_loop3A_852 : i32 to index
        %parallel_loop3A_854 = tpu.vector_load %arg10[%parallel_loop3A_853] {strides = array<i32>} : memref<16384xf32, #tpu.memory_space<vmem>>, vector<16xf32>,
        %parallel_loop3A_855 = vector.shape_cast %parallel_loop3A_854 : vector<16xf32> to vector<16xf32>
        %parallel_loop3A_856 = arith.addf %scan3A_849, %parallel_loop3A_855 : vector<16xf32>
        scf.yield %parallel_loop3A_856 : vector<16xf32>
      }
      %parallel_loop3A_841 = arith.constant 14 : i32
      %parallel_loop3A_842 = vector.broadcast %parallel_loop3A_5 : f32 to vector<16xf32>
      %parallel_loop3A_843 = arith.mulf %parallel_loop3A_840, %parallel_loop3A_842 : vector<16xf32>
      %parallel_loop3A_844 = arith.index_cast %parallel_loop3A_822 : i32 to index
      %parallel_loop3A_845 = tpu.vector_load %arg6[%parallel_loop3A_844] {strides = array<i32>} : memref<1024xf32, #tpu.memory_space<vmem>>, vector<16xf32>,
      %parallel_loop3A_846 = vector.shape_cast %parallel_loop3A_845 : vector<16xf32> to vector<16xf32>
      %parallel_loop3A_847 = vector.shape_cast %parallel_loop3A_843 : vector<16xf32> to vector<16xf32>
      tpu.vector_store %arg6[%parallel_loop3A_844], %parallel_loop3A_847 {strides = array<i32>} : memref<1024xf32, #tpu.memory_space<vmem>>, vector<16xf32>,
    } {sc.loop_unroll_factor = 4 : i64, sc.parallel_access}
    %eq3A = arith.constant 0 : i32
    %eq3A_6 = arith.cmpi eq, %add3A, %eq3A : i32
    %convert_element_type3A = arith.extui %eq3A_6 : i1 to i32
    %cond3A = arith.constant 0 : i32
    %cond3A_7 = arith.cmpi ne, %convert_element_type3A, %cond3A : i32
    scf.if %cond3A_7 {
      %parallel_loop3A_822 = arith.constant 0 : i32
      %parallel_loop3A_823 = arith.constant 1024 : i32
      %parallel_loop3A_824 = arith.constant 16 : i32
      scf.for %parallel_loop3A_825 = %parallel_loop3A_822 to %parallel_loop3A_823 step %parallel_loop3A_824  : i32 {
        %parallel_loop3A_826 = arith.constant 0.000000e+00 : f32
        %parallel_loop3A_827 = vector.broadcast %parallel_loop3A_826 : f32 to vector<16xf32>
        %parallel_loop3A_828 = arith.constant 0 : i32
        %parallel_loop3A_829 = arith.constant 15 : i32
        %parallel_loop3A_830 = arith.addi %parallel_loop3A_828, %parallel_loop3A_829 : i32
        %parallel_loop3A_831 = arith.constant 1 : i32
        %parallel_loop3A_832 = scf.for %scan3A_834 = %parallel_loop3A_828 to %parallel_loop3A_830 step %parallel_loop3A_831 iter_args(%scan3A_835 = %parallel_loop3A_827) -> (vector<16xf32>)  : i32 {
          %parallel_loop3A_836 = arith.constant 14 : i32
          %parallel_loop3A_837 = arith.subi %parallel_loop3A_836, %scan3A_834 : i32
          %parallel_loop3A_838 = arith.constant 1024 : i32
          %parallel_loop3A_839 = arith.muli %parallel_loop3A_837, %parallel_loop3A_838 : i32
          %parallel_loop3A_840 = arith.addi %parallel_loop3A_839, %parallel_loop3A_825 : i32
          %parallel_loop3A_841 = arith.index_cast %parallel_loop3A_840 : i32 to index
          %parallel_loop3A_842 = tpu.vector_load %arg10[%parallel_loop3A_841] {strides = array<i32>} : memref<16384xf32, #tpu.memory_space<vmem>>, vector<16xf32>,
          %parallel_loop3A_843 = vector.shape_cast %parallel_loop3A_842 : vector<16xf32> to vector<16xf32>
          %parallel_loop3A_844 = arith.addf %scan3A_835, %parallel_loop3A_843 : vector<16xf32>
          %parallel_loop3A_845 = arith.constant 1024 : i32
          %parallel_loop3A_846 = arith.muli %parallel_loop3A_837, %parallel_loop3A_845 : i32
          %parallel_loop3A_847 = arith.addi %parallel_loop3A_846, %parallel_loop3A_825 : i32
          %parallel_loop3A_848 = arith.index_cast %parallel_loop3A_847 : i32 to index
          %parallel_loop3A_849 = tpu.vector_load %arg7[%parallel_loop3A_848] {strides = array<i32>} : memref<15360xf32, #tpu.memory_space<vmem>>, vector<16xf32>,
          %parallel_loop3A_850 = vector.shape_cast %parallel_loop3A_849 : vector<16xf32> to vector<16xf32>
          %parallel_loop3A_851 = vector.shape_cast %parallel_loop3A_844 : vector<16xf32> to vector<16xf32>
          tpu.vector_store %arg7[%parallel_loop3A_848], %parallel_loop3A_851 {strides = array<i32>} : memref<15360xf32, #tpu.memory_space<vmem>>, vector<16xf32>,
          scf.yield %parallel_loop3A_844 : vector<16xf32>
        }
        %parallel_loop3A_833 = arith.constant 15 : i32
      } {sc.loop_unroll_factor = 4 : i64, sc.parallel_access}
    } else {
    }
    %eq3A_8 = arith.constant 31 : i32
    %eq3A_9 = arith.cmpi eq, %add3A, %eq3A_8 : i32
    %convert_element_type3A_10 = arith.extui %eq3A_9 : i1 to i32
    %cond3A_11 = arith.constant 0 : i32
    %cond3A_12 = arith.cmpi ne, %convert_element_type3A_10, %cond3A_11 : i32
    scf.if %cond3A_12 {
      %parallel_loop3A_822 = arith.constant 0 : i32
      %parallel_loop3A_823 = arith.constant 1024 : i32
      %parallel_loop3A_824 = arith.constant 16 : i32
      scf.for %parallel_loop3A_825 = %parallel_loop3A_822 to %parallel_loop3A_823 step %parallel_loop3A_824  : i32 {
        %parallel_loop3A_826 = arith.constant 0.000000e+00 : f32
        %parallel_loop3A_827 = vector.broadcast %parallel_loop3A_826 : f32 to vector<16xf32>
        %parallel_loop3A_828 = arith.constant 0 : i32
        %parallel_loop3A_829 = arith.constant 15 : i32
        %parallel_loop3A_830 = arith.addi %parallel_loop3A_828, %parallel_loop3A_829 : i32
        %parallel_loop3A_831 = arith.constant 1 : i32
        %parallel_loop3A_832 = scf.for %scan3A_834 = %parallel_loop3A_828 to %parallel_loop3A_830 step %parallel_loop3A_831 iter_args(%scan3A_835 = %parallel_loop3A_827) -> (vector<16xf32>)  : i32 {
          %parallel_loop3A_836 = arith.constant 1024 : i32
          %parallel_loop3A_837 = arith.muli %scan3A_834, %parallel_loop3A_836 : i32
          %parallel_loop3A_838 = arith.addi %parallel_loop3A_837, %parallel_loop3A_825 : i32
          %parallel_loop3A_839 = arith.index_cast %parallel_loop3A_838 : i32 to index
          %parallel_loop3A_840 = tpu.vector_load %arg9[%parallel_loop3A_839] {strides = array<i32>} : memref<16384xf32, #tpu.memory_space<vmem>>, vector<16xf32>,
          %parallel_loop3A_841 = vector.shape_cast %parallel_loop3A_840 : vector<16xf32> to vector<16xf32>
          %parallel_loop3A_842 = arith.addf %scan3A_835, %parallel_loop3A_841 : vector<16xf32>
          %parallel_loop3A_843 = arith.constant 1024 : i32
          %parallel_loop3A_844 = arith.muli %scan3A_834, %parallel_loop3A_843 : i32
          %parallel_loop3A_845 = arith.addi %parallel_loop3A_844, %parallel_loop3A_825 : i32
          %parallel_loop3A_846 = arith.index_cast %parallel_loop3A_845 : i32 to index
          %parallel_loop3A_847 = tpu.vector_load %arg7[%parallel_loop3A_846] {strides = array<i32>} : memref<15360xf32, #tpu.memory_space<vmem>>, vector<16xf32>,
          %parallel_loop3A_848 = vector.shape_cast %parallel_loop3A_847 : vector<16xf32> to vector<16xf32>
          %parallel_loop3A_849 = vector.shape_cast %parallel_loop3A_842 : vector<16xf32> to vector<16xf32>
          tpu.vector_store %arg7[%parallel_loop3A_846], %parallel_loop3A_849 {strides = array<i32>} : memref<15360xf32, #tpu.memory_space<vmem>>, vector<16xf32>,
          scf.yield %parallel_loop3A_842 : vector<16xf32>
        }
        %parallel_loop3A_833 = arith.constant 15 : i32
      } {sc.loop_unroll_factor = 4 : i64, sc.parallel_access}
    } else {
    }
    %add3A_13 = arith.constant 0 : i32
    %add3A_14 = arith.addi %add3A_13, %mul3A_2 : i32
    %add3A_15 = arith.constant 0 : i32
    %add3A_16 = arith.addi %add3A_14, %add3A_15 : i32
    %mul3A_17 = arith.constant 1024 : i32
    %mul3A_18 = arith.muli %add3A_16, %mul3A_17 : i32
    %dma_start3A = tpu.memref_slice %arg2[%mul3A_18] : memref<16777216xf32, #tpu.memory_space<hbm>> -> memref<16384xf32, #tpu.memory_space<hbm>>
    %dma_start3A_19 = tpu.memref_slice %arg2[%mul3A_18] : memref<16777216xf32, #tpu.memory_space<hbm>> -> memref<16384xf32, #tpu.memory_space<hbm>>
    tpu.enqueue_dma source(%dma_start3A_19 : memref<16384xf32, #tpu.memory_space<hbm>>) target(%arg9 : memref<16384xf32, #tpu.memory_space<vmem>>) target_semaphore(%arg13 : memref<!tpu.dma_semaphore, #tpu.memory_space<semaphore_mem>>)
    %add3A_20 = arith.constant 4096 : i32
    %add3A_21 = arith.addi %add3A_20, %mul3A_2 : i32
    %add3A_22 = arith.constant 0 : i32
    %add3A_23 = arith.addi %add3A_21, %add3A_22 : i32
    %mul3A_24 = arith.constant 1024 : i32
    %mul3A_25 = arith.muli %add3A_23, %mul3A_24 : i32
    %dma_start3A_26 = tpu.memref_slice %arg2[%mul3A_25] : memref<16777216xf32, #tpu.memory_space<hbm>> -> memref<16384xf32, #tpu.memory_space<hbm>>
    %dma_start3A_27 = tpu.memref_slice %arg2[%mul3A_25] : memref<16777216xf32, #tpu.memory_space<hbm>> -> memref<16384xf32, #tpu.memory_space<hbm>>
    tpu.enqueue_dma source(%dma_start3A_27 : memref<16384xf32, #tpu.memory_space<hbm>>) target(%arg10 : memref<16384xf32, #tpu.memory_space<vmem>>) target_semaphore(%arg14 : memref<!tpu.dma_semaphore, #tpu.memory_space<semaphore_mem>>)
    %scan3A = arith.constant 2.44140625E-4 : f32
    %scan3A_28 = arith.constant 0 : i32
    %scan3A_29 = arith.constant 0 : i32
    %scan3A_30 = arith.constant 16 : i32
    %scan3A_31 = arith.addi %scan3A_29, %scan3A_30 : i32
    %scan3A_32 = arith.constant 1 : i32
    %scan3A_33 = scf.for %scan3A_822 = %scan3A_29 to %scan3A_31 step %scan3A_32 iter_args(%scan3A_823 = %scan3A_28) -> (i32)  : i32 {
      %add3A_824 = arith.constant 0 : i32
      %add3A_825 = arith.addi %mul3A_2, %add3A_824 : i32
      %add3A_826 = arith.addi %add3A_825, %scan3A_822 : i32
      %sub3A = arith.constant 4080 : i32
      %sub3A_827 = arith.subi %sub3A, %add3A_826 : i32
      %max3A = arith.constant 0 : i32
      %max3A_828 = arith.maxsi %sub3A_827, %max3A : i32
      %convert_element_type3A_829 = arith.sitofp %max3A_828 : i32 to f32
      %mul3A_830 = arith.mulf %convert_element_type3A_829, %scan3A : f32
      %sub3A_831 = arith.constant 15 : i32
      %sub3A_832 = arith.subi %add3A_826, %sub3A_831 : i32
      %max3A_833 = arith.constant 0 : i32
      %max3A_834 = arith.maxsi %sub3A_832, %max3A_833 : i32
      %convert_element_type3A_835 = arith.sitofp %max3A_834 : i32 to f32
      %mul3A_836 = arith.mulf %convert_element_type3A_835, %scan3A : f32
      %mul3A_837 = arith.constant 1024 : i32
      %mul3A_838 = arith.muli %scan3A_822, %mul3A_837 : i32
      %parallel_loop3A_839 = arith.constant 0 : i32
      %parallel_loop3A_840 = arith.constant 1024 : i32
      %parallel_loop3A_841 = arith.constant 16 : i32
      scf.for %parallel_loop3A_843 = %parallel_loop3A_839 to %parallel_loop3A_840 step %parallel_loop3A_841  : i32 {
        %parallel_loop3A_844 = arith.index_cast %parallel_loop3A_843 : i32 to index
        %parallel_loop3A_845 = tpu.vector_load %arg6[%parallel_loop3A_844] {strides = array<i32>} : memref<1024xf32, #tpu.memory_space<vmem>>, vector<16xf32>,
        %parallel_loop3A_846 = vector.shape_cast %parallel_loop3A_845 : vector<16xf32> to vector<16xf32>
        %parallel_loop3A_847 = arith.index_cast %parallel_loop3A_843 : i32 to index
        %parallel_loop3A_848 = tpu.vector_load %arg5[%parallel_loop3A_847] {strides = array<i32>} : memref<2048xf32, #tpu.memory_space<vmem>>, vector<16xf32>,
        %parallel_loop3A_849 = vector.shape_cast %parallel_loop3A_848 : vector<16xf32> to vector<16xf32>
        %parallel_loop3A_850 = vector.broadcast %mul3A_830 : f32 to vector<16xf32>
        %parallel_loop3A_851 = arith.mulf %parallel_loop3A_850, %parallel_loop3A_849 : vector<16xf32>
        %parallel_loop3A_852 = arith.addf %parallel_loop3A_846, %parallel_loop3A_851 : vector<16xf32>
        %parallel_loop3A_853 = arith.constant 1024 : i32
        %parallel_loop3A_854 = arith.addi %parallel_loop3A_853, %parallel_loop3A_843 : i32
        %parallel_loop3A_855 = arith.index_cast %parallel_loop3A_854 : i32 to index
        %parallel_loop3A_856 = tpu.vector_load %arg5[%parallel_loop3A_855] {strides = array<i32>} : memref<2048xf32, #tpu.memory_space<vmem>>, vector<16xf32>,
        %parallel_loop3A_857 = vector.shape_cast %parallel_loop3A_856 : vector<16xf32> to vector<16xf32>
        %parallel_loop3A_858 = vector.broadcast %mul3A_836 : f32 to vector<16xf32>
        %parallel_loop3A_859 = arith.mulf %parallel_loop3A_858, %parallel_loop3A_857 : vector<16xf32>
        %parallel_loop3A_860 = arith.addf %parallel_loop3A_852, %parallel_loop3A_859 : vector<16xf32>
        %parallel_loop3A_861 = arith.addi %mul3A_838, %parallel_loop3A_843 : i32
        %parallel_loop3A_862 = arith.index_cast %parallel_loop3A_861 : i32 to index
        %parallel_loop3A_863 = tpu.vector_load %arg8[%parallel_loop3A_862] {strides = array<i32>} : memref<16384xf32, #tpu.memory_space<vmem>>, vector<16xf32>,
        %parallel_loop3A_864 = vector.shape_cast %parallel_loop3A_863 : vector<16xf32> to vector<16xf32>
        %parallel_loop3A_865 = vector.shape_cast %parallel_loop3A_860 : vector<16xf32> to vector<16xf32>
        tpu.vector_store %arg8[%parallel_loop3A_862], %parallel_loop3A_865 {strides = array<i32>} : memref<16384xf32, #tpu.memory_space<vmem>>, vector<16xf32>,
      } {sc.loop_unroll_factor = 4 : i64, sc.parallel_access}
      %scan3A_842 = arith.constant 0 : i32
      scf.yield %scan3A_842 : i32
    }
    %scan3A_34 = arith.constant 16 : i32
    %eq3A_35 = arith.constant 0 : i32
    %eq3A_36 = arith.cmpi eq, %add3A, %eq3A_35 : i32
    %convert_element_type3A_37 = arith.extui %eq3A_36 : i1 to i32
    %cond3A_38 = arith.constant 2.44140625E-4 : f32
    %cond3A_39 = arith.constant 0 : i32
    %cond3A_40 = arith.cmpi ne, %convert_element_type3A_37, %cond3A_39 : i32
    scf.if %cond3A_40 {
      %scan3A_822 = arith.constant 0 : i32
      %scan3A_823 = arith.constant 0 : i32
      %scan3A_824 = arith.constant 15 : i32
      %scan3A_825 = arith.addi %scan3A_823, %scan3A_824 : i32
      %scan3A_826 = arith.constant 1 : i32
      %scan3A_827 = scf.for %scan3A_829 = %scan3A_823 to %scan3A_825 step %scan3A_826 iter_args(%scan3A_830 = %scan3A_822) -> (i32)  : i32 {
        %parallel_loop3A_831 = arith.constant 0 : i32
        %parallel_loop3A_832 = arith.constant 1024 : i32
        %parallel_loop3A_833 = arith.constant 16 : i32
        scf.for %parallel_loop3A_835 = %parallel_loop3A_831 to %parallel_loop3A_832 step %parallel_loop3A_833  : i32 {
          %parallel_loop3A_836 = arith.constant 1024 : i32
          %parallel_loop3A_837 = arith.muli %scan3A_829, %parallel_loop3A_836 : i32
          %parallel_loop3A_838 = arith.addi %parallel_loop3A_837, %parallel_loop3A_835 : i32
          %parallel_loop3A_839 = arith.index_cast %parallel_loop3A_838 : i32 to index
          %parallel_loop3A_840 = tpu.vector_load %arg8[%parallel_loop3A_839] {strides = array<i32>} : memref<16384xf32, #tpu.memory_space<vmem>>, vector<16xf32>,
          %parallel_loop3A_841 = vector.shape_cast %parallel_loop3A_840 : vector<16xf32> to vector<16xf32>
          %parallel_loop3A_842 = arith.index_cast %parallel_loop3A_838 : i32 to index
          %parallel_loop3A_843 = tpu.vector_load %arg7[%parallel_loop3A_842] {strides = array<i32>} : memref<15360xf32, #tpu.memory_space<vmem>>, vector<16xf32>,
          %parallel_loop3A_844 = vector.shape_cast %parallel_loop3A_843 : vector<16xf32> to vector<16xf32>
          %parallel_loop3A_845 = vector.broadcast %cond3A_38 : f32 to vector<16xf32>
          %parallel_loop3A_846 = arith.mulf %parallel_loop3A_844, %parallel_loop3A_845 : vector<16xf32>
          %parallel_loop3A_847 = arith.subf %parallel_loop3A_841, %parallel_loop3A_846 : vector<16xf32>
          %parallel_loop3A_848 = arith.index_cast %parallel_loop3A_838 : i32 to index
          %parallel_loop3A_849 = tpu.vector_load %arg8[%parallel_loop3A_848] {strides = array<i32>} : memref<16384xf32, #tpu.memory_space<vmem>>, vector<16xf32>,
          %parallel_loop3A_850 = vector.shape_cast %parallel_loop3A_849 : vector<16xf32> to vector<16xf32>
          %parallel_loop3A_851 = vector.shape_cast %parallel_loop3A_847 : vector<16xf32> to vector<16xf32>
          tpu.vector_store %arg8[%parallel_loop3A_848], %parallel_loop3A_851 {strides = array<i32>} : memref<16384xf32, #tpu.memory_space<vmem>>, vector<16xf32>,
        } {sc.loop_unroll_factor = 4 : i64, sc.parallel_access}
        %scan3A_834 = arith.constant 0 : i32
        scf.yield %scan3A_834 : i32
      }
      %scan3A_828 = arith.constant 15 : i32
    } else {
    }
    %add3A_41 = arith.constant 8192 : i32
    %add3A_42 = arith.addi %add3A_41, %mul3A_2 : i32
    %add3A_43 = arith.constant 0 : i32
    %add3A_44 = arith.addi %add3A_42, %add3A_43 : i32
    %mul3A_45 = arith.constant 1024 : i32
    %mul3A_46 = arith.muli %add3A_44, %mul3A_45 : i32
    %dma_start3A_47 = tpu.memref_slice %arg2[%mul3A_46] : memref<16777216xf32, #tpu.memory_space<hbm>> -> memref<16384xf32, #tpu.memory_space<hbm>>
    %dma_start3A_48 = tpu.memref_slice %arg2[%mul3A_46] : memref<16777216xf32, #tpu.memory_space<hbm>> -> memref<16384xf32, #tpu.memory_space<hbm>>
    tpu.enqueue_dma source(%dma_start3A_48 : memref<16384xf32, #tpu.memory_space<hbm>>) target(%arg11 : memref<16384xf32, #tpu.memory_space<vmem>>) target_semaphore(%arg15 : memref<!tpu.dma_semaphore, #tpu.memory_space<semaphore_mem>>)
    %dma_wait3A = tpu.memref_slice %arg2[%mul3A_18] : memref<16777216xf32, #tpu.memory_space<hbm>> -> memref<16384xf32, #tpu.memory_space<hbm>>
    %dma_wait3A_49 = tpu.memref_slice %arg2[%mul3A_18] : memref<16777216xf32, #tpu.memory_space<hbm>> -> memref<16384xf32, #tpu.memory_space<hbm>>
    tpu.wait_dma2 semaphore(%arg13 : memref<!tpu.dma_semaphore, #tpu.memory_space<semaphore_mem>>) src(%dma_wait3A_49 : memref<16384xf32, #tpu.memory_space<hbm>>) dst(%arg9 : memref<16384xf32, #tpu.memory_space<vmem>>)
    %parallel_loop3A_50 = arith.constant 0 : i32
    %parallel_loop3A_51 = arith.constant 16384 : i32
    %parallel_loop3A_52 = arith.constant 16 : i32
    scf.for %parallel_loop3A_822 = %parallel_loop3A_50 to %parallel_loop3A_51 step %parallel_loop3A_52  : i32 {
      %parallel_loop3A_823 = arith.index_cast %parallel_loop3A_822 : i32 to index
      %parallel_loop3A_824 = tpu.vector_load %arg9[%parallel_loop3A_823] {strides = array<i32>} : memref<16384xf32, #tpu.memory_space<vmem>>, vector<16xf32>,
      %parallel_loop3A_825 = vector.shape_cast %parallel_loop3A_824 : vector<16xf32> to vector<16xf32>
      %parallel_loop3A_826 = arith.index_cast %parallel_loop3A_822 : i32 to index
      %parallel_loop3A_827 = tpu.vector_load %arg8[%parallel_loop3A_826] {strides = array<i32>} : memref<16384xf32, #tpu.memory_space<vmem>>, vector<16xf32>,
      %parallel_loop3A_828 = vector.shape_cast %parallel_loop3A_827 : vector<16xf32> to vector<16xf32>
      %parallel_loop3A_829 = arith.addf %parallel_loop3A_825, %parallel_loop3A_828 : vector<16xf32>
      %parallel_loop3A_830 = arith.index_cast %parallel_loop3A_822 : i32 to index
      %parallel_loop3A_831 = tpu.vector_load %arg9[%parallel_loop3A_830] {strides = array<i32>} : memref<16384xf32, #tpu.memory_space<vmem>>, vector<16xf32>,
      %parallel_loop3A_832 = vector.shape_cast %parallel_loop3A_831 : vector<16xf32> to vector<16xf32>
      %parallel_loop3A_833 = vector.shape_cast %parallel_loop3A_829 : vector<16xf32> to vector<16xf32>
      tpu.vector_store %arg9[%parallel_loop3A_830], %parallel_loop3A_833 {strides = array<i32>} : memref<16384xf32, #tpu.memory_space<vmem>>, vector<16xf32>,
    } {sc.loop_unroll_factor = 8 : i64, sc.parallel_access}
    %add3A_53 = arith.constant 0 : i32
    %add3A_54 = arith.addi %add3A_53, %mul3A_2 : i32
    %add3A_55 = arith.constant 0 : i32
    %add3A_56 = arith.addi %add3A_54, %add3A_55 : i32
    %mul3A_57 = arith.constant 1024 : i32
    %mul3A_58 = arith.muli %add3A_56, %mul3A_57 : i32
    %dma_start3A_59 = tpu.memref_slice %arg4[%mul3A_58] : memref<16777216xf32, #tpu.memory_space<hbm>> -> memref<16384xf32, #tpu.memory_space<hbm>>
    %dma_start3A_60 = tpu.memref_slice %arg4[%mul3A_58] : memref<16777216xf32, #tpu.memory_space<hbm>> -> memref<16384xf32, #tpu.memory_space<hbm>>
    tpu.enqueue_dma source(%arg9 : memref<16384xf32, #tpu.memory_space<vmem>>) target(%dma_start3A_60 : memref<16384xf32, #tpu.memory_space<hbm>>) target_semaphore(%arg17 : memref<!tpu.dma_semaphore, #tpu.memory_space<semaphore_mem>>)
    %add3A_61 = arith.constant 12288 : i32
    %add3A_62 = arith.addi %add3A_61, %mul3A_2 : i32
    %add3A_63 = arith.constant 0 : i32
    %add3A_64 = arith.addi %add3A_62, %add3A_63 : i32
    %mul3A_65 = arith.constant 1024 : i32
    %mul3A_66 = arith.muli %add3A_64, %mul3A_65 : i32
    %dma_start3A_67 = tpu.memref_slice %arg2[%mul3A_66] : memref<16777216xf32, #tpu.memory_space<hbm>> -> memref<16384xf32, #tpu.memory_space<hbm>>
    %dma_start3A_68 = tpu.memref_slice %arg2[%mul3A_66] : memref<16777216xf32, #tpu.memory_space<hbm>> -> memref<16384xf32, #tpu.memory_space<hbm>>
    tpu.enqueue_dma source(%dma_start3A_68 : memref<16384xf32, #tpu.memory_space<hbm>>) target(%arg12 : memref<16384xf32, #tpu.memory_space<vmem>>) target_semaphore(%arg16 : memref<!tpu.dma_semaphore, #tpu.memory_space<semaphore_mem>>)
    %dma_wait3A_69 = tpu.memref_slice %arg2[%mul3A_25] : memref<16777216xf32, #tpu.memory_space<hbm>> -> memref<16384xf32, #tpu.memory_space<hbm>>
    %dma_wait3A_70 = tpu.memref_slice %arg2[%mul3A_25] : memref<16777216xf32, #tpu.memory_space<hbm>> -> memref<16384xf32, #tpu.memory_space<hbm>>
    tpu.wait_dma2 semaphore(%arg14 : memref<!tpu.dma_semaphore, #tpu.memory_space<semaphore_mem>>) src(%dma_wait3A_70 : memref<16384xf32, #tpu.memory_space<hbm>>) dst(%arg10 : memref<16384xf32, #tpu.memory_space<vmem>>)
    %parallel_loop3A_71 = arith.constant 0 : i32
    %parallel_loop3A_72 = arith.constant 16384 : i32
    %parallel_loop3A_73 = arith.constant 16 : i32
    scf.for %parallel_loop3A_822 = %parallel_loop3A_71 to %parallel_loop3A_72 step %parallel_loop3A_73  : i32 {
      %parallel_loop3A_823 = arith.index_cast %parallel_loop3A_822 : i32 to index
      %parallel_loop3A_824 = tpu.vector_load %arg10[%parallel_loop3A_823] {strides = array<i32>} : memref<16384xf32, #tpu.memory_space<vmem>>, vector<16xf32>,
      %parallel_loop3A_825 = vector.shape_cast %parallel_loop3A_824 : vector<16xf32> to vector<16xf32>
      %parallel_loop3A_826 = arith.index_cast %parallel_loop3A_822 : i32 to index
      %parallel_loop3A_827 = tpu.vector_load %arg8[%parallel_loop3A_826] {strides = array<i32>} : memref<16384xf32, #tpu.memory_space<vmem>>, vector<16xf32>,
      %parallel_loop3A_828 = vector.shape_cast %parallel_loop3A_827 : vector<16xf32> to vector<16xf32>
      %parallel_loop3A_829 = arith.addf %parallel_loop3A_825, %parallel_loop3A_828 : vector<16xf32>
      %parallel_loop3A_830 = arith.index_cast %parallel_loop3A_822 : i32 to index
      %parallel_loop3A_831 = tpu.vector_load %arg10[%parallel_loop3A_830] {strides = array<i32>} : memref<16384xf32, #tpu.memory_space<vmem>>, vector<16xf32>,
      %parallel_loop3A_832 = vector.shape_cast %parallel_loop3A_831 : vector<16xf32> to vector<16xf32>
      %parallel_loop3A_833 = vector.shape_cast %parallel_loop3A_829 : vector<16xf32> to vector<16xf32>
      tpu.vector_store %arg10[%parallel_loop3A_830], %parallel_loop3A_833 {strides = array<i32>} : memref<16384xf32, #tpu.memory_space<vmem>>, vector<16xf32>,
    } {sc.loop_unroll_factor = 8 : i64, sc.parallel_access}
    %add3A_74 = arith.constant 4096 : i32
    %add3A_75 = arith.addi %add3A_74, %mul3A_2 : i32
    %add3A_76 = arith.constant 0 : i32
    %add3A_77 = arith.addi %add3A_75, %add3A_76 : i32
    %mul3A_78 = arith.constant 1024 : i32
    %mul3A_79 = arith.muli %add3A_77, %mul3A_78 : i32
    %dma_start3A_80 = tpu.memref_slice %arg4[%mul3A_79] : memref<16777216xf32, #tpu.memory_space<hbm>> -> memref<16384xf32, #tpu.memory_space<hbm>>
    %dma_start3A_81 = tpu.memref_slice %arg4[%mul3A_79] : memref<16777216xf32, #tpu.memory_space<hbm>> -> memref<16384xf32, #tpu.memory_space<hbm>>
    tpu.enqueue_dma source(%arg10 : memref<16384xf32, #tpu.memory_space<vmem>>) target(%dma_start3A_81 : memref<16384xf32, #tpu.memory_space<hbm>>) target_semaphore(%arg18 : memref<!tpu.dma_semaphore, #tpu.memory_space<semaphore_mem>>)
    %dma_wait3A_82 = tpu.memref_slice %arg4[%mul3A_58] : memref<16777216xf32, #tpu.memory_space<hbm>> -> memref<16384xf32, #tpu.memory_space<hbm>>
    %dma_wait3A_83 = tpu.memref_slice %arg4[%mul3A_58] : memref<16777216xf32, #tpu.memory_space<hbm>> -> memref<16384xf32, #tpu.memory_space<hbm>>
    tpu.wait_dma2 semaphore(%arg17 : memref<!tpu.dma_semaphore, #tpu.memory_space<semaphore_mem>>) src(%arg9 : memref<16384xf32, #tpu.memory_space<vmem>>) dst(%dma_wait3A_83 : memref<16384xf32, #tpu.memory_space<hbm>>)
    %add3A_84 = arith.constant 0 : i32
    %add3A_85 = arith.addi %add3A_84, %mul3A_2 : i32
    %add3A_86 = arith.constant 16 : i32
    %add3A_87 = arith.addi %add3A_85, %add3A_86 : i32
    %mul3A_88 = arith.constant 1024 : i32
    %mul3A_89 = arith.muli %add3A_87, %mul3A_88 : i32
    %dma_start3A_90 = tpu.memref_slice %arg2[%mul3A_89] : memref<16777216xf32, #tpu.memory_space<hbm>> -> memref<16384xf32, #tpu.memory_space<hbm>>
    %dma_start3A_91 = tpu.memref_slice %arg2[%mul3A_89] : memref<16777216xf32, #tpu.memory_space<hbm>> -> memref<16384xf32, #tpu.memory_space<hbm>>
    tpu.enqueue_dma source(%dma_start3A_91 : memref<16384xf32, #tpu.memory_space<hbm>>) target(%arg9 : memref<16384xf32, #tpu.memory_space<vmem>>) target_semaphore(%arg13 : memref<!tpu.dma_semaphore, #tpu.memory_space<semaphore_mem>>)
    %dma_wait3A_92 = tpu.memref_slice %arg2[%mul3A_46] : memref<16777216xf32, #tpu.memory_space<hbm>> -> memref<16384xf32, #tpu.memory_space<hbm>>
    %dma_wait3A_93 = tpu.memref_slice %arg2[%mul3A_46] : memref<16777216xf32, #tpu.memory_space<hbm>> -> memref<16384xf32, #tpu.memory_space<hbm>>
    tpu.wait_dma2 semaphore(%arg15 : memref<!tpu.dma_semaphore, #tpu.memory_space<semaphore_mem>>) src(%dma_wait3A_93 : memref<16384xf32, #tpu.memory_space<hbm>>) dst(%arg11 : memref<16384xf32, #tpu.memory_space<vmem>>)
    %parallel_loop3A_94 = arith.constant 0 : i32
    %parallel_loop3A_95 = arith.constant 16384 : i32
    %parallel_loop3A_96 = arith.constant 16 : i32
    scf.for %parallel_loop3A_822 = %parallel_loop3A_94 to %parallel_loop3A_95 step %parallel_loop3A_96  : i32 {
      %parallel_loop3A_823 = arith.index_cast %parallel_loop3A_822 : i32 to index
      %parallel_loop3A_824 = tpu.vector_load %arg11[%parallel_loop3A_823] {strides = array<i32>} : memref<16384xf32, #tpu.memory_space<vmem>>, vector<16xf32>,
      %parallel_loop3A_825 = vector.shape_cast %parallel_loop3A_824 : vector<16xf32> to vector<16xf32>
      %parallel_loop3A_826 = arith.index_cast %parallel_loop3A_822 : i32 to index
      %parallel_loop3A_827 = tpu.vector_load %arg8[%parallel_loop3A_826] {strides = array<i32>} : memref<16384xf32, #tpu.memory_space<vmem>>, vector<16xf32>,
      %parallel_loop3A_828 = vector.shape_cast %parallel_loop3A_827 : vector<16xf32> to vector<16xf32>
      %parallel_loop3A_829 = arith.addf %parallel_loop3A_825, %parallel_loop3A_828 : vector<16xf32>
      %parallel_loop3A_830 = arith.index_cast %parallel_loop3A_822 : i32 to index
      %parallel_loop3A_831 = tpu.vector_load %arg11[%parallel_loop3A_830] {strides = array<i32>} : memref<16384xf32, #tpu.memory_space<vmem>>, vector<16xf32>,
      %parallel_loop3A_832 = vector.shape_cast %parallel_loop3A_831 : vector<16xf32> to vector<16xf32>
      %parallel_loop3A_833 = vector.shape_cast %parallel_loop3A_829 : vector<16xf32> to vector<16xf32>
      tpu.vector_store %arg11[%parallel_loop3A_830], %parallel_loop3A_833 {strides = array<i32>} : memref<16384xf32, #tpu.memory_space<vmem>>, vector<16xf32>,
    } {sc.loop_unroll_factor = 8 : i64, sc.parallel_access}
    %add3A_97 = arith.constant 8192 : i32
    %add3A_98 = arith.addi %add3A_97, %mul3A_2 : i32
    %add3A_99 = arith.constant 0 : i32
    %add3A_100 = arith.addi %add3A_98, %add3A_99 : i32
    %mul3A_101 = arith.constant 1024 : i32
    %mul3A_102 = arith.muli %add3A_100, %mul3A_101 : i32
    %dma_start3A_103 = tpu.memref_slice %arg4[%mul3A_102] : memref<16777216xf32, #tpu.memory_space<hbm>> -> memref<16384xf32, #tpu.memory_space<hbm>>
    %dma_start3A_104 = tpu.memref_slice %arg4[%mul3A_102] : memref<16777216xf32, #tpu.memory_space<hbm>> -> memref<16384xf32, #tpu.memory_space<hbm>>
    tpu.enqueue_dma source(%arg11 : memref<16384xf32, #tpu.memory_space<vmem>>) target(%dma_start3A_104 : memref<16384xf32, #tpu.memory_space<hbm>>) target_semaphore(%arg19 : memref<!tpu.dma_semaphore, #tpu.memory_space<semaphore_mem>>)
    %dma_wait3A_105 = tpu.memref_slice %arg4[%mul3A_79] : memref<16777216xf32, #tpu.memory_space<hbm>> -> memref<16384xf32, #tpu.memory_space<hbm>>
    %dma_wait3A_106 = tpu.memref_slice %arg4[%mul3A_79] : memref<16777216xf32, #tpu.memory_space<hbm>> -> memref<16384xf32, #tpu.memory_space<hbm>>
    tpu.wait_dma2 semaphore(%arg18 : memref<!tpu.dma_semaphore, #tpu.memory_space<semaphore_mem>>) src(%arg10 : memref<16384xf32, #tpu.memory_space<vmem>>) dst(%dma_wait3A_106 : memref<16384xf32, #tpu.memory_space<hbm>>)
    %add3A_107 = arith.constant 4096 : i32
    %add3A_108 = arith.addi %add3A_107, %mul3A_2 : i32
    %add3A_109 = arith.constant 16 : i32
    %add3A_110 = arith.addi %add3A_108, %add3A_109 : i32
    %mul3A_111 = arith.constant 1024 : i32
    %mul3A_112 = arith.muli %add3A_110, %mul3A_111 : i32
    %dma_start3A_113 = tpu.memref_slice %arg2[%mul3A_112] : memref<16777216xf32, #tpu.memory_space<hbm>> -> memref<16384xf32, #tpu.memory_space<hbm>>
    %dma_start3A_114 = tpu.memref_slice %arg2[%mul3A_112] : memref<16777216xf32, #tpu.memory_space<hbm>> -> memref<16384xf32, #tpu.memory_space<hbm>>
    tpu.enqueue_dma source(%dma_start3A_114 : memref<16384xf32, #tpu.memory_space<hbm>>) target(%arg10 : memref<16384xf32, #tpu.memory_space<vmem>>) target_semaphore(%arg14 : memref<!tpu.dma_semaphore, #tpu.memory_space<semaphore_mem>>)
    %dma_wait3A_115 = tpu.memref_slice %arg2[%mul3A_66] : memref<16777216xf32, #tpu.memory_space<hbm>> -> memref<16384xf32, #tpu.memory_space<hbm>>
    %dma_wait3A_116 = tpu.memref_slice %arg2[%mul3A_66] : memref<16777216xf32, #tpu.memory_space<hbm>> -> memref<16384xf32, #tpu.memory_space<hbm>>
    tpu.wait_dma2 semaphore(%arg16 : memref<!tpu.dma_semaphore, #tpu.memory_space<semaphore_mem>>) src(%dma_wait3A_116 : memref<16384xf32, #tpu.memory_space<hbm>>) dst(%arg12 : memref<16384xf32, #tpu.memory_space<vmem>>)
    %parallel_loop3A_117 = arith.constant 0 : i32
    %parallel_loop3A_118 = arith.constant 16384 : i32
    %parallel_loop3A_119 = arith.constant 16 : i32
    scf.for %parallel_loop3A_822 = %parallel_loop3A_117 to %parallel_loop3A_118 step %parallel_loop3A_119  : i32 {
      %parallel_loop3A_823 = arith.index_cast %parallel_loop3A_822 : i32 to index
      %parallel_loop3A_824 = tpu.vector_load %arg12[%parallel_loop3A_823] {strides = array<i32>} : memref<16384xf32, #tpu.memory_space<vmem>>, vector<16xf32>,
      %parallel_loop3A_825 = vector.shape_cast %parallel_loop3A_824 : vector<16xf32> to vector<16xf32>
      %parallel_loop3A_826 = arith.index_cast %parallel_loop3A_822 : i32 to index
      %parallel_loop3A_827 = tpu.vector_load %arg8[%parallel_loop3A_826] {strides = array<i32>} : memref<16384xf32, #tpu.memory_space<vmem>>, vector<16xf32>,
      %parallel_loop3A_828 = vector.shape_cast %parallel_loop3A_827 : vector<16xf32> to vector<16xf32>
      %parallel_loop3A_829 = arith.addf %parallel_loop3A_825, %parallel_loop3A_828 : vector<16xf32>
      %parallel_loop3A_830 = arith.index_cast %parallel_loop3A_822 : i32 to index
      %parallel_loop3A_831 = tpu.vector_load %arg12[%parallel_loop3A_830] {strides = array<i32>} : memref<16384xf32, #tpu.memory_space<vmem>>, vector<16xf32>,
      %parallel_loop3A_832 = vector.shape_cast %parallel_loop3A_831 : vector<16xf32> to vector<16xf32>
      %parallel_loop3A_833 = vector.shape_cast %parallel_loop3A_829 : vector<16xf32> to vector<16xf32>
      tpu.vector_store %arg12[%parallel_loop3A_830], %parallel_loop3A_833 {strides = array<i32>} : memref<16384xf32, #tpu.memory_space<vmem>>, vector<16xf32>,
    } {sc.loop_unroll_factor = 8 : i64, sc.parallel_access}
    %add3A_120 = arith.constant 12288 : i32
    %add3A_121 = arith.addi %add3A_120, %mul3A_2 : i32
    %add3A_122 = arith.constant 0 : i32
    %add3A_123 = arith.addi %add3A_121, %add3A_122 : i32
    %mul3A_124 = arith.constant 1024 : i32
    %mul3A_125 = arith.muli %add3A_123, %mul3A_124 : i32
    %dma_start3A_126 = tpu.memref_slice %arg4[%mul3A_125] : memref<16777216xf32, #tpu.memory_space<hbm>> -> memref<16384xf32, #tpu.memory_space<hbm>>
    %dma_start3A_127 = tpu.memref_slice %arg4[%mul3A_125] : memref<16777216xf32, #tpu.memory_space<hbm>> -> memref<16384xf32, #tpu.memory_space<hbm>>
    tpu.enqueue_dma source(%arg12 : memref<16384xf32, #tpu.memory_space<vmem>>) target(%dma_start3A_127 : memref<16384xf32, #tpu.memory_space<hbm>>) target_semaphore(%arg20 : memref<!tpu.dma_semaphore, #tpu.memory_space<semaphore_mem>>)
    %scan3A_128 = arith.constant 2.44140625E-4 : f32
    %scan3A_129 = arith.constant 0 : i32
    %scan3A_130 = arith.constant 0 : i32
    %scan3A_131 = arith.constant 16 : i32
    %scan3A_132 = arith.addi %scan3A_130, %scan3A_131 : i32
    %scan3A_133 = arith.constant 1 : i32
    %scan3A_134 = scf.for %scan3A_822 = %scan3A_130 to %scan3A_132 step %scan3A_133 iter_args(%scan3A_823 = %scan3A_129) -> (i32)  : i32 {
      %add3A_824 = arith.constant 16 : i32
      %add3A_825 = arith.addi %mul3A_2, %add3A_824 : i32
      %add3A_826 = arith.addi %add3A_825, %scan3A_822 : i32
      %sub3A = arith.constant 4080 : i32
      %sub3A_827 = arith.subi %sub3A, %add3A_826 : i32
      %max3A = arith.constant 0 : i32
      %max3A_828 = arith.maxsi %sub3A_827, %max3A : i32
      %convert_element_type3A_829 = arith.sitofp %max3A_828 : i32 to f32
      %mul3A_830 = arith.mulf %convert_element_type3A_829, %scan3A_128 : f32
      %sub3A_831 = arith.constant 15 : i32
      %sub3A_832 = arith.subi %add3A_826, %sub3A_831 : i32
      %max3A_833 = arith.constant 0 : i32
      %max3A_834 = arith.maxsi %sub3A_832, %max3A_833 : i32
      %convert_element_type3A_835 = arith.sitofp %max3A_834 : i32 to f32
      %mul3A_836 = arith.mulf %convert_element_type3A_835, %scan3A_128 : f32
      %mul3A_837 = arith.constant 1024 : i32
      %mul3A_838 = arith.muli %scan3A_822, %mul3A_837 : i32
      %parallel_loop3A_839 = arith.constant 0 : i32
      %parallel_loop3A_840 = arith.constant 1024 : i32
      %parallel_loop3A_841 = arith.constant 16 : i32
      scf.for %parallel_loop3A_843 = %parallel_loop3A_839 to %parallel_loop3A_840 step %parallel_loop3A_841  : i32 {
        %parallel_loop3A_844 = arith.index_cast %parallel_loop3A_843 : i32 to index
        %parallel_loop3A_845 = tpu.vector_load %arg6[%parallel_loop3A_844] {strides = array<i32>} : memref<1024xf32, #tpu.memory_space<vmem>>, vector<16xf32>,
        %parallel_loop3A_846 = vector.shape_cast %parallel_loop3A_845 : vector<16xf32> to vector<16xf32>
        %parallel_loop3A_847 = arith.index_cast %parallel_loop3A_843 : i32 to index
        %parallel_loop3A_848 = tpu.vector_load %arg5[%parallel_loop3A_847] {strides = array<i32>} : memref<2048xf32, #tpu.memory_space<vmem>>, vector<16xf32>,
        %parallel_loop3A_849 = vector.shape_cast %parallel_loop3A_848 : vector<16xf32> to vector<16xf32>
        %parallel_loop3A_850 = vector.broadcast %mul3A_830 : f32 to vector<16xf32>
        %parallel_loop3A_851 = arith.mulf %parallel_loop3A_850, %parallel_loop3A_849 : vector<16xf32>
        %parallel_loop3A_852 = arith.addf %parallel_loop3A_846, %parallel_loop3A_851 : vector<16xf32>
        %parallel_loop3A_853 = arith.constant 1024 : i32
        %parallel_loop3A_854 = arith.addi %parallel_loop3A_853, %parallel_loop3A_843 : i32
        %parallel_loop3A_855 = arith.index_cast %parallel_loop3A_854 : i32 to index
        %parallel_loop3A_856 = tpu.vector_load %arg5[%parallel_loop3A_855] {strides = array<i32>} : memref<2048xf32, #tpu.memory_space<vmem>>, vector<16xf32>,
        %parallel_loop3A_857 = vector.shape_cast %parallel_loop3A_856 : vector<16xf32> to vector<16xf32>
        %parallel_loop3A_858 = vector.broadcast %mul3A_836 : f32 to vector<16xf32>
        %parallel_loop3A_859 = arith.mulf %parallel_loop3A_858, %parallel_loop3A_857 : vector<16xf32>
        %parallel_loop3A_860 = arith.addf %parallel_loop3A_852, %parallel_loop3A_859 : vector<16xf32>
        %parallel_loop3A_861 = arith.addi %mul3A_838, %parallel_loop3A_843 : i32
        %parallel_loop3A_862 = arith.index_cast %parallel_loop3A_861 : i32 to index
        %parallel_loop3A_863 = tpu.vector_load %arg8[%parallel_loop3A_862] {strides = array<i32>} : memref<16384xf32, #tpu.memory_space<vmem>>, vector<16xf32>,
        %parallel_loop3A_864 = vector.shape_cast %parallel_loop3A_863 : vector<16xf32> to vector<16xf32>
        %parallel_loop3A_865 = vector.shape_cast %parallel_loop3A_860 : vector<16xf32> to vector<16xf32>
        tpu.vector_store %arg8[%parallel_loop3A_862], %parallel_loop3A_865 {strides = array<i32>} : memref<16384xf32, #tpu.memory_space<vmem>>, vector<16xf32>,
      } {sc.loop_unroll_factor = 4 : i64, sc.parallel_access}
      %scan3A_842 = arith.constant 0 : i32
      scf.yield %scan3A_842 : i32
    }
    %scan3A_135 = arith.constant 16 : i32
    %dma_wait3A_136 = tpu.memref_slice %arg4[%mul3A_102] : memref<16777216xf32, #tpu.memory_space<hbm>> -> memref<16384xf32, #tpu.memory_space<hbm>>
    %dma_wait3A_137 = tpu.memref_slice %arg4[%mul3A_102] : memref<16777216xf32, #tpu.memory_space<hbm>> -> memref<16384xf32, #tpu.memory_space<hbm>>
    tpu.wait_dma2 semaphore(%arg19 : memref<!tpu.dma_semaphore, #tpu.memory_space<semaphore_mem>>) src(%arg11 : memref<16384xf32, #tpu.memory_space<vmem>>) dst(%dma_wait3A_137 : memref<16384xf32, #tpu.memory_space<hbm>>)
    %add3A_138 = arith.constant 8192 : i32
    %add3A_139 = arith.addi %add3A_138, %mul3A_2 : i32
    %add3A_140 = arith.constant 16 : i32
    %add3A_141 = arith.addi %add3A_139, %add3A_140 : i32
    %mul3A_142 = arith.constant 1024 : i32
    %mul3A_143 = arith.muli %add3A_141, %mul3A_142 : i32
    %dma_start3A_144 = tpu.memref_slice %arg2[%mul3A_143] : memref<16777216xf32, #tpu.memory_space<hbm>> -> memref<16384xf32, #tpu.memory_space<hbm>>
    %dma_start3A_145 = tpu.memref_slice %arg2[%mul3A_143] : memref<16777216xf32, #tpu.memory_space<hbm>> -> memref<16384xf32, #tpu.memory_space<hbm>>
    tpu.enqueue_dma source(%dma_start3A_145 : memref<16384xf32, #tpu.memory_space<hbm>>) target(%arg11 : memref<16384xf32, #tpu.memory_space<vmem>>) target_semaphore(%arg15 : memref<!tpu.dma_semaphore, #tpu.memory_space<semaphore_mem>>)
    %dma_wait3A_146 = tpu.memref_slice %arg2[%mul3A_89] : memref<16777216xf32, #tpu.memory_space<hbm>> -> memref<16384xf32, #tpu.memory_space<hbm>>
    %dma_wait3A_147 = tpu.memref_slice %arg2[%mul3A_89] : memref<16777216xf32, #tpu.memory_space<hbm>> -> memref<16384xf32, #tpu.memory_space<hbm>>
    tpu.wait_dma2 semaphore(%arg13 : memref<!tpu.dma_semaphore, #tpu.memory_space<semaphore_mem>>) src(%dma_wait3A_147 : memref<16384xf32, #tpu.memory_space<hbm>>) dst(%arg9 : memref<16384xf32, #tpu.memory_space<vmem>>)
    %parallel_loop3A_148 = arith.constant 0 : i32
    %parallel_loop3A_149 = arith.constant 16384 : i32
    %parallel_loop3A_150 = arith.constant 16 : i32
    scf.for %parallel_loop3A_822 = %parallel_loop3A_148 to %parallel_loop3A_149 step %parallel_loop3A_150  : i32 {
      %parallel_loop3A_823 = arith.index_cast %parallel_loop3A_822 : i32 to index
      %parallel_loop3A_824 = tpu.vector_load %arg9[%parallel_loop3A_823] {strides = array<i32>} : memref<16384xf32, #tpu.memory_space<vmem>>, vector<16xf32>,
      %parallel_loop3A_825 = vector.shape_cast %parallel_loop3A_824 : vector<16xf32> to vector<16xf32>
      %parallel_loop3A_826 = arith.index_cast %parallel_loop3A_822 : i32 to index
      %parallel_loop3A_827 = tpu.vector_load %arg8[%parallel_loop3A_826] {strides = array<i32>} : memref<16384xf32, #tpu.memory_space<vmem>>, vector<16xf32>,
      %parallel_loop3A_828 = vector.shape_cast %parallel_loop3A_827 : vector<16xf32> to vector<16xf32>
      %parallel_loop3A_829 = arith.addf %parallel_loop3A_825, %parallel_loop3A_828 : vector<16xf32>
      %parallel_loop3A_830 = arith.index_cast %parallel_loop3A_822 : i32 to index
      %parallel_loop3A_831 = tpu.vector_load %arg9[%parallel_loop3A_830] {strides = array<i32>} : memref<16384xf32, #tpu.memory_space<vmem>>, vector<16xf32>,
      %parallel_loop3A_832 = vector.shape_cast %parallel_loop3A_831 : vector<16xf32> to vector<16xf32>
      %parallel_loop3A_833 = vector.shape_cast %parallel_loop3A_829 : vector<16xf32> to vector<16xf32>
      tpu.vector_store %arg9[%parallel_loop3A_830], %parallel_loop3A_833 {strides = array<i32>} : memref<16384xf32, #tpu.memory_space<vmem>>, vector<16xf32>,
    } {sc.loop_unroll_factor = 8 : i64, sc.parallel_access}
    %add3A_151 = arith.constant 0 : i32
    %add3A_152 = arith.addi %add3A_151, %mul3A_2 : i32
    %add3A_153 = arith.constant 16 : i32
    %add3A_154 = arith.addi %add3A_152, %add3A_153 : i32
    %mul3A_155 = arith.constant 1024 : i32
    %mul3A_156 = arith.muli %add3A_154, %mul3A_155 : i32
    %dma_start3A_157 = tpu.memref_slice %arg4[%mul3A_156] : memref<16777216xf32, #tpu.memory_space<hbm>> -> memref<16384xf32, #tpu.memory_space<hbm>>
    %dma_start3A_158 = tpu.memref_slice %arg4[%mul3A_156] : memref<16777216xf32, #tpu.memory_space<hbm>> -> memref<16384xf32, #tpu.memory_space<hbm>>
    tpu.enqueue_dma source(%arg9 : memref<16384xf32, #tpu.memory_space<vmem>>) target(%dma_start3A_158 : memref<16384xf32, #tpu.memory_space<hbm>>) target_semaphore(%arg17 : memref<!tpu.dma_semaphore, #tpu.memory_space<semaphore_mem>>)
    %dma_wait3A_159 = tpu.memref_slice %arg4[%mul3A_125] : memref<16777216xf32, #tpu.memory_space<hbm>> -> memref<16384xf32, #tpu.memory_space<hbm>>
    %dma_wait3A_160 = tpu.memref_slice %arg4[%mul3A_125] : memref<16777216xf32, #tpu.memory_space<hbm>> -> memref<16384xf32, #tpu.memory_space<hbm>>
    tpu.wait_dma2 semaphore(%arg20 : memref<!tpu.dma_semaphore, #tpu.memory_space<semaphore_mem>>) src(%arg12 : memref<16384xf32, #tpu.memory_space<vmem>>) dst(%dma_wait3A_160 : memref<16384xf32, #tpu.memory_space<hbm>>)
    %add3A_161 = arith.constant 12288 : i32
    %add3A_162 = arith.addi %add3A_161, %mul3A_2 : i32
    %add3A_163 = arith.constant 16 : i32
    %add3A_164 = arith.addi %add3A_162, %add3A_163 : i32
    %mul3A_165 = arith.constant 1024 : i32
    %mul3A_166 = arith.muli %add3A_164, %mul3A_165 : i32
    %dma_start3A_167 = tpu.memref_slice %arg2[%mul3A_166] : memref<16777216xf32, #tpu.memory_space<hbm>> -> memref<16384xf32, #tpu.memory_space<hbm>>
    %dma_start3A_168 = tpu.memref_slice %arg2[%mul3A_166] : memref<16777216xf32, #tpu.memory_space<hbm>> -> memref<16384xf32, #tpu.memory_space<hbm>>
    tpu.enqueue_dma source(%dma_start3A_168 : memref<16384xf32, #tpu.memory_space<hbm>>) target(%arg12 : memref<16384xf32, #tpu.memory_space<vmem>>) target_semaphore(%arg16 : memref<!tpu.dma_semaphore, #tpu.memory_space<semaphore_mem>>)
    %dma_wait3A_169 = tpu.memref_slice %arg2[%mul3A_112] : memref<16777216xf32, #tpu.memory_space<hbm>> -> memref<16384xf32, #tpu.memory_space<hbm>>
    %dma_wait3A_170 = tpu.memref_slice %arg2[%mul3A_112] : memref<16777216xf32, #tpu.memory_space<hbm>> -> memref<16384xf32, #tpu.memory_space<hbm>>
    tpu.wait_dma2 semaphore(%arg14 : memref<!tpu.dma_semaphore, #tpu.memory_space<semaphore_mem>>) src(%dma_wait3A_170 : memref<16384xf32, #tpu.memory_space<hbm>>) dst(%arg10 : memref<16384xf32, #tpu.memory_space<vmem>>)
    %parallel_loop3A_171 = arith.constant 0 : i32
    %parallel_loop3A_172 = arith.constant 16384 : i32
    %parallel_loop3A_173 = arith.constant 16 : i32
    scf.for %parallel_loop3A_822 = %parallel_loop3A_171 to %parallel_loop3A_172 step %parallel_loop3A_173  : i32 {
      %parallel_loop3A_823 = arith.index_cast %parallel_loop3A_822 : i32 to index
      %parallel_loop3A_824 = tpu.vector_load %arg10[%parallel_loop3A_823] {strides = array<i32>} : memref<16384xf32, #tpu.memory_space<vmem>>, vector<16xf32>,
      %parallel_loop3A_825 = vector.shape_cast %parallel_loop3A_824 : vector<16xf32> to vector<16xf32>
      %parallel_loop3A_826 = arith.index_cast %parallel_loop3A_822 : i32 to index
      %parallel_loop3A_827 = tpu.vector_load %arg8[%parallel_loop3A_826] {strides = array<i32>} : memref<16384xf32, #tpu.memory_space<vmem>>, vector<16xf32>,
      %parallel_loop3A_828 = vector.shape_cast %parallel_loop3A_827 : vector<16xf32> to vector<16xf32>
      %parallel_loop3A_829 = arith.addf %parallel_loop3A_825, %parallel_loop3A_828 : vector<16xf32>
      %parallel_loop3A_830 = arith.index_cast %parallel_loop3A_822 : i32 to index
      %parallel_loop3A_831 = tpu.vector_load %arg10[%parallel_loop3A_830] {strides = array<i32>} : memref<16384xf32, #tpu.memory_space<vmem>>, vector<16xf32>,
      %parallel_loop3A_832 = vector.shape_cast %parallel_loop3A_831 : vector<16xf32> to vector<16xf32>
      %parallel_loop3A_833 = vector.shape_cast %parallel_loop3A_829 : vector<16xf32> to vector<16xf32>
      tpu.vector_store %arg10[%parallel_loop3A_830], %parallel_loop3A_833 {strides = array<i32>} : memref<16384xf32, #tpu.memory_space<vmem>>, vector<16xf32>,
    } {sc.loop_unroll_factor = 8 : i64, sc.parallel_access}
    %add3A_174 = arith.constant 4096 : i32
    %add3A_175 = arith.addi %add3A_174, %mul3A_2 : i32
    %add3A_176 = arith.constant 16 : i32
    %add3A_177 = arith.addi %add3A_175, %add3A_176 : i32
    %mul3A_178 = arith.constant 1024 : i32
    %mul3A_179 = arith.muli %add3A_177, %mul3A_178 : i32
    %dma_start3A_180 = tpu.memref_slice %arg4[%mul3A_179] : memref<16777216xf32, #tpu.memory_space<hbm>> -> memref<16384xf32, #tpu.memory_space<hbm>>
    %dma_start3A_181 = tpu.memref_slice %arg4[%mul3A_179] : memref<16777216xf32, #tpu.memory_space<hbm>> -> memref<16384xf32, #tpu.memory_space<hbm>>
    tpu.enqueue_dma source(%arg10 : memref<16384xf32, #tpu.memory_space<vmem>>) target(%dma_start3A_181 : memref<16384xf32, #tpu.memory_space<hbm>>) target_semaphore(%arg18 : memref<!tpu.dma_semaphore, #tpu.memory_space<semaphore_mem>>)
    %dma_wait3A_182 = tpu.memref_slice %arg4[%mul3A_156] : memref<16777216xf32, #tpu.memory_space<hbm>> -> memref<16384xf32, #tpu.memory_space<hbm>>
    %dma_wait3A_183 = tpu.memref_slice %arg4[%mul3A_156] : memref<16777216xf32, #tpu.memory_space<hbm>> -> memref<16384xf32, #tpu.memory_space<hbm>>
    tpu.wait_dma2 semaphore(%arg17 : memref<!tpu.dma_semaphore, #tpu.memory_space<semaphore_mem>>) src(%arg9 : memref<16384xf32, #tpu.memory_space<vmem>>) dst(%dma_wait3A_183 : memref<16384xf32, #tpu.memory_space<hbm>>)
    %add3A_184 = arith.constant 0 : i32
    %add3A_185 = arith.addi %add3A_184, %mul3A_2 : i32
    %add3A_186 = arith.constant 32 : i32
    %add3A_187 = arith.addi %add3A_185, %add3A_186 : i32
    %mul3A_188 = arith.constant 1024 : i32
    %mul3A_189 = arith.muli %add3A_187, %mul3A_188 : i32
    %dma_start3A_190 = tpu.memref_slice %arg2[%mul3A_189] : memref<16777216xf32, #tpu.memory_space<hbm>> -> memref<16384xf32, #tpu.memory_space<hbm>>
    %dma_start3A_191 = tpu.memref_slice %arg2[%mul3A_189] : memref<16777216xf32, #tpu.memory_space<hbm>> -> memref<16384xf32, #tpu.memory_space<hbm>>
    tpu.enqueue_dma source(%dma_start3A_191 : memref<16384xf32, #tpu.memory_space<hbm>>) target(%arg9 : memref<16384xf32, #tpu.memory_space<vmem>>) target_semaphore(%arg13 : memref<!tpu.dma_semaphore, #tpu.memory_space<semaphore_mem>>)
    %dma_wait3A_192 = tpu.memref_slice %arg2[%mul3A_143] : memref<16777216xf32, #tpu.memory_space<hbm>> -> memref<16384xf32, #tpu.memory_space<hbm>>
    %dma_wait3A_193 = tpu.memref_slice %arg2[%mul3A_143] : memref<16777216xf32, #tpu.memory_space<hbm>> -> memref<16384xf32, #tpu.memory_space<hbm>>
    tpu.wait_dma2 semaphore(%arg15 : memref<!tpu.dma_semaphore, #tpu.memory_space<semaphore_mem>>) src(%dma_wait3A_193 : memref<16384xf32, #tpu.memory_space<hbm>>) dst(%arg11 : memref<16384xf32, #tpu.memory_space<vmem>>)
    %parallel_loop3A_194 = arith.constant 0 : i32
    %parallel_loop3A_195 = arith.constant 16384 : i32
    %parallel_loop3A_196 = arith.constant 16 : i32
    scf.for %parallel_loop3A_822 = %parallel_loop3A_194 to %parallel_loop3A_195 step %parallel_loop3A_196  : i32 {
      %parallel_loop3A_823 = arith.index_cast %parallel_loop3A_822 : i32 to index
      %parallel_loop3A_824 = tpu.vector_load %arg11[%parallel_loop3A_823] {strides = array<i32>} : memref<16384xf32, #tpu.memory_space<vmem>>, vector<16xf32>,
      %parallel_loop3A_825 = vector.shape_cast %parallel_loop3A_824 : vector<16xf32> to vector<16xf32>
      %parallel_loop3A_826 = arith.index_cast %parallel_loop3A_822 : i32 to index
      %parallel_loop3A_827 = tpu.vector_load %arg8[%parallel_loop3A_826] {strides = array<i32>} : memref<16384xf32, #tpu.memory_space<vmem>>, vector<16xf32>,
      %parallel_loop3A_828 = vector.shape_cast %parallel_loop3A_827 : vector<16xf32> to vector<16xf32>
      %parallel_loop3A_829 = arith.addf %parallel_loop3A_825, %parallel_loop3A_828 : vector<16xf32>
      %parallel_loop3A_830 = arith.index_cast %parallel_loop3A_822 : i32 to index
      %parallel_loop3A_831 = tpu.vector_load %arg11[%parallel_loop3A_830] {strides = array<i32>} : memref<16384xf32, #tpu.memory_space<vmem>>, vector<16xf32>,
      %parallel_loop3A_832 = vector.shape_cast %parallel_loop3A_831 : vector<16xf32> to vector<16xf32>
      %parallel_loop3A_833 = vector.shape_cast %parallel_loop3A_829 : vector<16xf32> to vector<16xf32>
      tpu.vector_store %arg11[%parallel_loop3A_830], %parallel_loop3A_833 {strides = array<i32>} : memref<16384xf32, #tpu.memory_space<vmem>>, vector<16xf32>,
    } {sc.loop_unroll_factor = 8 : i64, sc.parallel_access}
    %add3A_197 = arith.constant 8192 : i32
    %add3A_198 = arith.addi %add3A_197, %mul3A_2 : i32
    %add3A_199 = arith.constant 16 : i32
    %add3A_200 = arith.addi %add3A_198, %add3A_199 : i32
    %mul3A_201 = arith.constant 1024 : i32
    %mul3A_202 = arith.muli %add3A_200, %mul3A_201 : i32
    %dma_start3A_203 = tpu.memref_slice %arg4[%mul3A_202] : memref<16777216xf32, #tpu.memory_space<hbm>> -> memref<16384xf32, #tpu.memory_space<hbm>>
    %dma_start3A_204 = tpu.memref_slice %arg4[%mul3A_202] : memref<16777216xf32, #tpu.memory_space<hbm>> -> memref<16384xf32, #tpu.memory_space<hbm>>
    tpu.enqueue_dma source(%arg11 : memref<16384xf32, #tpu.memory_space<vmem>>) target(%dma_start3A_204 : memref<16384xf32, #tpu.memory_space<hbm>>) target_semaphore(%arg19 : memref<!tpu.dma_semaphore, #tpu.memory_space<semaphore_mem>>)
    %dma_wait3A_205 = tpu.memref_slice %arg4[%mul3A_179] : memref<16777216xf32, #tpu.memory_space<hbm>> -> memref<16384xf32, #tpu.memory_space<hbm>>
    %dma_wait3A_206 = tpu.memref_slice %arg4[%mul3A_179] : memref<16777216xf32, #tpu.memory_space<hbm>> -> memref<16384xf32, #tpu.memory_space<hbm>>
    tpu.wait_dma2 semaphore(%arg18 : memref<!tpu.dma_semaphore, #tpu.memory_space<semaphore_mem>>) src(%arg10 : memref<16384xf32, #tpu.memory_space<vmem>>) dst(%dma_wait3A_206 : memref<16384xf32, #tpu.memory_space<hbm>>)
    %add3A_207 = arith.constant 4096 : i32
    %add3A_208 = arith.addi %add3A_207, %mul3A_2 : i32
    %add3A_209 = arith.constant 32 : i32
    %add3A_210 = arith.addi %add3A_208, %add3A_209 : i32
    %mul3A_211 = arith.constant 1024 : i32
    %mul3A_212 = arith.muli %add3A_210, %mul3A_211 : i32
    %dma_start3A_213 = tpu.memref_slice %arg2[%mul3A_212] : memref<16777216xf32, #tpu.memory_space<hbm>> -> memref<16384xf32, #tpu.memory_space<hbm>>
    %dma_start3A_214 = tpu.memref_slice %arg2[%mul3A_212] : memref<16777216xf32, #tpu.memory_space<hbm>> -> memref<16384xf32, #tpu.memory_space<hbm>>
    tpu.enqueue_dma source(%dma_start3A_214 : memref<16384xf32, #tpu.memory_space<hbm>>) target(%arg10 : memref<16384xf32, #tpu.memory_space<vmem>>) target_semaphore(%arg14 : memref<!tpu.dma_semaphore, #tpu.memory_space<semaphore_mem>>)
    %dma_wait3A_215 = tpu.memref_slice %arg2[%mul3A_166] : memref<16777216xf32, #tpu.memory_space<hbm>> -> memref<16384xf32, #tpu.memory_space<hbm>>
    %dma_wait3A_216 = tpu.memref_slice %arg2[%mul3A_166] : memref<16777216xf32, #tpu.memory_space<hbm>> -> memref<16384xf32, #tpu.memory_space<hbm>>
    tpu.wait_dma2 semaphore(%arg16 : memref<!tpu.dma_semaphore, #tpu.memory_space<semaphore_mem>>) src(%dma_wait3A_216 : memref<16384xf32, #tpu.memory_space<hbm>>) dst(%arg12 : memref<16384xf32, #tpu.memory_space<vmem>>)
    %parallel_loop3A_217 = arith.constant 0 : i32
    %parallel_loop3A_218 = arith.constant 16384 : i32
    %parallel_loop3A_219 = arith.constant 16 : i32
    scf.for %parallel_loop3A_822 = %parallel_loop3A_217 to %parallel_loop3A_218 step %parallel_loop3A_219  : i32 {
      %parallel_loop3A_823 = arith.index_cast %parallel_loop3A_822 : i32 to index
      %parallel_loop3A_824 = tpu.vector_load %arg12[%parallel_loop3A_823] {strides = array<i32>} : memref<16384xf32, #tpu.memory_space<vmem>>, vector<16xf32>,
      %parallel_loop3A_825 = vector.shape_cast %parallel_loop3A_824 : vector<16xf32> to vector<16xf32>
      %parallel_loop3A_826 = arith.index_cast %parallel_loop3A_822 : i32 to index
      %parallel_loop3A_827 = tpu.vector_load %arg8[%parallel_loop3A_826] {strides = array<i32>} : memref<16384xf32, #tpu.memory_space<vmem>>, vector<16xf32>,
      %parallel_loop3A_828 = vector.shape_cast %parallel_loop3A_827 : vector<16xf32> to vector<16xf32>
      %parallel_loop3A_829 = arith.addf %parallel_loop3A_825, %parallel_loop3A_828 : vector<16xf32>
      %parallel_loop3A_830 = arith.index_cast %parallel_loop3A_822 : i32 to index
      %parallel_loop3A_831 = tpu.vector_load %arg12[%parallel_loop3A_830] {strides = array<i32>} : memref<16384xf32, #tpu.memory_space<vmem>>, vector<16xf32>,
      %parallel_loop3A_832 = vector.shape_cast %parallel_loop3A_831 : vector<16xf32> to vector<16xf32>
      %parallel_loop3A_833 = vector.shape_cast %parallel_loop3A_829 : vector<16xf32> to vector<16xf32>
      tpu.vector_store %arg12[%parallel_loop3A_830], %parallel_loop3A_833 {strides = array<i32>} : memref<16384xf32, #tpu.memory_space<vmem>>, vector<16xf32>,
    } {sc.loop_unroll_factor = 8 : i64, sc.parallel_access}
    %add3A_220 = arith.constant 12288 : i32
    %add3A_221 = arith.addi %add3A_220, %mul3A_2 : i32
    %add3A_222 = arith.constant 16 : i32
    %add3A_223 = arith.addi %add3A_221, %add3A_222 : i32
    %mul3A_224 = arith.constant 1024 : i32
    %mul3A_225 = arith.muli %add3A_223, %mul3A_224 : i32
    %dma_start3A_226 = tpu.memref_slice %arg4[%mul3A_225] : memref<16777216xf32, #tpu.memory_space<hbm>> -> memref<16384xf32, #tpu.memory_space<hbm>>
    %dma_start3A_227 = tpu.memref_slice %arg4[%mul3A_225] : memref<16777216xf32, #tpu.memory_space<hbm>> -> memref<16384xf32, #tpu.memory_space<hbm>>
    tpu.enqueue_dma source(%arg12 : memref<16384xf32, #tpu.memory_space<vmem>>) target(%dma_start3A_227 : memref<16384xf32, #tpu.memory_space<hbm>>) target_semaphore(%arg20 : memref<!tpu.dma_semaphore, #tpu.memory_space<semaphore_mem>>)
    %scan3A_228 = arith.constant 2.44140625E-4 : f32
    %scan3A_229 = arith.constant 0 : i32
    %scan3A_230 = arith.constant 0 : i32
    %scan3A_231 = arith.constant 16 : i32
    %scan3A_232 = arith.addi %scan3A_230, %scan3A_231 : i32
    %scan3A_233 = arith.constant 1 : i32
    %scan3A_234 = scf.for %scan3A_822 = %scan3A_230 to %scan3A_232 step %scan3A_233 iter_args(%scan3A_823 = %scan3A_229) -> (i32)  : i32 {
      %add3A_824 = arith.constant 32 : i32
      %add3A_825 = arith.addi %mul3A_2, %add3A_824 : i32
      %add3A_826 = arith.addi %add3A_825, %scan3A_822 : i32
      %sub3A = arith.constant 4080 : i32
      %sub3A_827 = arith.subi %sub3A, %add3A_826 : i32
      %max3A = arith.constant 0 : i32
      %max3A_828 = arith.maxsi %sub3A_827, %max3A : i32
      %convert_element_type3A_829 = arith.sitofp %max3A_828 : i32 to f32
      %mul3A_830 = arith.mulf %convert_element_type3A_829, %scan3A_228 : f32
      %sub3A_831 = arith.constant 15 : i32
      %sub3A_832 = arith.subi %add3A_826, %sub3A_831 : i32
      %max3A_833 = arith.constant 0 : i32
      %max3A_834 = arith.maxsi %sub3A_832, %max3A_833 : i32
      %convert_element_type3A_835 = arith.sitofp %max3A_834 : i32 to f32
      %mul3A_836 = arith.mulf %convert_element_type3A_835, %scan3A_228 : f32
      %mul3A_837 = arith.constant 1024 : i32
      %mul3A_838 = arith.muli %scan3A_822, %mul3A_837 : i32
      %parallel_loop3A_839 = arith.constant 0 : i32
      %parallel_loop3A_840 = arith.constant 1024 : i32
      %parallel_loop3A_841 = arith.constant 16 : i32
      scf.for %parallel_loop3A_843 = %parallel_loop3A_839 to %parallel_loop3A_840 step %parallel_loop3A_841  : i32 {
        %parallel_loop3A_844 = arith.index_cast %parallel_loop3A_843 : i32 to index
        %parallel_loop3A_845 = tpu.vector_load %arg6[%parallel_loop3A_844] {strides = array<i32>} : memref<1024xf32, #tpu.memory_space<vmem>>, vector<16xf32>,
        %parallel_loop3A_846 = vector.shape_cast %parallel_loop3A_845 : vector<16xf32> to vector<16xf32>
        %parallel_loop3A_847 = arith.index_cast %parallel_loop3A_843 : i32 to index
        %parallel_loop3A_848 = tpu.vector_load %arg5[%parallel_loop3A_847] {strides = array<i32>} : memref<2048xf32, #tpu.memory_space<vmem>>, vector<16xf32>,
        %parallel_loop3A_849 = vector.shape_cast %parallel_loop3A_848 : vector<16xf32> to vector<16xf32>
        %parallel_loop3A_850 = vector.broadcast %mul3A_830 : f32 to vector<16xf32>
        %parallel_loop3A_851 = arith.mulf %parallel_loop3A_850, %parallel_loop3A_849 : vector<16xf32>
        %parallel_loop3A_852 = arith.addf %parallel_loop3A_846, %parallel_loop3A_851 : vector<16xf32>
        %parallel_loop3A_853 = arith.constant 1024 : i32
        %parallel_loop3A_854 = arith.addi %parallel_loop3A_853, %parallel_loop3A_843 : i32
        %parallel_loop3A_855 = arith.index_cast %parallel_loop3A_854 : i32 to index
        %parallel_loop3A_856 = tpu.vector_load %arg5[%parallel_loop3A_855] {strides = array<i32>} : memref<2048xf32, #tpu.memory_space<vmem>>, vector<16xf32>,
        %parallel_loop3A_857 = vector.shape_cast %parallel_loop3A_856 : vector<16xf32> to vector<16xf32>
        %parallel_loop3A_858 = vector.broadcast %mul3A_836 : f32 to vector<16xf32>
        %parallel_loop3A_859 = arith.mulf %parallel_loop3A_858, %parallel_loop3A_857 : vector<16xf32>
        %parallel_loop3A_860 = arith.addf %parallel_loop3A_852, %parallel_loop3A_859 : vector<16xf32>
        %parallel_loop3A_861 = arith.addi %mul3A_838, %parallel_loop3A_843 : i32
        %parallel_loop3A_862 = arith.index_cast %parallel_loop3A_861 : i32 to index
        %parallel_loop3A_863 = tpu.vector_load %arg8[%parallel_loop3A_862] {strides = array<i32>} : memref<16384xf32, #tpu.memory_space<vmem>>, vector<16xf32>,
        %parallel_loop3A_864 = vector.shape_cast %parallel_loop3A_863 : vector<16xf32> to vector<16xf32>
        %parallel_loop3A_865 = vector.shape_cast %parallel_loop3A_860 : vector<16xf32> to vector<16xf32>
        tpu.vector_store %arg8[%parallel_loop3A_862], %parallel_loop3A_865 {strides = array<i32>} : memref<16384xf32, #tpu.memory_space<vmem>>, vector<16xf32>,
      } {sc.loop_unroll_factor = 4 : i64, sc.parallel_access}
      %scan3A_842 = arith.constant 0 : i32
      scf.yield %scan3A_842 : i32
    }
    %scan3A_235 = arith.constant 16 : i32
    %dma_wait3A_236 = tpu.memref_slice %arg4[%mul3A_202] : memref<16777216xf32, #tpu.memory_space<hbm>> -> memref<16384xf32, #tpu.memory_space<hbm>>
    %dma_wait3A_237 = tpu.memref_slice %arg4[%mul3A_202] : memref<16777216xf32, #tpu.memory_space<hbm>> -> memref<16384xf32, #tpu.memory_space<hbm>>
    tpu.wait_dma2 semaphore(%arg19 : memref<!tpu.dma_semaphore, #tpu.memory_space<semaphore_mem>>) src(%arg11 : memref<16384xf32, #tpu.memory_space<vmem>>) dst(%dma_wait3A_237 : memref<16384xf32, #tpu.memory_space<hbm>>)
    %add3A_238 = arith.constant 8192 : i32
    %add3A_239 = arith.addi %add3A_238, %mul3A_2 : i32
    %add3A_240 = arith.constant 32 : i32
    %add3A_241 = arith.addi %add3A_239, %add3A_240 : i32
    %mul3A_242 = arith.constant 1024 : i32
    %mul3A_243 = arith.muli %add3A_241, %mul3A_242 : i32
    %dma_start3A_244 = tpu.memref_slice %arg2[%mul3A_243] : memref<16777216xf32, #tpu.memory_space<hbm>> -> memref<16384xf32, #tpu.memory_space<hbm>>
    %dma_start3A_245 = tpu.memref_slice %arg2[%mul3A_243] : memref<16777216xf32, #tpu.memory_space<hbm>> -> memref<16384xf32, #tpu.memory_space<hbm>>
    tpu.enqueue_dma source(%dma_start3A_245 : memref<16384xf32, #tpu.memory_space<hbm>>) target(%arg11 : memref<16384xf32, #tpu.memory_space<vmem>>) target_semaphore(%arg15 : memref<!tpu.dma_semaphore, #tpu.memory_space<semaphore_mem>>)
    %dma_wait3A_246 = tpu.memref_slice %arg2[%mul3A_189] : memref<16777216xf32, #tpu.memory_space<hbm>> -> memref<16384xf32, #tpu.memory_space<hbm>>
    %dma_wait3A_247 = tpu.memref_slice %arg2[%mul3A_189] : memref<16777216xf32, #tpu.memory_space<hbm>> -> memref<16384xf32, #tpu.memory_space<hbm>>
    tpu.wait_dma2 semaphore(%arg13 : memref<!tpu.dma_semaphore, #tpu.memory_space<semaphore_mem>>) src(%dma_wait3A_247 : memref<16384xf32, #tpu.memory_space<hbm>>) dst(%arg9 : memref<16384xf32, #tpu.memory_space<vmem>>)
    %parallel_loop3A_248 = arith.constant 0 : i32
    %parallel_loop3A_249 = arith.constant 16384 : i32
    %parallel_loop3A_250 = arith.constant 16 : i32
    scf.for %parallel_loop3A_822 = %parallel_loop3A_248 to %parallel_loop3A_249 step %parallel_loop3A_250  : i32 {
      %parallel_loop3A_823 = arith.index_cast %parallel_loop3A_822 : i32 to index
      %parallel_loop3A_824 = tpu.vector_load %arg9[%parallel_loop3A_823] {strides = array<i32>} : memref<16384xf32, #tpu.memory_space<vmem>>, vector<16xf32>,
      %parallel_loop3A_825 = vector.shape_cast %parallel_loop3A_824 : vector<16xf32> to vector<16xf32>
      %parallel_loop3A_826 = arith.index_cast %parallel_loop3A_822 : i32 to index
      %parallel_loop3A_827 = tpu.vector_load %arg8[%parallel_loop3A_826] {strides = array<i32>} : memref<16384xf32, #tpu.memory_space<vmem>>, vector<16xf32>,
      %parallel_loop3A_828 = vector.shape_cast %parallel_loop3A_827 : vector<16xf32> to vector<16xf32>
      %parallel_loop3A_829 = arith.addf %parallel_loop3A_825, %parallel_loop3A_828 : vector<16xf32>
      %parallel_loop3A_830 = arith.index_cast %parallel_loop3A_822 : i32 to index
      %parallel_loop3A_831 = tpu.vector_load %arg9[%parallel_loop3A_830] {strides = array<i32>} : memref<16384xf32, #tpu.memory_space<vmem>>, vector<16xf32>,
      %parallel_loop3A_832 = vector.shape_cast %parallel_loop3A_831 : vector<16xf32> to vector<16xf32>
      %parallel_loop3A_833 = vector.shape_cast %parallel_loop3A_829 : vector<16xf32> to vector<16xf32>
      tpu.vector_store %arg9[%parallel_loop3A_830], %parallel_loop3A_833 {strides = array<i32>} : memref<16384xf32, #tpu.memory_space<vmem>>, vector<16xf32>,
    } {sc.loop_unroll_factor = 8 : i64, sc.parallel_access}
    %add3A_251 = arith.constant 0 : i32
    %add3A_252 = arith.addi %add3A_251, %mul3A_2 : i32
    %add3A_253 = arith.constant 32 : i32
    %add3A_254 = arith.addi %add3A_252, %add3A_253 : i32
    %mul3A_255 = arith.constant 1024 : i32
    %mul3A_256 = arith.muli %add3A_254, %mul3A_255 : i32
    %dma_start3A_257 = tpu.memref_slice %arg4[%mul3A_256] : memref<16777216xf32, #tpu.memory_space<hbm>> -> memref<16384xf32, #tpu.memory_space<hbm>>
    %dma_start3A_258 = tpu.memref_slice %arg4[%mul3A_256] : memref<16777216xf32, #tpu.memory_space<hbm>> -> memref<16384xf32, #tpu.memory_space<hbm>>
    tpu.enqueue_dma source(%arg9 : memref<16384xf32, #tpu.memory_space<vmem>>) target(%dma_start3A_258 : memref<16384xf32, #tpu.memory_space<hbm>>) target_semaphore(%arg17 : memref<!tpu.dma_semaphore, #tpu.memory_space<semaphore_mem>>)
    %dma_wait3A_259 = tpu.memref_slice %arg4[%mul3A_225] : memref<16777216xf32, #tpu.memory_space<hbm>> -> memref<16384xf32, #tpu.memory_space<hbm>>
    %dma_wait3A_260 = tpu.memref_slice %arg4[%mul3A_225] : memref<16777216xf32, #tpu.memory_space<hbm>> -> memref<16384xf32, #tpu.memory_space<hbm>>
    tpu.wait_dma2 semaphore(%arg20 : memref<!tpu.dma_semaphore, #tpu.memory_space<semaphore_mem>>) src(%arg12 : memref<16384xf32, #tpu.memory_space<vmem>>) dst(%dma_wait3A_260 : memref<16384xf32, #tpu.memory_space<hbm>>)
    %add3A_261 = arith.constant 12288 : i32
    %add3A_262 = arith.addi %add3A_261, %mul3A_2 : i32
    %add3A_263 = arith.constant 32 : i32
    %add3A_264 = arith.addi %add3A_262, %add3A_263 : i32
    %mul3A_265 = arith.constant 1024 : i32
    %mul3A_266 = arith.muli %add3A_264, %mul3A_265 : i32
    %dma_start3A_267 = tpu.memref_slice %arg2[%mul3A_266] : memref<16777216xf32, #tpu.memory_space<hbm>> -> memref<16384xf32, #tpu.memory_space<hbm>>
    %dma_start3A_268 = tpu.memref_slice %arg2[%mul3A_266] : memref<16777216xf32, #tpu.memory_space<hbm>> -> memref<16384xf32, #tpu.memory_space<hbm>>
    tpu.enqueue_dma source(%dma_start3A_268 : memref<16384xf32, #tpu.memory_space<hbm>>) target(%arg12 : memref<16384xf32, #tpu.memory_space<vmem>>) target_semaphore(%arg16 : memref<!tpu.dma_semaphore, #tpu.memory_space<semaphore_mem>>)
    %dma_wait3A_269 = tpu.memref_slice %arg2[%mul3A_212] : memref<16777216xf32, #tpu.memory_space<hbm>> -> memref<16384xf32, #tpu.memory_space<hbm>>
    %dma_wait3A_270 = tpu.memref_slice %arg2[%mul3A_212] : memref<16777216xf32, #tpu.memory_space<hbm>> -> memref<16384xf32, #tpu.memory_space<hbm>>
    tpu.wait_dma2 semaphore(%arg14 : memref<!tpu.dma_semaphore, #tpu.memory_space<semaphore_mem>>) src(%dma_wait3A_270 : memref<16384xf32, #tpu.memory_space<hbm>>) dst(%arg10 : memref<16384xf32, #tpu.memory_space<vmem>>)
    %parallel_loop3A_271 = arith.constant 0 : i32
    %parallel_loop3A_272 = arith.constant 16384 : i32
    %parallel_loop3A_273 = arith.constant 16 : i32
    scf.for %parallel_loop3A_822 = %parallel_loop3A_271 to %parallel_loop3A_272 step %parallel_loop3A_273  : i32 {
      %parallel_loop3A_823 = arith.index_cast %parallel_loop3A_822 : i32 to index
      %parallel_loop3A_824 = tpu.vector_load %arg10[%parallel_loop3A_823] {strides = array<i32>} : memref<16384xf32, #tpu.memory_space<vmem>>, vector<16xf32>,
      %parallel_loop3A_825 = vector.shape_cast %parallel_loop3A_824 : vector<16xf32> to vector<16xf32>
      %parallel_loop3A_826 = arith.index_cast %parallel_loop3A_822 : i32 to index
      %parallel_loop3A_827 = tpu.vector_load %arg8[%parallel_loop3A_826] {strides = array<i32>} : memref<16384xf32, #tpu.memory_space<vmem>>, vector<16xf32>,
      %parallel_loop3A_828 = vector.shape_cast %parallel_loop3A_827 : vector<16xf32> to vector<16xf32>
      %parallel_loop3A_829 = arith.addf %parallel_loop3A_825, %parallel_loop3A_828 : vector<16xf32>
      %parallel_loop3A_830 = arith.index_cast %parallel_loop3A_822 : i32 to index
      %parallel_loop3A_831 = tpu.vector_load %arg10[%parallel_loop3A_830] {strides = array<i32>} : memref<16384xf32, #tpu.memory_space<vmem>>, vector<16xf32>,
      %parallel_loop3A_832 = vector.shape_cast %parallel_loop3A_831 : vector<16xf32> to vector<16xf32>
      %parallel_loop3A_833 = vector.shape_cast %parallel_loop3A_829 : vector<16xf32> to vector<16xf32>
      tpu.vector_store %arg10[%parallel_loop3A_830], %parallel_loop3A_833 {strides = array<i32>} : memref<16384xf32, #tpu.memory_space<vmem>>, vector<16xf32>,
    } {sc.loop_unroll_factor = 8 : i64, sc.parallel_access}
    %add3A_274 = arith.constant 4096 : i32
    %add3A_275 = arith.addi %add3A_274, %mul3A_2 : i32
    %add3A_276 = arith.constant 32 : i32
    %add3A_277 = arith.addi %add3A_275, %add3A_276 : i32
    %mul3A_278 = arith.constant 1024 : i32
    %mul3A_279 = arith.muli %add3A_277, %mul3A_278 : i32
    %dma_start3A_280 = tpu.memref_slice %arg4[%mul3A_279] : memref<16777216xf32, #tpu.memory_space<hbm>> -> memref<16384xf32, #tpu.memory_space<hbm>>
    %dma_start3A_281 = tpu.memref_slice %arg4[%mul3A_279] : memref<16777216xf32, #tpu.memory_space<hbm>> -> memref<16384xf32, #tpu.memory_space<hbm>>
    tpu.enqueue_dma source(%arg10 : memref<16384xf32, #tpu.memory_space<vmem>>) target(%dma_start3A_281 : memref<16384xf32, #tpu.memory_space<hbm>>) target_semaphore(%arg18 : memref<!tpu.dma_semaphore, #tpu.memory_space<semaphore_mem>>)
    %dma_wait3A_282 = tpu.memref_slice %arg4[%mul3A_256] : memref<16777216xf32, #tpu.memory_space<hbm>> -> memref<16384xf32, #tpu.memory_space<hbm>>
    %dma_wait3A_283 = tpu.memref_slice %arg4[%mul3A_256] : memref<16777216xf32, #tpu.memory_space<hbm>> -> memref<16384xf32, #tpu.memory_space<hbm>>
    tpu.wait_dma2 semaphore(%arg17 : memref<!tpu.dma_semaphore, #tpu.memory_space<semaphore_mem>>) src(%arg9 : memref<16384xf32, #tpu.memory_space<vmem>>) dst(%dma_wait3A_283 : memref<16384xf32, #tpu.memory_space<hbm>>)
    %add3A_284 = arith.constant 0 : i32
    %add3A_285 = arith.addi %add3A_284, %mul3A_2 : i32
    %add3A_286 = arith.constant 48 : i32
    %add3A_287 = arith.addi %add3A_285, %add3A_286 : i32
    %mul3A_288 = arith.constant 1024 : i32
    %mul3A_289 = arith.muli %add3A_287, %mul3A_288 : i32
    %dma_start3A_290 = tpu.memref_slice %arg2[%mul3A_289] : memref<16777216xf32, #tpu.memory_space<hbm>> -> memref<16384xf32, #tpu.memory_space<hbm>>
    %dma_start3A_291 = tpu.memref_slice %arg2[%mul3A_289] : memref<16777216xf32, #tpu.memory_space<hbm>> -> memref<16384xf32, #tpu.memory_space<hbm>>
    tpu.enqueue_dma source(%dma_start3A_291 : memref<16384xf32, #tpu.memory_space<hbm>>) target(%arg9 : memref<16384xf32, #tpu.memory_space<vmem>>) target_semaphore(%arg13 : memref<!tpu.dma_semaphore, #tpu.memory_space<semaphore_mem>>)
    %dma_wait3A_292 = tpu.memref_slice %arg2[%mul3A_243] : memref<16777216xf32, #tpu.memory_space<hbm>> -> memref<16384xf32, #tpu.memory_space<hbm>>
    %dma_wait3A_293 = tpu.memref_slice %arg2[%mul3A_243] : memref<16777216xf32, #tpu.memory_space<hbm>> -> memref<16384xf32, #tpu.memory_space<hbm>>
    tpu.wait_dma2 semaphore(%arg15 : memref<!tpu.dma_semaphore, #tpu.memory_space<semaphore_mem>>) src(%dma_wait3A_293 : memref<16384xf32, #tpu.memory_space<hbm>>) dst(%arg11 : memref<16384xf32, #tpu.memory_space<vmem>>)
    %parallel_loop3A_294 = arith.constant 0 : i32
    %parallel_loop3A_295 = arith.constant 16384 : i32
    %parallel_loop3A_296 = arith.constant 16 : i32
    scf.for %parallel_loop3A_822 = %parallel_loop3A_294 to %parallel_loop3A_295 step %parallel_loop3A_296  : i32 {
      %parallel_loop3A_823 = arith.index_cast %parallel_loop3A_822 : i32 to index
      %parallel_loop3A_824 = tpu.vector_load %arg11[%parallel_loop3A_823] {strides = array<i32>} : memref<16384xf32, #tpu.memory_space<vmem>>, vector<16xf32>,
      %parallel_loop3A_825 = vector.shape_cast %parallel_loop3A_824 : vector<16xf32> to vector<16xf32>
      %parallel_loop3A_826 = arith.index_cast %parallel_loop3A_822 : i32 to index
      %parallel_loop3A_827 = tpu.vector_load %arg8[%parallel_loop3A_826] {strides = array<i32>} : memref<16384xf32, #tpu.memory_space<vmem>>, vector<16xf32>,
      %parallel_loop3A_828 = vector.shape_cast %parallel_loop3A_827 : vector<16xf32> to vector<16xf32>
      %parallel_loop3A_829 = arith.addf %parallel_loop3A_825, %parallel_loop3A_828 : vector<16xf32>
      %parallel_loop3A_830 = arith.index_cast %parallel_loop3A_822 : i32 to index
      %parallel_loop3A_831 = tpu.vector_load %arg11[%parallel_loop3A_830] {strides = array<i32>} : memref<16384xf32, #tpu.memory_space<vmem>>, vector<16xf32>,
      %parallel_loop3A_832 = vector.shape_cast %parallel_loop3A_831 : vector<16xf32> to vector<16xf32>
      %parallel_loop3A_833 = vector.shape_cast %parallel_loop3A_829 : vector<16xf32> to vector<16xf32>
      tpu.vector_store %arg11[%parallel_loop3A_830], %parallel_loop3A_833 {strides = array<i32>} : memref<16384xf32, #tpu.memory_space<vmem>>, vector<16xf32>,
    } {sc.loop_unroll_factor = 8 : i64, sc.parallel_access}
    %add3A_297 = arith.constant 8192 : i32
    %add3A_298 = arith.addi %add3A_297, %mul3A_2 : i32
    %add3A_299 = arith.constant 32 : i32
    %add3A_300 = arith.addi %add3A_298, %add3A_299 : i32
    %mul3A_301 = arith.constant 1024 : i32
    %mul3A_302 = arith.muli %add3A_300, %mul3A_301 : i32
    %dma_start3A_303 = tpu.memref_slice %arg4[%mul3A_302] : memref<16777216xf32, #tpu.memory_space<hbm>> -> memref<16384xf32, #tpu.memory_space<hbm>>
    %dma_start3A_304 = tpu.memref_slice %arg4[%mul3A_302] : memref<16777216xf32, #tpu.memory_space<hbm>> -> memref<16384xf32, #tpu.memory_space<hbm>>
    tpu.enqueue_dma source(%arg11 : memref<16384xf32, #tpu.memory_space<vmem>>) target(%dma_start3A_304 : memref<16384xf32, #tpu.memory_space<hbm>>) target_semaphore(%arg19 : memref<!tpu.dma_semaphore, #tpu.memory_space<semaphore_mem>>)
    %dma_wait3A_305 = tpu.memref_slice %arg4[%mul3A_279] : memref<16777216xf32, #tpu.memory_space<hbm>> -> memref<16384xf32, #tpu.memory_space<hbm>>
    %dma_wait3A_306 = tpu.memref_slice %arg4[%mul3A_279] : memref<16777216xf32, #tpu.memory_space<hbm>> -> memref<16384xf32, #tpu.memory_space<hbm>>
    tpu.wait_dma2 semaphore(%arg18 : memref<!tpu.dma_semaphore, #tpu.memory_space<semaphore_mem>>) src(%arg10 : memref<16384xf32, #tpu.memory_space<vmem>>) dst(%dma_wait3A_306 : memref<16384xf32, #tpu.memory_space<hbm>>)
    %add3A_307 = arith.constant 4096 : i32
    %add3A_308 = arith.addi %add3A_307, %mul3A_2 : i32
    %add3A_309 = arith.constant 48 : i32
    %add3A_310 = arith.addi %add3A_308, %add3A_309 : i32
    %mul3A_311 = arith.constant 1024 : i32
    %mul3A_312 = arith.muli %add3A_310, %mul3A_311 : i32
    %dma_start3A_313 = tpu.memref_slice %arg2[%mul3A_312] : memref<16777216xf32, #tpu.memory_space<hbm>> -> memref<16384xf32, #tpu.memory_space<hbm>>
    %dma_start3A_314 = tpu.memref_slice %arg2[%mul3A_312] : memref<16777216xf32, #tpu.memory_space<hbm>> -> memref<16384xf32, #tpu.memory_space<hbm>>
    tpu.enqueue_dma source(%dma_start3A_314 : memref<16384xf32, #tpu.memory_space<hbm>>) target(%arg10 : memref<16384xf32, #tpu.memory_space<vmem>>) target_semaphore(%arg14 : memref<!tpu.dma_semaphore, #tpu.memory_space<semaphore_mem>>)
    %dma_wait3A_315 = tpu.memref_slice %arg2[%mul3A_266] : memref<16777216xf32, #tpu.memory_space<hbm>> -> memref<16384xf32, #tpu.memory_space<hbm>>
    %dma_wait3A_316 = tpu.memref_slice %arg2[%mul3A_266] : memref<16777216xf32, #tpu.memory_space<hbm>> -> memref<16384xf32, #tpu.memory_space<hbm>>
    tpu.wait_dma2 semaphore(%arg16 : memref<!tpu.dma_semaphore, #tpu.memory_space<semaphore_mem>>) src(%dma_wait3A_316 : memref<16384xf32, #tpu.memory_space<hbm>>) dst(%arg12 : memref<16384xf32, #tpu.memory_space<vmem>>)
    %parallel_loop3A_317 = arith.constant 0 : i32
    %parallel_loop3A_318 = arith.constant 16384 : i32
    %parallel_loop3A_319 = arith.constant 16 : i32
    scf.for %parallel_loop3A_822 = %parallel_loop3A_317 to %parallel_loop3A_318 step %parallel_loop3A_319  : i32 {
      %parallel_loop3A_823 = arith.index_cast %parallel_loop3A_822 : i32 to index
      %parallel_loop3A_824 = tpu.vector_load %arg12[%parallel_loop3A_823] {strides = array<i32>} : memref<16384xf32, #tpu.memory_space<vmem>>, vector<16xf32>,
      %parallel_loop3A_825 = vector.shape_cast %parallel_loop3A_824 : vector<16xf32> to vector<16xf32>
      %parallel_loop3A_826 = arith.index_cast %parallel_loop3A_822 : i32 to index
      %parallel_loop3A_827 = tpu.vector_load %arg8[%parallel_loop3A_826] {strides = array<i32>} : memref<16384xf32, #tpu.memory_space<vmem>>, vector<16xf32>,
      %parallel_loop3A_828 = vector.shape_cast %parallel_loop3A_827 : vector<16xf32> to vector<16xf32>
      %parallel_loop3A_829 = arith.addf %parallel_loop3A_825, %parallel_loop3A_828 : vector<16xf32>
      %parallel_loop3A_830 = arith.index_cast %parallel_loop3A_822 : i32 to index
      %parallel_loop3A_831 = tpu.vector_load %arg12[%parallel_loop3A_830] {strides = array<i32>} : memref<16384xf32, #tpu.memory_space<vmem>>, vector<16xf32>,
      %parallel_loop3A_832 = vector.shape_cast %parallel_loop3A_831 : vector<16xf32> to vector<16xf32>
      %parallel_loop3A_833 = vector.shape_cast %parallel_loop3A_829 : vector<16xf32> to vector<16xf32>
      tpu.vector_store %arg12[%parallel_loop3A_830], %parallel_loop3A_833 {strides = array<i32>} : memref<16384xf32, #tpu.memory_space<vmem>>, vector<16xf32>,
    } {sc.loop_unroll_factor = 8 : i64, sc.parallel_access}
    %add3A_320 = arith.constant 12288 : i32
    %add3A_321 = arith.addi %add3A_320, %mul3A_2 : i32
    %add3A_322 = arith.constant 32 : i32
    %add3A_323 = arith.addi %add3A_321, %add3A_322 : i32
    %mul3A_324 = arith.constant 1024 : i32
    %mul3A_325 = arith.muli %add3A_323, %mul3A_324 : i32
    %dma_start3A_326 = tpu.memref_slice %arg4[%mul3A_325] : memref<16777216xf32, #tpu.memory_space<hbm>> -> memref<16384xf32, #tpu.memory_space<hbm>>
    %dma_start3A_327 = tpu.memref_slice %arg4[%mul3A_325] : memref<16777216xf32, #tpu.memory_space<hbm>> -> memref<16384xf32, #tpu.memory_space<hbm>>
    tpu.enqueue_dma source(%arg12 : memref<16384xf32, #tpu.memory_space<vmem>>) target(%dma_start3A_327 : memref<16384xf32, #tpu.memory_space<hbm>>) target_semaphore(%arg20 : memref<!tpu.dma_semaphore, #tpu.memory_space<semaphore_mem>>)
    %scan3A_328 = arith.constant 2.44140625E-4 : f32
    %scan3A_329 = arith.constant 0 : i32
    %scan3A_330 = arith.constant 0 : i32
    %scan3A_331 = arith.constant 16 : i32
    %scan3A_332 = arith.addi %scan3A_330, %scan3A_331 : i32
    %scan3A_333 = arith.constant 1 : i32
    %scan3A_334 = scf.for %scan3A_822 = %scan3A_330 to %scan3A_332 step %scan3A_333 iter_args(%scan3A_823 = %scan3A_329) -> (i32)  : i32 {
      %add3A_824 = arith.constant 48 : i32
      %add3A_825 = arith.addi %mul3A_2, %add3A_824 : i32
      %add3A_826 = arith.addi %add3A_825, %scan3A_822 : i32
      %sub3A = arith.constant 4080 : i32
      %sub3A_827 = arith.subi %sub3A, %add3A_826 : i32
      %max3A = arith.constant 0 : i32
      %max3A_828 = arith.maxsi %sub3A_827, %max3A : i32
      %convert_element_type3A_829 = arith.sitofp %max3A_828 : i32 to f32
      %mul3A_830 = arith.mulf %convert_element_type3A_829, %scan3A_328 : f32
      %sub3A_831 = arith.constant 15 : i32
      %sub3A_832 = arith.subi %add3A_826, %sub3A_831 : i32
      %max3A_833 = arith.constant 0 : i32
      %max3A_834 = arith.maxsi %sub3A_832, %max3A_833 : i32
      %convert_element_type3A_835 = arith.sitofp %max3A_834 : i32 to f32
      %mul3A_836 = arith.mulf %convert_element_type3A_835, %scan3A_328 : f32
      %mul3A_837 = arith.constant 1024 : i32
      %mul3A_838 = arith.muli %scan3A_822, %mul3A_837 : i32
      %parallel_loop3A_839 = arith.constant 0 : i32
      %parallel_loop3A_840 = arith.constant 1024 : i32
      %parallel_loop3A_841 = arith.constant 16 : i32
      scf.for %parallel_loop3A_843 = %parallel_loop3A_839 to %parallel_loop3A_840 step %parallel_loop3A_841  : i32 {
        %parallel_loop3A_844 = arith.index_cast %parallel_loop3A_843 : i32 to index
        %parallel_loop3A_845 = tpu.vector_load %arg6[%parallel_loop3A_844] {strides = array<i32>} : memref<1024xf32, #tpu.memory_space<vmem>>, vector<16xf32>,
        %parallel_loop3A_846 = vector.shape_cast %parallel_loop3A_845 : vector<16xf32> to vector<16xf32>
        %parallel_loop3A_847 = arith.index_cast %parallel_loop3A_843 : i32 to index
        %parallel_loop3A_848 = tpu.vector_load %arg5[%parallel_loop3A_847] {strides = array<i32>} : memref<2048xf32, #tpu.memory_space<vmem>>, vector<16xf32>,
        %parallel_loop3A_849 = vector.shape_cast %parallel_loop3A_848 : vector<16xf32> to vector<16xf32>
        %parallel_loop3A_850 = vector.broadcast %mul3A_830 : f32 to vector<16xf32>
        %parallel_loop3A_851 = arith.mulf %parallel_loop3A_850, %parallel_loop3A_849 : vector<16xf32>
        %parallel_loop3A_852 = arith.addf %parallel_loop3A_846, %parallel_loop3A_851 : vector<16xf32>
        %parallel_loop3A_853 = arith.constant 1024 : i32
        %parallel_loop3A_854 = arith.addi %parallel_loop3A_853, %parallel_loop3A_843 : i32
        %parallel_loop3A_855 = arith.index_cast %parallel_loop3A_854 : i32 to index
        %parallel_loop3A_856 = tpu.vector_load %arg5[%parallel_loop3A_855] {strides = array<i32>} : memref<2048xf32, #tpu.memory_space<vmem>>, vector<16xf32>,
        %parallel_loop3A_857 = vector.shape_cast %parallel_loop3A_856 : vector<16xf32> to vector<16xf32>
        %parallel_loop3A_858 = vector.broadcast %mul3A_836 : f32 to vector<16xf32>
        %parallel_loop3A_859 = arith.mulf %parallel_loop3A_858, %parallel_loop3A_857 : vector<16xf32>
        %parallel_loop3A_860 = arith.addf %parallel_loop3A_852, %parallel_loop3A_859 : vector<16xf32>
        %parallel_loop3A_861 = arith.addi %mul3A_838, %parallel_loop3A_843 : i32
        %parallel_loop3A_862 = arith.index_cast %parallel_loop3A_861 : i32 to index
        %parallel_loop3A_863 = tpu.vector_load %arg8[%parallel_loop3A_862] {strides = array<i32>} : memref<16384xf32, #tpu.memory_space<vmem>>, vector<16xf32>,
        %parallel_loop3A_864 = vector.shape_cast %parallel_loop3A_863 : vector<16xf32> to vector<16xf32>
        %parallel_loop3A_865 = vector.shape_cast %parallel_loop3A_860 : vector<16xf32> to vector<16xf32>
        tpu.vector_store %arg8[%parallel_loop3A_862], %parallel_loop3A_865 {strides = array<i32>} : memref<16384xf32, #tpu.memory_space<vmem>>, vector<16xf32>,
      } {sc.loop_unroll_factor = 4 : i64, sc.parallel_access}
      %scan3A_842 = arith.constant 0 : i32
      scf.yield %scan3A_842 : i32
    }
    %scan3A_335 = arith.constant 16 : i32
    %dma_wait3A_336 = tpu.memref_slice %arg4[%mul3A_302] : memref<16777216xf32, #tpu.memory_space<hbm>> -> memref<16384xf32, #tpu.memory_space<hbm>>
    %dma_wait3A_337 = tpu.memref_slice %arg4[%mul3A_302] : memref<16777216xf32, #tpu.memory_space<hbm>> -> memref<16384xf32, #tpu.memory_space<hbm>>
    tpu.wait_dma2 semaphore(%arg19 : memref<!tpu.dma_semaphore, #tpu.memory_space<semaphore_mem>>) src(%arg11 : memref<16384xf32, #tpu.memory_space<vmem>>) dst(%dma_wait3A_337 : memref<16384xf32, #tpu.memory_space<hbm>>)
    %add3A_338 = arith.constant 8192 : i32
    %add3A_339 = arith.addi %add3A_338, %mul3A_2 : i32
    %add3A_340 = arith.constant 48 : i32
    %add3A_341 = arith.addi %add3A_339, %add3A_340 : i32
    %mul3A_342 = arith.constant 1024 : i32
    %mul3A_343 = arith.muli %add3A_341, %mul3A_342 : i32
    %dma_start3A_344 = tpu.memref_slice %arg2[%mul3A_343] : memref<16777216xf32, #tpu.memory_space<hbm>> -> memref<16384xf32, #tpu.memory_space<hbm>>
    %dma_start3A_345 = tpu.memref_slice %arg2[%mul3A_343] : memref<16777216xf32, #tpu.memory_space<hbm>> -> memref<16384xf32, #tpu.memory_space<hbm>>
    tpu.enqueue_dma source(%dma_start3A_345 : memref<16384xf32, #tpu.memory_space<hbm>>) target(%arg11 : memref<16384xf32, #tpu.memory_space<vmem>>) target_semaphore(%arg15 : memref<!tpu.dma_semaphore, #tpu.memory_space<semaphore_mem>>)
    %dma_wait3A_346 = tpu.memref_slice %arg2[%mul3A_289] : memref<16777216xf32, #tpu.memory_space<hbm>> -> memref<16384xf32, #tpu.memory_space<hbm>>
    %dma_wait3A_347 = tpu.memref_slice %arg2[%mul3A_289] : memref<16777216xf32, #tpu.memory_space<hbm>> -> memref<16384xf32, #tpu.memory_space<hbm>>
    tpu.wait_dma2 semaphore(%arg13 : memref<!tpu.dma_semaphore, #tpu.memory_space<semaphore_mem>>) src(%dma_wait3A_347 : memref<16384xf32, #tpu.memory_space<hbm>>) dst(%arg9 : memref<16384xf32, #tpu.memory_space<vmem>>)
    %parallel_loop3A_348 = arith.constant 0 : i32
    %parallel_loop3A_349 = arith.constant 16384 : i32
    %parallel_loop3A_350 = arith.constant 16 : i32
    scf.for %parallel_loop3A_822 = %parallel_loop3A_348 to %parallel_loop3A_349 step %parallel_loop3A_350  : i32 {
      %parallel_loop3A_823 = arith.index_cast %parallel_loop3A_822 : i32 to index
      %parallel_loop3A_824 = tpu.vector_load %arg9[%parallel_loop3A_823] {strides = array<i32>} : memref<16384xf32, #tpu.memory_space<vmem>>, vector<16xf32>,
      %parallel_loop3A_825 = vector.shape_cast %parallel_loop3A_824 : vector<16xf32> to vector<16xf32>
      %parallel_loop3A_826 = arith.index_cast %parallel_loop3A_822 : i32 to index
      %parallel_loop3A_827 = tpu.vector_load %arg8[%parallel_loop3A_826] {strides = array<i32>} : memref<16384xf32, #tpu.memory_space<vmem>>, vector<16xf32>,
      %parallel_loop3A_828 = vector.shape_cast %parallel_loop3A_827 : vector<16xf32> to vector<16xf32>
      %parallel_loop3A_829 = arith.addf %parallel_loop3A_825, %parallel_loop3A_828 : vector<16xf32>
      %parallel_loop3A_830 = arith.index_cast %parallel_loop3A_822 : i32 to index
      %parallel_loop3A_831 = tpu.vector_load %arg9[%parallel_loop3A_830] {strides = array<i32>} : memref<16384xf32, #tpu.memory_space<vmem>>, vector<16xf32>,
      %parallel_loop3A_832 = vector.shape_cast %parallel_loop3A_831 : vector<16xf32> to vector<16xf32>
      %parallel_loop3A_833 = vector.shape_cast %parallel_loop3A_829 : vector<16xf32> to vector<16xf32>
      tpu.vector_store %arg9[%parallel_loop3A_830], %parallel_loop3A_833 {strides = array<i32>} : memref<16384xf32, #tpu.memory_space<vmem>>, vector<16xf32>,
    } {sc.loop_unroll_factor = 8 : i64, sc.parallel_access}
    %add3A_351 = arith.constant 0 : i32
    %add3A_352 = arith.addi %add3A_351, %mul3A_2 : i32
    %add3A_353 = arith.constant 48 : i32
    %add3A_354 = arith.addi %add3A_352, %add3A_353 : i32
    %mul3A_355 = arith.constant 1024 : i32
    %mul3A_356 = arith.muli %add3A_354, %mul3A_355 : i32
    %dma_start3A_357 = tpu.memref_slice %arg4[%mul3A_356] : memref<16777216xf32, #tpu.memory_space<hbm>> -> memref<16384xf32, #tpu.memory_space<hbm>>
    %dma_start3A_358 = tpu.memref_slice %arg4[%mul3A_356] : memref<16777216xf32, #tpu.memory_space<hbm>> -> memref<16384xf32, #tpu.memory_space<hbm>>
    tpu.enqueue_dma source(%arg9 : memref<16384xf32, #tpu.memory_space<vmem>>) target(%dma_start3A_358 : memref<16384xf32, #tpu.memory_space<hbm>>) target_semaphore(%arg17 : memref<!tpu.dma_semaphore, #tpu.memory_space<semaphore_mem>>)
    %dma_wait3A_359 = tpu.memref_slice %arg4[%mul3A_325] : memref<16777216xf32, #tpu.memory_space<hbm>> -> memref<16384xf32, #tpu.memory_space<hbm>>
    %dma_wait3A_360 = tpu.memref_slice %arg4[%mul3A_325] : memref<16777216xf32, #tpu.memory_space<hbm>> -> memref<16384xf32, #tpu.memory_space<hbm>>
    tpu.wait_dma2 semaphore(%arg20 : memref<!tpu.dma_semaphore, #tpu.memory_space<semaphore_mem>>) src(%arg12 : memref<16384xf32, #tpu.memory_space<vmem>>) dst(%dma_wait3A_360 : memref<16384xf32, #tpu.memory_space<hbm>>)
    %add3A_361 = arith.constant 12288 : i32
    %add3A_362 = arith.addi %add3A_361, %mul3A_2 : i32
    %add3A_363 = arith.constant 48 : i32
    %add3A_364 = arith.addi %add3A_362, %add3A_363 : i32
    %mul3A_365 = arith.constant 1024 : i32
    %mul3A_366 = arith.muli %add3A_364, %mul3A_365 : i32
    %dma_start3A_367 = tpu.memref_slice %arg2[%mul3A_366] : memref<16777216xf32, #tpu.memory_space<hbm>> -> memref<16384xf32, #tpu.memory_space<hbm>>
    %dma_start3A_368 = tpu.memref_slice %arg2[%mul3A_366] : memref<16777216xf32, #tpu.memory_space<hbm>> -> memref<16384xf32, #tpu.memory_space<hbm>>
    tpu.enqueue_dma source(%dma_start3A_368 : memref<16384xf32, #tpu.memory_space<hbm>>) target(%arg12 : memref<16384xf32, #tpu.memory_space<vmem>>) target_semaphore(%arg16 : memref<!tpu.dma_semaphore, #tpu.memory_space<semaphore_mem>>)
    %dma_wait3A_369 = tpu.memref_slice %arg2[%mul3A_312] : memref<16777216xf32, #tpu.memory_space<hbm>> -> memref<16384xf32, #tpu.memory_space<hbm>>
    %dma_wait3A_370 = tpu.memref_slice %arg2[%mul3A_312] : memref<16777216xf32, #tpu.memory_space<hbm>> -> memref<16384xf32, #tpu.memory_space<hbm>>
    tpu.wait_dma2 semaphore(%arg14 : memref<!tpu.dma_semaphore, #tpu.memory_space<semaphore_mem>>) src(%dma_wait3A_370 : memref<16384xf32, #tpu.memory_space<hbm>>) dst(%arg10 : memref<16384xf32, #tpu.memory_space<vmem>>)
    %parallel_loop3A_371 = arith.constant 0 : i32
    %parallel_loop3A_372 = arith.constant 16384 : i32
    %parallel_loop3A_373 = arith.constant 16 : i32
    scf.for %parallel_loop3A_822 = %parallel_loop3A_371 to %parallel_loop3A_372 step %parallel_loop3A_373  : i32 {
      %parallel_loop3A_823 = arith.index_cast %parallel_loop3A_822 : i32 to index
      %parallel_loop3A_824 = tpu.vector_load %arg10[%parallel_loop3A_823] {strides = array<i32>} : memref<16384xf32, #tpu.memory_space<vmem>>, vector<16xf32>,
      %parallel_loop3A_825 = vector.shape_cast %parallel_loop3A_824 : vector<16xf32> to vector<16xf32>
      %parallel_loop3A_826 = arith.index_cast %parallel_loop3A_822 : i32 to index
      %parallel_loop3A_827 = tpu.vector_load %arg8[%parallel_loop3A_826] {strides = array<i32>} : memref<16384xf32, #tpu.memory_space<vmem>>, vector<16xf32>,
      %parallel_loop3A_828 = vector.shape_cast %parallel_loop3A_827 : vector<16xf32> to vector<16xf32>
      %parallel_loop3A_829 = arith.addf %parallel_loop3A_825, %parallel_loop3A_828 : vector<16xf32>
      %parallel_loop3A_830 = arith.index_cast %parallel_loop3A_822 : i32 to index
      %parallel_loop3A_831 = tpu.vector_load %arg10[%parallel_loop3A_830] {strides = array<i32>} : memref<16384xf32, #tpu.memory_space<vmem>>, vector<16xf32>,
      %parallel_loop3A_832 = vector.shape_cast %parallel_loop3A_831 : vector<16xf32> to vector<16xf32>
      %parallel_loop3A_833 = vector.shape_cast %parallel_loop3A_829 : vector<16xf32> to vector<16xf32>
      tpu.vector_store %arg10[%parallel_loop3A_830], %parallel_loop3A_833 {strides = array<i32>} : memref<16384xf32, #tpu.memory_space<vmem>>, vector<16xf32>,
    } {sc.loop_unroll_factor = 8 : i64, sc.parallel_access}
    %add3A_374 = arith.constant 4096 : i32
    %add3A_375 = arith.addi %add3A_374, %mul3A_2 : i32
    %add3A_376 = arith.constant 48 : i32
    %add3A_377 = arith.addi %add3A_375, %add3A_376 : i32
    %mul3A_378 = arith.constant 1024 : i32
    %mul3A_379 = arith.muli %add3A_377, %mul3A_378 : i32
    %dma_start3A_380 = tpu.memref_slice %arg4[%mul3A_379] : memref<16777216xf32, #tpu.memory_space<hbm>> -> memref<16384xf32, #tpu.memory_space<hbm>>
    %dma_start3A_381 = tpu.memref_slice %arg4[%mul3A_379] : memref<16777216xf32, #tpu.memory_space<hbm>> -> memref<16384xf32, #tpu.memory_space<hbm>>
    tpu.enqueue_dma source(%arg10 : memref<16384xf32, #tpu.memory_space<vmem>>) target(%dma_start3A_381 : memref<16384xf32, #tpu.memory_space<hbm>>) target_semaphore(%arg18 : memref<!tpu.dma_semaphore, #tpu.memory_space<semaphore_mem>>)
    %dma_wait3A_382 = tpu.memref_slice %arg4[%mul3A_356] : memref<16777216xf32, #tpu.memory_space<hbm>> -> memref<16384xf32, #tpu.memory_space<hbm>>
    %dma_wait3A_383 = tpu.memref_slice %arg4[%mul3A_356] : memref<16777216xf32, #tpu.memory_space<hbm>> -> memref<16384xf32, #tpu.memory_space<hbm>>
    tpu.wait_dma2 semaphore(%arg17 : memref<!tpu.dma_semaphore, #tpu.memory_space<semaphore_mem>>) src(%arg9 : memref<16384xf32, #tpu.memory_space<vmem>>) dst(%dma_wait3A_383 : memref<16384xf32, #tpu.memory_space<hbm>>)
    %add3A_384 = arith.constant 0 : i32
    %add3A_385 = arith.addi %add3A_384, %mul3A_2 : i32
    %add3A_386 = arith.constant 64 : i32
    %add3A_387 = arith.addi %add3A_385, %add3A_386 : i32
    %mul3A_388 = arith.constant 1024 : i32
    %mul3A_389 = arith.muli %add3A_387, %mul3A_388 : i32
    %dma_start3A_390 = tpu.memref_slice %arg2[%mul3A_389] : memref<16777216xf32, #tpu.memory_space<hbm>> -> memref<16384xf32, #tpu.memory_space<hbm>>
    %dma_start3A_391 = tpu.memref_slice %arg2[%mul3A_389] : memref<16777216xf32, #tpu.memory_space<hbm>> -> memref<16384xf32, #tpu.memory_space<hbm>>
    tpu.enqueue_dma source(%dma_start3A_391 : memref<16384xf32, #tpu.memory_space<hbm>>) target(%arg9 : memref<16384xf32, #tpu.memory_space<vmem>>) target_semaphore(%arg13 : memref<!tpu.dma_semaphore, #tpu.memory_space<semaphore_mem>>)
    %dma_wait3A_392 = tpu.memref_slice %arg2[%mul3A_343] : memref<16777216xf32, #tpu.memory_space<hbm>> -> memref<16384xf32, #tpu.memory_space<hbm>>
    %dma_wait3A_393 = tpu.memref_slice %arg2[%mul3A_343] : memref<16777216xf32, #tpu.memory_space<hbm>> -> memref<16384xf32, #tpu.memory_space<hbm>>
    tpu.wait_dma2 semaphore(%arg15 : memref<!tpu.dma_semaphore, #tpu.memory_space<semaphore_mem>>) src(%dma_wait3A_393 : memref<16384xf32, #tpu.memory_space<hbm>>) dst(%arg11 : memref<16384xf32, #tpu.memory_space<vmem>>)
    %parallel_loop3A_394 = arith.constant 0 : i32
    %parallel_loop3A_395 = arith.constant 16384 : i32
    %parallel_loop3A_396 = arith.constant 16 : i32
    scf.for %parallel_loop3A_822 = %parallel_loop3A_394 to %parallel_loop3A_395 step %parallel_loop3A_396  : i32 {
      %parallel_loop3A_823 = arith.index_cast %parallel_loop3A_822 : i32 to index
      %parallel_loop3A_824 = tpu.vector_load %arg11[%parallel_loop3A_823] {strides = array<i32>} : memref<16384xf32, #tpu.memory_space<vmem>>, vector<16xf32>,
      %parallel_loop3A_825 = vector.shape_cast %parallel_loop3A_824 : vector<16xf32> to vector<16xf32>
      %parallel_loop3A_826 = arith.index_cast %parallel_loop3A_822 : i32 to index
      %parallel_loop3A_827 = tpu.vector_load %arg8[%parallel_loop3A_826] {strides = array<i32>} : memref<16384xf32, #tpu.memory_space<vmem>>, vector<16xf32>,
      %parallel_loop3A_828 = vector.shape_cast %parallel_loop3A_827 : vector<16xf32> to vector<16xf32>
      %parallel_loop3A_829 = arith.addf %parallel_loop3A_825, %parallel_loop3A_828 : vector<16xf32>
      %parallel_loop3A_830 = arith.index_cast %parallel_loop3A_822 : i32 to index
      %parallel_loop3A_831 = tpu.vector_load %arg11[%parallel_loop3A_830] {strides = array<i32>} : memref<16384xf32, #tpu.memory_space<vmem>>, vector<16xf32>,
      %parallel_loop3A_832 = vector.shape_cast %parallel_loop3A_831 : vector<16xf32> to vector<16xf32>
      %parallel_loop3A_833 = vector.shape_cast %parallel_loop3A_829 : vector<16xf32> to vector<16xf32>
      tpu.vector_store %arg11[%parallel_loop3A_830], %parallel_loop3A_833 {strides = array<i32>} : memref<16384xf32, #tpu.memory_space<vmem>>, vector<16xf32>,
    } {sc.loop_unroll_factor = 8 : i64, sc.parallel_access}
    %add3A_397 = arith.constant 8192 : i32
    %add3A_398 = arith.addi %add3A_397, %mul3A_2 : i32
    %add3A_399 = arith.constant 48 : i32
    %add3A_400 = arith.addi %add3A_398, %add3A_399 : i32
    %mul3A_401 = arith.constant 1024 : i32
    %mul3A_402 = arith.muli %add3A_400, %mul3A_401 : i32
    %dma_start3A_403 = tpu.memref_slice %arg4[%mul3A_402] : memref<16777216xf32, #tpu.memory_space<hbm>> -> memref<16384xf32, #tpu.memory_space<hbm>>
    %dma_start3A_404 = tpu.memref_slice %arg4[%mul3A_402] : memref<16777216xf32, #tpu.memory_space<hbm>> -> memref<16384xf32, #tpu.memory_space<hbm>>
    tpu.enqueue_dma source(%arg11 : memref<16384xf32, #tpu.memory_space<vmem>>) target(%dma_start3A_404 : memref<16384xf32, #tpu.memory_space<hbm>>) target_semaphore(%arg19 : memref<!tpu.dma_semaphore, #tpu.memory_space<semaphore_mem>>)
    %dma_wait3A_405 = tpu.memref_slice %arg4[%mul3A_379] : memref<16777216xf32, #tpu.memory_space<hbm>> -> memref<16384xf32, #tpu.memory_space<hbm>>
    %dma_wait3A_406 = tpu.memref_slice %arg4[%mul3A_379] : memref<16777216xf32, #tpu.memory_space<hbm>> -> memref<16384xf32, #tpu.memory_space<hbm>>
    tpu.wait_dma2 semaphore(%arg18 : memref<!tpu.dma_semaphore, #tpu.memory_space<semaphore_mem>>) src(%arg10 : memref<16384xf32, #tpu.memory_space<vmem>>) dst(%dma_wait3A_406 : memref<16384xf32, #tpu.memory_space<hbm>>)
    %add3A_407 = arith.constant 4096 : i32
    %add3A_408 = arith.addi %add3A_407, %mul3A_2 : i32
    %add3A_409 = arith.constant 64 : i32
    %add3A_410 = arith.addi %add3A_408, %add3A_409 : i32
    %mul3A_411 = arith.constant 1024 : i32
    %mul3A_412 = arith.muli %add3A_410, %mul3A_411 : i32
    %dma_start3A_413 = tpu.memref_slice %arg2[%mul3A_412] : memref<16777216xf32, #tpu.memory_space<hbm>> -> memref<16384xf32, #tpu.memory_space<hbm>>
    %dma_start3A_414 = tpu.memref_slice %arg2[%mul3A_412] : memref<16777216xf32, #tpu.memory_space<hbm>> -> memref<16384xf32, #tpu.memory_space<hbm>>
    tpu.enqueue_dma source(%dma_start3A_414 : memref<16384xf32, #tpu.memory_space<hbm>>) target(%arg10 : memref<16384xf32, #tpu.memory_space<vmem>>) target_semaphore(%arg14 : memref<!tpu.dma_semaphore, #tpu.memory_space<semaphore_mem>>)
    %dma_wait3A_415 = tpu.memref_slice %arg2[%mul3A_366] : memref<16777216xf32, #tpu.memory_space<hbm>> -> memref<16384xf32, #tpu.memory_space<hbm>>
    %dma_wait3A_416 = tpu.memref_slice %arg2[%mul3A_366] : memref<16777216xf32, #tpu.memory_space<hbm>> -> memref<16384xf32, #tpu.memory_space<hbm>>
    tpu.wait_dma2 semaphore(%arg16 : memref<!tpu.dma_semaphore, #tpu.memory_space<semaphore_mem>>) src(%dma_wait3A_416 : memref<16384xf32, #tpu.memory_space<hbm>>) dst(%arg12 : memref<16384xf32, #tpu.memory_space<vmem>>)
    %parallel_loop3A_417 = arith.constant 0 : i32
    %parallel_loop3A_418 = arith.constant 16384 : i32
    %parallel_loop3A_419 = arith.constant 16 : i32
    scf.for %parallel_loop3A_822 = %parallel_loop3A_417 to %parallel_loop3A_418 step %parallel_loop3A_419  : i32 {
      %parallel_loop3A_823 = arith.index_cast %parallel_loop3A_822 : i32 to index
      %parallel_loop3A_824 = tpu.vector_load %arg12[%parallel_loop3A_823] {strides = array<i32>} : memref<16384xf32, #tpu.memory_space<vmem>>, vector<16xf32>,
      %parallel_loop3A_825 = vector.shape_cast %parallel_loop3A_824 : vector<16xf32> to vector<16xf32>
      %parallel_loop3A_826 = arith.index_cast %parallel_loop3A_822 : i32 to index
      %parallel_loop3A_827 = tpu.vector_load %arg8[%parallel_loop3A_826] {strides = array<i32>} : memref<16384xf32, #tpu.memory_space<vmem>>, vector<16xf32>,
      %parallel_loop3A_828 = vector.shape_cast %parallel_loop3A_827 : vector<16xf32> to vector<16xf32>
      %parallel_loop3A_829 = arith.addf %parallel_loop3A_825, %parallel_loop3A_828 : vector<16xf32>
      %parallel_loop3A_830 = arith.index_cast %parallel_loop3A_822 : i32 to index
      %parallel_loop3A_831 = tpu.vector_load %arg12[%parallel_loop3A_830] {strides = array<i32>} : memref<16384xf32, #tpu.memory_space<vmem>>, vector<16xf32>,
      %parallel_loop3A_832 = vector.shape_cast %parallel_loop3A_831 : vector<16xf32> to vector<16xf32>
      %parallel_loop3A_833 = vector.shape_cast %parallel_loop3A_829 : vector<16xf32> to vector<16xf32>
      tpu.vector_store %arg12[%parallel_loop3A_830], %parallel_loop3A_833 {strides = array<i32>} : memref<16384xf32, #tpu.memory_space<vmem>>, vector<16xf32>,
    } {sc.loop_unroll_factor = 8 : i64, sc.parallel_access}
    %add3A_420 = arith.constant 12288 : i32
    %add3A_421 = arith.addi %add3A_420, %mul3A_2 : i32
    %add3A_422 = arith.constant 48 : i32
    %add3A_423 = arith.addi %add3A_421, %add3A_422 : i32
    %mul3A_424 = arith.constant 1024 : i32
    %mul3A_425 = arith.muli %add3A_423, %mul3A_424 : i32
    %dma_start3A_426 = tpu.memref_slice %arg4[%mul3A_425] : memref<16777216xf32, #tpu.memory_space<hbm>> -> memref<16384xf32, #tpu.memory_space<hbm>>
    %dma_start3A_427 = tpu.memref_slice %arg4[%mul3A_425] : memref<16777216xf32, #tpu.memory_space<hbm>> -> memref<16384xf32, #tpu.memory_space<hbm>>
    tpu.enqueue_dma source(%arg12 : memref<16384xf32, #tpu.memory_space<vmem>>) target(%dma_start3A_427 : memref<16384xf32, #tpu.memory_space<hbm>>) target_semaphore(%arg20 : memref<!tpu.dma_semaphore, #tpu.memory_space<semaphore_mem>>)
    %scan3A_428 = arith.constant 2.44140625E-4 : f32
    %scan3A_429 = arith.constant 0 : i32
    %scan3A_430 = arith.constant 0 : i32
    %scan3A_431 = arith.constant 16 : i32
    %scan3A_432 = arith.addi %scan3A_430, %scan3A_431 : i32
    %scan3A_433 = arith.constant 1 : i32
    %scan3A_434 = scf.for %scan3A_822 = %scan3A_430 to %scan3A_432 step %scan3A_433 iter_args(%scan3A_823 = %scan3A_429) -> (i32)  : i32 {
      %add3A_824 = arith.constant 64 : i32
      %add3A_825 = arith.addi %mul3A_2, %add3A_824 : i32
      %add3A_826 = arith.addi %add3A_825, %scan3A_822 : i32
      %sub3A = arith.constant 4080 : i32
      %sub3A_827 = arith.subi %sub3A, %add3A_826 : i32
      %max3A = arith.constant 0 : i32
      %max3A_828 = arith.maxsi %sub3A_827, %max3A : i32
      %convert_element_type3A_829 = arith.sitofp %max3A_828 : i32 to f32
      %mul3A_830 = arith.mulf %convert_element_type3A_829, %scan3A_428 : f32
      %sub3A_831 = arith.constant 15 : i32
      %sub3A_832 = arith.subi %add3A_826, %sub3A_831 : i32
      %max3A_833 = arith.constant 0 : i32
      %max3A_834 = arith.maxsi %sub3A_832, %max3A_833 : i32
      %convert_element_type3A_835 = arith.sitofp %max3A_834 : i32 to f32
      %mul3A_836 = arith.mulf %convert_element_type3A_835, %scan3A_428 : f32
      %mul3A_837 = arith.constant 1024 : i32
      %mul3A_838 = arith.muli %scan3A_822, %mul3A_837 : i32
      %parallel_loop3A_839 = arith.constant 0 : i32
      %parallel_loop3A_840 = arith.constant 1024 : i32
      %parallel_loop3A_841 = arith.constant 16 : i32
      scf.for %parallel_loop3A_843 = %parallel_loop3A_839 to %parallel_loop3A_840 step %parallel_loop3A_841  : i32 {
        %parallel_loop3A_844 = arith.index_cast %parallel_loop3A_843 : i32 to index
        %parallel_loop3A_845 = tpu.vector_load %arg6[%parallel_loop3A_844] {strides = array<i32>} : memref<1024xf32, #tpu.memory_space<vmem>>, vector<16xf32>,
        %parallel_loop3A_846 = vector.shape_cast %parallel_loop3A_845 : vector<16xf32> to vector<16xf32>
        %parallel_loop3A_847 = arith.index_cast %parallel_loop3A_843 : i32 to index
        %parallel_loop3A_848 = tpu.vector_load %arg5[%parallel_loop3A_847] {strides = array<i32>} : memref<2048xf32, #tpu.memory_space<vmem>>, vector<16xf32>,
        %parallel_loop3A_849 = vector.shape_cast %parallel_loop3A_848 : vector<16xf32> to vector<16xf32>
        %parallel_loop3A_850 = vector.broadcast %mul3A_830 : f32 to vector<16xf32>
        %parallel_loop3A_851 = arith.mulf %parallel_loop3A_850, %parallel_loop3A_849 : vector<16xf32>
        %parallel_loop3A_852 = arith.addf %parallel_loop3A_846, %parallel_loop3A_851 : vector<16xf32>
        %parallel_loop3A_853 = arith.constant 1024 : i32
        %parallel_loop3A_854 = arith.addi %parallel_loop3A_853, %parallel_loop3A_843 : i32
        %parallel_loop3A_855 = arith.index_cast %parallel_loop3A_854 : i32 to index
        %parallel_loop3A_856 = tpu.vector_load %arg5[%parallel_loop3A_855] {strides = array<i32>} : memref<2048xf32, #tpu.memory_space<vmem>>, vector<16xf32>,
        %parallel_loop3A_857 = vector.shape_cast %parallel_loop3A_856 : vector<16xf32> to vector<16xf32>
        %parallel_loop3A_858 = vector.broadcast %mul3A_836 : f32 to vector<16xf32>
        %parallel_loop3A_859 = arith.mulf %parallel_loop3A_858, %parallel_loop3A_857 : vector<16xf32>
        %parallel_loop3A_860 = arith.addf %parallel_loop3A_852, %parallel_loop3A_859 : vector<16xf32>
        %parallel_loop3A_861 = arith.addi %mul3A_838, %parallel_loop3A_843 : i32
        %parallel_loop3A_862 = arith.index_cast %parallel_loop3A_861 : i32 to index
        %parallel_loop3A_863 = tpu.vector_load %arg8[%parallel_loop3A_862] {strides = array<i32>} : memref<16384xf32, #tpu.memory_space<vmem>>, vector<16xf32>,
        %parallel_loop3A_864 = vector.shape_cast %parallel_loop3A_863 : vector<16xf32> to vector<16xf32>
        %parallel_loop3A_865 = vector.shape_cast %parallel_loop3A_860 : vector<16xf32> to vector<16xf32>
        tpu.vector_store %arg8[%parallel_loop3A_862], %parallel_loop3A_865 {strides = array<i32>} : memref<16384xf32, #tpu.memory_space<vmem>>, vector<16xf32>,
      } {sc.loop_unroll_factor = 4 : i64, sc.parallel_access}
      %scan3A_842 = arith.constant 0 : i32
      scf.yield %scan3A_842 : i32
    }
    %scan3A_435 = arith.constant 16 : i32
    %dma_wait3A_436 = tpu.memref_slice %arg4[%mul3A_402] : memref<16777216xf32, #tpu.memory_space<hbm>> -> memref<16384xf32, #tpu.memory_space<hbm>>
    %dma_wait3A_437 = tpu.memref_slice %arg4[%mul3A_402] : memref<16777216xf32, #tpu.memory_space<hbm>> -> memref<16384xf32, #tpu.memory_space<hbm>>
    tpu.wait_dma2 semaphore(%arg19 : memref<!tpu.dma_semaphore, #tpu.memory_space<semaphore_mem>>) src(%arg11 : memref<16384xf32, #tpu.memory_space<vmem>>) dst(%dma_wait3A_437 : memref<16384xf32, #tpu.memory_space<hbm>>)
    %add3A_438 = arith.constant 8192 : i32
    %add3A_439 = arith.addi %add3A_438, %mul3A_2 : i32
    %add3A_440 = arith.constant 64 : i32
    %add3A_441 = arith.addi %add3A_439, %add3A_440 : i32
    %mul3A_442 = arith.constant 1024 : i32
    %mul3A_443 = arith.muli %add3A_441, %mul3A_442 : i32
    %dma_start3A_444 = tpu.memref_slice %arg2[%mul3A_443] : memref<16777216xf32, #tpu.memory_space<hbm>> -> memref<16384xf32, #tpu.memory_space<hbm>>
    %dma_start3A_445 = tpu.memref_slice %arg2[%mul3A_443] : memref<16777216xf32, #tpu.memory_space<hbm>> -> memref<16384xf32, #tpu.memory_space<hbm>>
    tpu.enqueue_dma source(%dma_start3A_445 : memref<16384xf32, #tpu.memory_space<hbm>>) target(%arg11 : memref<16384xf32, #tpu.memory_space<vmem>>) target_semaphore(%arg15 : memref<!tpu.dma_semaphore, #tpu.memory_space<semaphore_mem>>)
    %dma_wait3A_446 = tpu.memref_slice %arg2[%mul3A_389] : memref<16777216xf32, #tpu.memory_space<hbm>> -> memref<16384xf32, #tpu.memory_space<hbm>>
    %dma_wait3A_447 = tpu.memref_slice %arg2[%mul3A_389] : memref<16777216xf32, #tpu.memory_space<hbm>> -> memref<16384xf32, #tpu.memory_space<hbm>>
    tpu.wait_dma2 semaphore(%arg13 : memref<!tpu.dma_semaphore, #tpu.memory_space<semaphore_mem>>) src(%dma_wait3A_447 : memref<16384xf32, #tpu.memory_space<hbm>>) dst(%arg9 : memref<16384xf32, #tpu.memory_space<vmem>>)
    %parallel_loop3A_448 = arith.constant 0 : i32
    %parallel_loop3A_449 = arith.constant 16384 : i32
    %parallel_loop3A_450 = arith.constant 16 : i32
    scf.for %parallel_loop3A_822 = %parallel_loop3A_448 to %parallel_loop3A_449 step %parallel_loop3A_450  : i32 {
      %parallel_loop3A_823 = arith.index_cast %parallel_loop3A_822 : i32 to index
      %parallel_loop3A_824 = tpu.vector_load %arg9[%parallel_loop3A_823] {strides = array<i32>} : memref<16384xf32, #tpu.memory_space<vmem>>, vector<16xf32>,
      %parallel_loop3A_825 = vector.shape_cast %parallel_loop3A_824 : vector<16xf32> to vector<16xf32>
      %parallel_loop3A_826 = arith.index_cast %parallel_loop3A_822 : i32 to index
      %parallel_loop3A_827 = tpu.vector_load %arg8[%parallel_loop3A_826] {strides = array<i32>} : memref<16384xf32, #tpu.memory_space<vmem>>, vector<16xf32>,
      %parallel_loop3A_828 = vector.shape_cast %parallel_loop3A_827 : vector<16xf32> to vector<16xf32>
      %parallel_loop3A_829 = arith.addf %parallel_loop3A_825, %parallel_loop3A_828 : vector<16xf32>
      %parallel_loop3A_830 = arith.index_cast %parallel_loop3A_822 : i32 to index
      %parallel_loop3A_831 = tpu.vector_load %arg9[%parallel_loop3A_830] {strides = array<i32>} : memref<16384xf32, #tpu.memory_space<vmem>>, vector<16xf32>,
      %parallel_loop3A_832 = vector.shape_cast %parallel_loop3A_831 : vector<16xf32> to vector<16xf32>
      %parallel_loop3A_833 = vector.shape_cast %parallel_loop3A_829 : vector<16xf32> to vector<16xf32>
      tpu.vector_store %arg9[%parallel_loop3A_830], %parallel_loop3A_833 {strides = array<i32>} : memref<16384xf32, #tpu.memory_space<vmem>>, vector<16xf32>,
    } {sc.loop_unroll_factor = 8 : i64, sc.parallel_access}
    %add3A_451 = arith.constant 0 : i32
    %add3A_452 = arith.addi %add3A_451, %mul3A_2 : i32
    %add3A_453 = arith.constant 64 : i32
    %add3A_454 = arith.addi %add3A_452, %add3A_453 : i32
    %mul3A_455 = arith.constant 1024 : i32
    %mul3A_456 = arith.muli %add3A_454, %mul3A_455 : i32
    %dma_start3A_457 = tpu.memref_slice %arg4[%mul3A_456] : memref<16777216xf32, #tpu.memory_space<hbm>> -> memref<16384xf32, #tpu.memory_space<hbm>>
    %dma_start3A_458 = tpu.memref_slice %arg4[%mul3A_456] : memref<16777216xf32, #tpu.memory_space<hbm>> -> memref<16384xf32, #tpu.memory_space<hbm>>
    tpu.enqueue_dma source(%arg9 : memref<16384xf32, #tpu.memory_space<vmem>>) target(%dma_start3A_458 : memref<16384xf32, #tpu.memory_space<hbm>>) target_semaphore(%arg17 : memref<!tpu.dma_semaphore, #tpu.memory_space<semaphore_mem>>)
    %dma_wait3A_459 = tpu.memref_slice %arg4[%mul3A_425] : memref<16777216xf32, #tpu.memory_space<hbm>> -> memref<16384xf32, #tpu.memory_space<hbm>>
    %dma_wait3A_460 = tpu.memref_slice %arg4[%mul3A_425] : memref<16777216xf32, #tpu.memory_space<hbm>> -> memref<16384xf32, #tpu.memory_space<hbm>>
    tpu.wait_dma2 semaphore(%arg20 : memref<!tpu.dma_semaphore, #tpu.memory_space<semaphore_mem>>) src(%arg12 : memref<16384xf32, #tpu.memory_space<vmem>>) dst(%dma_wait3A_460 : memref<16384xf32, #tpu.memory_space<hbm>>)
    %add3A_461 = arith.constant 12288 : i32
    %add3A_462 = arith.addi %add3A_461, %mul3A_2 : i32
    %add3A_463 = arith.constant 64 : i32
    %add3A_464 = arith.addi %add3A_462, %add3A_463 : i32
    %mul3A_465 = arith.constant 1024 : i32
    %mul3A_466 = arith.muli %add3A_464, %mul3A_465 : i32
    %dma_start3A_467 = tpu.memref_slice %arg2[%mul3A_466] : memref<16777216xf32, #tpu.memory_space<hbm>> -> memref<16384xf32, #tpu.memory_space<hbm>>
    %dma_start3A_468 = tpu.memref_slice %arg2[%mul3A_466] : memref<16777216xf32, #tpu.memory_space<hbm>> -> memref<16384xf32, #tpu.memory_space<hbm>>
    tpu.enqueue_dma source(%dma_start3A_468 : memref<16384xf32, #tpu.memory_space<hbm>>) target(%arg12 : memref<16384xf32, #tpu.memory_space<vmem>>) target_semaphore(%arg16 : memref<!tpu.dma_semaphore, #tpu.memory_space<semaphore_mem>>)
    %dma_wait3A_469 = tpu.memref_slice %arg2[%mul3A_412] : memref<16777216xf32, #tpu.memory_space<hbm>> -> memref<16384xf32, #tpu.memory_space<hbm>>
    %dma_wait3A_470 = tpu.memref_slice %arg2[%mul3A_412] : memref<16777216xf32, #tpu.memory_space<hbm>> -> memref<16384xf32, #tpu.memory_space<hbm>>
    tpu.wait_dma2 semaphore(%arg14 : memref<!tpu.dma_semaphore, #tpu.memory_space<semaphore_mem>>) src(%dma_wait3A_470 : memref<16384xf32, #tpu.memory_space<hbm>>) dst(%arg10 : memref<16384xf32, #tpu.memory_space<vmem>>)
    %parallel_loop3A_471 = arith.constant 0 : i32
    %parallel_loop3A_472 = arith.constant 16384 : i32
    %parallel_loop3A_473 = arith.constant 16 : i32
    scf.for %parallel_loop3A_822 = %parallel_loop3A_471 to %parallel_loop3A_472 step %parallel_loop3A_473  : i32 {
      %parallel_loop3A_823 = arith.index_cast %parallel_loop3A_822 : i32 to index
      %parallel_loop3A_824 = tpu.vector_load %arg10[%parallel_loop3A_823] {strides = array<i32>} : memref<16384xf32, #tpu.memory_space<vmem>>, vector<16xf32>,
      %parallel_loop3A_825 = vector.shape_cast %parallel_loop3A_824 : vector<16xf32> to vector<16xf32>
      %parallel_loop3A_826 = arith.index_cast %parallel_loop3A_822 : i32 to index
      %parallel_loop3A_827 = tpu.vector_load %arg8[%parallel_loop3A_826] {strides = array<i32>} : memref<16384xf32, #tpu.memory_space<vmem>>, vector<16xf32>,
      %parallel_loop3A_828 = vector.shape_cast %parallel_loop3A_827 : vector<16xf32> to vector<16xf32>
      %parallel_loop3A_829 = arith.addf %parallel_loop3A_825, %parallel_loop3A_828 : vector<16xf32>
      %parallel_loop3A_830 = arith.index_cast %parallel_loop3A_822 : i32 to index
      %parallel_loop3A_831 = tpu.vector_load %arg10[%parallel_loop3A_830] {strides = array<i32>} : memref<16384xf32, #tpu.memory_space<vmem>>, vector<16xf32>,
      %parallel_loop3A_832 = vector.shape_cast %parallel_loop3A_831 : vector<16xf32> to vector<16xf32>
      %parallel_loop3A_833 = vector.shape_cast %parallel_loop3A_829 : vector<16xf32> to vector<16xf32>
      tpu.vector_store %arg10[%parallel_loop3A_830], %parallel_loop3A_833 {strides = array<i32>} : memref<16384xf32, #tpu.memory_space<vmem>>, vector<16xf32>,
    } {sc.loop_unroll_factor = 8 : i64, sc.parallel_access}
    %add3A_474 = arith.constant 4096 : i32
    %add3A_475 = arith.addi %add3A_474, %mul3A_2 : i32
    %add3A_476 = arith.constant 64 : i32
    %add3A_477 = arith.addi %add3A_475, %add3A_476 : i32
    %mul3A_478 = arith.constant 1024 : i32
    %mul3A_479 = arith.muli %add3A_477, %mul3A_478 : i32
    %dma_start3A_480 = tpu.memref_slice %arg4[%mul3A_479] : memref<16777216xf32, #tpu.memory_space<hbm>> -> memref<16384xf32, #tpu.memory_space<hbm>>
    %dma_start3A_481 = tpu.memref_slice %arg4[%mul3A_479] : memref<16777216xf32, #tpu.memory_space<hbm>> -> memref<16384xf32, #tpu.memory_space<hbm>>
    tpu.enqueue_dma source(%arg10 : memref<16384xf32, #tpu.memory_space<vmem>>) target(%dma_start3A_481 : memref<16384xf32, #tpu.memory_space<hbm>>) target_semaphore(%arg18 : memref<!tpu.dma_semaphore, #tpu.memory_space<semaphore_mem>>)
    %dma_wait3A_482 = tpu.memref_slice %arg4[%mul3A_456] : memref<16777216xf32, #tpu.memory_space<hbm>> -> memref<16384xf32, #tpu.memory_space<hbm>>
    %dma_wait3A_483 = tpu.memref_slice %arg4[%mul3A_456] : memref<16777216xf32, #tpu.memory_space<hbm>> -> memref<16384xf32, #tpu.memory_space<hbm>>
    tpu.wait_dma2 semaphore(%arg17 : memref<!tpu.dma_semaphore, #tpu.memory_space<semaphore_mem>>) src(%arg9 : memref<16384xf32, #tpu.memory_space<vmem>>) dst(%dma_wait3A_483 : memref<16384xf32, #tpu.memory_space<hbm>>)
    %add3A_484 = arith.constant 0 : i32
    %add3A_485 = arith.addi %add3A_484, %mul3A_2 : i32
    %add3A_486 = arith.constant 80 : i32
    %add3A_487 = arith.addi %add3A_485, %add3A_486 : i32
    %mul3A_488 = arith.constant 1024 : i32
    %mul3A_489 = arith.muli %add3A_487, %mul3A_488 : i32
    %dma_start3A_490 = tpu.memref_slice %arg2[%mul3A_489] : memref<16777216xf32, #tpu.memory_space<hbm>> -> memref<16384xf32, #tpu.memory_space<hbm>>
    %dma_start3A_491 = tpu.memref_slice %arg2[%mul3A_489] : memref<16777216xf32, #tpu.memory_space<hbm>> -> memref<16384xf32, #tpu.memory_space<hbm>>
    tpu.enqueue_dma source(%dma_start3A_491 : memref<16384xf32, #tpu.memory_space<hbm>>) target(%arg9 : memref<16384xf32, #tpu.memory_space<vmem>>) target_semaphore(%arg13 : memref<!tpu.dma_semaphore, #tpu.memory_space<semaphore_mem>>)
    %dma_wait3A_492 = tpu.memref_slice %arg2[%mul3A_443] : memref<16777216xf32, #tpu.memory_space<hbm>> -> memref<16384xf32, #tpu.memory_space<hbm>>
    %dma_wait3A_493 = tpu.memref_slice %arg2[%mul3A_443] : memref<16777216xf32, #tpu.memory_space<hbm>> -> memref<16384xf32, #tpu.memory_space<hbm>>
    tpu.wait_dma2 semaphore(%arg15 : memref<!tpu.dma_semaphore, #tpu.memory_space<semaphore_mem>>) src(%dma_wait3A_493 : memref<16384xf32, #tpu.memory_space<hbm>>) dst(%arg11 : memref<16384xf32, #tpu.memory_space<vmem>>)
    %parallel_loop3A_494 = arith.constant 0 : i32
    %parallel_loop3A_495 = arith.constant 16384 : i32
    %parallel_loop3A_496 = arith.constant 16 : i32
    scf.for %parallel_loop3A_822 = %parallel_loop3A_494 to %parallel_loop3A_495 step %parallel_loop3A_496  : i32 {
      %parallel_loop3A_823 = arith.index_cast %parallel_loop3A_822 : i32 to index
      %parallel_loop3A_824 = tpu.vector_load %arg11[%parallel_loop3A_823] {strides = array<i32>} : memref<16384xf32, #tpu.memory_space<vmem>>, vector<16xf32>,
      %parallel_loop3A_825 = vector.shape_cast %parallel_loop3A_824 : vector<16xf32> to vector<16xf32>
      %parallel_loop3A_826 = arith.index_cast %parallel_loop3A_822 : i32 to index
      %parallel_loop3A_827 = tpu.vector_load %arg8[%parallel_loop3A_826] {strides = array<i32>} : memref<16384xf32, #tpu.memory_space<vmem>>, vector<16xf32>,
      %parallel_loop3A_828 = vector.shape_cast %parallel_loop3A_827 : vector<16xf32> to vector<16xf32>
      %parallel_loop3A_829 = arith.addf %parallel_loop3A_825, %parallel_loop3A_828 : vector<16xf32>
      %parallel_loop3A_830 = arith.index_cast %parallel_loop3A_822 : i32 to index
      %parallel_loop3A_831 = tpu.vector_load %arg11[%parallel_loop3A_830] {strides = array<i32>} : memref<16384xf32, #tpu.memory_space<vmem>>, vector<16xf32>,
      %parallel_loop3A_832 = vector.shape_cast %parallel_loop3A_831 : vector<16xf32> to vector<16xf32>
      %parallel_loop3A_833 = vector.shape_cast %parallel_loop3A_829 : vector<16xf32> to vector<16xf32>
      tpu.vector_store %arg11[%parallel_loop3A_830], %parallel_loop3A_833 {strides = array<i32>} : memref<16384xf32, #tpu.memory_space<vmem>>, vector<16xf32>,
    } {sc.loop_unroll_factor = 8 : i64, sc.parallel_access}
    %add3A_497 = arith.constant 8192 : i32
    %add3A_498 = arith.addi %add3A_497, %mul3A_2 : i32
    %add3A_499 = arith.constant 64 : i32
    %add3A_500 = arith.addi %add3A_498, %add3A_499 : i32
    %mul3A_501 = arith.constant 1024 : i32
    %mul3A_502 = arith.muli %add3A_500, %mul3A_501 : i32
    %dma_start3A_503 = tpu.memref_slice %arg4[%mul3A_502] : memref<16777216xf32, #tpu.memory_space<hbm>> -> memref<16384xf32, #tpu.memory_space<hbm>>
    %dma_start3A_504 = tpu.memref_slice %arg4[%mul3A_502] : memref<16777216xf32, #tpu.memory_space<hbm>> -> memref<16384xf32, #tpu.memory_space<hbm>>
    tpu.enqueue_dma source(%arg11 : memref<16384xf32, #tpu.memory_space<vmem>>) target(%dma_start3A_504 : memref<16384xf32, #tpu.memory_space<hbm>>) target_semaphore(%arg19 : memref<!tpu.dma_semaphore, #tpu.memory_space<semaphore_mem>>)
    %dma_wait3A_505 = tpu.memref_slice %arg4[%mul3A_479] : memref<16777216xf32, #tpu.memory_space<hbm>> -> memref<16384xf32, #tpu.memory_space<hbm>>
    %dma_wait3A_506 = tpu.memref_slice %arg4[%mul3A_479] : memref<16777216xf32, #tpu.memory_space<hbm>> -> memref<16384xf32, #tpu.memory_space<hbm>>
    tpu.wait_dma2 semaphore(%arg18 : memref<!tpu.dma_semaphore, #tpu.memory_space<semaphore_mem>>) src(%arg10 : memref<16384xf32, #tpu.memory_space<vmem>>) dst(%dma_wait3A_506 : memref<16384xf32, #tpu.memory_space<hbm>>)
    %add3A_507 = arith.constant 4096 : i32
    %add3A_508 = arith.addi %add3A_507, %mul3A_2 : i32
    %add3A_509 = arith.constant 80 : i32
    %add3A_510 = arith.addi %add3A_508, %add3A_509 : i32
    %mul3A_511 = arith.constant 1024 : i32
    %mul3A_512 = arith.muli %add3A_510, %mul3A_511 : i32
    %dma_start3A_513 = tpu.memref_slice %arg2[%mul3A_512] : memref<16777216xf32, #tpu.memory_space<hbm>> -> memref<16384xf32, #tpu.memory_space<hbm>>
    %dma_start3A_514 = tpu.memref_slice %arg2[%mul3A_512] : memref<16777216xf32, #tpu.memory_space<hbm>> -> memref<16384xf32, #tpu.memory_space<hbm>>
    tpu.enqueue_dma source(%dma_start3A_514 : memref<16384xf32, #tpu.memory_space<hbm>>) target(%arg10 : memref<16384xf32, #tpu.memory_space<vmem>>) target_semaphore(%arg14 : memref<!tpu.dma_semaphore, #tpu.memory_space<semaphore_mem>>)
    %dma_wait3A_515 = tpu.memref_slice %arg2[%mul3A_466] : memref<16777216xf32, #tpu.memory_space<hbm>> -> memref<16384xf32, #tpu.memory_space<hbm>>
    %dma_wait3A_516 = tpu.memref_slice %arg2[%mul3A_466] : memref<16777216xf32, #tpu.memory_space<hbm>> -> memref<16384xf32, #tpu.memory_space<hbm>>
    tpu.wait_dma2 semaphore(%arg16 : memref<!tpu.dma_semaphore, #tpu.memory_space<semaphore_mem>>) src(%dma_wait3A_516 : memref<16384xf32, #tpu.memory_space<hbm>>) dst(%arg12 : memref<16384xf32, #tpu.memory_space<vmem>>)
    %parallel_loop3A_517 = arith.constant 0 : i32
    %parallel_loop3A_518 = arith.constant 16384 : i32
    %parallel_loop3A_519 = arith.constant 16 : i32
    scf.for %parallel_loop3A_822 = %parallel_loop3A_517 to %parallel_loop3A_518 step %parallel_loop3A_519  : i32 {
      %parallel_loop3A_823 = arith.index_cast %parallel_loop3A_822 : i32 to index
      %parallel_loop3A_824 = tpu.vector_load %arg12[%parallel_loop3A_823] {strides = array<i32>} : memref<16384xf32, #tpu.memory_space<vmem>>, vector<16xf32>,
      %parallel_loop3A_825 = vector.shape_cast %parallel_loop3A_824 : vector<16xf32> to vector<16xf32>
      %parallel_loop3A_826 = arith.index_cast %parallel_loop3A_822 : i32 to index
      %parallel_loop3A_827 = tpu.vector_load %arg8[%parallel_loop3A_826] {strides = array<i32>} : memref<16384xf32, #tpu.memory_space<vmem>>, vector<16xf32>,
      %parallel_loop3A_828 = vector.shape_cast %parallel_loop3A_827 : vector<16xf32> to vector<16xf32>
      %parallel_loop3A_829 = arith.addf %parallel_loop3A_825, %parallel_loop3A_828 : vector<16xf32>
      %parallel_loop3A_830 = arith.index_cast %parallel_loop3A_822 : i32 to index
      %parallel_loop3A_831 = tpu.vector_load %arg12[%parallel_loop3A_830] {strides = array<i32>} : memref<16384xf32, #tpu.memory_space<vmem>>, vector<16xf32>,
      %parallel_loop3A_832 = vector.shape_cast %parallel_loop3A_831 : vector<16xf32> to vector<16xf32>
      %parallel_loop3A_833 = vector.shape_cast %parallel_loop3A_829 : vector<16xf32> to vector<16xf32>
      tpu.vector_store %arg12[%parallel_loop3A_830], %parallel_loop3A_833 {strides = array<i32>} : memref<16384xf32, #tpu.memory_space<vmem>>, vector<16xf32>,
    } {sc.loop_unroll_factor = 8 : i64, sc.parallel_access}
    %add3A_520 = arith.constant 12288 : i32
    %add3A_521 = arith.addi %add3A_520, %mul3A_2 : i32
    %add3A_522 = arith.constant 64 : i32
    %add3A_523 = arith.addi %add3A_521, %add3A_522 : i32
    %mul3A_524 = arith.constant 1024 : i32
    %mul3A_525 = arith.muli %add3A_523, %mul3A_524 : i32
    %dma_start3A_526 = tpu.memref_slice %arg4[%mul3A_525] : memref<16777216xf32, #tpu.memory_space<hbm>> -> memref<16384xf32, #tpu.memory_space<hbm>>
    %dma_start3A_527 = tpu.memref_slice %arg4[%mul3A_525] : memref<16777216xf32, #tpu.memory_space<hbm>> -> memref<16384xf32, #tpu.memory_space<hbm>>
    tpu.enqueue_dma source(%arg12 : memref<16384xf32, #tpu.memory_space<vmem>>) target(%dma_start3A_527 : memref<16384xf32, #tpu.memory_space<hbm>>) target_semaphore(%arg20 : memref<!tpu.dma_semaphore, #tpu.memory_space<semaphore_mem>>)
    %scan3A_528 = arith.constant 2.44140625E-4 : f32
    %scan3A_529 = arith.constant 0 : i32
    %scan3A_530 = arith.constant 0 : i32
    %scan3A_531 = arith.constant 16 : i32
    %scan3A_532 = arith.addi %scan3A_530, %scan3A_531 : i32
    %scan3A_533 = arith.constant 1 : i32
    %scan3A_534 = scf.for %scan3A_822 = %scan3A_530 to %scan3A_532 step %scan3A_533 iter_args(%scan3A_823 = %scan3A_529) -> (i32)  : i32 {
      %add3A_824 = arith.constant 80 : i32
      %add3A_825 = arith.addi %mul3A_2, %add3A_824 : i32
      %add3A_826 = arith.addi %add3A_825, %scan3A_822 : i32
      %sub3A = arith.constant 4080 : i32
      %sub3A_827 = arith.subi %sub3A, %add3A_826 : i32
      %max3A = arith.constant 0 : i32
      %max3A_828 = arith.maxsi %sub3A_827, %max3A : i32
      %convert_element_type3A_829 = arith.sitofp %max3A_828 : i32 to f32
      %mul3A_830 = arith.mulf %convert_element_type3A_829, %scan3A_528 : f32
      %sub3A_831 = arith.constant 15 : i32
      %sub3A_832 = arith.subi %add3A_826, %sub3A_831 : i32
      %max3A_833 = arith.constant 0 : i32
      %max3A_834 = arith.maxsi %sub3A_832, %max3A_833 : i32
      %convert_element_type3A_835 = arith.sitofp %max3A_834 : i32 to f32
      %mul3A_836 = arith.mulf %convert_element_type3A_835, %scan3A_528 : f32
      %mul3A_837 = arith.constant 1024 : i32
      %mul3A_838 = arith.muli %scan3A_822, %mul3A_837 : i32
      %parallel_loop3A_839 = arith.constant 0 : i32
      %parallel_loop3A_840 = arith.constant 1024 : i32
      %parallel_loop3A_841 = arith.constant 16 : i32
      scf.for %parallel_loop3A_843 = %parallel_loop3A_839 to %parallel_loop3A_840 step %parallel_loop3A_841  : i32 {
        %parallel_loop3A_844 = arith.index_cast %parallel_loop3A_843 : i32 to index
        %parallel_loop3A_845 = tpu.vector_load %arg6[%parallel_loop3A_844] {strides = array<i32>} : memref<1024xf32, #tpu.memory_space<vmem>>, vector<16xf32>,
        %parallel_loop3A_846 = vector.shape_cast %parallel_loop3A_845 : vector<16xf32> to vector<16xf32>
        %parallel_loop3A_847 = arith.index_cast %parallel_loop3A_843 : i32 to index
        %parallel_loop3A_848 = tpu.vector_load %arg5[%parallel_loop3A_847] {strides = array<i32>} : memref<2048xf32, #tpu.memory_space<vmem>>, vector<16xf32>,
        %parallel_loop3A_849 = vector.shape_cast %parallel_loop3A_848 : vector<16xf32> to vector<16xf32>
        %parallel_loop3A_850 = vector.broadcast %mul3A_830 : f32 to vector<16xf32>
        %parallel_loop3A_851 = arith.mulf %parallel_loop3A_850, %parallel_loop3A_849 : vector<16xf32>
        %parallel_loop3A_852 = arith.addf %parallel_loop3A_846, %parallel_loop3A_851 : vector<16xf32>
        %parallel_loop3A_853 = arith.constant 1024 : i32
        %parallel_loop3A_854 = arith.addi %parallel_loop3A_853, %parallel_loop3A_843 : i32
        %parallel_loop3A_855 = arith.index_cast %parallel_loop3A_854 : i32 to index
        %parallel_loop3A_856 = tpu.vector_load %arg5[%parallel_loop3A_855] {strides = array<i32>} : memref<2048xf32, #tpu.memory_space<vmem>>, vector<16xf32>,
        %parallel_loop3A_857 = vector.shape_cast %parallel_loop3A_856 : vector<16xf32> to vector<16xf32>
        %parallel_loop3A_858 = vector.broadcast %mul3A_836 : f32 to vector<16xf32>
        %parallel_loop3A_859 = arith.mulf %parallel_loop3A_858, %parallel_loop3A_857 : vector<16xf32>
        %parallel_loop3A_860 = arith.addf %parallel_loop3A_852, %parallel_loop3A_859 : vector<16xf32>
        %parallel_loop3A_861 = arith.addi %mul3A_838, %parallel_loop3A_843 : i32
        %parallel_loop3A_862 = arith.index_cast %parallel_loop3A_861 : i32 to index
        %parallel_loop3A_863 = tpu.vector_load %arg8[%parallel_loop3A_862] {strides = array<i32>} : memref<16384xf32, #tpu.memory_space<vmem>>, vector<16xf32>,
        %parallel_loop3A_864 = vector.shape_cast %parallel_loop3A_863 : vector<16xf32> to vector<16xf32>
        %parallel_loop3A_865 = vector.shape_cast %parallel_loop3A_860 : vector<16xf32> to vector<16xf32>
        tpu.vector_store %arg8[%parallel_loop3A_862], %parallel_loop3A_865 {strides = array<i32>} : memref<16384xf32, #tpu.memory_space<vmem>>, vector<16xf32>,
      } {sc.loop_unroll_factor = 4 : i64, sc.parallel_access}
      %scan3A_842 = arith.constant 0 : i32
      scf.yield %scan3A_842 : i32
    }
    %scan3A_535 = arith.constant 16 : i32
    %dma_wait3A_536 = tpu.memref_slice %arg4[%mul3A_502] : memref<16777216xf32, #tpu.memory_space<hbm>> -> memref<16384xf32, #tpu.memory_space<hbm>>
    %dma_wait3A_537 = tpu.memref_slice %arg4[%mul3A_502] : memref<16777216xf32, #tpu.memory_space<hbm>> -> memref<16384xf32, #tpu.memory_space<hbm>>
    tpu.wait_dma2 semaphore(%arg19 : memref<!tpu.dma_semaphore, #tpu.memory_space<semaphore_mem>>) src(%arg11 : memref<16384xf32, #tpu.memory_space<vmem>>) dst(%dma_wait3A_537 : memref<16384xf32, #tpu.memory_space<hbm>>)
    %add3A_538 = arith.constant 8192 : i32
    %add3A_539 = arith.addi %add3A_538, %mul3A_2 : i32
    %add3A_540 = arith.constant 80 : i32
    %add3A_541 = arith.addi %add3A_539, %add3A_540 : i32
    %mul3A_542 = arith.constant 1024 : i32
    %mul3A_543 = arith.muli %add3A_541, %mul3A_542 : i32
    %dma_start3A_544 = tpu.memref_slice %arg2[%mul3A_543] : memref<16777216xf32, #tpu.memory_space<hbm>> -> memref<16384xf32, #tpu.memory_space<hbm>>
    %dma_start3A_545 = tpu.memref_slice %arg2[%mul3A_543] : memref<16777216xf32, #tpu.memory_space<hbm>> -> memref<16384xf32, #tpu.memory_space<hbm>>
    tpu.enqueue_dma source(%dma_start3A_545 : memref<16384xf32, #tpu.memory_space<hbm>>) target(%arg11 : memref<16384xf32, #tpu.memory_space<vmem>>) target_semaphore(%arg15 : memref<!tpu.dma_semaphore, #tpu.memory_space<semaphore_mem>>)
    %dma_wait3A_546 = tpu.memref_slice %arg2[%mul3A_489] : memref<16777216xf32, #tpu.memory_space<hbm>> -> memref<16384xf32, #tpu.memory_space<hbm>>
    %dma_wait3A_547 = tpu.memref_slice %arg2[%mul3A_489] : memref<16777216xf32, #tpu.memory_space<hbm>> -> memref<16384xf32, #tpu.memory_space<hbm>>
    tpu.wait_dma2 semaphore(%arg13 : memref<!tpu.dma_semaphore, #tpu.memory_space<semaphore_mem>>) src(%dma_wait3A_547 : memref<16384xf32, #tpu.memory_space<hbm>>) dst(%arg9 : memref<16384xf32, #tpu.memory_space<vmem>>)
    %parallel_loop3A_548 = arith.constant 0 : i32
    %parallel_loop3A_549 = arith.constant 16384 : i32
    %parallel_loop3A_550 = arith.constant 16 : i32
    scf.for %parallel_loop3A_822 = %parallel_loop3A_548 to %parallel_loop3A_549 step %parallel_loop3A_550  : i32 {
      %parallel_loop3A_823 = arith.index_cast %parallel_loop3A_822 : i32 to index
      %parallel_loop3A_824 = tpu.vector_load %arg9[%parallel_loop3A_823] {strides = array<i32>} : memref<16384xf32, #tpu.memory_space<vmem>>, vector<16xf32>,
      %parallel_loop3A_825 = vector.shape_cast %parallel_loop3A_824 : vector<16xf32> to vector<16xf32>
      %parallel_loop3A_826 = arith.index_cast %parallel_loop3A_822 : i32 to index
      %parallel_loop3A_827 = tpu.vector_load %arg8[%parallel_loop3A_826] {strides = array<i32>} : memref<16384xf32, #tpu.memory_space<vmem>>, vector<16xf32>,
      %parallel_loop3A_828 = vector.shape_cast %parallel_loop3A_827 : vector<16xf32> to vector<16xf32>
      %parallel_loop3A_829 = arith.addf %parallel_loop3A_825, %parallel_loop3A_828 : vector<16xf32>
      %parallel_loop3A_830 = arith.index_cast %parallel_loop3A_822 : i32 to index
      %parallel_loop3A_831 = tpu.vector_load %arg9[%parallel_loop3A_830] {strides = array<i32>} : memref<16384xf32, #tpu.memory_space<vmem>>, vector<16xf32>,
      %parallel_loop3A_832 = vector.shape_cast %parallel_loop3A_831 : vector<16xf32> to vector<16xf32>
      %parallel_loop3A_833 = vector.shape_cast %parallel_loop3A_829 : vector<16xf32> to vector<16xf32>
      tpu.vector_store %arg9[%parallel_loop3A_830], %parallel_loop3A_833 {strides = array<i32>} : memref<16384xf32, #tpu.memory_space<vmem>>, vector<16xf32>,
    } {sc.loop_unroll_factor = 8 : i64, sc.parallel_access}
    %add3A_551 = arith.constant 0 : i32
    %add3A_552 = arith.addi %add3A_551, %mul3A_2 : i32
    %add3A_553 = arith.constant 80 : i32
    %add3A_554 = arith.addi %add3A_552, %add3A_553 : i32
    %mul3A_555 = arith.constant 1024 : i32
    %mul3A_556 = arith.muli %add3A_554, %mul3A_555 : i32
    %dma_start3A_557 = tpu.memref_slice %arg4[%mul3A_556] : memref<16777216xf32, #tpu.memory_space<hbm>> -> memref<16384xf32, #tpu.memory_space<hbm>>
    %dma_start3A_558 = tpu.memref_slice %arg4[%mul3A_556] : memref<16777216xf32, #tpu.memory_space<hbm>> -> memref<16384xf32, #tpu.memory_space<hbm>>
    tpu.enqueue_dma source(%arg9 : memref<16384xf32, #tpu.memory_space<vmem>>) target(%dma_start3A_558 : memref<16384xf32, #tpu.memory_space<hbm>>) target_semaphore(%arg17 : memref<!tpu.dma_semaphore, #tpu.memory_space<semaphore_mem>>)
    %dma_wait3A_559 = tpu.memref_slice %arg4[%mul3A_525] : memref<16777216xf32, #tpu.memory_space<hbm>> -> memref<16384xf32, #tpu.memory_space<hbm>>
    %dma_wait3A_560 = tpu.memref_slice %arg4[%mul3A_525] : memref<16777216xf32, #tpu.memory_space<hbm>> -> memref<16384xf32, #tpu.memory_space<hbm>>
    tpu.wait_dma2 semaphore(%arg20 : memref<!tpu.dma_semaphore, #tpu.memory_space<semaphore_mem>>) src(%arg12 : memref<16384xf32, #tpu.memory_space<vmem>>) dst(%dma_wait3A_560 : memref<16384xf32, #tpu.memory_space<hbm>>)
    %add3A_561 = arith.constant 12288 : i32
    %add3A_562 = arith.addi %add3A_561, %mul3A_2 : i32
    %add3A_563 = arith.constant 80 : i32
    %add3A_564 = arith.addi %add3A_562, %add3A_563 : i32
    %mul3A_565 = arith.constant 1024 : i32
    %mul3A_566 = arith.muli %add3A_564, %mul3A_565 : i32
    %dma_start3A_567 = tpu.memref_slice %arg2[%mul3A_566] : memref<16777216xf32, #tpu.memory_space<hbm>> -> memref<16384xf32, #tpu.memory_space<hbm>>
    %dma_start3A_568 = tpu.memref_slice %arg2[%mul3A_566] : memref<16777216xf32, #tpu.memory_space<hbm>> -> memref<16384xf32, #tpu.memory_space<hbm>>
    tpu.enqueue_dma source(%dma_start3A_568 : memref<16384xf32, #tpu.memory_space<hbm>>) target(%arg12 : memref<16384xf32, #tpu.memory_space<vmem>>) target_semaphore(%arg16 : memref<!tpu.dma_semaphore, #tpu.memory_space<semaphore_mem>>)
    %dma_wait3A_569 = tpu.memref_slice %arg2[%mul3A_512] : memref<16777216xf32, #tpu.memory_space<hbm>> -> memref<16384xf32, #tpu.memory_space<hbm>>
    %dma_wait3A_570 = tpu.memref_slice %arg2[%mul3A_512] : memref<16777216xf32, #tpu.memory_space<hbm>> -> memref<16384xf32, #tpu.memory_space<hbm>>
    tpu.wait_dma2 semaphore(%arg14 : memref<!tpu.dma_semaphore, #tpu.memory_space<semaphore_mem>>) src(%dma_wait3A_570 : memref<16384xf32, #tpu.memory_space<hbm>>) dst(%arg10 : memref<16384xf32, #tpu.memory_space<vmem>>)
    %parallel_loop3A_571 = arith.constant 0 : i32
    %parallel_loop3A_572 = arith.constant 16384 : i32
    %parallel_loop3A_573 = arith.constant 16 : i32
    scf.for %parallel_loop3A_822 = %parallel_loop3A_571 to %parallel_loop3A_572 step %parallel_loop3A_573  : i32 {
      %parallel_loop3A_823 = arith.index_cast %parallel_loop3A_822 : i32 to index
      %parallel_loop3A_824 = tpu.vector_load %arg10[%parallel_loop3A_823] {strides = array<i32>} : memref<16384xf32, #tpu.memory_space<vmem>>, vector<16xf32>,
      %parallel_loop3A_825 = vector.shape_cast %parallel_loop3A_824 : vector<16xf32> to vector<16xf32>
      %parallel_loop3A_826 = arith.index_cast %parallel_loop3A_822 : i32 to index
      %parallel_loop3A_827 = tpu.vector_load %arg8[%parallel_loop3A_826] {strides = array<i32>} : memref<16384xf32, #tpu.memory_space<vmem>>, vector<16xf32>,
      %parallel_loop3A_828 = vector.shape_cast %parallel_loop3A_827 : vector<16xf32> to vector<16xf32>
      %parallel_loop3A_829 = arith.addf %parallel_loop3A_825, %parallel_loop3A_828 : vector<16xf32>
      %parallel_loop3A_830 = arith.index_cast %parallel_loop3A_822 : i32 to index
      %parallel_loop3A_831 = tpu.vector_load %arg10[%parallel_loop3A_830] {strides = array<i32>} : memref<16384xf32, #tpu.memory_space<vmem>>, vector<16xf32>,
      %parallel_loop3A_832 = vector.shape_cast %parallel_loop3A_831 : vector<16xf32> to vector<16xf32>
      %parallel_loop3A_833 = vector.shape_cast %parallel_loop3A_829 : vector<16xf32> to vector<16xf32>
      tpu.vector_store %arg10[%parallel_loop3A_830], %parallel_loop3A_833 {strides = array<i32>} : memref<16384xf32, #tpu.memory_space<vmem>>, vector<16xf32>,
    } {sc.loop_unroll_factor = 8 : i64, sc.parallel_access}
    %add3A_574 = arith.constant 4096 : i32
    %add3A_575 = arith.addi %add3A_574, %mul3A_2 : i32
    %add3A_576 = arith.constant 80 : i32
    %add3A_577 = arith.addi %add3A_575, %add3A_576 : i32
    %mul3A_578 = arith.constant 1024 : i32
    %mul3A_579 = arith.muli %add3A_577, %mul3A_578 : i32
    %dma_start3A_580 = tpu.memref_slice %arg4[%mul3A_579] : memref<16777216xf32, #tpu.memory_space<hbm>> -> memref<16384xf32, #tpu.memory_space<hbm>>
    %dma_start3A_581 = tpu.memref_slice %arg4[%mul3A_579] : memref<16777216xf32, #tpu.memory_space<hbm>> -> memref<16384xf32, #tpu.memory_space<hbm>>
    tpu.enqueue_dma source(%arg10 : memref<16384xf32, #tpu.memory_space<vmem>>) target(%dma_start3A_581 : memref<16384xf32, #tpu.memory_space<hbm>>) target_semaphore(%arg18 : memref<!tpu.dma_semaphore, #tpu.memory_space<semaphore_mem>>)
    %dma_wait3A_582 = tpu.memref_slice %arg4[%mul3A_556] : memref<16777216xf32, #tpu.memory_space<hbm>> -> memref<16384xf32, #tpu.memory_space<hbm>>
    %dma_wait3A_583 = tpu.memref_slice %arg4[%mul3A_556] : memref<16777216xf32, #tpu.memory_space<hbm>> -> memref<16384xf32, #tpu.memory_space<hbm>>
    tpu.wait_dma2 semaphore(%arg17 : memref<!tpu.dma_semaphore, #tpu.memory_space<semaphore_mem>>) src(%arg9 : memref<16384xf32, #tpu.memory_space<vmem>>) dst(%dma_wait3A_583 : memref<16384xf32, #tpu.memory_space<hbm>>)
    %add3A_584 = arith.constant 0 : i32
    %add3A_585 = arith.addi %add3A_584, %mul3A_2 : i32
    %add3A_586 = arith.constant 96 : i32
    %add3A_587 = arith.addi %add3A_585, %add3A_586 : i32
    %mul3A_588 = arith.constant 1024 : i32
    %mul3A_589 = arith.muli %add3A_587, %mul3A_588 : i32
    %dma_start3A_590 = tpu.memref_slice %arg2[%mul3A_589] : memref<16777216xf32, #tpu.memory_space<hbm>> -> memref<16384xf32, #tpu.memory_space<hbm>>
    %dma_start3A_591 = tpu.memref_slice %arg2[%mul3A_589] : memref<16777216xf32, #tpu.memory_space<hbm>> -> memref<16384xf32, #tpu.memory_space<hbm>>
    tpu.enqueue_dma source(%dma_start3A_591 : memref<16384xf32, #tpu.memory_space<hbm>>) target(%arg9 : memref<16384xf32, #tpu.memory_space<vmem>>) target_semaphore(%arg13 : memref<!tpu.dma_semaphore, #tpu.memory_space<semaphore_mem>>)
    %dma_wait3A_592 = tpu.memref_slice %arg2[%mul3A_543] : memref<16777216xf32, #tpu.memory_space<hbm>> -> memref<16384xf32, #tpu.memory_space<hbm>>
    %dma_wait3A_593 = tpu.memref_slice %arg2[%mul3A_543] : memref<16777216xf32, #tpu.memory_space<hbm>> -> memref<16384xf32, #tpu.memory_space<hbm>>
    tpu.wait_dma2 semaphore(%arg15 : memref<!tpu.dma_semaphore, #tpu.memory_space<semaphore_mem>>) src(%dma_wait3A_593 : memref<16384xf32, #tpu.memory_space<hbm>>) dst(%arg11 : memref<16384xf32, #tpu.memory_space<vmem>>)
    %parallel_loop3A_594 = arith.constant 0 : i32
    %parallel_loop3A_595 = arith.constant 16384 : i32
    %parallel_loop3A_596 = arith.constant 16 : i32
    scf.for %parallel_loop3A_822 = %parallel_loop3A_594 to %parallel_loop3A_595 step %parallel_loop3A_596  : i32 {
      %parallel_loop3A_823 = arith.index_cast %parallel_loop3A_822 : i32 to index
      %parallel_loop3A_824 = tpu.vector_load %arg11[%parallel_loop3A_823] {strides = array<i32>} : memref<16384xf32, #tpu.memory_space<vmem>>, vector<16xf32>,
      %parallel_loop3A_825 = vector.shape_cast %parallel_loop3A_824 : vector<16xf32> to vector<16xf32>
      %parallel_loop3A_826 = arith.index_cast %parallel_loop3A_822 : i32 to index
      %parallel_loop3A_827 = tpu.vector_load %arg8[%parallel_loop3A_826] {strides = array<i32>} : memref<16384xf32, #tpu.memory_space<vmem>>, vector<16xf32>,
      %parallel_loop3A_828 = vector.shape_cast %parallel_loop3A_827 : vector<16xf32> to vector<16xf32>
      %parallel_loop3A_829 = arith.addf %parallel_loop3A_825, %parallel_loop3A_828 : vector<16xf32>
      %parallel_loop3A_830 = arith.index_cast %parallel_loop3A_822 : i32 to index
      %parallel_loop3A_831 = tpu.vector_load %arg11[%parallel_loop3A_830] {strides = array<i32>} : memref<16384xf32, #tpu.memory_space<vmem>>, vector<16xf32>,
      %parallel_loop3A_832 = vector.shape_cast %parallel_loop3A_831 : vector<16xf32> to vector<16xf32>
      %parallel_loop3A_833 = vector.shape_cast %parallel_loop3A_829 : vector<16xf32> to vector<16xf32>
      tpu.vector_store %arg11[%parallel_loop3A_830], %parallel_loop3A_833 {strides = array<i32>} : memref<16384xf32, #tpu.memory_space<vmem>>, vector<16xf32>,
    } {sc.loop_unroll_factor = 8 : i64, sc.parallel_access}
    %add3A_597 = arith.constant 8192 : i32
    %add3A_598 = arith.addi %add3A_597, %mul3A_2 : i32
    %add3A_599 = arith.constant 80 : i32
    %add3A_600 = arith.addi %add3A_598, %add3A_599 : i32
    %mul3A_601 = arith.constant 1024 : i32
    %mul3A_602 = arith.muli %add3A_600, %mul3A_601 : i32
    %dma_start3A_603 = tpu.memref_slice %arg4[%mul3A_602] : memref<16777216xf32, #tpu.memory_space<hbm>> -> memref<16384xf32, #tpu.memory_space<hbm>>
    %dma_start3A_604 = tpu.memref_slice %arg4[%mul3A_602] : memref<16777216xf32, #tpu.memory_space<hbm>> -> memref<16384xf32, #tpu.memory_space<hbm>>
    tpu.enqueue_dma source(%arg11 : memref<16384xf32, #tpu.memory_space<vmem>>) target(%dma_start3A_604 : memref<16384xf32, #tpu.memory_space<hbm>>) target_semaphore(%arg19 : memref<!tpu.dma_semaphore, #tpu.memory_space<semaphore_mem>>)
    %dma_wait3A_605 = tpu.memref_slice %arg4[%mul3A_579] : memref<16777216xf32, #tpu.memory_space<hbm>> -> memref<16384xf32, #tpu.memory_space<hbm>>
    %dma_wait3A_606 = tpu.memref_slice %arg4[%mul3A_579] : memref<16777216xf32, #tpu.memory_space<hbm>> -> memref<16384xf32, #tpu.memory_space<hbm>>
    tpu.wait_dma2 semaphore(%arg18 : memref<!tpu.dma_semaphore, #tpu.memory_space<semaphore_mem>>) src(%arg10 : memref<16384xf32, #tpu.memory_space<vmem>>) dst(%dma_wait3A_606 : memref<16384xf32, #tpu.memory_space<hbm>>)
    %add3A_607 = arith.constant 4096 : i32
    %add3A_608 = arith.addi %add3A_607, %mul3A_2 : i32
    %add3A_609 = arith.constant 96 : i32
    %add3A_610 = arith.addi %add3A_608, %add3A_609 : i32
    %mul3A_611 = arith.constant 1024 : i32
    %mul3A_612 = arith.muli %add3A_610, %mul3A_611 : i32
    %dma_start3A_613 = tpu.memref_slice %arg2[%mul3A_612] : memref<16777216xf32, #tpu.memory_space<hbm>> -> memref<16384xf32, #tpu.memory_space<hbm>>
    %dma_start3A_614 = tpu.memref_slice %arg2[%mul3A_612] : memref<16777216xf32, #tpu.memory_space<hbm>> -> memref<16384xf32, #tpu.memory_space<hbm>>
    tpu.enqueue_dma source(%dma_start3A_614 : memref<16384xf32, #tpu.memory_space<hbm>>) target(%arg10 : memref<16384xf32, #tpu.memory_space<vmem>>) target_semaphore(%arg14 : memref<!tpu.dma_semaphore, #tpu.memory_space<semaphore_mem>>)
    %dma_wait3A_615 = tpu.memref_slice %arg2[%mul3A_566] : memref<16777216xf32, #tpu.memory_space<hbm>> -> memref<16384xf32, #tpu.memory_space<hbm>>
    %dma_wait3A_616 = tpu.memref_slice %arg2[%mul3A_566] : memref<16777216xf32, #tpu.memory_space<hbm>> -> memref<16384xf32, #tpu.memory_space<hbm>>
    tpu.wait_dma2 semaphore(%arg16 : memref<!tpu.dma_semaphore, #tpu.memory_space<semaphore_mem>>) src(%dma_wait3A_616 : memref<16384xf32, #tpu.memory_space<hbm>>) dst(%arg12 : memref<16384xf32, #tpu.memory_space<vmem>>)
    %parallel_loop3A_617 = arith.constant 0 : i32
    %parallel_loop3A_618 = arith.constant 16384 : i32
    %parallel_loop3A_619 = arith.constant 16 : i32
    scf.for %parallel_loop3A_822 = %parallel_loop3A_617 to %parallel_loop3A_618 step %parallel_loop3A_619  : i32 {
      %parallel_loop3A_823 = arith.index_cast %parallel_loop3A_822 : i32 to index
      %parallel_loop3A_824 = tpu.vector_load %arg12[%parallel_loop3A_823] {strides = array<i32>} : memref<16384xf32, #tpu.memory_space<vmem>>, vector<16xf32>,
      %parallel_loop3A_825 = vector.shape_cast %parallel_loop3A_824 : vector<16xf32> to vector<16xf32>
      %parallel_loop3A_826 = arith.index_cast %parallel_loop3A_822 : i32 to index
      %parallel_loop3A_827 = tpu.vector_load %arg8[%parallel_loop3A_826] {strides = array<i32>} : memref<16384xf32, #tpu.memory_space<vmem>>, vector<16xf32>,
      %parallel_loop3A_828 = vector.shape_cast %parallel_loop3A_827 : vector<16xf32> to vector<16xf32>
      %parallel_loop3A_829 = arith.addf %parallel_loop3A_825, %parallel_loop3A_828 : vector<16xf32>
      %parallel_loop3A_830 = arith.index_cast %parallel_loop3A_822 : i32 to index
      %parallel_loop3A_831 = tpu.vector_load %arg12[%parallel_loop3A_830] {strides = array<i32>} : memref<16384xf32, #tpu.memory_space<vmem>>, vector<16xf32>,
      %parallel_loop3A_832 = vector.shape_cast %parallel_loop3A_831 : vector<16xf32> to vector<16xf32>
      %parallel_loop3A_833 = vector.shape_cast %parallel_loop3A_829 : vector<16xf32> to vector<16xf32>
      tpu.vector_store %arg12[%parallel_loop3A_830], %parallel_loop3A_833 {strides = array<i32>} : memref<16384xf32, #tpu.memory_space<vmem>>, vector<16xf32>,
    } {sc.loop_unroll_factor = 8 : i64, sc.parallel_access}
    %add3A_620 = arith.constant 12288 : i32
    %add3A_621 = arith.addi %add3A_620, %mul3A_2 : i32
    %add3A_622 = arith.constant 80 : i32
    %add3A_623 = arith.addi %add3A_621, %add3A_622 : i32
    %mul3A_624 = arith.constant 1024 : i32
    %mul3A_625 = arith.muli %add3A_623, %mul3A_624 : i32
    %dma_start3A_626 = tpu.memref_slice %arg4[%mul3A_625] : memref<16777216xf32, #tpu.memory_space<hbm>> -> memref<16384xf32, #tpu.memory_space<hbm>>
    %dma_start3A_627 = tpu.memref_slice %arg4[%mul3A_625] : memref<16777216xf32, #tpu.memory_space<hbm>> -> memref<16384xf32, #tpu.memory_space<hbm>>
    tpu.enqueue_dma source(%arg12 : memref<16384xf32, #tpu.memory_space<vmem>>) target(%dma_start3A_627 : memref<16384xf32, #tpu.memory_space<hbm>>) target_semaphore(%arg20 : memref<!tpu.dma_semaphore, #tpu.memory_space<semaphore_mem>>)
    %scan3A_628 = arith.constant 2.44140625E-4 : f32
    %scan3A_629 = arith.constant 0 : i32
    %scan3A_630 = arith.constant 0 : i32
    %scan3A_631 = arith.constant 16 : i32
    %scan3A_632 = arith.addi %scan3A_630, %scan3A_631 : i32
    %scan3A_633 = arith.constant 1 : i32
    %scan3A_634 = scf.for %scan3A_822 = %scan3A_630 to %scan3A_632 step %scan3A_633 iter_args(%scan3A_823 = %scan3A_629) -> (i32)  : i32 {
      %add3A_824 = arith.constant 96 : i32
      %add3A_825 = arith.addi %mul3A_2, %add3A_824 : i32
      %add3A_826 = arith.addi %add3A_825, %scan3A_822 : i32
      %sub3A = arith.constant 4080 : i32
      %sub3A_827 = arith.subi %sub3A, %add3A_826 : i32
      %max3A = arith.constant 0 : i32
      %max3A_828 = arith.maxsi %sub3A_827, %max3A : i32
      %convert_element_type3A_829 = arith.sitofp %max3A_828 : i32 to f32
      %mul3A_830 = arith.mulf %convert_element_type3A_829, %scan3A_628 : f32
      %sub3A_831 = arith.constant 15 : i32
      %sub3A_832 = arith.subi %add3A_826, %sub3A_831 : i32
      %max3A_833 = arith.constant 0 : i32
      %max3A_834 = arith.maxsi %sub3A_832, %max3A_833 : i32
      %convert_element_type3A_835 = arith.sitofp %max3A_834 : i32 to f32
      %mul3A_836 = arith.mulf %convert_element_type3A_835, %scan3A_628 : f32
      %mul3A_837 = arith.constant 1024 : i32
      %mul3A_838 = arith.muli %scan3A_822, %mul3A_837 : i32
      %parallel_loop3A_839 = arith.constant 0 : i32
      %parallel_loop3A_840 = arith.constant 1024 : i32
      %parallel_loop3A_841 = arith.constant 16 : i32
      scf.for %parallel_loop3A_843 = %parallel_loop3A_839 to %parallel_loop3A_840 step %parallel_loop3A_841  : i32 {
        %parallel_loop3A_844 = arith.index_cast %parallel_loop3A_843 : i32 to index
        %parallel_loop3A_845 = tpu.vector_load %arg6[%parallel_loop3A_844] {strides = array<i32>} : memref<1024xf32, #tpu.memory_space<vmem>>, vector<16xf32>,
        %parallel_loop3A_846 = vector.shape_cast %parallel_loop3A_845 : vector<16xf32> to vector<16xf32>
        %parallel_loop3A_847 = arith.index_cast %parallel_loop3A_843 : i32 to index
        %parallel_loop3A_848 = tpu.vector_load %arg5[%parallel_loop3A_847] {strides = array<i32>} : memref<2048xf32, #tpu.memory_space<vmem>>, vector<16xf32>,
        %parallel_loop3A_849 = vector.shape_cast %parallel_loop3A_848 : vector<16xf32> to vector<16xf32>
        %parallel_loop3A_850 = vector.broadcast %mul3A_830 : f32 to vector<16xf32>
        %parallel_loop3A_851 = arith.mulf %parallel_loop3A_850, %parallel_loop3A_849 : vector<16xf32>
        %parallel_loop3A_852 = arith.addf %parallel_loop3A_846, %parallel_loop3A_851 : vector<16xf32>
        %parallel_loop3A_853 = arith.constant 1024 : i32
        %parallel_loop3A_854 = arith.addi %parallel_loop3A_853, %parallel_loop3A_843 : i32
        %parallel_loop3A_855 = arith.index_cast %parallel_loop3A_854 : i32 to index
        %parallel_loop3A_856 = tpu.vector_load %arg5[%parallel_loop3A_855] {strides = array<i32>} : memref<2048xf32, #tpu.memory_space<vmem>>, vector<16xf32>,
        %parallel_loop3A_857 = vector.shape_cast %parallel_loop3A_856 : vector<16xf32> to vector<16xf32>
        %parallel_loop3A_858 = vector.broadcast %mul3A_836 : f32 to vector<16xf32>
        %parallel_loop3A_859 = arith.mulf %parallel_loop3A_858, %parallel_loop3A_857 : vector<16xf32>
        %parallel_loop3A_860 = arith.addf %parallel_loop3A_852, %parallel_loop3A_859 : vector<16xf32>
        %parallel_loop3A_861 = arith.addi %mul3A_838, %parallel_loop3A_843 : i32
        %parallel_loop3A_862 = arith.index_cast %parallel_loop3A_861 : i32 to index
        %parallel_loop3A_863 = tpu.vector_load %arg8[%parallel_loop3A_862] {strides = array<i32>} : memref<16384xf32, #tpu.memory_space<vmem>>, vector<16xf32>,
        %parallel_loop3A_864 = vector.shape_cast %parallel_loop3A_863 : vector<16xf32> to vector<16xf32>
        %parallel_loop3A_865 = vector.shape_cast %parallel_loop3A_860 : vector<16xf32> to vector<16xf32>
        tpu.vector_store %arg8[%parallel_loop3A_862], %parallel_loop3A_865 {strides = array<i32>} : memref<16384xf32, #tpu.memory_space<vmem>>, vector<16xf32>,
      } {sc.loop_unroll_factor = 4 : i64, sc.parallel_access}
      %scan3A_842 = arith.constant 0 : i32
      scf.yield %scan3A_842 : i32
    }
    %scan3A_635 = arith.constant 16 : i32
    %dma_wait3A_636 = tpu.memref_slice %arg4[%mul3A_602] : memref<16777216xf32, #tpu.memory_space<hbm>> -> memref<16384xf32, #tpu.memory_space<hbm>>
    %dma_wait3A_637 = tpu.memref_slice %arg4[%mul3A_602] : memref<16777216xf32, #tpu.memory_space<hbm>> -> memref<16384xf32, #tpu.memory_space<hbm>>
    tpu.wait_dma2 semaphore(%arg19 : memref<!tpu.dma_semaphore, #tpu.memory_space<semaphore_mem>>) src(%arg11 : memref<16384xf32, #tpu.memory_space<vmem>>) dst(%dma_wait3A_637 : memref<16384xf32, #tpu.memory_space<hbm>>)
    %add3A_638 = arith.constant 8192 : i32
    %add3A_639 = arith.addi %add3A_638, %mul3A_2 : i32
    %add3A_640 = arith.constant 96 : i32
    %add3A_641 = arith.addi %add3A_639, %add3A_640 : i32
    %mul3A_642 = arith.constant 1024 : i32
    %mul3A_643 = arith.muli %add3A_641, %mul3A_642 : i32
    %dma_start3A_644 = tpu.memref_slice %arg2[%mul3A_643] : memref<16777216xf32, #tpu.memory_space<hbm>> -> memref<16384xf32, #tpu.memory_space<hbm>>
    %dma_start3A_645 = tpu.memref_slice %arg2[%mul3A_643] : memref<16777216xf32, #tpu.memory_space<hbm>> -> memref<16384xf32, #tpu.memory_space<hbm>>
    tpu.enqueue_dma source(%dma_start3A_645 : memref<16384xf32, #tpu.memory_space<hbm>>) target(%arg11 : memref<16384xf32, #tpu.memory_space<vmem>>) target_semaphore(%arg15 : memref<!tpu.dma_semaphore, #tpu.memory_space<semaphore_mem>>)
    %dma_wait3A_646 = tpu.memref_slice %arg2[%mul3A_589] : memref<16777216xf32, #tpu.memory_space<hbm>> -> memref<16384xf32, #tpu.memory_space<hbm>>
    %dma_wait3A_647 = tpu.memref_slice %arg2[%mul3A_589] : memref<16777216xf32, #tpu.memory_space<hbm>> -> memref<16384xf32, #tpu.memory_space<hbm>>
    tpu.wait_dma2 semaphore(%arg13 : memref<!tpu.dma_semaphore, #tpu.memory_space<semaphore_mem>>) src(%dma_wait3A_647 : memref<16384xf32, #tpu.memory_space<hbm>>) dst(%arg9 : memref<16384xf32, #tpu.memory_space<vmem>>)
    %parallel_loop3A_648 = arith.constant 0 : i32
    %parallel_loop3A_649 = arith.constant 16384 : i32
    %parallel_loop3A_650 = arith.constant 16 : i32
    scf.for %parallel_loop3A_822 = %parallel_loop3A_648 to %parallel_loop3A_649 step %parallel_loop3A_650  : i32 {
      %parallel_loop3A_823 = arith.index_cast %parallel_loop3A_822 : i32 to index
      %parallel_loop3A_824 = tpu.vector_load %arg9[%parallel_loop3A_823] {strides = array<i32>} : memref<16384xf32, #tpu.memory_space<vmem>>, vector<16xf32>,
      %parallel_loop3A_825 = vector.shape_cast %parallel_loop3A_824 : vector<16xf32> to vector<16xf32>
      %parallel_loop3A_826 = arith.index_cast %parallel_loop3A_822 : i32 to index
      %parallel_loop3A_827 = tpu.vector_load %arg8[%parallel_loop3A_826] {strides = array<i32>} : memref<16384xf32, #tpu.memory_space<vmem>>, vector<16xf32>,
      %parallel_loop3A_828 = vector.shape_cast %parallel_loop3A_827 : vector<16xf32> to vector<16xf32>
      %parallel_loop3A_829 = arith.addf %parallel_loop3A_825, %parallel_loop3A_828 : vector<16xf32>
      %parallel_loop3A_830 = arith.index_cast %parallel_loop3A_822 : i32 to index
      %parallel_loop3A_831 = tpu.vector_load %arg9[%parallel_loop3A_830] {strides = array<i32>} : memref<16384xf32, #tpu.memory_space<vmem>>, vector<16xf32>,
      %parallel_loop3A_832 = vector.shape_cast %parallel_loop3A_831 : vector<16xf32> to vector<16xf32>
      %parallel_loop3A_833 = vector.shape_cast %parallel_loop3A_829 : vector<16xf32> to vector<16xf32>
      tpu.vector_store %arg9[%parallel_loop3A_830], %parallel_loop3A_833 {strides = array<i32>} : memref<16384xf32, #tpu.memory_space<vmem>>, vector<16xf32>,
    } {sc.loop_unroll_factor = 8 : i64, sc.parallel_access}
    %add3A_651 = arith.constant 0 : i32
    %add3A_652 = arith.addi %add3A_651, %mul3A_2 : i32
    %add3A_653 = arith.constant 96 : i32
    %add3A_654 = arith.addi %add3A_652, %add3A_653 : i32
    %mul3A_655 = arith.constant 1024 : i32
    %mul3A_656 = arith.muli %add3A_654, %mul3A_655 : i32
    %dma_start3A_657 = tpu.memref_slice %arg4[%mul3A_656] : memref<16777216xf32, #tpu.memory_space<hbm>> -> memref<16384xf32, #tpu.memory_space<hbm>>
    %dma_start3A_658 = tpu.memref_slice %arg4[%mul3A_656] : memref<16777216xf32, #tpu.memory_space<hbm>> -> memref<16384xf32, #tpu.memory_space<hbm>>
    tpu.enqueue_dma source(%arg9 : memref<16384xf32, #tpu.memory_space<vmem>>) target(%dma_start3A_658 : memref<16384xf32, #tpu.memory_space<hbm>>) target_semaphore(%arg17 : memref<!tpu.dma_semaphore, #tpu.memory_space<semaphore_mem>>)
    %dma_wait3A_659 = tpu.memref_slice %arg4[%mul3A_625] : memref<16777216xf32, #tpu.memory_space<hbm>> -> memref<16384xf32, #tpu.memory_space<hbm>>
    %dma_wait3A_660 = tpu.memref_slice %arg4[%mul3A_625] : memref<16777216xf32, #tpu.memory_space<hbm>> -> memref<16384xf32, #tpu.memory_space<hbm>>
    tpu.wait_dma2 semaphore(%arg20 : memref<!tpu.dma_semaphore, #tpu.memory_space<semaphore_mem>>) src(%arg12 : memref<16384xf32, #tpu.memory_space<vmem>>) dst(%dma_wait3A_660 : memref<16384xf32, #tpu.memory_space<hbm>>)
    %add3A_661 = arith.constant 12288 : i32
    %add3A_662 = arith.addi %add3A_661, %mul3A_2 : i32
    %add3A_663 = arith.constant 96 : i32
    %add3A_664 = arith.addi %add3A_662, %add3A_663 : i32
    %mul3A_665 = arith.constant 1024 : i32
    %mul3A_666 = arith.muli %add3A_664, %mul3A_665 : i32
    %dma_start3A_667 = tpu.memref_slice %arg2[%mul3A_666] : memref<16777216xf32, #tpu.memory_space<hbm>> -> memref<16384xf32, #tpu.memory_space<hbm>>
    %dma_start3A_668 = tpu.memref_slice %arg2[%mul3A_666] : memref<16777216xf32, #tpu.memory_space<hbm>> -> memref<16384xf32, #tpu.memory_space<hbm>>
    tpu.enqueue_dma source(%dma_start3A_668 : memref<16384xf32, #tpu.memory_space<hbm>>) target(%arg12 : memref<16384xf32, #tpu.memory_space<vmem>>) target_semaphore(%arg16 : memref<!tpu.dma_semaphore, #tpu.memory_space<semaphore_mem>>)
    %dma_wait3A_669 = tpu.memref_slice %arg2[%mul3A_612] : memref<16777216xf32, #tpu.memory_space<hbm>> -> memref<16384xf32, #tpu.memory_space<hbm>>
    %dma_wait3A_670 = tpu.memref_slice %arg2[%mul3A_612] : memref<16777216xf32, #tpu.memory_space<hbm>> -> memref<16384xf32, #tpu.memory_space<hbm>>
    tpu.wait_dma2 semaphore(%arg14 : memref<!tpu.dma_semaphore, #tpu.memory_space<semaphore_mem>>) src(%dma_wait3A_670 : memref<16384xf32, #tpu.memory_space<hbm>>) dst(%arg10 : memref<16384xf32, #tpu.memory_space<vmem>>)
    %parallel_loop3A_671 = arith.constant 0 : i32
    %parallel_loop3A_672 = arith.constant 16384 : i32
    %parallel_loop3A_673 = arith.constant 16 : i32
    scf.for %parallel_loop3A_822 = %parallel_loop3A_671 to %parallel_loop3A_672 step %parallel_loop3A_673  : i32 {
      %parallel_loop3A_823 = arith.index_cast %parallel_loop3A_822 : i32 to index
      %parallel_loop3A_824 = tpu.vector_load %arg10[%parallel_loop3A_823] {strides = array<i32>} : memref<16384xf32, #tpu.memory_space<vmem>>, vector<16xf32>,
      %parallel_loop3A_825 = vector.shape_cast %parallel_loop3A_824 : vector<16xf32> to vector<16xf32>
      %parallel_loop3A_826 = arith.index_cast %parallel_loop3A_822 : i32 to index
      %parallel_loop3A_827 = tpu.vector_load %arg8[%parallel_loop3A_826] {strides = array<i32>} : memref<16384xf32, #tpu.memory_space<vmem>>, vector<16xf32>,
      %parallel_loop3A_828 = vector.shape_cast %parallel_loop3A_827 : vector<16xf32> to vector<16xf32>
      %parallel_loop3A_829 = arith.addf %parallel_loop3A_825, %parallel_loop3A_828 : vector<16xf32>
      %parallel_loop3A_830 = arith.index_cast %parallel_loop3A_822 : i32 to index
      %parallel_loop3A_831 = tpu.vector_load %arg10[%parallel_loop3A_830] {strides = array<i32>} : memref<16384xf32, #tpu.memory_space<vmem>>, vector<16xf32>,
      %parallel_loop3A_832 = vector.shape_cast %parallel_loop3A_831 : vector<16xf32> to vector<16xf32>
      %parallel_loop3A_833 = vector.shape_cast %parallel_loop3A_829 : vector<16xf32> to vector<16xf32>
      tpu.vector_store %arg10[%parallel_loop3A_830], %parallel_loop3A_833 {strides = array<i32>} : memref<16384xf32, #tpu.memory_space<vmem>>, vector<16xf32>,
    } {sc.loop_unroll_factor = 8 : i64, sc.parallel_access}
    %add3A_674 = arith.constant 4096 : i32
    %add3A_675 = arith.addi %add3A_674, %mul3A_2 : i32
    %add3A_676 = arith.constant 96 : i32
    %add3A_677 = arith.addi %add3A_675, %add3A_676 : i32
    %mul3A_678 = arith.constant 1024 : i32
    %mul3A_679 = arith.muli %add3A_677, %mul3A_678 : i32
    %dma_start3A_680 = tpu.memref_slice %arg4[%mul3A_679] : memref<16777216xf32, #tpu.memory_space<hbm>> -> memref<16384xf32, #tpu.memory_space<hbm>>
    %dma_start3A_681 = tpu.memref_slice %arg4[%mul3A_679] : memref<16777216xf32, #tpu.memory_space<hbm>> -> memref<16384xf32, #tpu.memory_space<hbm>>
    tpu.enqueue_dma source(%arg10 : memref<16384xf32, #tpu.memory_space<vmem>>) target(%dma_start3A_681 : memref<16384xf32, #tpu.memory_space<hbm>>) target_semaphore(%arg18 : memref<!tpu.dma_semaphore, #tpu.memory_space<semaphore_mem>>)
    %dma_wait3A_682 = tpu.memref_slice %arg4[%mul3A_656] : memref<16777216xf32, #tpu.memory_space<hbm>> -> memref<16384xf32, #tpu.memory_space<hbm>>
    %dma_wait3A_683 = tpu.memref_slice %arg4[%mul3A_656] : memref<16777216xf32, #tpu.memory_space<hbm>> -> memref<16384xf32, #tpu.memory_space<hbm>>
    tpu.wait_dma2 semaphore(%arg17 : memref<!tpu.dma_semaphore, #tpu.memory_space<semaphore_mem>>) src(%arg9 : memref<16384xf32, #tpu.memory_space<vmem>>) dst(%dma_wait3A_683 : memref<16384xf32, #tpu.memory_space<hbm>>)
    %add3A_684 = arith.constant 0 : i32
    %add3A_685 = arith.addi %add3A_684, %mul3A_2 : i32
    %add3A_686 = arith.constant 112 : i32
    %add3A_687 = arith.addi %add3A_685, %add3A_686 : i32
    %mul3A_688 = arith.constant 1024 : i32
    %mul3A_689 = arith.muli %add3A_687, %mul3A_688 : i32
    %dma_start3A_690 = tpu.memref_slice %arg2[%mul3A_689] : memref<16777216xf32, #tpu.memory_space<hbm>> -> memref<16384xf32, #tpu.memory_space<hbm>>
    %dma_start3A_691 = tpu.memref_slice %arg2[%mul3A_689] : memref<16777216xf32, #tpu.memory_space<hbm>> -> memref<16384xf32, #tpu.memory_space<hbm>>
    tpu.enqueue_dma source(%dma_start3A_691 : memref<16384xf32, #tpu.memory_space<hbm>>) target(%arg9 : memref<16384xf32, #tpu.memory_space<vmem>>) target_semaphore(%arg13 : memref<!tpu.dma_semaphore, #tpu.memory_space<semaphore_mem>>)
    %dma_wait3A_692 = tpu.memref_slice %arg2[%mul3A_643] : memref<16777216xf32, #tpu.memory_space<hbm>> -> memref<16384xf32, #tpu.memory_space<hbm>>
    %dma_wait3A_693 = tpu.memref_slice %arg2[%mul3A_643] : memref<16777216xf32, #tpu.memory_space<hbm>> -> memref<16384xf32, #tpu.memory_space<hbm>>
    tpu.wait_dma2 semaphore(%arg15 : memref<!tpu.dma_semaphore, #tpu.memory_space<semaphore_mem>>) src(%dma_wait3A_693 : memref<16384xf32, #tpu.memory_space<hbm>>) dst(%arg11 : memref<16384xf32, #tpu.memory_space<vmem>>)
    %parallel_loop3A_694 = arith.constant 0 : i32
    %parallel_loop3A_695 = arith.constant 16384 : i32
    %parallel_loop3A_696 = arith.constant 16 : i32
    scf.for %parallel_loop3A_822 = %parallel_loop3A_694 to %parallel_loop3A_695 step %parallel_loop3A_696  : i32 {
      %parallel_loop3A_823 = arith.index_cast %parallel_loop3A_822 : i32 to index
      %parallel_loop3A_824 = tpu.vector_load %arg11[%parallel_loop3A_823] {strides = array<i32>} : memref<16384xf32, #tpu.memory_space<vmem>>, vector<16xf32>,
      %parallel_loop3A_825 = vector.shape_cast %parallel_loop3A_824 : vector<16xf32> to vector<16xf32>
      %parallel_loop3A_826 = arith.index_cast %parallel_loop3A_822 : i32 to index
      %parallel_loop3A_827 = tpu.vector_load %arg8[%parallel_loop3A_826] {strides = array<i32>} : memref<16384xf32, #tpu.memory_space<vmem>>, vector<16xf32>,
      %parallel_loop3A_828 = vector.shape_cast %parallel_loop3A_827 : vector<16xf32> to vector<16xf32>
      %parallel_loop3A_829 = arith.addf %parallel_loop3A_825, %parallel_loop3A_828 : vector<16xf32>
      %parallel_loop3A_830 = arith.index_cast %parallel_loop3A_822 : i32 to index
      %parallel_loop3A_831 = tpu.vector_load %arg11[%parallel_loop3A_830] {strides = array<i32>} : memref<16384xf32, #tpu.memory_space<vmem>>, vector<16xf32>,
      %parallel_loop3A_832 = vector.shape_cast %parallel_loop3A_831 : vector<16xf32> to vector<16xf32>
      %parallel_loop3A_833 = vector.shape_cast %parallel_loop3A_829 : vector<16xf32> to vector<16xf32>
      tpu.vector_store %arg11[%parallel_loop3A_830], %parallel_loop3A_833 {strides = array<i32>} : memref<16384xf32, #tpu.memory_space<vmem>>, vector<16xf32>,
    } {sc.loop_unroll_factor = 8 : i64, sc.parallel_access}
    %add3A_697 = arith.constant 8192 : i32
    %add3A_698 = arith.addi %add3A_697, %mul3A_2 : i32
    %add3A_699 = arith.constant 96 : i32
    %add3A_700 = arith.addi %add3A_698, %add3A_699 : i32
    %mul3A_701 = arith.constant 1024 : i32
    %mul3A_702 = arith.muli %add3A_700, %mul3A_701 : i32
    %dma_start3A_703 = tpu.memref_slice %arg4[%mul3A_702] : memref<16777216xf32, #tpu.memory_space<hbm>> -> memref<16384xf32, #tpu.memory_space<hbm>>
    %dma_start3A_704 = tpu.memref_slice %arg4[%mul3A_702] : memref<16777216xf32, #tpu.memory_space<hbm>> -> memref<16384xf32, #tpu.memory_space<hbm>>
    tpu.enqueue_dma source(%arg11 : memref<16384xf32, #tpu.memory_space<vmem>>) target(%dma_start3A_704 : memref<16384xf32, #tpu.memory_space<hbm>>) target_semaphore(%arg19 : memref<!tpu.dma_semaphore, #tpu.memory_space<semaphore_mem>>)
    %dma_wait3A_705 = tpu.memref_slice %arg4[%mul3A_679] : memref<16777216xf32, #tpu.memory_space<hbm>> -> memref<16384xf32, #tpu.memory_space<hbm>>
    %dma_wait3A_706 = tpu.memref_slice %arg4[%mul3A_679] : memref<16777216xf32, #tpu.memory_space<hbm>> -> memref<16384xf32, #tpu.memory_space<hbm>>
    tpu.wait_dma2 semaphore(%arg18 : memref<!tpu.dma_semaphore, #tpu.memory_space<semaphore_mem>>) src(%arg10 : memref<16384xf32, #tpu.memory_space<vmem>>) dst(%dma_wait3A_706 : memref<16384xf32, #tpu.memory_space<hbm>>)
    %add3A_707 = arith.constant 4096 : i32
    %add3A_708 = arith.addi %add3A_707, %mul3A_2 : i32
    %add3A_709 = arith.constant 112 : i32
    %add3A_710 = arith.addi %add3A_708, %add3A_709 : i32
    %mul3A_711 = arith.constant 1024 : i32
    %mul3A_712 = arith.muli %add3A_710, %mul3A_711 : i32
    %dma_start3A_713 = tpu.memref_slice %arg2[%mul3A_712] : memref<16777216xf32, #tpu.memory_space<hbm>> -> memref<16384xf32, #tpu.memory_space<hbm>>
    %dma_start3A_714 = tpu.memref_slice %arg2[%mul3A_712] : memref<16777216xf32, #tpu.memory_space<hbm>> -> memref<16384xf32, #tpu.memory_space<hbm>>
    tpu.enqueue_dma source(%dma_start3A_714 : memref<16384xf32, #tpu.memory_space<hbm>>) target(%arg10 : memref<16384xf32, #tpu.memory_space<vmem>>) target_semaphore(%arg14 : memref<!tpu.dma_semaphore, #tpu.memory_space<semaphore_mem>>)
    %dma_wait3A_715 = tpu.memref_slice %arg2[%mul3A_666] : memref<16777216xf32, #tpu.memory_space<hbm>> -> memref<16384xf32, #tpu.memory_space<hbm>>
    %dma_wait3A_716 = tpu.memref_slice %arg2[%mul3A_666] : memref<16777216xf32, #tpu.memory_space<hbm>> -> memref<16384xf32, #tpu.memory_space<hbm>>
    tpu.wait_dma2 semaphore(%arg16 : memref<!tpu.dma_semaphore, #tpu.memory_space<semaphore_mem>>) src(%dma_wait3A_716 : memref<16384xf32, #tpu.memory_space<hbm>>) dst(%arg12 : memref<16384xf32, #tpu.memory_space<vmem>>)
    %parallel_loop3A_717 = arith.constant 0 : i32
    %parallel_loop3A_718 = arith.constant 16384 : i32
    %parallel_loop3A_719 = arith.constant 16 : i32
    scf.for %parallel_loop3A_822 = %parallel_loop3A_717 to %parallel_loop3A_718 step %parallel_loop3A_719  : i32 {
      %parallel_loop3A_823 = arith.index_cast %parallel_loop3A_822 : i32 to index
      %parallel_loop3A_824 = tpu.vector_load %arg12[%parallel_loop3A_823] {strides = array<i32>} : memref<16384xf32, #tpu.memory_space<vmem>>, vector<16xf32>,
      %parallel_loop3A_825 = vector.shape_cast %parallel_loop3A_824 : vector<16xf32> to vector<16xf32>
      %parallel_loop3A_826 = arith.index_cast %parallel_loop3A_822 : i32 to index
      %parallel_loop3A_827 = tpu.vector_load %arg8[%parallel_loop3A_826] {strides = array<i32>} : memref<16384xf32, #tpu.memory_space<vmem>>, vector<16xf32>,
      %parallel_loop3A_828 = vector.shape_cast %parallel_loop3A_827 : vector<16xf32> to vector<16xf32>
      %parallel_loop3A_829 = arith.addf %parallel_loop3A_825, %parallel_loop3A_828 : vector<16xf32>
      %parallel_loop3A_830 = arith.index_cast %parallel_loop3A_822 : i32 to index
      %parallel_loop3A_831 = tpu.vector_load %arg12[%parallel_loop3A_830] {strides = array<i32>} : memref<16384xf32, #tpu.memory_space<vmem>>, vector<16xf32>,
      %parallel_loop3A_832 = vector.shape_cast %parallel_loop3A_831 : vector<16xf32> to vector<16xf32>
      %parallel_loop3A_833 = vector.shape_cast %parallel_loop3A_829 : vector<16xf32> to vector<16xf32>
      tpu.vector_store %arg12[%parallel_loop3A_830], %parallel_loop3A_833 {strides = array<i32>} : memref<16384xf32, #tpu.memory_space<vmem>>, vector<16xf32>,
    } {sc.loop_unroll_factor = 8 : i64, sc.parallel_access}
    %add3A_720 = arith.constant 12288 : i32
    %add3A_721 = arith.addi %add3A_720, %mul3A_2 : i32
    %add3A_722 = arith.constant 96 : i32
    %add3A_723 = arith.addi %add3A_721, %add3A_722 : i32
    %mul3A_724 = arith.constant 1024 : i32
    %mul3A_725 = arith.muli %add3A_723, %mul3A_724 : i32
    %dma_start3A_726 = tpu.memref_slice %arg4[%mul3A_725] : memref<16777216xf32, #tpu.memory_space<hbm>> -> memref<16384xf32, #tpu.memory_space<hbm>>
    %dma_start3A_727 = tpu.memref_slice %arg4[%mul3A_725] : memref<16777216xf32, #tpu.memory_space<hbm>> -> memref<16384xf32, #tpu.memory_space<hbm>>
    tpu.enqueue_dma source(%arg12 : memref<16384xf32, #tpu.memory_space<vmem>>) target(%dma_start3A_727 : memref<16384xf32, #tpu.memory_space<hbm>>) target_semaphore(%arg20 : memref<!tpu.dma_semaphore, #tpu.memory_space<semaphore_mem>>)
    %scan3A_728 = arith.constant 2.44140625E-4 : f32
    %scan3A_729 = arith.constant 0 : i32
    %scan3A_730 = arith.constant 0 : i32
    %scan3A_731 = arith.constant 16 : i32
    %scan3A_732 = arith.addi %scan3A_730, %scan3A_731 : i32
    %scan3A_733 = arith.constant 1 : i32
    %scan3A_734 = scf.for %scan3A_822 = %scan3A_730 to %scan3A_732 step %scan3A_733 iter_args(%scan3A_823 = %scan3A_729) -> (i32)  : i32 {
      %add3A_824 = arith.constant 112 : i32
      %add3A_825 = arith.addi %mul3A_2, %add3A_824 : i32
      %add3A_826 = arith.addi %add3A_825, %scan3A_822 : i32
      %sub3A = arith.constant 4080 : i32
      %sub3A_827 = arith.subi %sub3A, %add3A_826 : i32
      %max3A = arith.constant 0 : i32
      %max3A_828 = arith.maxsi %sub3A_827, %max3A : i32
      %convert_element_type3A_829 = arith.sitofp %max3A_828 : i32 to f32
      %mul3A_830 = arith.mulf %convert_element_type3A_829, %scan3A_728 : f32
      %sub3A_831 = arith.constant 15 : i32
      %sub3A_832 = arith.subi %add3A_826, %sub3A_831 : i32
      %max3A_833 = arith.constant 0 : i32
      %max3A_834 = arith.maxsi %sub3A_832, %max3A_833 : i32
      %convert_element_type3A_835 = arith.sitofp %max3A_834 : i32 to f32
      %mul3A_836 = arith.mulf %convert_element_type3A_835, %scan3A_728 : f32
      %mul3A_837 = arith.constant 1024 : i32
      %mul3A_838 = arith.muli %scan3A_822, %mul3A_837 : i32
      %parallel_loop3A_839 = arith.constant 0 : i32
      %parallel_loop3A_840 = arith.constant 1024 : i32
      %parallel_loop3A_841 = arith.constant 16 : i32
      scf.for %parallel_loop3A_843 = %parallel_loop3A_839 to %parallel_loop3A_840 step %parallel_loop3A_841  : i32 {
        %parallel_loop3A_844 = arith.index_cast %parallel_loop3A_843 : i32 to index
        %parallel_loop3A_845 = tpu.vector_load %arg6[%parallel_loop3A_844] {strides = array<i32>} : memref<1024xf32, #tpu.memory_space<vmem>>, vector<16xf32>,
        %parallel_loop3A_846 = vector.shape_cast %parallel_loop3A_845 : vector<16xf32> to vector<16xf32>
        %parallel_loop3A_847 = arith.index_cast %parallel_loop3A_843 : i32 to index
        %parallel_loop3A_848 = tpu.vector_load %arg5[%parallel_loop3A_847] {strides = array<i32>} : memref<2048xf32, #tpu.memory_space<vmem>>, vector<16xf32>,
        %parallel_loop3A_849 = vector.shape_cast %parallel_loop3A_848 : vector<16xf32> to vector<16xf32>
        %parallel_loop3A_850 = vector.broadcast %mul3A_830 : f32 to vector<16xf32>
        %parallel_loop3A_851 = arith.mulf %parallel_loop3A_850, %parallel_loop3A_849 : vector<16xf32>
        %parallel_loop3A_852 = arith.addf %parallel_loop3A_846, %parallel_loop3A_851 : vector<16xf32>
        %parallel_loop3A_853 = arith.constant 1024 : i32
        %parallel_loop3A_854 = arith.addi %parallel_loop3A_853, %parallel_loop3A_843 : i32
        %parallel_loop3A_855 = arith.index_cast %parallel_loop3A_854 : i32 to index
        %parallel_loop3A_856 = tpu.vector_load %arg5[%parallel_loop3A_855] {strides = array<i32>} : memref<2048xf32, #tpu.memory_space<vmem>>, vector<16xf32>,
        %parallel_loop3A_857 = vector.shape_cast %parallel_loop3A_856 : vector<16xf32> to vector<16xf32>
        %parallel_loop3A_858 = vector.broadcast %mul3A_836 : f32 to vector<16xf32>
        %parallel_loop3A_859 = arith.mulf %parallel_loop3A_858, %parallel_loop3A_857 : vector<16xf32>
        %parallel_loop3A_860 = arith.addf %parallel_loop3A_852, %parallel_loop3A_859 : vector<16xf32>
        %parallel_loop3A_861 = arith.addi %mul3A_838, %parallel_loop3A_843 : i32
        %parallel_loop3A_862 = arith.index_cast %parallel_loop3A_861 : i32 to index
        %parallel_loop3A_863 = tpu.vector_load %arg8[%parallel_loop3A_862] {strides = array<i32>} : memref<16384xf32, #tpu.memory_space<vmem>>, vector<16xf32>,
        %parallel_loop3A_864 = vector.shape_cast %parallel_loop3A_863 : vector<16xf32> to vector<16xf32>
        %parallel_loop3A_865 = vector.shape_cast %parallel_loop3A_860 : vector<16xf32> to vector<16xf32>
        tpu.vector_store %arg8[%parallel_loop3A_862], %parallel_loop3A_865 {strides = array<i32>} : memref<16384xf32, #tpu.memory_space<vmem>>, vector<16xf32>,
      } {sc.loop_unroll_factor = 4 : i64, sc.parallel_access}
      %scan3A_842 = arith.constant 0 : i32
      scf.yield %scan3A_842 : i32
    }
    %scan3A_735 = arith.constant 16 : i32
    %eq3A_736 = arith.constant 31 : i32
    %eq3A_737 = arith.cmpi eq, %add3A, %eq3A_736 : i32
    %convert_element_type3A_738 = arith.extui %eq3A_737 : i1 to i32
    %cond3A_739 = arith.constant 2.44140625E-4 : f32
    %cond3A_740 = arith.constant 0 : i32
    %cond3A_741 = arith.cmpi ne, %convert_element_type3A_738, %cond3A_740 : i32
    scf.if %cond3A_741 {
      %scan3A_822 = arith.constant 0 : i32
      %scan3A_823 = arith.constant 0 : i32
      %scan3A_824 = arith.constant 15 : i32
      %scan3A_825 = arith.addi %scan3A_823, %scan3A_824 : i32
      %scan3A_826 = arith.constant 1 : i32
      %scan3A_827 = scf.for %scan3A_829 = %scan3A_823 to %scan3A_825 step %scan3A_826 iter_args(%scan3A_830 = %scan3A_822) -> (i32)  : i32 {
        %parallel_loop3A_831 = arith.constant 0 : i32
        %parallel_loop3A_832 = arith.constant 1024 : i32
        %parallel_loop3A_833 = arith.constant 16 : i32
        scf.for %parallel_loop3A_835 = %parallel_loop3A_831 to %parallel_loop3A_832 step %parallel_loop3A_833  : i32 {
          %parallel_loop3A_836 = arith.constant 1 : i32
          %parallel_loop3A_837 = arith.addi %parallel_loop3A_836, %scan3A_829 : i32
          %parallel_loop3A_838 = arith.constant 1024 : i32
          %parallel_loop3A_839 = arith.muli %parallel_loop3A_837, %parallel_loop3A_838 : i32
          %parallel_loop3A_840 = arith.addi %parallel_loop3A_839, %parallel_loop3A_835 : i32
          %parallel_loop3A_841 = arith.index_cast %parallel_loop3A_840 : i32 to index
          %parallel_loop3A_842 = tpu.vector_load %arg8[%parallel_loop3A_841] {strides = array<i32>} : memref<16384xf32, #tpu.memory_space<vmem>>, vector<16xf32>,
          %parallel_loop3A_843 = vector.shape_cast %parallel_loop3A_842 : vector<16xf32> to vector<16xf32>
          %parallel_loop3A_844 = arith.constant 1024 : i32
          %parallel_loop3A_845 = arith.muli %scan3A_829, %parallel_loop3A_844 : i32
          %parallel_loop3A_846 = arith.addi %parallel_loop3A_845, %parallel_loop3A_835 : i32
          %parallel_loop3A_847 = arith.index_cast %parallel_loop3A_846 : i32 to index
          %parallel_loop3A_848 = tpu.vector_load %arg7[%parallel_loop3A_847] {strides = array<i32>} : memref<15360xf32, #tpu.memory_space<vmem>>, vector<16xf32>,
          %parallel_loop3A_849 = vector.shape_cast %parallel_loop3A_848 : vector<16xf32> to vector<16xf32>
          %parallel_loop3A_850 = vector.broadcast %cond3A_739 : f32 to vector<16xf32>
          %parallel_loop3A_851 = arith.mulf %parallel_loop3A_849, %parallel_loop3A_850 : vector<16xf32>
          %parallel_loop3A_852 = arith.subf %parallel_loop3A_843, %parallel_loop3A_851 : vector<16xf32>
          %parallel_loop3A_853 = arith.constant 1 : i32
          %parallel_loop3A_854 = arith.addi %parallel_loop3A_853, %scan3A_829 : i32
          %parallel_loop3A_855 = arith.constant 1024 : i32
          %parallel_loop3A_856 = arith.muli %parallel_loop3A_854, %parallel_loop3A_855 : i32
          %parallel_loop3A_857 = arith.addi %parallel_loop3A_856, %parallel_loop3A_835 : i32
          %parallel_loop3A_858 = arith.index_cast %parallel_loop3A_857 : i32 to index
          %parallel_loop3A_859 = tpu.vector_load %arg8[%parallel_loop3A_858] {strides = array<i32>} : memref<16384xf32, #tpu.memory_space<vmem>>, vector<16xf32>,
          %parallel_loop3A_860 = vector.shape_cast %parallel_loop3A_859 : vector<16xf32> to vector<16xf32>
          %parallel_loop3A_861 = vector.shape_cast %parallel_loop3A_852 : vector<16xf32> to vector<16xf32>
          tpu.vector_store %arg8[%parallel_loop3A_858], %parallel_loop3A_861 {strides = array<i32>} : memref<16384xf32, #tpu.memory_space<vmem>>, vector<16xf32>,
        } {sc.loop_unroll_factor = 4 : i64, sc.parallel_access}
        %scan3A_834 = arith.constant 0 : i32
        scf.yield %scan3A_834 : i32
      }
      %scan3A_828 = arith.constant 15 : i32
    } else {
    }
    %dma_wait3A_742 = tpu.memref_slice %arg4[%mul3A_702] : memref<16777216xf32, #tpu.memory_space<hbm>> -> memref<16384xf32, #tpu.memory_space<hbm>>
    %dma_wait3A_743 = tpu.memref_slice %arg4[%mul3A_702] : memref<16777216xf32, #tpu.memory_space<hbm>> -> memref<16384xf32, #tpu.memory_space<hbm>>
    tpu.wait_dma2 semaphore(%arg19 : memref<!tpu.dma_semaphore, #tpu.memory_space<semaphore_mem>>) src(%arg11 : memref<16384xf32, #tpu.memory_space<vmem>>) dst(%dma_wait3A_743 : memref<16384xf32, #tpu.memory_space<hbm>>)
    %add3A_744 = arith.constant 8192 : i32
    %add3A_745 = arith.addi %add3A_744, %mul3A_2 : i32
    %add3A_746 = arith.constant 112 : i32
    %add3A_747 = arith.addi %add3A_745, %add3A_746 : i32
    %mul3A_748 = arith.constant 1024 : i32
    %mul3A_749 = arith.muli %add3A_747, %mul3A_748 : i32
    %dma_start3A_750 = tpu.memref_slice %arg2[%mul3A_749] : memref<16777216xf32, #tpu.memory_space<hbm>> -> memref<16384xf32, #tpu.memory_space<hbm>>
    %dma_start3A_751 = tpu.memref_slice %arg2[%mul3A_749] : memref<16777216xf32, #tpu.memory_space<hbm>> -> memref<16384xf32, #tpu.memory_space<hbm>>
    tpu.enqueue_dma source(%dma_start3A_751 : memref<16384xf32, #tpu.memory_space<hbm>>) target(%arg11 : memref<16384xf32, #tpu.memory_space<vmem>>) target_semaphore(%arg15 : memref<!tpu.dma_semaphore, #tpu.memory_space<semaphore_mem>>)
    %dma_wait3A_752 = tpu.memref_slice %arg2[%mul3A_689] : memref<16777216xf32, #tpu.memory_space<hbm>> -> memref<16384xf32, #tpu.memory_space<hbm>>
    %dma_wait3A_753 = tpu.memref_slice %arg2[%mul3A_689] : memref<16777216xf32, #tpu.memory_space<hbm>> -> memref<16384xf32, #tpu.memory_space<hbm>>
    tpu.wait_dma2 semaphore(%arg13 : memref<!tpu.dma_semaphore, #tpu.memory_space<semaphore_mem>>) src(%dma_wait3A_753 : memref<16384xf32, #tpu.memory_space<hbm>>) dst(%arg9 : memref<16384xf32, #tpu.memory_space<vmem>>)
    %parallel_loop3A_754 = arith.constant 0 : i32
    %parallel_loop3A_755 = arith.constant 16384 : i32
    %parallel_loop3A_756 = arith.constant 16 : i32
    scf.for %parallel_loop3A_822 = %parallel_loop3A_754 to %parallel_loop3A_755 step %parallel_loop3A_756  : i32 {
      %parallel_loop3A_823 = arith.index_cast %parallel_loop3A_822 : i32 to index
      %parallel_loop3A_824 = tpu.vector_load %arg9[%parallel_loop3A_823] {strides = array<i32>} : memref<16384xf32, #tpu.memory_space<vmem>>, vector<16xf32>,
      %parallel_loop3A_825 = vector.shape_cast %parallel_loop3A_824 : vector<16xf32> to vector<16xf32>
      %parallel_loop3A_826 = arith.index_cast %parallel_loop3A_822 : i32 to index
      %parallel_loop3A_827 = tpu.vector_load %arg8[%parallel_loop3A_826] {strides = array<i32>} : memref<16384xf32, #tpu.memory_space<vmem>>, vector<16xf32>,
      %parallel_loop3A_828 = vector.shape_cast %parallel_loop3A_827 : vector<16xf32> to vector<16xf32>
      %parallel_loop3A_829 = arith.addf %parallel_loop3A_825, %parallel_loop3A_828 : vector<16xf32>
      %parallel_loop3A_830 = arith.index_cast %parallel_loop3A_822 : i32 to index
      %parallel_loop3A_831 = tpu.vector_load %arg9[%parallel_loop3A_830] {strides = array<i32>} : memref<16384xf32, #tpu.memory_space<vmem>>, vector<16xf32>,
      %parallel_loop3A_832 = vector.shape_cast %parallel_loop3A_831 : vector<16xf32> to vector<16xf32>
      %parallel_loop3A_833 = vector.shape_cast %parallel_loop3A_829 : vector<16xf32> to vector<16xf32>
      tpu.vector_store %arg9[%parallel_loop3A_830], %parallel_loop3A_833 {strides = array<i32>} : memref<16384xf32, #tpu.memory_space<vmem>>, vector<16xf32>,
    } {sc.loop_unroll_factor = 8 : i64, sc.parallel_access}
    %add3A_757 = arith.constant 0 : i32
    %add3A_758 = arith.addi %add3A_757, %mul3A_2 : i32
    %add3A_759 = arith.constant 112 : i32
    %add3A_760 = arith.addi %add3A_758, %add3A_759 : i32
    %mul3A_761 = arith.constant 1024 : i32
    %mul3A_762 = arith.muli %add3A_760, %mul3A_761 : i32
    %dma_start3A_763 = tpu.memref_slice %arg4[%mul3A_762] : memref<16777216xf32, #tpu.memory_space<hbm>> -> memref<16384xf32, #tpu.memory_space<hbm>>
    %dma_start3A_764 = tpu.memref_slice %arg4[%mul3A_762] : memref<16777216xf32, #tpu.memory_space<hbm>> -> memref<16384xf32, #tpu.memory_space<hbm>>
    tpu.enqueue_dma source(%arg9 : memref<16384xf32, #tpu.memory_space<vmem>>) target(%dma_start3A_764 : memref<16384xf32, #tpu.memory_space<hbm>>) target_semaphore(%arg17 : memref<!tpu.dma_semaphore, #tpu.memory_space<semaphore_mem>>)
    %dma_wait3A_765 = tpu.memref_slice %arg4[%mul3A_725] : memref<16777216xf32, #tpu.memory_space<hbm>> -> memref<16384xf32, #tpu.memory_space<hbm>>
    %dma_wait3A_766 = tpu.memref_slice %arg4[%mul3A_725] : memref<16777216xf32, #tpu.memory_space<hbm>> -> memref<16384xf32, #tpu.memory_space<hbm>>
    tpu.wait_dma2 semaphore(%arg20 : memref<!tpu.dma_semaphore, #tpu.memory_space<semaphore_mem>>) src(%arg12 : memref<16384xf32, #tpu.memory_space<vmem>>) dst(%dma_wait3A_766 : memref<16384xf32, #tpu.memory_space<hbm>>)
    %add3A_767 = arith.constant 12288 : i32
    %add3A_768 = arith.addi %add3A_767, %mul3A_2 : i32
    %add3A_769 = arith.constant 112 : i32
    %add3A_770 = arith.addi %add3A_768, %add3A_769 : i32
    %mul3A_771 = arith.constant 1024 : i32
    %mul3A_772 = arith.muli %add3A_770, %mul3A_771 : i32
    %dma_start3A_773 = tpu.memref_slice %arg2[%mul3A_772] : memref<16777216xf32, #tpu.memory_space<hbm>> -> memref<16384xf32, #tpu.memory_space<hbm>>
    %dma_start3A_774 = tpu.memref_slice %arg2[%mul3A_772] : memref<16777216xf32, #tpu.memory_space<hbm>> -> memref<16384xf32, #tpu.memory_space<hbm>>
    tpu.enqueue_dma source(%dma_start3A_774 : memref<16384xf32, #tpu.memory_space<hbm>>) target(%arg12 : memref<16384xf32, #tpu.memory_space<vmem>>) target_semaphore(%arg16 : memref<!tpu.dma_semaphore, #tpu.memory_space<semaphore_mem>>)
    %dma_wait3A_775 = tpu.memref_slice %arg2[%mul3A_712] : memref<16777216xf32, #tpu.memory_space<hbm>> -> memref<16384xf32, #tpu.memory_space<hbm>>
    %dma_wait3A_776 = tpu.memref_slice %arg2[%mul3A_712] : memref<16777216xf32, #tpu.memory_space<hbm>> -> memref<16384xf32, #tpu.memory_space<hbm>>
    tpu.wait_dma2 semaphore(%arg14 : memref<!tpu.dma_semaphore, #tpu.memory_space<semaphore_mem>>) src(%dma_wait3A_776 : memref<16384xf32, #tpu.memory_space<hbm>>) dst(%arg10 : memref<16384xf32, #tpu.memory_space<vmem>>)
    %parallel_loop3A_777 = arith.constant 0 : i32
    %parallel_loop3A_778 = arith.constant 16384 : i32
    %parallel_loop3A_779 = arith.constant 16 : i32
    scf.for %parallel_loop3A_822 = %parallel_loop3A_777 to %parallel_loop3A_778 step %parallel_loop3A_779  : i32 {
      %parallel_loop3A_823 = arith.index_cast %parallel_loop3A_822 : i32 to index
      %parallel_loop3A_824 = tpu.vector_load %arg10[%parallel_loop3A_823] {strides = array<i32>} : memref<16384xf32, #tpu.memory_space<vmem>>, vector<16xf32>,
      %parallel_loop3A_825 = vector.shape_cast %parallel_loop3A_824 : vector<16xf32> to vector<16xf32>
      %parallel_loop3A_826 = arith.index_cast %parallel_loop3A_822 : i32 to index
      %parallel_loop3A_827 = tpu.vector_load %arg8[%parallel_loop3A_826] {strides = array<i32>} : memref<16384xf32, #tpu.memory_space<vmem>>, vector<16xf32>,
      %parallel_loop3A_828 = vector.shape_cast %parallel_loop3A_827 : vector<16xf32> to vector<16xf32>
      %parallel_loop3A_829 = arith.addf %parallel_loop3A_825, %parallel_loop3A_828 : vector<16xf32>
      %parallel_loop3A_830 = arith.index_cast %parallel_loop3A_822 : i32 to index
      %parallel_loop3A_831 = tpu.vector_load %arg10[%parallel_loop3A_830] {strides = array<i32>} : memref<16384xf32, #tpu.memory_space<vmem>>, vector<16xf32>,
      %parallel_loop3A_832 = vector.shape_cast %parallel_loop3A_831 : vector<16xf32> to vector<16xf32>
      %parallel_loop3A_833 = vector.shape_cast %parallel_loop3A_829 : vector<16xf32> to vector<16xf32>
      tpu.vector_store %arg10[%parallel_loop3A_830], %parallel_loop3A_833 {strides = array<i32>} : memref<16384xf32, #tpu.memory_space<vmem>>, vector<16xf32>,
    } {sc.loop_unroll_factor = 8 : i64, sc.parallel_access}
    %add3A_780 = arith.constant 4096 : i32
    %add3A_781 = arith.addi %add3A_780, %mul3A_2 : i32
    %add3A_782 = arith.constant 112 : i32
    %add3A_783 = arith.addi %add3A_781, %add3A_782 : i32
    %mul3A_784 = arith.constant 1024 : i32
    %mul3A_785 = arith.muli %add3A_783, %mul3A_784 : i32
    %dma_start3A_786 = tpu.memref_slice %arg4[%mul3A_785] : memref<16777216xf32, #tpu.memory_space<hbm>> -> memref<16384xf32, #tpu.memory_space<hbm>>
    %dma_start3A_787 = tpu.memref_slice %arg4[%mul3A_785] : memref<16777216xf32, #tpu.memory_space<hbm>> -> memref<16384xf32, #tpu.memory_space<hbm>>
    tpu.enqueue_dma source(%arg10 : memref<16384xf32, #tpu.memory_space<vmem>>) target(%dma_start3A_787 : memref<16384xf32, #tpu.memory_space<hbm>>) target_semaphore(%arg18 : memref<!tpu.dma_semaphore, #tpu.memory_space<semaphore_mem>>)
    %dma_wait3A_788 = tpu.memref_slice %arg4[%mul3A_762] : memref<16777216xf32, #tpu.memory_space<hbm>> -> memref<16384xf32, #tpu.memory_space<hbm>>
    %dma_wait3A_789 = tpu.memref_slice %arg4[%mul3A_762] : memref<16777216xf32, #tpu.memory_space<hbm>> -> memref<16384xf32, #tpu.memory_space<hbm>>
    tpu.wait_dma2 semaphore(%arg17 : memref<!tpu.dma_semaphore, #tpu.memory_space<semaphore_mem>>) src(%arg9 : memref<16384xf32, #tpu.memory_space<vmem>>) dst(%dma_wait3A_789 : memref<16384xf32, #tpu.memory_space<hbm>>)
    %dma_wait3A_790 = tpu.memref_slice %arg2[%mul3A_749] : memref<16777216xf32, #tpu.memory_space<hbm>> -> memref<16384xf32, #tpu.memory_space<hbm>>
    %dma_wait3A_791 = tpu.memref_slice %arg2[%mul3A_749] : memref<16777216xf32, #tpu.memory_space<hbm>> -> memref<16384xf32, #tpu.memory_space<hbm>>
    tpu.wait_dma2 semaphore(%arg15 : memref<!tpu.dma_semaphore, #tpu.memory_space<semaphore_mem>>) src(%dma_wait3A_791 : memref<16384xf32, #tpu.memory_space<hbm>>) dst(%arg11 : memref<16384xf32, #tpu.memory_space<vmem>>)
    %parallel_loop3A_792 = arith.constant 0 : i32
    %parallel_loop3A_793 = arith.constant 16384 : i32
    %parallel_loop3A_794 = arith.constant 16 : i32
    scf.for %parallel_loop3A_822 = %parallel_loop3A_792 to %parallel_loop3A_793 step %parallel_loop3A_794  : i32 {
      %parallel_loop3A_823 = arith.index_cast %parallel_loop3A_822 : i32 to index
      %parallel_loop3A_824 = tpu.vector_load %arg11[%parallel_loop3A_823] {strides = array<i32>} : memref<16384xf32, #tpu.memory_space<vmem>>, vector<16xf32>,
      %parallel_loop3A_825 = vector.shape_cast %parallel_loop3A_824 : vector<16xf32> to vector<16xf32>
      %parallel_loop3A_826 = arith.index_cast %parallel_loop3A_822 : i32 to index
      %parallel_loop3A_827 = tpu.vector_load %arg8[%parallel_loop3A_826] {strides = array<i32>} : memref<16384xf32, #tpu.memory_space<vmem>>, vector<16xf32>,
      %parallel_loop3A_828 = vector.shape_cast %parallel_loop3A_827 : vector<16xf32> to vector<16xf32>
      %parallel_loop3A_829 = arith.addf %parallel_loop3A_825, %parallel_loop3A_828 : vector<16xf32>
      %parallel_loop3A_830 = arith.index_cast %parallel_loop3A_822 : i32 to index
      %parallel_loop3A_831 = tpu.vector_load %arg11[%parallel_loop3A_830] {strides = array<i32>} : memref<16384xf32, #tpu.memory_space<vmem>>, vector<16xf32>,
      %parallel_loop3A_832 = vector.shape_cast %parallel_loop3A_831 : vector<16xf32> to vector<16xf32>
      %parallel_loop3A_833 = vector.shape_cast %parallel_loop3A_829 : vector<16xf32> to vector<16xf32>
      tpu.vector_store %arg11[%parallel_loop3A_830], %parallel_loop3A_833 {strides = array<i32>} : memref<16384xf32, #tpu.memory_space<vmem>>, vector<16xf32>,
    } {sc.loop_unroll_factor = 8 : i64, sc.parallel_access}
    %add3A_795 = arith.constant 8192 : i32
    %add3A_796 = arith.addi %add3A_795, %mul3A_2 : i32
    %add3A_797 = arith.constant 112 : i32
    %add3A_798 = arith.addi %add3A_796, %add3A_797 : i32
    %mul3A_799 = arith.constant 1024 : i32
    %mul3A_800 = arith.muli %add3A_798, %mul3A_799 : i32
    %dma_start3A_801 = tpu.memref_slice %arg4[%mul3A_800] : memref<16777216xf32, #tpu.memory_space<hbm>> -> memref<16384xf32, #tpu.memory_space<hbm>>
    %dma_start3A_802 = tpu.memref_slice %arg4[%mul3A_800] : memref<16777216xf32, #tpu.memory_space<hbm>> -> memref<16384xf32, #tpu.memory_space<hbm>>
    tpu.enqueue_dma source(%arg11 : memref<16384xf32, #tpu.memory_space<vmem>>) target(%dma_start3A_802 : memref<16384xf32, #tpu.memory_space<hbm>>) target_semaphore(%arg19 : memref<!tpu.dma_semaphore, #tpu.memory_space<semaphore_mem>>)
    %dma_wait3A_803 = tpu.memref_slice %arg4[%mul3A_785] : memref<16777216xf32, #tpu.memory_space<hbm>> -> memref<16384xf32, #tpu.memory_space<hbm>>
    %dma_wait3A_804 = tpu.memref_slice %arg4[%mul3A_785] : memref<16777216xf32, #tpu.memory_space<hbm>> -> memref<16384xf32, #tpu.memory_space<hbm>>
    tpu.wait_dma2 semaphore(%arg18 : memref<!tpu.dma_semaphore, #tpu.memory_space<semaphore_mem>>) src(%arg10 : memref<16384xf32, #tpu.memory_space<vmem>>) dst(%dma_wait3A_804 : memref<16384xf32, #tpu.memory_space<hbm>>)
    %dma_wait3A_805 = tpu.memref_slice %arg2[%mul3A_772] : memref<16777216xf32, #tpu.memory_space<hbm>> -> memref<16384xf32, #tpu.memory_space<hbm>>
    %dma_wait3A_806 = tpu.memref_slice %arg2[%mul3A_772] : memref<16777216xf32, #tpu.memory_space<hbm>> -> memref<16384xf32, #tpu.memory_space<hbm>>
    tpu.wait_dma2 semaphore(%arg16 : memref<!tpu.dma_semaphore, #tpu.memory_space<semaphore_mem>>) src(%dma_wait3A_806 : memref<16384xf32, #tpu.memory_space<hbm>>) dst(%arg12 : memref<16384xf32, #tpu.memory_space<vmem>>)
    %parallel_loop3A_807 = arith.constant 0 : i32
    %parallel_loop3A_808 = arith.constant 16384 : i32
    %parallel_loop3A_809 = arith.constant 16 : i32
    scf.for %parallel_loop3A_822 = %parallel_loop3A_807 to %parallel_loop3A_808 step %parallel_loop3A_809  : i32 {
      %parallel_loop3A_823 = arith.index_cast %parallel_loop3A_822 : i32 to index
      %parallel_loop3A_824 = tpu.vector_load %arg12[%parallel_loop3A_823] {strides = array<i32>} : memref<16384xf32, #tpu.memory_space<vmem>>, vector<16xf32>,
      %parallel_loop3A_825 = vector.shape_cast %parallel_loop3A_824 : vector<16xf32> to vector<16xf32>
      %parallel_loop3A_826 = arith.index_cast %parallel_loop3A_822 : i32 to index
      %parallel_loop3A_827 = tpu.vector_load %arg8[%parallel_loop3A_826] {strides = array<i32>} : memref<16384xf32, #tpu.memory_space<vmem>>, vector<16xf32>,
      %parallel_loop3A_828 = vector.shape_cast %parallel_loop3A_827 : vector<16xf32> to vector<16xf32>
      %parallel_loop3A_829 = arith.addf %parallel_loop3A_825, %parallel_loop3A_828 : vector<16xf32>
      %parallel_loop3A_830 = arith.index_cast %parallel_loop3A_822 : i32 to index
      %parallel_loop3A_831 = tpu.vector_load %arg12[%parallel_loop3A_830] {strides = array<i32>} : memref<16384xf32, #tpu.memory_space<vmem>>, vector<16xf32>,
      %parallel_loop3A_832 = vector.shape_cast %parallel_loop3A_831 : vector<16xf32> to vector<16xf32>
      %parallel_loop3A_833 = vector.shape_cast %parallel_loop3A_829 : vector<16xf32> to vector<16xf32>
      tpu.vector_store %arg12[%parallel_loop3A_830], %parallel_loop3A_833 {strides = array<i32>} : memref<16384xf32, #tpu.memory_space<vmem>>, vector<16xf32>,
    } {sc.loop_unroll_factor = 8 : i64, sc.parallel_access}
    %add3A_810 = arith.constant 12288 : i32
    %add3A_811 = arith.addi %add3A_810, %mul3A_2 : i32
    %add3A_812 = arith.constant 112 : i32
    %add3A_813 = arith.addi %add3A_811, %add3A_812 : i32
    %mul3A_814 = arith.constant 1024 : i32
    %mul3A_815 = arith.muli %add3A_813, %mul3A_814 : i32
    %dma_start3A_816 = tpu.memref_slice %arg4[%mul3A_815] : memref<16777216xf32, #tpu.memory_space<hbm>> -> memref<16384xf32, #tpu.memory_space<hbm>>
    %dma_start3A_817 = tpu.memref_slice %arg4[%mul3A_815] : memref<16777216xf32, #tpu.memory_space<hbm>> -> memref<16384xf32, #tpu.memory_space<hbm>>
    tpu.enqueue_dma source(%arg12 : memref<16384xf32, #tpu.memory_space<vmem>>) target(%dma_start3A_817 : memref<16384xf32, #tpu.memory_space<hbm>>) target_semaphore(%arg20 : memref<!tpu.dma_semaphore, #tpu.memory_space<semaphore_mem>>)
    %dma_wait3A_818 = tpu.memref_slice %arg4[%mul3A_800] : memref<16777216xf32, #tpu.memory_space<hbm>> -> memref<16384xf32, #tpu.memory_space<hbm>>
    %dma_wait3A_819 = tpu.memref_slice %arg4[%mul3A_800] : memref<16777216xf32, #tpu.memory_space<hbm>> -> memref<16384xf32, #tpu.memory_space<hbm>>
    tpu.wait_dma2 semaphore(%arg19 : memref<!tpu.dma_semaphore, #tpu.memory_space<semaphore_mem>>) src(%arg11 : memref<16384xf32, #tpu.memory_space<vmem>>) dst(%dma_wait3A_819 : memref<16384xf32, #tpu.memory_space<hbm>>)
    %dma_wait3A_820 = tpu.memref_slice %arg4[%mul3A_815] : memref<16777216xf32, #tpu.memory_space<hbm>> -> memref<16384xf32, #tpu.memory_space<hbm>>
    %dma_wait3A_821 = tpu.memref_slice %arg4[%mul3A_815] : memref<16777216xf32, #tpu.memory_space<hbm>> -> memref<16384xf32, #tpu.memory_space<hbm>>
    tpu.wait_dma2 semaphore(%arg20 : memref<!tpu.dma_semaphore, #tpu.memory_space<semaphore_mem>>) src(%arg12 : memref<16384xf32, #tpu.memory_space<vmem>>) dst(%dma_wait3A_821 : memref<16384xf32, #tpu.memory_space<hbm>>)
    return
  }
}

</mosaic_0001>

<sc_bundles>
// kernel: kernel.3.cloned.1.call-start
scs
__scs_entry_jumppad:
0x0: {  	(pc) =	sbr.rel $0x88, $3  }
0x1: {  	(tag) =	ssettag $0x0;
	lr =	simm.s32 $0x1  }
0x2: {  	[smem:$0x3F9F] =	sst lr;
	_ =	strace $0xD0000000  }
0x3: {  	_ = 	snop  }
0x4: {  	_ = 	snop  }
0x5: {  	_ = 	snop  }
0x6: {  	_ = 	snop  }
0x7: {  	_ = 	snop  }
__scs_overlays_trampoline_lowered:
0x8: {  	[smem:$0x3FAE] =	sst s0  }
0x9: {  	[smem:$0x3FAF] =	sst s1  }
0xa: {  	[smem:$0x3FB0] =	sst s2  }
0xb: {  	[smem:$0x3FB1] =	sst s3  }
0xc: {  	[smem:$0x3FB2] =	sst s4  }
0xd: {  	[smem:$0x3FB3] =	sst s5  }
0xe: {  	[smem:$0x3FB4] =	sst s6  }
0xf: {  	[smem:$0x3FB5] =	sst s7  }
0x10: {  	[smem:$0x3FB6] =	sst s8  }
0x11: {  	[smem:$0x3FB7] =	sst s9;
	s0 =	simm.s32 @!p0 $0x0  }
0x12: {  	s1 =	sld [smem:$0x3F9D];
	s0 =	simm.s32 @p0 $0x1  }
0x13: {  	[smem:$0x3FB8] =	sst s0;
	s0 =	simm.s32 @!p1 $0x0  }
0x14: {  	s2 =	sld [smem:$0x3F9C];
	s0 =	simm.s32 @p1 $0x1  }
0x15: {  	[smem:$0x3FB9] =	sst s0;
	s0 =	simm.s32 @!p2 $0x0  }
0x16: {  	s3 =	sld [smem:$0x3FDB];
	s0 =	simm.s32 @p2 $0x1  }
0x17: {  	s4 =	simm.s32 $0x1BF5;
	[smem:$0x3FBB] =	sst s0  }
0x18: {  	s0 =	sld [smem:$0x3F9E];
	_ =	swait.ge [sflag:s4], $0x0  }
0x19: {  	s7 =	sld [smem:$0x3F9F]  }
0x1a: {  	s8 =	sadd.s32 $0xFFFFE003, lr  }
0x1b: {  	s9 =	sadd.s32 $0xFFFFFEF7, lr;
	s5 =	simm.s32 $0xFFFFFFFF;
	p2 =	slt.u32 s8, $0xFFFFF086  }
0x1c: {  	p1 =	slt.u32 s9, $0xF7A;
	s5 =	simm.s32 @!p2 $0x0  }
0x1d: {  	s5 =	simm.s32 @p1 $0x1;
	p0 =	seq.s32 s7, s2  }
0x1e: {  	s7 =	smul.u32 @!p0 $0xF7A, s2;
	p2 =	seq.s32 @!p0 s5, $0x0  }
0x1f: {  	s9 =	smul.u32 $0xF7A, s1;
	s8 =	simm.s32 @!p0 $0x1BF5;
	p2 =	por !p2, p0  }
0x20: {  	[sflag:s8] =	ssyncset.s32 @!p0 $0xFFFFF086;
	s6 =	sadd.s32 @!p0 s3, s7;
	s7 =	simm.s32 @!p0 $0x108  }
0x21: {  	s3 =	sadd.s32 s3, s9;
	s6 =	sadd.s32 @!p0 $0x88, s6;
	s7 =	simm.s32 @p2 $0x1082  }
0x22: {  	[simem:s7], [sflag:s8] =	dma.local @!p0 [hbm:s6], $0xF7A  }
0x23: {  	s9 =	sor.u32 $0xD0000000, s2;
	s6 =	simm.s32 $0x108;
	_ =	swait.ge @!p0 [sflag:s8], $0x0  }
0x24: {  	s3 =	sadd.s32 $0x88, s3;
	s6 =	simm.s32 @!p1 $0x1082;
	[sflag:s4] =	ssyncset.s32 $0xFFFFF086  }
0x25: {  	[simem:s6], [sflag:s4] =	dma.local [hbm:s3], $0xF7A  }
0x26: {  	[smem:$0x3F9F] =	sst s1;
	(tag) =	ssettag s2;
	_ =	strace s9  }
0x27: {  	s1 =	sld [smem:$0x3FAF]  }
0x28: {  	s2 =	sld [smem:$0x3FB0]  }
0x29: {  	s4 =	sld [smem:$0x3FB2]  }
0x2a: {  	p0 =	seq.s32 s5, $0x0;
	s5 =	sld [smem:$0x3FB3]  }
0x2b: {  	s6 =	sld [smem:$0x3FB4]  }
0x2c: {  	s7 =	sld [smem:$0x3FB5]  }
0x2d: {  	s3 =	simm.s32 $0x108;
	s8 =	sld [smem:$0x3FB6]  }
0x2e: {  	s3 =	simm.s32 @!p0 $0x1082;
	s9 =	sld [smem:$0x3FB7]  }
0x2f: {  	lr =	sadd.s32 s0, s3;
	s0 =	sld [smem:$0x3FAE]  }
0x30: {  	s3 =	sld [smem:$0x3FB1]  }
0x31: {  	[smem:$0x3FBA] =	sst s10  }
0x32: {  	s10 =	sld [smem:$0x3FB8];
	_ =	sdelay $0x3  }
0x33: {  	p0 =	seq.s32 s10, $0x1;
	s10 =	sld [smem:$0x3FBA];
	_ =	sdelay $0x3  }
0x34: {  	[smem:$0x3FBA] =	sst s10  }
0x35: {  	s10 =	sld [smem:$0x3FB9];
	_ =	sdelay $0x3  }
0x36: {  	p1 =	seq.s32 s10, $0x1;
	s10 =	sld [smem:$0x3FBA];
	_ =	sdelay $0x3  }
0x37: {  	[smem:$0x3FBA] =	sst s10  }
0x38: {  	s10 =	sld [smem:$0x3FBB]  }
0x39: {  	_ = 	snop;
	(pc) =	sbr.ind lr, $3  }
0x3a: {  	_ = 	snop  }
0x3b: {  	_ = 	snop  }
0x3c: {  	p2 =	seq.s32 s10, $0x1;
	s10 =	sld [smem:$0x3FBA]  }
0x3d: {  	_ =	shalt  }
0x3e: {  	_ =	shalt  }
0x3f: {  	_ =	shalt  }
0x40: {  	_ =	shalt  }
0x41: {  	_ =	shalt  }
0x42: {  	_ =	shalt  }
0x43: {  	_ =	shalt  }
0x44: {  	_ =	shalt  }
0x45: {  	_ =	shalt  }
0x46: {  	_ =	shalt  }
0x47: {  	_ =	shalt  }
0x48: {  	_ =	shalt  }
0x49: {  	_ =	shalt  }
0x4a: {  	_ =	shalt  }
0x4b: {  	_ =	shalt  }
0x4c: {  	_ =	shalt  }
0x4d: {  	_ =	shalt  }
0x4e: {  	_ =	shalt  }
0x4f: {  	_ =	shalt  }
0x50: {  	_ =	shalt  }
0x51: {  	_ =	shalt  }
0x52: {  	_ =	shalt  }
0x53: {  	_ =	shalt  }
0x54: {  	_ =	shalt  }
0x55: {  	_ =	shalt  }
0x56: {  	_ =	shalt  }
0x57: {  	_ =	shalt  }
0x58: {  	_ =	shalt  }
0x59: {  	_ =	shalt  }
0x5a: {  	_ =	shalt  }
0x5b: {  	_ =	shalt  }
0x5c: {  	_ =	shalt  }
0x5d: {  	_ =	shalt  }
0x5e: {  	_ =	shalt  }
0x5f: {  	_ =	shalt  }
0x60: {  	_ =	shalt  }
0x61: {  	_ =	shalt  }
0x62: {  	_ =	shalt  }
0x63: {  	_ =	shalt  }
0x64: {  	_ =	shalt  }
0x65: {  	_ =	shalt  }
0x66: {  	_ =	shalt  }
0x67: {  	_ =	shalt  }
0x68: {  	_ =	shalt  }
0x69: {  	_ =	shalt  }
0x6a: {  	_ =	shalt  }
0x6b: {  	_ =	shalt  }
0x6c: {  	_ =	shalt  }
0x6d: {  	_ =	shalt  }
0x6e: {  	_ =	shalt  }
0x6f: {  	_ =	shalt  }
0x70: {  	_ =	shalt  }
0x71: {  	_ =	shalt  }
0x72: {  	_ =	shalt  }
0x73: {  	_ =	shalt  }
0x74: {  	_ =	shalt  }
0x75: {  	_ =	shalt  }
0x76: {  	_ =	shalt  }
0x77: {  	_ =	shalt  }
0x78: {  	_ =	shalt  }
0x79: {  	_ =	shalt  }
0x7a: {  	_ =	shalt  }
0x7b: {  	_ =	shalt  }
0x7c: {  	_ =	shalt  }
0x7d: {  	_ =	shalt  }
0x7e: {  	_ =	shalt  }
0x7f: {  	_ =	shalt  }
0x80: {  	_ =	shalt  }
0x81: {  	_ =	shalt  }
0x82: {  	_ =	shalt  }
0x83: {  	_ =	shalt  }
0x84: {  	_ =	shalt  }
0x85: {  	_ =	shalt  }
0x86: {  	_ =	shalt  }
0x87: {  	_ =	shalt  }
.Lfunc_end0:
.L_simem_size_0:
called_computation.1_lowered:
.L_overlay_start_0:
0x88: {  	s2 =	sld [smem:$0x3FD9]  }
0x89: {  	s3 =	sld [smem:$0x3FFE];
	_ =	sdelay $0x1  }
0x8a: {  	s1 =	srdreg.scid  }
0x8b: {  	s0 =	sand.u32 $0x1, s1  }
0x8c: {  	s17 =	sshll.u32 s0, $0xA;
	s2 =	sadd.s32 s3, s2  }
0x8d: {  	s2 =	sadd.s32 s2, s17  }
0x8e: {  	[smem:$0x3FC6] =	sst s2  }
0x8f: {  	_ = 	snop  }
0x90: {  	s2 =	sld [smem:$0x3FD0];
	(tm) =	ssettm $0x1  }
0x91: {  	s18 =	sld [smem:$0x3FFB];
	_ =	sdelay $0x3  }
0x92: {  	_ =	strace s18  }
0x93: {  	s3 =	sld [smem:$0x3FFC];
	_ =	sdelay $0x3  }
0x94: {  	_ =	strace s3  }
0x95: {  	s3 =	sld [smem:$0x3FFD];
	_ =	sdelay $0x3  }
0x96: {  	_ =	strace s3  }
0x97: {  	_ =	strace $0x8FFFFFFF  }
0x98: {  	s19 =	sld [smem:$0x3FDB];
	_ =	sdelay $0x1  }
0x99: {  	s4 =	simm.s32 $_scs_section_size  }
0x9a: {  	s5 =	simm.s32 $_size__tile_overlayer_lowered;
	s6 =	simm.s32 $_tile_overlayer_lowered  }
0x9b: {  	s22 =	simm.s32 $0x1BFF;
	s21 =	sshll.u32 s6, $0x1;
	s3 =	sadd.s32 s4, s19  }
0x9c: {  	s7 =	simm.s32 $0x0;
	s20 =	sshll.u32 s5, $0x1;
	s5 =	sadd.s32 s21, s3  }
0x9d: {  	[timem:s7], [sflag:s22] =	dma.local [hbm:s5], s20  }
0x9e: {  	_ =	swait.ge [sflag:s22], s20  }
0x9f: {  	s4 =	ssub.s32 $0x0, s20;
	[sflag:s22] =	ssyncset.done $0x0  }
0xa0: {  	[sflag:s22] =	ssyncadd.s32 s4;
	_ =	sdelay $0x1  }
0xa1: {  	s23 =	simm.s32 $0x1B8B  }
0xa2: {  	_ =	swait.ge [sflag:s23], $0x1  }
0xa3: {  	[sflag:s23] =	ssyncset.done $0x0  }
0xa4: {  	s25 =	simm.s32 $0x1B8E;
	s24 =	sld [smem:$0x3FFE];
	[sflag:s23] =	ssyncadd.s32 $0xFFFFFFFF  }
0xa5: {  	s26 =	simm.s32 $execute0_lowered;
	[smem:$0x3FD2] =	sst s25  }
0xa6: {  	s5 =	sshll.u32 s26, $0x1;
	_ =	strace $0x80000049;
	[dreg:$0x1] =	wrdreg $0xFFFFFFFF  }
0xa7: {  	s28 =	simm.s32 $_size_execute0_lowered;
	s3 =	sadd.s32 s3, s5;
	[dreg:$0x0] =	wrdreg $0x0  }
0xa8: {  	s5 =	sshll.u32 s28, $0x1;
	[dreg:$0x2] =	wrdreg s3  }
0xa9: {  	[dreg:$0x3] =	wrdreg s5  }
0xaa: {  	[dreg:$0x4] =	wrdreg $0xC0  }
0xab: {  	_ =	task [dreg:s7], $0x5FFFF  }
0xac: {  	[dreg:$0x1] =	wrdreg $0xFFFFFFFF  }
0xad: {  	[dreg:$0x0] =	wrdreg $0x60  }
0xae: {  	[dreg:$0x2] =	wrdreg s2  }
0xaf: {  	[dreg:$0x3] =	wrdreg s24  }
0xb0: {  	[dreg:$0x4] =	wrdreg $0x9  }
0xb1: {  	_ =	task.clear_ibuf [dreg:s7], $0x5FFFF;
	_ =	strace $0x90000049  }
0xb2: {  	s29 =	simm.s32 $0x9;
	_ =	strace $0x8000004B  }
0xb3: {  	_ =	swait.ge [sflag:s29], $0x1  }
0xb4: {  	[sflag:s29] =	ssyncadd.s32 $0xFFFFFFFF  }
0xb5: {  	_ =	strace $0x9000004B  }
0xb6: {  	_ =	sfence  }
0xb7: {  	s30 =	sld [smem:$0x0];
	_ =	sdelay $0x2  }
0xb8: {  	s31 =	sshll.u32 s1, $0xD;
	s1 =	sshrl.u32 s1, $0x2  }
0xb9: {  	s3 =	sand.u32 $0x4000, s31;
	s1 =	sadd.s32 s1, s30  }
0xba: {  	s0 =	sor.u32 s3, s0;
	s1 =	sshll.u32 s1, $0x11  }
0xbb: {  	s0 =	sor.u32 s1, s0  }
0xbc: {  	s0 =	sadd.s32 $0x8F2B, s0  }
0xbd: {  	[sflag:s0] =	ssyncadd.remote.s32 $0x1  }
0xbe: {  	_ =	sfence.sel $0xFFFF  }
0xbf: {  	[dreg:$0x0] =	wrdreg $0xFFFFFFFF;
	(pc) =	sbr.abs _section_cstart, $3  }
0xc0: {  	[dreg:$0x1] =	wrdreg $0xFFFFFFFF  }
0xc1: {  	_ =	task.clear_ibuf [dreg:s7], $0x2FFFF;
	_ =	strace $0x9FFFFFFF  }
0xc2: {  	(tm) =	ssettm $0x7FFFFFFF  }
0xc3: {  	_ =	shalt  }
tec
execute0_lowered:
.L_overlay_start_1:
0x0: {  	(tag) =	ssettag $0x1  }
0x1: {  	s0 =	srdreg.scid;
	s1 =	stileid.u32  }
0x2: {  	s0 =	sand.u32 $0x1, s0;
	s1 =	sshll.u32 s1, $0x1  }
0x3: {  	s6 =	sor.u32 s0, s1  }
0x4: {  	s7 =	rddreg [dreg:$0x0];
	s2 =	ssub.s32 $0x2, s0;
	s9 =	sshll.u32 s6, $0xE  }
0x5: {  	s0 =	rddreg [dreg:$0x1];
	s25 =	sshrl.u32 s2, $0x1;
	s26 =	sor.u32 $0x80000, s9  }
0x6: {  	s8 =	sadd.s32 $0x1C00, s0;
	s28 =	sor.u32 $0x100000, s9;
	s3 =	sadd.s32 s7, s26  }
0x7: {  	s10 =	sor.u32 $0x180000, s9;
	s4 =	sadd.s32 s7, s28;
	[dreg:$0x3] =	wrdreg s3  }
0x8: {  	s5 =	ssub.s32 s2, s25;
	s11 =	sadd.s32 s7, s10;
	[dreg:$0x4] =	wrdreg s4  }
0x9: {  	s31 =	sor.u32 $0x80800, s9;
	s2 =	sadd.s32 s8, s26;
	[dreg:$0x5] =	wrdreg s11  }
0xa: {  	s13 =	sadd.s32 s7, s31;
	[dreg:$0x6] =	wrdreg s2  }
0xb: {  	s14 =	sor.u32 $0x100800, s9;
	s10 =	sadd.s32 s8, s10;
	[dreg:$0x9] =	wrdreg s13  }
0xc: {  	s16 =	sor.u32 $0x180800, s9;
	s15 =	sadd.s32 s7, s14;
	[dreg:$0xa] =	wrdreg s10  }
0xd: {  	s17 =	sadd.s32 s7, s16;
	[dreg:$0xb] =	wrdreg s15  }
0xe: {  	s1 =	sshll.u32 s6, $0x7;
	s20 =	sadd.s32 s8, s14;
	[dreg:$0xd] =	wrdreg s17  }
0xf: {  	s22 =	sor.u32 $0x81000, s9;
	s21 =	sadd.s32 s8, s16;
	[dreg:$0x10] =	wrdreg s20  }
0x10: {  	s24 =	sor.u32 $0x101000, s9;
	s23 =	sadd.s32 s7, s22;
	[dreg:$0x11] =	wrdreg s21  }
0x11: {  	s12 =	sor.u32 $0x20, s1;
	s25 =	sadd.s32 s7, s24;
	[dreg:$0x13] =	wrdreg s23  }
0x12: {  	s18 =	sshll.u32 s12, $0x7;
	s3 =	sadd.s32 s8, s28;
	[dreg:$0x15] =	wrdreg s25  }
0x13: {  	s26 =	sor.u32 $0x181000, s9;
	s19 =	sadd.s32 s7, s18;
	[dreg:$0x8] =	wrdreg s3  }
0x14: {  	s28 =	sadd.s32 s7, s26;
	[dreg:$0xf] =	wrdreg s19  }
0x15: {  	s11 =	sor.u32 $0x101800, s9;
	s3 =	sadd.s32 s8, s31;
	[dreg:$0x17] =	wrdreg s28  }
0x16: {  	s4 =	sor.u32 $0x10, s1;
	s14 =	sadd.s32 s7, s11;
	[dreg:$0xe] =	wrdreg s3  }
0x17: {  	s29 =	sshll.u32 s4, $0x7;
	s15 =	sadd.s32 s8, s11;
	[dreg:$0x1d] =	wrdreg s14  }
0x18: {  	s30 =	sadd.s32 s7, s29;
	[dreg:$0x1e] =	wrdreg s15  }
0x19: {  	s2 =	sadd.s32 s8, s29;
	[dreg:$0x7] =	wrdreg s30  }
0x1a: {  	s31 =	sor.u32 $0x81800, s9;
	s3 =	sadd.s32 s8, s26;
	[dreg:$0xc] =	wrdreg s2  }
0x1b: {  	s10 =	sadd.s32 s7, s31;
	[dreg:$0x18] =	wrdreg s3  }
0x1c: {  	s23 =	sor.u32 $0x30, s1;
	s13 =	sadd.s32 s8, s31;
	[dreg:$0x1b] =	wrdreg s10  }
0x1d: {  	s29 =	sshll.u32 s23, $0x7;
	s2 =	sadd.s32 s8, s18;
	[dreg:$0x1c] =	wrdreg s13  }
0x1e: {  	s16 =	sor.u32 $0x181800, s9;
	s30 =	sadd.s32 s7, s29;
	[dreg:$0x12] =	wrdreg s2  }
0x1f: {  	s18 =	sadd.s32 s7, s16;
	[dreg:$0x19] =	wrdreg s30  }
0x20: {  	s11 =	sor.u32 $0x82800, s9;
	s3 =	sadd.s32 s8, s16;
	[dreg:$0x1f] =	wrdreg s18  }
0x21: {  	s15 =	sor.u32 $0x102800, s9;
	s13 =	sadd.s32 s7, s11;
	[smem:$0x7D6] =	sst s3  }
0x22: {  	s16 =	sadd.s32 s7, s15;
	[smem:$0x7E1] =	sst s13  }
0x23: {  	s21 =	sor.u32 $0x82000, s9;
	s2 =	sadd.s32 s8, s22;
	[smem:$0x7E3] =	sst s16  }
0x24: {  	s3 =	sadd.s32 s8, s21;
	[dreg:$0x14] =	wrdreg s2  }
0x25: {  	s16 =	sadd.s32 s7, s9;
	[smem:$0x7DA] =	sst s3  }
0x26: {  	s2 =	sadd.s32 s8, s24;
	[smem:$0x7F1] =	sst s16  }
0x27: {  	s22 =	sor.u32 $0x102000, s9;
	s24 =	sadd.s32 s7, s21;
	[dreg:$0x16] =	wrdreg s2  }
0x28: {  	s28 =	sor.u32 $0x182000, s9;
	s25 =	sadd.s32 s7, s22;
	[smem:$0x7D9] =	sst s24  }
0x29: {  	s14 =	sor.u32 $0x50, s1;
	s26 =	sadd.s32 s8, s22;
	[smem:$0x7DB] =	sst s25  }
0x2a: {  	s30 =	sshll.u32 s14, $0x7;
	s3 =	sadd.s32 s8, s28;
	[smem:$0x7DC] =	sst s26  }
0x2b: {  	s31 =	sadd.s32 s7, s30;
	[smem:$0x7DE] =	sst s3  }
0x2c: {  	s2 =	sadd.s32 s8, s29;
	[smem:$0x7DF] =	sst s31  }
0x2d: {  	s29 =	sadd.s32 s7, s28;
	[dreg:$0x1a] =	wrdreg s2  }
0x2e: {  	s21 =	sor.u32 $0x83000, s9;
	s3 =	sadd.s32 s8, s30;
	[smem:$0x7DD] =	sst s29  }
0x2f: {  	s24 =	sadd.s32 s7, s21;
	[smem:$0x7E0] =	sst s3  }
0x30: {  	s26 =	sadd.s32 s8, s21;
	[smem:$0x7E9] =	sst s24  }
0x31: {  	s25 =	sor.u32 $0x103000, s9;
	s3 =	sadd.s32 s8, s11;
	[smem:$0x7EA] =	sst s26  }
0x32: {  	s28 =	sadd.s32 s7, s25;
	[smem:$0x7E2] =	sst s3  }
0x33: {  	s30 =	sor.u32 $0x183000, s9;
	s29 =	sadd.s32 s8, s25;
	[smem:$0x7EB] =	sst s28  }
0x34: {  	s2 =	sor.u32 $0x40, s1;
	s13 =	sadd.s32 s7, s30;
	[smem:$0x7EC] =	sst s29  }
0x35: {  	s17 =	sshll.u32 s2, $0x7;
	s3 =	sadd.s32 s8, s15;
	[smem:$0x7ED] =	sst s13  }
0x36: {  	s19 =	sadd.s32 s7, s17;
	[smem:$0x7E4] =	sst s3  }
0x37: {  	s20 =	sadd.s32 s8, s17;
	s17 =	sor.u32 $0x182800, s9;
	[smem:$0x7D7] =	sst s19  }
0x38: {  	s22 =	sor.u32 $0x60, s1;
	[smem:$0x7D8] =	sst s20;
	s18 =	sadd.s32 s7, s17  }
0x39: {  	s19 =	sshll.u32 s22, $0x7;
	s10 =	sadd.s32 s8, s17;
	[smem:$0x7E5] =	sst s18  }
0x3a: {  	[smem:$0x7E6] =	sst s10;
	s20 =	sadd.s32 s7, s19  }
0x3b: {  	s3 =	sadd.s32 s8, s19;
	[smem:$0x7E7] =	sst s20  }
0x3c: {  	s10 =	sadd.s32 s8, s30;
	[smem:$0x7E8] =	sst s3  }
0x3d: {  	s17 =	sor.u32 $0x83800, s9;
	s18 =	sadd.s32 s8, s9;
	[smem:$0x7EE] =	sst s10  }
0x3e: {  	p0 =	seq.s32 s6, $0x1F;
	s24 =	sadd.s32 s8, s17;
	[smem:$0x7F2] =	sst s18  }
0x3f: {  	s19 =	sor.u32 $0x103800, s9;
	s20 =	sadd.s32 s7, s17;
	[smem:$0x7F6] =	sst s24  }
0x40: {  	p1 =	sne.s32 s6, $0x0;
	s21 =	sadd.s32 s7, s19;
	[smem:$0x7F3] =	sst s20  }
0x41: {  	s9 =	sor.u32 $0x183800, s9;
	s25 =	sadd.s32 s8, s19;
	[smem:$0x7F4] =	sst s21  }
0x42: {  	s3 =	sor.u32 $0x70, s1;
	s26 =	sadd.s32 s8, s9;
	[smem:$0x7F7] =	sst s25  }
0x43: {  	s19 =	simm.s32 $0x0;
	s31 =	sshll.u32 s3, $0x7;
	[smem:$0x7F8] =	sst s26  }
0x44: {  	p2 =	sne.s32 s6, $0x1F;
	[smem:$0x7FF] =	sst s19;
	s13 =	sadd.s32 s7, s31  }
0x45: {  	s11 =	simm.s32 $0x4;
	s15 =	sadd.s32 s8, s31;
	[smem:$0x7EF] =	sst s13  }
0x46: {  	s28 =	sadd.s32 $0xA00, s0;
	s7 =	sadd.s32 s7, s9;
	[smem:$0x7F0] =	sst s15  }
0x47: {  	s29 =	sadd.s32 $0xA80, s0;
	s30 =	sadd.s32 $0x1280, s0;
	[smem:$0x7F5] =	sst s7  }
0x48: {  	s0 =	sadd.s32 $0x1A00, s0;
	_ =	strace $0x8000004A;
	[smem:$0x7F9] =	sst s28  }
0x49: {  	s10 =	simm.s32 $0x6;
	s31 =	smax.u32 s5, $0x1;
	[smem:$0x7FA] =	sst s29  }
0x4a: {  	s8 =	simm.s32 $0xC800;
	s9 =	simm.s32 $0x3;
	[smem:$0x7FB] =	sst s30  }
0x4b: {  	s5 =	simm.s32 $0x0;
	s7 =	simm.s32 $0x8800;
	[smem:$0x7FC] =	sst s0  }
0x4c: {  	s13 =	simm.s32 $0x7;
	s15 =	simm.s32 $0x8;
	[smem:$0x7FD] =	sst s31  }
.LBB2_1:
0x4d: {  	s0 =	sld [smem:$0x7FA];
	_ =	sdelay $0x1  }
0x4e: {  	[smem:$0x7D5] =	sst s5;
	s28 =	simm.s32 $0x9  }
0x4f: {  	[tilespmem:s7], [sflag:$0x9] =	stream.linear.gather [hbm4b:s0+s19], $0x4000, $0x38;
	[tilespmem:$0x18800] =	vst v63  }
0x50: {  	_ =	swait.ge [sflag:s28], $0x4000  }
0x51: {  	s29 =	sld [smem:$0x7FB]  }
0x52: {  	[sflag:s28] =	ssyncset.done $0x0  }
0x53: {  	[sflag:s28] =	ssyncadd.s32 $0xFFFFC000  }
0x54: {  	[tilespmem:s8], [sflag:$0x9] =	stream.linear.gather [hbm4b:s29+s19], $0x4000, $0x38;
	[tilespmem:$0x18800] =	vst v63  }
0x55: {  	_ =	swait.ge [sflag:s28], $0x4000  }
0x56: {  	s30 =	sld [smem:$0x7F9]  }
0x57: {  	[sflag:s28] =	ssyncset.done $0x0  }
0x58: {  	[sflag:s28] =	ssyncadd.s32 $0xFFFFC000  }
0x59: {  	[tilespmem:s19], [sflag:$0x9] =	stream.linear.gather [hbm4b:s30+s19], $0x400, $0x38;
	[tilespmem:$0x18800] =	vst v63  }
0x5a: {  	_ =	swait.ge [sflag:s28], $0x400  }
0x5b: {  	s31 =	sld [smem:$0x7FC]  }
0x5c: {  	[sflag:s28] =	ssyncset.done $0x0  }
0x5d: {  	s6 =	simm.s32 $0x400;
	[sflag:s28] =	ssyncadd.s32 $0xFFFFFC00  }
0x5e: {  	[tilespmem:s6], [sflag:$0x9] =	stream.linear.gather [hbm4b:s31+s19], $0x400, $0x38;
	[tilespmem:$0x18800] =	vst v63  }
0x5f: {  	_ =	swait.ge [sflag:s28], $0x400  }
0x60: {  	p3 =	por $0x0, $0x0;
	s17 =	simm.s32 $0x0;
	[sflag:s28] =	ssyncset.done $0x0  }
0x61: {  	s18 =	simm.s32 $0x0;
	s20 =	simm.s32 $0x0;
	[sflag:s28] =	ssyncadd.s32 $0xFFFFFC00  }
.LBB2_2:
0x62: {  	s5 =	sshll.u32 s20, $0x2;
	s6 =	simm.s32 $0x1;
	v0 =	vld [tilespmem:s20+$0x8800];
	s16 =	sand.u32 $0x7, s18  }
0x63: {  	s21 =	sand.u32 $0x3, s17;
	v1 =	vld [tilespmem:s20+$0xC800];
	s5 =	sand.u32 $0xFFFFFE00, s5;
	s6 =	simm.s32 @!p3 $0x0  }
0x64: {  	s16 =	sshll.u32 s16, $0x6;
	s21 =	sshll.u32 s21, $0x7;
	s6 =	sshll.u32 s6, $0x8  }
0x65: {  	s16 =	sor.u32 s16, s5;
	s21 =	sor.u32 s21, s5;
	s5 =	sor.u32 s6, s5  }
0x66: {  	s5 =	sshrl.u32 s5, $0x2  }
0x67: {  	s24 =	sadd.s32 $0x8800, s5  }
0x68: {  	v0 =	vadd.f32 v1, v0;
	v1 =	vmov s24;
	_ =	sdelay $0x2  }
0x69: {  	s26 =	simm.s32 $0x400;
	s30 =	sshrl.u32 s16, $0x2;
	s31 =	sshrl.u32 s21, $0x2  }
0x6a: {  	s6 =	sand.u32 $0x40, s20;
	s21 =	sadd.s32 $0x8C30, s30;
	s25 =	sadd.s32 $0x8C20, s31  }
0x6b: {  	s16 =	sadd.s32 $0x8C10, s30;
	s5 =	sand.u32 $0x380, s20;
	s24 =	simm.s32 $0x2000;
	v2 =	vld.idx.msk [tilespmem:v1+s26+$0x0 ss:$0x1], $0xffff  }
.LBB2_3:
0x6c: {  	p4 =	seq.s32 s24, $0xF000  }
.Ltmp0:
0x6d: {  	_ = 	snop;
	(pc) =	sbr.rel @!p4 .LBB2_3-.Ltmp0, $3  }
0x6e: {  	_ =	sdelay $0x1  }
0x6f: {  	s26 =	sshra.s32 s24, $0x2;
	s24 =	sadd.s32 $0x1000, s24  }
0x70: {  	v0 =	vadd.f32 v2, v0;
	v2 =	vld.idx.msk [tilespmem:v1+s26+$0x0 ss:$0x1], $0xffff  }
0x71: {  	s24 =	sor.u32 $0xC800, s5  }
0x72: {  	s5 =	sadd.s32 s6, s24  }
0x73: {  	v1 =	vld [tilespmem:s5+$0x400];
	_ =	sdelay $0x1  }
0x74: {  	v0 =	vadd.f32 v2, v0;
	v2 =	vld [tilespmem:s5+$0x800];
	_ =	sdelay $0x1  }
0x75: {  	v3 =	vld [tilespmem:s5+$0xC00]  }
0x76: {  	v0 =	vadd.f32 v1, v0  }
0x77: {  	v1 =	vld [tilespmem:s5+$0x1000]  }
0x78: {  	v0 =	vadd.f32 v2, v0  }
0x79: {  	v2 =	vld [tilespmem:s5+$0x1400]  }
0x7a: {  	v0 =	vadd.f32 v3, v0  }
0x7b: {  	v3 =	vld [tilespmem:s5+$0x1800]  }
0x7c: {  	v0 =	vadd.f32 v1, v0  }
0x7d: {  	v1 =	vld [tilespmem:s5+$0x1C00]  }
0x7e: {  	v0 =	vadd.f32 v2, v0  }
0x7f: {  	v2 =	vld [tilespmem:s5+$0x2000]  }
0x80: {  	v0 =	vadd.f32 v3, v0  }
0x81: {  	v3 =	vld [tilespmem:s5+$0x2400]  }
0x82: {  	v0 =	vadd.f32 v1, v0  }
0x83: {  	v1 =	vld [tilespmem:s5+$0x2800]  }
0x84: {  	v0 =	vadd.f32 v2, v0  }
0x85: {  	v2 =	vld [tilespmem:s5+$0x2C00]  }
0x86: {  	v0 =	vadd.f32 v3, v0  }
0x87: {  	v3 =	vld [tilespmem:s5+$0x3000]  }
0x88: {  	v0 =	vadd.f32 v1, v0  }
0x89: {  	v1 =	vld [tilespmem:s5+$0x3400]  }
0x8a: {  	v0 =	vadd.f32 v2, v0  }
0x8b: {  	v2 =	vld [tilespmem:s5+$0x3800]  }
0x8c: {  	v0 =	vadd.f32 v3, v0;
	_ =	sdelay $0x1  }
0x8d: {  	v3 =	vld [tilespmem:s20+$0xC810];
	v0 =	vadd.f32 v1, v0  }
0x8e: {  	v1 =	vld [tilespmem:s20+$0x8810]  }
0x8f: {  	v0 =	vadd.f32 v2, v0;
	_ =	sdelay $0x1  }
0x90: {  	v0 =	vmul.f32 $2.441406250e-04, v0;
	_ =	sdelay $0x1  }
0x91: {  	[tilespmem:s20+$0x800] =	vst v0;
	v0 =	vadd.f32 v3, v1;
	v1 =	vmov s16;
	_ =	sdelay $0x3  }
0x92: {  	s26 =	sor.u32 $0x10, s20;
	s31 =	simm.s32 $0x0  }
0x93: {  	s6 =	simm.s32 $0x1000;
	s5 =	sand.u32 $0x50, s26;
	v2 =	vld.idx.msk [tilespmem:v1+s31+$0x0 ss:$0x1], $0xffff  }
.LBB2_5:
0x94: {  	p4 =	seq.s32 s6, $0xE000  }
.Ltmp1:
0x95: {  	_ = 	snop;
	(pc) =	sbr.rel @!p4 .LBB2_5-.Ltmp1, $3  }
0x96: {  	_ =	sdelay $0x1  }
0x97: {  	s16 =	sshra.s32 s6, $0x2;
	s6 =	sadd.s32 $0x1000, s6  }
0x98: {  	v0 =	vadd.f32 v2, v0;
	v2 =	vld.idx.msk [tilespmem:v1+s16+$0x0 ss:$0x1], $0xffff  }
0x99: {  	_ = 	snop  }
0x9a: {  	s5 =	sadd.s32 s5, s24  }
0x9b: {  	v1 =	vld [tilespmem:s5+$0x400];
	_ =	sdelay $0x1  }
0x9c: {  	v0 =	vadd.f32 v2, v0;
	v2 =	vld [tilespmem:s5+$0x800];
	_ =	sdelay $0x1  }
0x9d: {  	v3 =	vld [tilespmem:s5+$0xC00]  }
0x9e: {  	v0 =	vadd.f32 v1, v0  }
0x9f: {  	v1 =	vld [tilespmem:s5+$0x1000]  }
0xa0: {  	v0 =	vadd.f32 v2, v0  }
0xa1: {  	v2 =	vld [tilespmem:s5+$0x1400]  }
0xa2: {  	v0 =	vadd.f32 v3, v0  }
0xa3: {  	v3 =	vld [tilespmem:s5+$0x1800]  }
0xa4: {  	v0 =	vadd.f32 v1, v0  }
0xa5: {  	v1 =	vld [tilespmem:s5+$0x1C00]  }
0xa6: {  	v0 =	vadd.f32 v2, v0  }
0xa7: {  	v2 =	vld [tilespmem:s5+$0x2000]  }
0xa8: {  	v0 =	vadd.f32 v3, v0  }
0xa9: {  	v3 =	vld [tilespmem:s5+$0x2400]  }
0xaa: {  	v0 =	vadd.f32 v1, v0  }
0xab: {  	v1 =	vld [tilespmem:s5+$0x2800]  }
0xac: {  	v0 =	vadd.f32 v2, v0  }
0xad: {  	v2 =	vld [tilespmem:s5+$0x2C00]  }
0xae: {  	v0 =	vadd.f32 v3, v0  }
0xaf: {  	v3 =	vld [tilespmem:s5+$0x3000]  }
0xb0: {  	v0 =	vadd.f32 v1, v0  }
0xb1: {  	v1 =	vld [tilespmem:s5+$0x3400]  }
0xb2: {  	v0 =	vadd.f32 v2, v0  }
0xb3: {  	v2 =	vld [tilespmem:s5+$0x3800]  }
0xb4: {  	v0 =	vadd.f32 v3, v0;
	_ =	sdelay $0x1  }
0xb5: {  	v3 =	vld [tilespmem:s20+$0xC820];
	v0 =	vadd.f32 v1, v0  }
0xb6: {  	v1 =	vld [tilespmem:s20+$0x8820]  }
0xb7: {  	v0 =	vadd.f32 v2, v0;
	_ =	sdelay $0x1  }
0xb8: {  	v0 =	vmul.f32 $2.441406250e-04, v0;
	_ =	sdelay $0x1  }
0xb9: {  	[tilespmem:s26+$0x800] =	vst v0;
	v0 =	vadd.f32 v3, v1;
	v1 =	vmov s25;
	_ =	sdelay $0x3  }
0xba: {  	s16 =	sor.u32 $0x20, s20;
	s31 =	simm.s32 $0x0  }
0xbb: {  	s6 =	simm.s32 $0x1000;
	s5 =	sand.u32 $0x60, s16;
	v2 =	vld.idx.msk [tilespmem:v1+s31+$0x0 ss:$0x1], $0xffff  }
.LBB2_7:
0xbc: {  	p4 =	seq.s32 s6, $0xE000  }
.Ltmp2:
0xbd: {  	_ = 	snop;
	(pc) =	sbr.rel @!p4 .LBB2_7-.Ltmp2, $3  }
0xbe: {  	_ =	sdelay $0x1  }
0xbf: {  	s25 =	sshra.s32 s6, $0x2;
	s6 =	sadd.s32 $0x1000, s6  }
0xc0: {  	v0 =	vadd.f32 v2, v0;
	v2 =	vld.idx.msk [tilespmem:v1+s25+$0x0 ss:$0x1], $0xffff  }
0xc1: {  	_ = 	snop  }
0xc2: {  	s5 =	sadd.s32 s5, s24  }
0xc3: {  	v1 =	vld [tilespmem:s5+$0x400];
	_ =	sdelay $0x1  }
0xc4: {  	v0 =	vadd.f32 v2, v0;
	v2 =	vld [tilespmem:s5+$0x800];
	_ =	sdelay $0x1  }
0xc5: {  	v3 =	vld [tilespmem:s5+$0xC00]  }
0xc6: {  	v0 =	vadd.f32 v1, v0  }
0xc7: {  	v1 =	vld [tilespmem:s5+$0x1000]  }
0xc8: {  	v0 =	vadd.f32 v2, v0  }
0xc9: {  	v2 =	vld [tilespmem:s5+$0x1400]  }
0xca: {  	v0 =	vadd.f32 v3, v0  }
0xcb: {  	v3 =	vld [tilespmem:s5+$0x1800]  }
0xcc: {  	v0 =	vadd.f32 v1, v0  }
0xcd: {  	v1 =	vld [tilespmem:s5+$0x1C00]  }
0xce: {  	v0 =	vadd.f32 v2, v0  }
0xcf: {  	v2 =	vld [tilespmem:s5+$0x2000]  }
0xd0: {  	v0 =	vadd.f32 v3, v0  }
0xd1: {  	v3 =	vld [tilespmem:s5+$0x2400]  }
0xd2: {  	v0 =	vadd.f32 v1, v0  }
0xd3: {  	v1 =	vld [tilespmem:s5+$0x2800]  }
0xd4: {  	v0 =	vadd.f32 v2, v0  }
0xd5: {  	v2 =	vld [tilespmem:s5+$0x2C00]  }
0xd6: {  	v0 =	vadd.f32 v3, v0  }
0xd7: {  	v3 =	vld [tilespmem:s5+$0x3000]  }
0xd8: {  	v0 =	vadd.f32 v1, v0  }
0xd9: {  	v1 =	vld [tilespmem:s5+$0x3400]  }
0xda: {  	v0 =	vadd.f32 v2, v0  }
0xdb: {  	v2 =	vld [tilespmem:s5+$0x3800]  }
0xdc: {  	v0 =	vadd.f32 v3, v0;
	_ =	sdelay $0x1  }
0xdd: {  	v3 =	vld [tilespmem:s20+$0xC830];
	v0 =	vadd.f32 v1, v0  }
0xde: {  	v1 =	vld [tilespmem:s20+$0x8830]  }
0xdf: {  	v0 =	vadd.f32 v2, v0;
	_ =	sdelay $0x1  }
0xe0: {  	v0 =	vmul.f32 $2.441406250e-04, v0;
	_ =	sdelay $0x1  }
0xe1: {  	[tilespmem:s16+$0x800] =	vst v0;
	v0 =	vadd.f32 v3, v1;
	v1 =	vmov s21;
	_ =	sdelay $0x3  }
0xe2: {  	s25 =	sor.u32 $0x30, s20;
	s31 =	simm.s32 $0x0  }
0xe3: {  	s6 =	simm.s32 $0x1000;
	s5 =	sand.u32 $0x70, s25;
	v2 =	vld.idx.msk [tilespmem:v1+s31+$0x0 ss:$0x1], $0xffff  }
.LBB2_9:
0xe4: {  	p4 =	seq.s32 s6, $0xE000  }
.Ltmp3:
0xe5: {  	_ = 	snop;
	(pc) =	sbr.rel @!p4 .LBB2_9-.Ltmp3, $3  }
0xe6: {  	_ =	sdelay $0x1  }
0xe7: {  	s16 =	sshra.s32 s6, $0x2;
	s6 =	sadd.s32 $0x1000, s6  }
0xe8: {  	v0 =	vadd.f32 v2, v0;
	v2 =	vld.idx.msk [tilespmem:v1+s16+$0x0 ss:$0x1], $0xffff  }
0xe9: {  	s5 =	sadd.s32 s5, s24  }
0xea: {  	v1 =	vld [tilespmem:s5+$0x400];
	_ =	sdelay $0x1  }
0xeb: {  	v52 =	vld [tilespmem:s5+$0x800]  }
0xec: {  	v0 =	vadd.f32 v2, v0  }
0xed: {  	v3 =	vld [tilespmem:s5+$0xC00]  }
0xee: {  	v0 =	vadd.f32 v1, v0  }
0xef: {  	v53 =	vld [tilespmem:s5+$0x1000]  }
0xf0: {  	v0 =	vadd.f32 v52, v0  }
0xf1: {  	v54 =	vld [tilespmem:s5+$0x1400]  }
0xf2: {  	v0 =	vadd.f32 v3, v0  }
0xf3: {  	v55 =	vld [tilespmem:s5+$0x1800]  }
0xf4: {  	v0 =	vadd.f32 v53, v0  }
0xf5: {  	v56 =	vld [tilespmem:s5+$0x1C00]  }
0xf6: {  	v0 =	vadd.f32 v54, v0  }
0xf7: {  	v57 =	vld [tilespmem:s5+$0x2000]  }
0xf8: {  	v0 =	vadd.f32 v55, v0  }
0xf9: {  	v58 =	vld [tilespmem:s5+$0x2400]  }
0xfa: {  	v0 =	vadd.f32 v56, v0  }
0xfb: {  	v59 =	vld [tilespmem:s5+$0x2800]  }
0xfc: {  	v0 =	vadd.f32 v57, v0  }
0xfd: {  	v60 =	vld [tilespmem:s5+$0x2C00]  }
0xfe: {  	v0 =	vadd.f32 v58, v0  }
0xff: {  	v61 =	vld [tilespmem:s5+$0x3000]  }
0x100: {  	v0 =	vadd.f32 v59, v0  }
0x101: {  	v62 =	vld [tilespmem:s5+$0x3400]  }
0x102: {  	v0 =	vadd.f32 v60, v0  }
0x103: {  	v63 =	vld [tilespmem:s5+$0x3800]  }
0x104: {  	v0 =	vadd.f32 v61, v0;
	_ =	sdelay $0x1  }
0x105: {  	v0 =	vadd.f32 v62, v0  }
0x106: {  	p4 =	slt.u32 s20, $0x3C0  }
.Ltmp4:
0x107: {  	v0 =	vadd.f32 v63, v0;
	(pc) =	sbr.rel @p4 .LBB2_2-.Ltmp4, $4  }
0x108: {  	_ = 	snop  }
0x109: {  	v0 =	vmul.f32 $2.441406250e-04, v0  }
0x10a: {  	s31 =	sadd.s32 $0x40, s20;
	p3 =	por !p3, !p3  }
0x10b: {  	s18 =	sadd.s32 $0x4, s18;
	s17 =	sadd.s32 $0x2, s17;
	s20 =	smov.u32 s31;
	[tilespmem:s25+$0x800] =	vst v0  }
.Ltmp5:
0x10c: {  	(pc) =	sbr.rel @p0 .LBB2_23-.Ltmp5, $1  }
0x10d: {  	_ =	sdelay $0x3  }
.Ltmp6:
0x10e: {  	(pc) =	sbr.rel @p1 .LBB2_31-.Ltmp6, $2  }
0x10f: {  	_ =	sdelay $0x2  }
0x110: {  	s17 =	simm.s32 $0x0  }
.LBB2_13:
0x111: {  	s16 =	sand.u32 $0x40, s17  }
0x112: {  	s5 =	sor.u32 $0x3800, s16  }
0x113: {  	v0 =	vmov s5;
	_ =	sdelay $0x2  }
0x114: {  	s31 =	sadd.s32 $0x0, s17  }
0x115: {  	s5 =	sand.u32 $0xFFFFFF80, s31  }
0x116: {  	v2 =	vld.idx.msk [tilespmem:v0+s5+$0xC800 ss:$0x1], $0xffff  }
0x117: {  	v1 =	vimm.f32 $0.0e+00;
	s6 =	simm.s32 $0xFFFFFC00  }
.LBB2_14:
0x118: {  	p3 =	seq.s32 s6, $0xFFFFC800  }
.Ltmp7:
0x119: {  	s18 =	sadd.s32 s6, s17;
	s6 =	sadd.s32 $0xFFFFFC00, s6;
	(pc) =	sbr.rel @!p3 .LBB2_14-.Ltmp7, $3  }
0x11a: {  	s18 =	sand.u32 $0xFFFFFF80, s18  }
0x11b: {  	v1 =	vadd.f32 v2, v1;
	v2 =	vld.idx.msk [tilespmem:v0+s18+$0xC800 ss:$0x1], $0xffff;
	_ =	sdelay $0x1  }
0x11c: {  	[tilespmem:v0+s5+$0xC00 ss:$0x1] =	vst.idx.msk $0xffff, v1;
	s5 =	smov.u32 s18  }
0x11d: {  	_ =	sdelay $0x1  }
0x11e: {  	v1 =	vadd.f32 v2, v1  }
0x11f: {  	s30 =	sor.u32 $0x3810, s16  }
0x120: {  	[tilespmem:v0+s5+$0xC00 ss:$0x1] =	vst.idx.msk $0xffff, v1;
	v0 =	vmov s30;
	_ =	sdelay $0x2  }
0x121: {  	s31 =	sadd.s32 $0x0, s17  }
0x122: {  	s5 =	sand.u32 $0xFFFFFF80, s31  }
0x123: {  	v2 =	vld.idx.msk [tilespmem:v0+s5+$0xC800 ss:$0x1], $0xffff  }
0x124: {  	s6 =	simm.s32 $0xFFFFFC00;
	v1 =	vimm.f32 $0.0e+00  }
.LBB2_16:
0x125: {  	p3 =	seq.s32 s6, $0xFFFFC800  }
.Ltmp8:
0x126: {  	s18 =	sadd.s32 s6, s17;
	s6 =	sadd.s32 $0xFFFFFC00, s6;
	(pc) =	sbr.rel @!p3 .LBB2_16-.Ltmp8, $3  }
0x127: {  	s18 =	sand.u32 $0xFFFFFF80, s18  }
0x128: {  	v1 =	vadd.f32 v2, v1;
	v2 =	vld.idx.msk [tilespmem:v0+s18+$0xC800 ss:$0x1], $0xffff;
	_ =	sdelay $0x1  }
0x129: {  	[tilespmem:v0+s5+$0xC00 ss:$0x1] =	vst.idx.msk $0xffff, v1;
	s5 =	smov.u32 s18  }
0x12a: {  	_ =	sdelay $0x1  }
0x12b: {  	v1 =	vadd.f32 v2, v1  }
0x12c: {  	s30 =	sor.u32 $0x3820, s16  }
0x12d: {  	[tilespmem:v0+s5+$0xC00 ss:$0x1] =	vst.idx.msk $0xffff, v1;
	v0 =	vmov s30;
	_ =	sdelay $0x2  }
0x12e: {  	s31 =	sadd.s32 $0x0, s17  }
0x12f: {  	s5 =	sand.u32 $0xFFFFFF80, s31  }
0x130: {  	v2 =	vld.idx.msk [tilespmem:v0+s5+$0xC800 ss:$0x1], $0xffff  }
0x131: {  	s6 =	simm.s32 $0xFFFFFC00;
	v1 =	vimm.f32 $0.0e+00  }
.LBB2_18:
0x132: {  	p3 =	seq.s32 s6, $0xFFFFC800  }
.Ltmp9:
0x133: {  	s18 =	sadd.s32 s6, s17;
	s6 =	sadd.s32 $0xFFFFFC00, s6;
	(pc) =	sbr.rel @!p3 .LBB2_18-.Ltmp9, $3  }
0x134: {  	s18 =	sand.u32 $0xFFFFFF80, s18  }
0x135: {  	v1 =	vadd.f32 v2, v1;
	v2 =	vld.idx.msk [tilespmem:v0+s18+$0xC800 ss:$0x1], $0xffff;
	_ =	sdelay $0x1  }
0x136: {  	[tilespmem:v0+s5+$0xC00 ss:$0x1] =	vst.idx.msk $0xffff, v1;
	s5 =	smov.u32 s18  }
0x137: {  	_ =	sdelay $0x1  }
0x138: {  	v1 =	vadd.f32 v2, v1  }
0x139: {  	s30 =	sor.u32 $0x3830, s16  }
0x13a: {  	[tilespmem:v0+s5+$0xC00 ss:$0x1] =	vst.idx.msk $0xffff, v1;
	v0 =	vmov s30;
	_ =	sdelay $0x2  }
0x13b: {  	s31 =	sadd.s32 $0x0, s17  }
0x13c: {  	s5 =	sand.u32 $0xFFFFFF80, s31  }
0x13d: {  	v2 =	vld.idx.msk [tilespmem:v0+s5+$0xC800 ss:$0x1], $0xffff;
	_ =	sdelay $0x3  }
0x13e: {  	v1 =	vimm.f32 $0.0e+00  }
0x13f: {  	v1 =	vadd.f32 v2, v1  }
0x140: {  	s16 =	sadd.s32 $0xFFFFFC00, s17;
	s6 =	simm.s32 $0xFFFFF800  }
.LBB2_20:
0x141: {  	p3 =	sne.s32 s6, $0xFFFFC800;
	[tilespmem:v0+s5+$0xC00 ss:$0x1] =	vst.idx.msk $0xffff, v1;
	s5 =	sand.u32 $0xFFFFFF80, s16  }
0x142: {  	v2 =	vld.idx.msk [tilespmem:v0+s5+$0xC800 ss:$0x1], $0xffff;
	_ =	sdelay $0x2  }
.Ltmp10:
0x143: {  	(pc) =	sbr.rel @p3 .LBB2_20-.Ltmp10, $3  }
0x144: {  	_ =	sdelay $0x1  }
0x145: {  	v1 =	vadd.f32 v2, v1  }
0x146: {  	s16 =	sadd.s32 s6, s17;
	s6 =	sadd.s32 $0xFFFFFC00, s6  }
0x147: {  	_ =	sdelay $0x3  }
0x148: {  	s6 =	sand.u32 $0xFFFFFF80, s16;
	[tilespmem:v0+s5+$0xC00 ss:$0x1] =	vst.idx.msk $0xffff, v1  }
0x149: {  	v2 =	vld.idx.msk [tilespmem:v0+s6+$0xC800 ss:$0x1], $0xffff;
	_ =	sdelay $0x1  }
0x14a: {  	p3 =	slt.u32 s17, $0x3C0  }
.Ltmp11:
0x14b: {  	_ = 	snop;
	(pc) =	sbr.rel @p3 .LBB2_13-.Ltmp11, $4  }
0x14c: {  	_ = 	snop  }
0x14d: {  	v63 =	vadd.f32 v2, v1  }
0x14e: {  	s31 =	sadd.s32 $0x40, s17  }
0x14f: {  	s17 =	smov.u32 s31;
	[tilespmem:v0+s6+$0xC00 ss:$0x1] =	vst.idx.msk $0xffff, v63  }
.Ltmp12:
0x150: {  	(pc) =	sbr.rel @p2 .LBB2_31-.Ltmp12, $1  }
0x151: {  	_ =	sdelay $0x3  }
.LBB2_23:
0x152: {  	s20 =	simm.s32 $0x0;
	s17 =	simm.s32 $0x8800;
	s18 =	simm.s32 $0xC00  }
.LBB2_24:
0x153: {  	v0 =	vmov s17;
	_ =	sdelay $0x3  }
0x154: {  	s5 =	simm.s32 $0x0  }
0x155: {  	v2 =	vimm.f32 $0.0e+00;
	v1 =	vmov s18;
	s6 =	simm.s32 $0x1000;
	v3 =	vimm.f32 $0.0e+00;
	v4 =	vld.idx.msk [tilespmem:v0+s5+$0x0 ss:$0x1], $0xffff  }
.LBB2_25:
0x156: {  	_ = 	snop  }
0x157: {  	p3 =	sne.s32 s6, $0xE000  }
.Ltmp13:
0x158: {  	_ = 	snop;
	(pc) =	sbr.rel @p3 .LBB2_25-.Ltmp13, $4  }
0x159: {  	_ = 	snop  }
0x15a: {  	v3 =	vadd.f32 v4, v3  }
0x15b: {  	s16 =	sshra.s32 s6, $0x2  }
0x15c: {  	s6 =	sadd.s32 $0x1000, s6;
	v4 =	vld.idx.msk [tilespmem:v0+s16+$0x0 ss:$0x1], $0xffff;
	[tilespmem:v1+s5+$0x0 ss:$0x1] =	vst.idx.msk $0xffff, v3;
	s5 =	smov.u32 s16  }
0x15d: {  	_ = 	snop  }
0x15e: {  	p3 =	por $0x0, $0x0  }
.Ltmp14:
0x15f: {  	_ = 	snop;
	(pc) =	sbr.rel @p3 .LBB2_28-.Ltmp14, $4  }
0x160: {  	_ = 	snop  }
0x161: {  	v3 =	vadd.f32 v4, v3  }
0x162: {  	s6 =	simm.s32 $0x10  }
0x163: {  	[tilespmem:v1+s5+$0x0 ss:$0x1] =	vst.idx.msk $0xffff, v3;
	s5 =	simm.s32 $0x1040;
	v3 =	vld.idx.msk [tilespmem:v0+s6+$0x0 ss:$0x1], $0xffff  }
.LBB2_27:
0x164: {  	_ = 	snop  }
0x165: {  	p3 =	seq.s32 s5, $0xE040  }
.Ltmp15:
0x166: {  	_ = 	snop;
	(pc) =	sbr.rel @!p3 .LBB2_27-.Ltmp15, $4  }
0x167: {  	_ = 	snop  }
0x168: {  	v2 =	vadd.f32 v3, v2  }
0x169: {  	s16 =	sshra.s32 s5, $0x2  }
0x16a: {  	s5 =	sadd.s32 $0x1000, s5;
	v3 =	vld.idx.msk [tilespmem:v0+s16+$0x0 ss:$0x1], $0xffff;
	[tilespmem:v1+s6+$0x0 ss:$0x1] =	vst.idx.msk $0xffff, v2;
	s6 =	smov.u32 s16  }
.LBB2_28:
0x16b: {  	_ =	sdelay $0x3  }
0x16c: {  	v2 =	vadd.f32 v3, v2  }
0x16d: {  	s5 =	simm.s32 $0x20  }
0x16e: {  	v3 =	vld.idx.msk [tilespmem:v0+s5+$0x0 ss:$0x1], $0xffff;
	[tilespmem:v1+s6+$0x0 ss:$0x1] =	vst.idx.msk $0xffff, v2;
	v2 =	vimm.f32 $0.0e+00;
	s6 =	simm.s32 $0x1080  }
.LBB2_29:
0x16f: {  	_ = 	snop  }
0x170: {  	p3 =	seq.s32 s6, $0xE080  }
.Ltmp16:
0x171: {  	_ = 	snop;
	(pc) =	sbr.rel @!p3 .LBB2_29-.Ltmp16, $4  }
0x172: {  	_ = 	snop  }
0x173: {  	v2 =	vadd.f32 v3, v2  }
0x174: {  	s16 =	sshra.s32 s6, $0x2  }
0x175: {  	s6 =	sadd.s32 $0x1000, s6;
	v3 =	vld.idx.msk [tilespmem:v0+s16+$0x0 ss:$0x1], $0xffff;
	[tilespmem:v1+s5+$0x0 ss:$0x1] =	vst.idx.msk $0xffff, v2;
	s5 =	smov.u32 s16  }
0x176: {  	_ = 	snop  }
0x177: {  	v49 =	vld [tilespmem:s20+$0x8830];
	_ =	sdelay $0x2  }
0x178: {  	v0 =	vadd.f32 v3, v2;
	_ =	sdelay $0x1  }
0x179: {  	[tilespmem:v1+s5+$0x0 ss:$0x1] =	vst.idx.msk $0xffff, v0;
	v0 =	vadd.f32 $0.0e+00, v49;
	_ =	sdelay $0x1  }
0x17a: {  	s29 =	sor.u32 $0x430, s20;
	[tilespmem:s20+$0xC30] =	vst v0  }
0x17b: {  	v50 =	vld [tilespmem:s29+$0x8800];
	_ =	sdelay $0x4  }
0x17c: {  	v0 =	vadd.f32 v50, v0;
	_ =	sdelay $0x1  }
0x17d: {  	s30 =	sor.u32 $0x830, s20;
	[tilespmem:s29+$0xC00] =	vst v0  }
0x17e: {  	v51 =	vld [tilespmem:s30+$0x8800];
	_ =	sdelay $0x4  }
0x17f: {  	v0 =	vadd.f32 v51, v0;
	_ =	sdelay $0x1  }
0x180: {  	s31 =	sor.u32 $0xC30, s20;
	[tilespmem:s30+$0xC00] =	vst v0  }
0x181: {  	v52 =	vld [tilespmem:s31+$0x8800];
	_ =	sdelay $0x4  }
0x182: {  	v0 =	vadd.f32 v52, v0;
	_ =	sdelay $0x1  }
0x183: {  	s0 =	sor.u32 $0x1030, s20;
	[tilespmem:s31+$0xC00] =	vst v0  }
0x184: {  	v53 =	vld [tilespmem:s0+$0x8800];
	_ =	sdelay $0x4  }
0x185: {  	v0 =	vadd.f32 v53, v0;
	_ =	sdelay $0x1  }
0x186: {  	s6 =	sor.u32 $0x1430, s20;
	[tilespmem:s0+$0xC00] =	vst v0  }
0x187: {  	v54 =	vld [tilespmem:s6+$0x8800];
	_ =	sdelay $0x4  }
0x188: {  	v0 =	vadd.f32 v54, v0;
	_ =	sdelay $0x1  }
0x189: {  	s16 =	sor.u32 $0x1830, s20;
	[tilespmem:s6+$0xC00] =	vst v0  }
0x18a: {  	v55 =	vld [tilespmem:s16+$0x8800];
	_ =	sdelay $0x4  }
0x18b: {  	v0 =	vadd.f32 v55, v0;
	_ =	sdelay $0x1  }
0x18c: {  	s21 =	sor.u32 $0x1C30, s20;
	[tilespmem:s16+$0xC00] =	vst v0  }
0x18d: {  	v56 =	vld [tilespmem:s21+$0x8800];
	_ =	sdelay $0x4  }
0x18e: {  	v0 =	vadd.f32 v56, v0;
	_ =	sdelay $0x1  }
0x18f: {  	s24 =	sor.u32 $0x2030, s20;
	[tilespmem:s21+$0xC00] =	vst v0  }
0x190: {  	v57 =	vld [tilespmem:s24+$0x8800];
	_ =	sdelay $0x4  }
0x191: {  	v0 =	vadd.f32 v57, v0;
	_ =	sdelay $0x1  }
0x192: {  	s25 =	sor.u32 $0x2430, s20;
	[tilespmem:s24+$0xC00] =	vst v0  }
0x193: {  	v58 =	vld [tilespmem:s25+$0x8800];
	_ =	sdelay $0x4  }
0x194: {  	v0 =	vadd.f32 v58, v0;
	_ =	sdelay $0x1  }
0x195: {  	s26 =	sor.u32 $0x2830, s20;
	[tilespmem:s25+$0xC00] =	vst v0  }
0x196: {  	v59 =	vld [tilespmem:s26+$0x8800];
	_ =	sdelay $0x4  }
0x197: {  	v0 =	vadd.f32 v59, v0;
	_ =	sdelay $0x1  }
0x198: {  	s28 =	sor.u32 $0x2C30, s20;
	[tilespmem:s26+$0xC00] =	vst v0  }
0x199: {  	v60 =	vld [tilespmem:s28+$0x8800];
	_ =	sdelay $0x4  }
0x19a: {  	v0 =	vadd.f32 v60, v0;
	_ =	sdelay $0x1  }
0x19b: {  	s29 =	sor.u32 $0x3030, s20;
	[tilespmem:s28+$0xC00] =	vst v0  }
0x19c: {  	v61 =	vld [tilespmem:s29+$0x8800];
	_ =	sdelay $0x4  }
0x19d: {  	v0 =	vadd.f32 v61, v0;
	_ =	sdelay $0x1  }
0x19e: {  	s30 =	sor.u32 $0x3430, s20;
	[tilespmem:s29+$0xC00] =	vst v0  }
0x19f: {  	v62 =	vld [tilespmem:s30+$0x8800];
	_ =	sdelay $0x4  }
0x1a0: {  	v0 =	vadd.f32 v62, v0;
	_ =	sdelay $0x1  }
0x1a1: {  	s31 =	sor.u32 $0x3830, s20;
	[tilespmem:s30+$0xC00] =	vst v0  }
0x1a2: {  	v63 =	vld [tilespmem:s31+$0x8800];
	_ =	sdelay $0x1  }
0x1a3: {  	p3 =	slt.u32 s20, $0x3C0  }
.Ltmp17:
0x1a4: {  	_ = 	snop;
	(pc) =	sbr.rel @p3 .LBB2_24-.Ltmp17, $3  }
0x1a5: {  	_ = 	snop  }
0x1a6: {  	v0 =	vadd.f32 v63, v0;
	_ =	sdelay $0x1  }
0x1a7: {  	s17 =	sadd.s32 $0x40, s17;
	s18 =	sadd.s32 $0x40, s18;
	s20 =	sadd.s32 $0x40, s20;
	[tilespmem:s31+$0xC00] =	vst v0  }
.LBB2_31:
0x1a8: {  	s0 =	sld [smem:$0x7F1];
	_ =	sdelay $0x1  }
0x1a9: {  	s17 =	simm.s32 $0x0  }
0x1aa: {  	[tilespmem:s7], [sflag:$0x1] =	stream.linear.gather [hbm4b:s0+s17], $0x4000, $0x38;
	[tilespmem:$0x18800] =	vst v63  }
0x1ab: {  	s31 =	rddreg [dreg:$0x3];
	s18 =	simm.s32 $0x0  }
0x1ac: {  	[tilespmem:s8], [sflag:$0x2] =	stream.linear.gather [hbm4b:s31+s17], $0x4000, $0x38;
	[tilespmem:$0x18800] =	vst v63  }
.LBB2_32:
0x1ad: {  	v5 =	vld [tilespmem:s17+$0x430]  }
0x1ae: {  	v10 =	vld [tilespmem:s17+$0x420]  }
0x1af: {  	s20 =	simm.s32 $0x0;
	v0 =	vld [tilespmem:s17+$0x30]  }
0x1b0: {  	v3 =	vld [tilespmem:s17+$0x20];
	s5 =	sand.u32 $0x380, s20;
	s16 =	sand.u32 $0x40, s20  }
0x1b1: {  	v7 =	vld [tilespmem:s17+$0x10];
	s6 =	sor.u32 s16, s5  }
0x1b2: {  	v8 =	vld [tilespmem:s6+$0x400];
	s6 =	sor.u32 s1, s18  }
0x1b3: {  	s24 =	simm.s32 $0x820;
	v13 =	vld [tilespmem:s17+$0x0];
	s21 =	ssub.s32 $0xFF0, s6;
	p3 =	sgt.s32 s6, $0xF  }
0x1b4: {  	v4 =	vld [tilespmem:s24+$0x10];
	s21 =	scvt.s32.f32 s21;
	s6 =	simm.s32 @!p3 $0xF  }
0x1b5: {  	v11 =	vld [tilespmem:s24+$0x0];
	s6 =	sadd.s32 $0xFFFFFFF1, s6  }
0x1b6: {  	v12 =	vld [tilespmem:s24+$0xFFFFFFF0];
	s25 =	smul.f32 $2.441406250e-04, s21;
	s6 =	scvt.s32.f32 s6  }
0x1b7: {  	v14 =	vld [tilespmem:s24+$0xFFFFFFE0];
	s24 =	simm.s32 $0x860;
	s21 =	simm.s32 $0x40  }
0x1b8: {  	v9 =	vld [tilespmem:s17+$0x410];
	s26 =	sand.u32 $0x380, s21;
	s30 =	sand.u32 $0x40, s21;
	s6 =	smul.f32 $2.441406250e-04, s6;
	v2 =	vmov s25  }
0x1b9: {  	v6 =	vld [tilespmem:s24+$0x10];
	s29 =	sor.u32 s30, s26;
	v15 =	vmul.f32 v0, v2  }
0x1ba: {  	s31 =	sshll.u32 s18, $0xA;
	s25 =	simm.s32 $0x40;
	v1 =	vld [tilespmem:s29+$0x400];
	v16 =	vmul.f32 v3, v2;
	v0 =	vmov s6  }
0x1bb: {  	v3 =	vld [tilespmem:s25+$0x430];
	v17 =	vmul.f32 v7, v2;
	s6 =	sand.u32 $0x3FFFFC00, s31;
	v15 =	vadd.f32 v15, v4;
	v5 =	vmul.f32 v5, v0  }
0x1bc: {  	s0 =	simm.s32 $0x30;
	v7 =	vld [tilespmem:s25+$0x410];
	v13 =	vmul.f32 v13, v2;
	s28 =	sadd.s32 $0x4800, s6;
	v11 =	vadd.f32 v16, v11;
	v10 =	vmul.f32 v10, v0  }
0x1bd: {  	s29 =	simm.s32 $0x20;
	v4 =	vld [tilespmem:s25+$0x420];
	v12 =	vadd.f32 v17, v12;
	v9 =	vmul.f32 v9, v0;
	s6 =	sand.u32 $0x70, s0;
	s5 =	sadd.s32 s5, s28;
	v15 =	vadd.f32 v5, v15  }
0x1be: {  	s31 =	simm.s32 $0x10;
	s29 =	sand.u32 $0x60, s29;
	v63 =	vmul.f32 v8, v0;
	v8 =	vld [tilespmem:s24+$0xFFFFFFF0];
	v10 =	vadd.f32 v10, v11;
	s6 =	sadd.s32 s6, s5;
	v11 =	vadd.f32 v13, v14  }
0x1bf: {  	s31 =	sand.u32 $0x50, s31;
	v5 =	vld [tilespmem:s24+$0x0];
	v12 =	vadd.f32 v9, v12;
	s29 =	sadd.s32 s29, s5;
	[tilespmem:s6+$0x0] =	vst v15  }
0x1c0: {  	s26 =	sadd.s32 s26, s28;
	v9 =	vld [tilespmem:s25+$0x30];
	s31 =	sadd.s32 s31, s5;
	[tilespmem:s29+$0x0] =	vst v10;
	v11 =	vadd.f32 v63, v11  }
0x1c1: {  	s16 =	sadd.s32 s16, s5;
	s30 =	sadd.s32 s30, s26;
	v10 =	vld [tilespmem:s25+$0x20];
	[tilespmem:s31+$0x0] =	vst v12  }
.LBB2_33:
0x1c2: {  	v12 =	vld [tilespmem:s25+$0x10];
	[tilespmem:s16+$0x0] =	vst v11;
	s5 =	smov.u32 s21;
	s21 =	sadd.s32 $0x40, s21;
	s16 =	smov.u32 s30  }
0x1c3: {  	s6 =	sand.u32 $0x380, s21;
	s29 =	sand.u32 $0x40, s21;
	p3 =	slt.u32 s21, $0x3C0;
	v11 =	vld [tilespmem:s25+$0x0]  }
0x1c4: {  	s30 =	sor.u32 s29, s6;
	s6 =	sadd.s32 s6, s28;
	v13 =	vld [tilespmem:s24+$0xFFFFFFE0]  }
0x1c5: {  	s24 =	sadd.s32 $0x40, s24;
	v14 =	vld [tilespmem:s30+$0x400];
	s30 =	sadd.s32 s29, s6;
	v9 =	vmul.f32 v9, v2  }
0x1c6: {  	s25 =	sadd.s32 $0x40, s25;
	v15 =	vld [tilespmem:s24+$0x10];
	v10 =	vmul.f32 v10, v2  }
0x1c7: {  	v12 =	vmul.f32 v12, v2;
	v6 =	vadd.f32 v9, v6;
	v9 =	vmul.f32 v3, v0;
	v3 =	vld [tilespmem:s25+$0x430]  }
0x1c8: {  	v17 =	vmul.f32 v4, v0;
	s29 =	sadd.s32 $0x70, s20;
	v16 =	vld [tilespmem:s25+$0x410];
	v11 =	vmul.f32 v11, v2;
	v10 =	vadd.f32 v10, v5  }
.Ltmp18:
0x1c9: {  	v7 =	vmul.f32 v7, v0;
	s31 =	sadd.s32 $0x60, s20;
	s29 =	sand.u32 $0x70, s29;
	v4 =	vld [tilespmem:s25+$0x420];
	v12 =	vadd.f32 v12, v8;
	v9 =	vadd.f32 v9, v6;
	(pc) =	sbr.rel @p3 .LBB2_33-.Ltmp18, $4  }
0x1ca: {  	s31 =	sand.u32 $0x60, s31;
	s20 =	sadd.s32 $0x50, s20;
	s29 =	sadd.s32 s29, s26;
	v5 =	vld [tilespmem:s24+$0x0];
	v11 =	vadd.f32 v11, v13;
	v13 =	vmul.f32 v1, v0;
	v10 =	vadd.f32 v17, v10;
	v1 =	vmovc v14  }
0x1cb: {  	s31 =	sadd.s32 s31, s26;
	s0 =	sand.u32 $0x50, s20;
	s20 =	smov.u32 s5;
	v8 =	vld [tilespmem:s24+$0xFFFFFFF0];
	v12 =	vadd.f32 v7, v12;
	[tilespmem:s29+$0x0] =	vst v9;
	v6 =	vmov v15  }
0x1cc: {  	s0 =	sadd.s32 s0, s26;
	s26 =	smov.u32 s6;
	v9 =	vld [tilespmem:s25+$0x30];
	v11 =	vadd.f32 v13, v11;
	[tilespmem:s31+$0x0] =	vst v10  }
0x1cd: {  	v10 =	vld [tilespmem:s25+$0x20];
	[tilespmem:s0+$0x0] =	vst v12;
	v7 =	vmov v16  }
0x1ce: {  	v12 =	vld [tilespmem:s25+$0x10]  }
0x1cf: {  	v13 =	vld [tilespmem:s25+$0x0];
	_ =	sdelay $0x1  }
0x1d0: {  	v14 =	vld [tilespmem:s24+$0xFFFFFFE0];
	v9 =	vmul.f32 v9, v2  }
0x1d1: {  	v10 =	vmul.f32 v10, v2  }
0x1d2: {  	v3 =	vmul.f32 v3, v0;
	v6 =	vadd.f32 v9, v6;
	v59 =	vmul.f32 v12, v2  }
0x1d3: {  	v4 =	vmul.f32 v4, v0;
	s0 =	sadd.s32 $0x70, s20;
	s5 =	sadd.s32 $0x60, s20;
	s18 =	sadd.s32 $0x1, s18;
	v60 =	vmul.f32 v13, v2;
	v5 =	vadd.f32 v10, v5  }
0x1d4: {  	v7 =	vmul.f32 v7, v0;
	s6 =	sadd.s32 $0x50, s20;
	s0 =	sand.u32 $0x70, s0;
	p3 =	sne.s32 s18, $0x10;
	v8 =	vadd.f32 v59, v8;
	v3 =	vadd.f32 v3, v6  }
.Ltmp19:
0x1d5: {  	[tilespmem:s16+$0x0] =	vst v11;
	v61 =	vmul.f32 v1, v0;
	s5 =	sand.u32 $0x60, s5;
	s0 =	sadd.s32 s0, s26;
	v2 =	vadd.f32 v60, v14;
	v62 =	vadd.f32 v4, v5;
	(pc) =	sbr.rel @p3 .LBB2_32-.Ltmp19, $4  }
0x1d6: {  	s6 =	sand.u32 $0x50, s6;
	s5 =	sadd.s32 s5, s26;
	v63 =	vadd.f32 v7, v8;
	[tilespmem:s0+$0x0] =	vst v3  }
0x1d7: {  	s31 =	sadd.s32 s6, s26;
	v0 =	vadd.f32 v61, v2;
	[tilespmem:s5+$0x0] =	vst v62  }
0x1d8: {  	[tilespmem:s31+$0x0] =	vst v63  }
0x1d9: {  	[tilespmem:s30+$0x0] =	vst v0  }
.Ltmp20:
0x1da: {  	(pc) =	sbr.rel @p1 .LBB2_40-.Ltmp20, $1  }
0x1db: {  	_ =	sdelay $0x3  }
0x1dc: {  	s16 =	simm.s32 $0x0;
	s17 =	simm.s32 $0x4820;
	s18 =	simm.s32 $0xC20  }
.LBB2_37:
0x1dd: {  	v0 =	vld [tilespmem:s18+$0x10]  }
0x1de: {  	v5 =	vld [tilespmem:s18+$0xFFFFFFE0]  }
0x1df: {  	v6 =	vld [tilespmem:s17+$0x10]  }
0x1e0: {  	v3 =	vld [tilespmem:s18+$0xFFFFFFF0]  }
0x1e1: {  	v2 =	vld [tilespmem:s18+$0x0]  }
0x1e2: {  	v1 =	vld [tilespmem:s17+$0xFFFFFFF0];
	v7 =	vmul.f32 $2.441406250e-04, v0  }
0x1e3: {  	v4 =	vld [tilespmem:s17+$0x0];
	s20 =	simm.s32 $0x0  }
0x1e4: {  	s21 =	sadd.s32 $0x40, s18;
	s5 =	smov.u32 s17;
	s6 =	smov.u32 s17;
	v0 =	vmul.f32 $2.441406250e-04, v5;
	v5 =	vld [tilespmem:s17+$0xFFFFFFE0];
	v6 =	vsub.f32 v6, v7  }
.LBB2_38:
0x1e5: {  	v7 =	vld [tilespmem:s21+$0x10];
	s20 =	sadd.s32 $0x40, s20;
	v3 =	vmul.f32 $2.441406250e-04, v3  }
0x1e6: {  	s6 =	sadd.s32 $0x40, s6;
	v8 =	vld [tilespmem:s21+$0xFFFFFFE0];
	p3 =	slt.u32 s20, $0x3C0;
	v2 =	vmul.f32 $2.441406250e-04, v2;
	[tilespmem:s5+$0x10] =	vst v6  }
0x1e7: {  	v6 =	vld [tilespmem:s6+$0x10];
	v1 =	vsub.f32 v1, v3  }
.Ltmp21:
0x1e8: {  	v3 =	vld [tilespmem:s21+$0xFFFFFFF0];
	v4 =	vsub.f32 v4, v2;
	(pc) =	sbr.rel @p3 .LBB2_38-.Ltmp21, $4  }
0x1e9: {  	v2 =	vld [tilespmem:s21+$0x0];
	v5 =	vsub.f32 v5, v0;
	[tilespmem:s5+$0xFFFFFFF0] =	vst v1  }
0x1ea: {  	v1 =	vld [tilespmem:s6+$0xFFFFFFF0];
	v7 =	vmul.f32 $2.441406250e-04, v7;
	[tilespmem:s5+$0x0] =	vst v4  }
0x1eb: {  	v0 =	vmul.f32 $2.441406250e-04, v8;
	v4 =	vld [tilespmem:s6+$0x0];
	[tilespmem:s5+$0xFFFFFFE0] =	vst v5;
	s5 =	smov.u32 s6  }
0x1ec: {  	s21 =	sadd.s32 $0x40, s21;
	v5 =	vld [tilespmem:s6+$0xFFFFFFE0];
	v6 =	vsub.f32 v6, v7  }
0x1ed: {  	v3 =	vmul.f32 $2.441406250e-04, v3;
	s16 =	sadd.s32 $0x1, s16  }
0x1ee: {  	v2 =	vmul.f32 $2.441406250e-04, v2;
	p3 =	sne.s32 s16, $0xF  }
.Ltmp22:
0x1ef: {  	v1 =	vsub.f32 v1, v3;
	(pc) =	sbr.rel @p3 .LBB2_37-.Ltmp22, $4  }
0x1f0: {  	[tilespmem:s5+$0x10] =	vst v6;
	v2 =	vsub.f32 v4, v2  }
0x1f1: {  	v0 =	vsub.f32 v5, v0;
	[tilespmem:s5+$0xFFFFFFF0] =	vst v1  }
0x1f2: {  	[tilespmem:s5+$0x0] =	vst v2  }
0x1f3: {  	s17 =	sadd.s32 $0x400, s17;
	s18 =	sadd.s32 $0x400, s18;
	[tilespmem:s5+$0xFFFFFFE0] =	vst v0  }
.LBB2_40:
0x1f4: {  	s0 =	rddreg [dreg:$0x4];
	s5 =	simm.s32 $0x10800;
	s31 =	simm.s32 $0x1  }
0x1f5: {  	[tilespmem:s5], [sflag:$0x3] =	stream.linear.gather [hbm4b:s0+s19], $0x4000, $0x38;
	[tilespmem:$0x18800] =	vst v63  }
0x1f6: {  	_ =	swait.ge [sflag:s31], $0x4000  }
0x1f7: {  	[sflag:s31] =	ssyncset.done $0x0  }
0x1f8: {  	s16 =	simm.s32 $0x8840;
	[sflag:s31] =	ssyncadd.s32 $0xFFFFC000  }
0x1f9: {  	s17 =	simm.s32 $0x4840;
	v1 =	vld [tilespmem:s16+$0x30]  }
0x1fa: {  	v2 =	vld [tilespmem:s17+$0x30]  }
0x1fb: {  	v0 =	vld [tilespmem:s17+$0xFFFFFFC0]  }
0x1fc: {  	v3 =	vld [tilespmem:s16+$0xFFFFFFD0]  }
0x1fd: {  	v4 =	vld [tilespmem:s17+$0xFFFFFFD0]  }
0x1fe: {  	v5 =	vld [tilespmem:s16+$0xFFFFFFE0]  }
0x1ff: {  	v6 =	vld [tilespmem:s17+$0xFFFFFFE0]  }
0x200: {  	v7 =	vld [tilespmem:s16+$0xFFFFFFF0]  }
0x201: {  	v8 =	vld [tilespmem:s17+$0xFFFFFFF0]  }
0x202: {  	v9 =	vld [tilespmem:s16+$0x0]  }
0x203: {  	v10 =	vld [tilespmem:s17+$0x0];
	v2 =	vadd.f32 v2, v1  }
0x204: {  	v4 =	vadd.f32 v4, v3;
	v1 =	vld [tilespmem:s16+$0x10]  }
0x205: {  	v5 =	vadd.f32 v6, v5;
	v3 =	vld [tilespmem:s17+$0x10];
	[tilespmem:s16+$0x30] =	vst v2  }
0x206: {  	v6 =	vadd.f32 v8, v7;
	[tilespmem:s16+$0xFFFFFFD0] =	vst v4;
	v2 =	vld [tilespmem:s16+$0x20]  }
0x207: {  	[tilespmem:s16+$0xFFFFFFE0] =	vst v5;
	v5 =	vld [tilespmem:s17+$0x20]  }
0x208: {  	s18 =	simm.s32 $0x0;
	s20 =	simm.s32 $0x88C0;
	v4 =	vld [tilespmem:s16+$0xFFFFFFC0];
	[tilespmem:s16+$0xFFFFFFF0] =	vst v6;
	v6 =	vadd.f32 v10, v9  }
.LBB2_41:
0x209: {  	v7 =	vld [tilespmem:s20+$0x30];
	s17 =	sadd.s32 $0x80, s17  }
0x20a: {  	s18 =	sadd.s32 $0x80, s18;
	v8 =	vld [tilespmem:s17+$0x30];
	[tilespmem:s16+$0x0] =	vst v6;
	v1 =	vadd.f32 v3, v1  }
0x20b: {  	p3 =	slt.u32 s18, $0x3F80;
	v3 =	vld [tilespmem:s17+$0xFFFFFFC0]  }
0x20c: {  	v6 =	vld [tilespmem:s20+$0xFFFFFFD0];
	[tilespmem:s16+$0x10] =	vst v1;
	v1 =	vadd.f32 v5, v2  }
0x20d: {  	v2 =	vld [tilespmem:s17+$0xFFFFFFD0];
	v9 =	vadd.f32 v0, v4  }
0x20e: {  	v4 =	vld [tilespmem:s20+$0xFFFFFFE0];
	[tilespmem:s16+$0x20] =	vst v1  }
0x20f: {  	v1 =	vld [tilespmem:s17+$0xFFFFFFE0];
	v5 =	vadd.f32 v8, v7;
	[tilespmem:s16+$0xFFFFFFC0] =	vst v9;
	s16 =	smov.u32 s20  }
0x210: {  	v7 =	vld [tilespmem:s20+$0xFFFFFFF0];
	v0 =	vmov v3  }
0x211: {  	v8 =	vld [tilespmem:s17+$0xFFFFFFF0];
	[tilespmem:s20+$0x30] =	vst v5  }
0x212: {  	v2 =	vadd.f32 v2, v6;
	v6 =	vld [tilespmem:s20+$0x0]  }
0x213: {  	v9 =	vld [tilespmem:s17+$0x0]  }
.Ltmp23:
0x214: {  	[tilespmem:s20+$0xFFFFFFD0] =	vst v2;
	v2 =	vadd.f32 v1, v4;
	v1 =	vld [tilespmem:s20+$0x10];
	(pc) =	sbr.rel @p3 .LBB2_41-.Ltmp23, $4  }
0x215: {  	v3 =	vld [tilespmem:s17+$0x10]  }
0x216: {  	[tilespmem:s20+$0xFFFFFFE0] =	vst v2;
	v7 =	vadd.f32 v8, v7;
	v2 =	vld [tilespmem:s20+$0x20]  }
0x217: {  	v5 =	vld [tilespmem:s17+$0x20]  }
0x218: {  	s20 =	sadd.s32 $0x80, s20;
	v4 =	vld [tilespmem:s16+$0xFFFFFFC0];
	[tilespmem:s16+$0xFFFFFFF0] =	vst v7;
	v6 =	vadd.f32 v9, v6  }
0x219: {  	_ =	sdelay $0x1  }
0x21a: {  	v1 =	vadd.f32 v3, v1  }
0x21b: {  	[tilespmem:s16+$0x0] =	vst v6;
	v2 =	vadd.f32 v5, v2  }
0x21c: {  	[tilespmem:s16+$0x10] =	vst v1;
	v0 =	vadd.f32 v0, v4  }
0x21d: {  	[tilespmem:s16+$0x20] =	vst v2  }
0x21e: {  	[tilespmem:s16+$0xFFFFFFC0] =	vst v0  }
0x21f: {  	s0 =	sld [smem:$0x7F2];
	_ =	sdelay $0x2  }
0x220: {  	[hbm4b:s0+s19] =	stream.linear.scatter [tilespmem:s7], [sflag:$0x5], $0x4000, $0x38;
	[tilespmem:$0x18800] =	vst v63  }
0x221: {  	s6 =	simm.s32 $0x14800;
	s31 =	simm.s32 $0x2;
	s30 =	rddreg [dreg:$0x5]  }
0x222: {  	[tilespmem:s6], [sflag:$0x4] =	stream.linear.gather [hbm4b:s30+s19], $0x4000, $0x38;
	[tilespmem:$0x18800] =	vst v63  }
0x223: {  	_ =	swait.ge [sflag:s31], $0x4000  }
0x224: {  	[sflag:s31] =	ssyncset.done $0x0  }
0x225: {  	s16 =	simm.s32 $0xC840;
	[sflag:s31] =	ssyncadd.s32 $0xFFFFC000  }
0x226: {  	s17 =	simm.s32 $0x4840;
	v1 =	vld [tilespmem:s16+$0x30]  }
0x227: {  	v2 =	vld [tilespmem:s17+$0x30]  }
0x228: {  	v0 =	vld [tilespmem:s17+$0xFFFFFFC0]  }
0x229: {  	v3 =	vld [tilespmem:s16+$0xFFFFFFD0]  }
0x22a: {  	v4 =	vld [tilespmem:s17+$0xFFFFFFD0]  }
0x22b: {  	v5 =	vld [tilespmem:s16+$0xFFFFFFE0]  }
0x22c: {  	v6 =	vld [tilespmem:s17+$0xFFFFFFE0]  }
0x22d: {  	v7 =	vld [tilespmem:s16+$0xFFFFFFF0]  }
0x22e: {  	v8 =	vld [tilespmem:s17+$0xFFFFFFF0]  }
0x22f: {  	v9 =	vld [tilespmem:s16+$0x0]  }
0x230: {  	v10 =	vld [tilespmem:s17+$0x0];
	v2 =	vadd.f32 v2, v1  }
0x231: {  	v4 =	vadd.f32 v4, v3;
	v1 =	vld [tilespmem:s16+$0x10]  }
0x232: {  	v5 =	vadd.f32 v6, v5;
	v3 =	vld [tilespmem:s17+$0x10];
	[tilespmem:s16+$0x30] =	vst v2  }
0x233: {  	v6 =	vadd.f32 v8, v7;
	[tilespmem:s16+$0xFFFFFFD0] =	vst v4;
	v2 =	vld [tilespmem:s16+$0x20]  }
0x234: {  	[tilespmem:s16+$0xFFFFFFE0] =	vst v5;
	v5 =	vld [tilespmem:s17+$0x20]  }
0x235: {  	s18 =	simm.s32 $0x0;
	s20 =	simm.s32 $0xC8C0;
	v4 =	vld [tilespmem:s16+$0xFFFFFFC0];
	[tilespmem:s16+$0xFFFFFFF0] =	vst v6;
	v6 =	vadd.f32 v10, v9  }
.LBB2_43:
0x236: {  	v7 =	vld [tilespmem:s20+$0x30];
	s17 =	sadd.s32 $0x80, s17  }
0x237: {  	s18 =	sadd.s32 $0x80, s18;
	v8 =	vld [tilespmem:s17+$0x30];
	[tilespmem:s16+$0x0] =	vst v6;
	v1 =	vadd.f32 v3, v1  }
0x238: {  	p3 =	slt.u32 s18, $0x3F80;
	v3 =	vld [tilespmem:s17+$0xFFFFFFC0]  }
0x239: {  	v6 =	vld [tilespmem:s20+$0xFFFFFFD0];
	[tilespmem:s16+$0x10] =	vst v1;
	v1 =	vadd.f32 v5, v2  }
0x23a: {  	v2 =	vld [tilespmem:s17+$0xFFFFFFD0];
	v9 =	vadd.f32 v0, v4  }
0x23b: {  	v4 =	vld [tilespmem:s20+$0xFFFFFFE0];
	[tilespmem:s16+$0x20] =	vst v1  }
0x23c: {  	v1 =	vld [tilespmem:s17+$0xFFFFFFE0];
	v5 =	vadd.f32 v8, v7;
	[tilespmem:s16+$0xFFFFFFC0] =	vst v9;
	s16 =	smov.u32 s20  }
0x23d: {  	v7 =	vld [tilespmem:s20+$0xFFFFFFF0];
	v0 =	vmov v3  }
0x23e: {  	v8 =	vld [tilespmem:s17+$0xFFFFFFF0];
	[tilespmem:s20+$0x30] =	vst v5  }
0x23f: {  	v2 =	vadd.f32 v2, v6;
	v6 =	vld [tilespmem:s20+$0x0]  }
0x240: {  	v9 =	vld [tilespmem:s17+$0x0]  }
.Ltmp24:
0x241: {  	[tilespmem:s20+$0xFFFFFFD0] =	vst v2;
	v2 =	vadd.f32 v1, v4;
	v1 =	vld [tilespmem:s20+$0x10];
	(pc) =	sbr.rel @p3 .LBB2_43-.Ltmp24, $4  }
0x242: {  	v3 =	vld [tilespmem:s17+$0x10]  }
0x243: {  	[tilespmem:s20+$0xFFFFFFE0] =	vst v2;
	v7 =	vadd.f32 v8, v7;
	v2 =	vld [tilespmem:s20+$0x20]  }
0x244: {  	v5 =	vld [tilespmem:s17+$0x20]  }
0x245: {  	s20 =	sadd.s32 $0x80, s20;
	v4 =	vld [tilespmem:s16+$0xFFFFFFC0];
	[tilespmem:s16+$0xFFFFFFF0] =	vst v7;
	v6 =	vadd.f32 v9, v6  }
0x246: {  	_ =	sdelay $0x1  }
0x247: {  	v1 =	vadd.f32 v3, v1  }
0x248: {  	[tilespmem:s16+$0x0] =	vst v6;
	v2 =	vadd.f32 v5, v2  }
0x249: {  	[tilespmem:s16+$0x10] =	vst v1;
	v0 =	vadd.f32 v0, v4  }
0x24a: {  	[tilespmem:s16+$0x20] =	vst v2  }
0x24b: {  	[tilespmem:s16+$0xFFFFFFC0] =	vst v0  }
0x24c: {  	s30 =	simm.s32 $0x5;
	s0 =	rddreg [dreg:$0x6]  }
0x24d: {  	[hbm4b:s0+s19] =	stream.linear.scatter [tilespmem:s8], [sflag:$0x6], $0x4000, $0x38;
	[tilespmem:$0x18800] =	vst v63  }
0x24e: {  	_ =	swait.ge [sflag:s30], $0x4000  }
0x24f: {  	[sflag:s30] =	ssyncset.done $0x0  }
0x250: {  	s31 =	rddreg [dreg:$0x7];
	[sflag:s30] =	ssyncadd.s32 $0xFFFFC000  }
0x251: {  	[tilespmem:s7], [sflag:$0x1] =	stream.linear.gather [hbm4b:s31+s19], $0x4000, $0x38;
	[tilespmem:$0x18800] =	vst v63  }
0x252: {  	_ =	swait.ge [sflag:s9], $0x4000  }
0x253: {  	[sflag:s9] =	ssyncset.done $0x0  }
0x254: {  	s16 =	simm.s32 $0x10840;
	[sflag:s9] =	ssyncadd.s32 $0xFFFFC000  }
0x255: {  	s17 =	simm.s32 $0x4840;
	v1 =	vld [tilespmem:s16+$0x30]  }
0x256: {  	v2 =	vld [tilespmem:s17+$0x30]  }
0x257: {  	v0 =	vld [tilespmem:s17+$0xFFFFFFC0]  }
0x258: {  	v3 =	vld [tilespmem:s16+$0xFFFFFFD0]  }
0x259: {  	v4 =	vld [tilespmem:s17+$0xFFFFFFD0]  }
0x25a: {  	v5 =	vld [tilespmem:s16+$0xFFFFFFE0]  }
0x25b: {  	v6 =	vld [tilespmem:s17+$0xFFFFFFE0]  }
0x25c: {  	v7 =	vld [tilespmem:s16+$0xFFFFFFF0]  }
0x25d: {  	v8 =	vld [tilespmem:s17+$0xFFFFFFF0]  }
0x25e: {  	v9 =	vld [tilespmem:s16+$0x0]  }
0x25f: {  	v10 =	vld [tilespmem:s17+$0x0];
	v2 =	vadd.f32 v2, v1  }
0x260: {  	v4 =	vadd.f32 v4, v3;
	v1 =	vld [tilespmem:s16+$0x10]  }
0x261: {  	v5 =	vadd.f32 v6, v5;
	v3 =	vld [tilespmem:s17+$0x10];
	[tilespmem:s16+$0x30] =	vst v2  }
0x262: {  	v6 =	vadd.f32 v8, v7;
	[tilespmem:s16+$0xFFFFFFD0] =	vst v4;
	v2 =	vld [tilespmem:s16+$0x20]  }
0x263: {  	[tilespmem:s16+$0xFFFFFFE0] =	vst v5;
	v5 =	vld [tilespmem:s17+$0x20]  }
0x264: {  	s18 =	simm.s32 $0x0;
	s20 =	simm.s32 $0x108C0;
	v4 =	vld [tilespmem:s16+$0xFFFFFFC0];
	[tilespmem:s16+$0xFFFFFFF0] =	vst v6;
	v6 =	vadd.f32 v10, v9  }
.LBB2_45:
0x265: {  	v7 =	vld [tilespmem:s20+$0x30];
	s17 =	sadd.s32 $0x80, s17  }
0x266: {  	s18 =	sadd.s32 $0x80, s18;
	v8 =	vld [tilespmem:s17+$0x30];
	[tilespmem:s16+$0x0] =	vst v6;
	v1 =	vadd.f32 v3, v1  }
0x267: {  	p3 =	slt.u32 s18, $0x3F80;
	v3 =	vld [tilespmem:s17+$0xFFFFFFC0]  }
0x268: {  	v6 =	vld [tilespmem:s20+$0xFFFFFFD0];
	[tilespmem:s16+$0x10] =	vst v1;
	v1 =	vadd.f32 v5, v2  }
0x269: {  	v2 =	vld [tilespmem:s17+$0xFFFFFFD0];
	v9 =	vadd.f32 v0, v4  }
0x26a: {  	v4 =	vld [tilespmem:s20+$0xFFFFFFE0];
	[tilespmem:s16+$0x20] =	vst v1  }
0x26b: {  	v1 =	vld [tilespmem:s17+$0xFFFFFFE0];
	v5 =	vadd.f32 v8, v7;
	[tilespmem:s16+$0xFFFFFFC0] =	vst v9;
	s16 =	smov.u32 s20  }
0x26c: {  	v7 =	vld [tilespmem:s20+$0xFFFFFFF0];
	v0 =	vmov v3  }
0x26d: {  	v8 =	vld [tilespmem:s17+$0xFFFFFFF0];
	[tilespmem:s20+$0x30] =	vst v5  }
0x26e: {  	v2 =	vadd.f32 v2, v6;
	v6 =	vld [tilespmem:s20+$0x0]  }
0x26f: {  	v9 =	vld [tilespmem:s17+$0x0]  }
.Ltmp25:
0x270: {  	[tilespmem:s20+$0xFFFFFFD0] =	vst v2;
	v2 =	vadd.f32 v1, v4;
	v1 =	vld [tilespmem:s20+$0x10];
	(pc) =	sbr.rel @p3 .LBB2_45-.Ltmp25, $4  }
0x271: {  	v3 =	vld [tilespmem:s17+$0x10]  }
0x272: {  	[tilespmem:s20+$0xFFFFFFE0] =	vst v2;
	v7 =	vadd.f32 v8, v7;
	v2 =	vld [tilespmem:s20+$0x20]  }
0x273: {  	v5 =	vld [tilespmem:s17+$0x20]  }
0x274: {  	s20 =	sadd.s32 $0x80, s20;
	v4 =	vld [tilespmem:s16+$0xFFFFFFC0];
	[tilespmem:s16+$0xFFFFFFF0] =	vst v7;
	v6 =	vadd.f32 v9, v6  }
0x275: {  	_ =	sdelay $0x1  }
0x276: {  	v1 =	vadd.f32 v3, v1  }
0x277: {  	[tilespmem:s16+$0x0] =	vst v6;
	v2 =	vadd.f32 v5, v2  }
0x278: {  	[tilespmem:s16+$0x10] =	vst v1;
	v0 =	vadd.f32 v0, v4  }
0x279: {  	[tilespmem:s16+$0x20] =	vst v2  }
0x27a: {  	[tilespmem:s16+$0xFFFFFFC0] =	vst v0  }
0x27b: {  	s0 =	rddreg [dreg:$0x8]  }
0x27c: {  	[hbm4b:s0+s19] =	stream.linear.scatter [tilespmem:s5], [sflag:$0x7], $0x4000, $0x38;
	[tilespmem:$0x18800] =	vst v63  }
0x27d: {  	_ =	swait.ge [sflag:s10], $0x4000  }
0x27e: {  	[sflag:s10] =	ssyncset.done $0x0  }
0x27f: {  	s31 =	rddreg [dreg:$0x9];
	[sflag:s10] =	ssyncadd.s32 $0xFFFFC000  }
0x280: {  	[tilespmem:s8], [sflag:$0x2] =	stream.linear.gather [hbm4b:s31+s19], $0x4000, $0x38;
	[tilespmem:$0x18800] =	vst v63  }
0x281: {  	_ =	swait.ge [sflag:s11], $0x4000  }
0x282: {  	[sflag:s11] =	ssyncset.done $0x0  }
0x283: {  	s16 =	simm.s32 $0x14840;
	[sflag:s11] =	ssyncadd.s32 $0xFFFFC000  }
0x284: {  	s17 =	simm.s32 $0x4840;
	v1 =	vld [tilespmem:s16+$0x30]  }
0x285: {  	v2 =	vld [tilespmem:s17+$0x30]  }
0x286: {  	v0 =	vld [tilespmem:s17+$0xFFFFFFC0]  }
0x287: {  	v3 =	vld [tilespmem:s16+$0xFFFFFFD0]  }
0x288: {  	v4 =	vld [tilespmem:s17+$0xFFFFFFD0]  }
0x289: {  	v5 =	vld [tilespmem:s16+$0xFFFFFFE0]  }
0x28a: {  	v6 =	vld [tilespmem:s17+$0xFFFFFFE0]  }
0x28b: {  	v7 =	vld [tilespmem:s16+$0xFFFFFFF0]  }
0x28c: {  	v8 =	vld [tilespmem:s17+$0xFFFFFFF0]  }
0x28d: {  	v9 =	vld [tilespmem:s16+$0x0]  }
0x28e: {  	v10 =	vld [tilespmem:s17+$0x0];
	v2 =	vadd.f32 v2, v1  }
0x28f: {  	v4 =	vadd.f32 v4, v3;
	v1 =	vld [tilespmem:s16+$0x10]  }
0x290: {  	v5 =	vadd.f32 v6, v5;
	v3 =	vld [tilespmem:s17+$0x10];
	[tilespmem:s16+$0x30] =	vst v2  }
0x291: {  	v6 =	vadd.f32 v8, v7;
	[tilespmem:s16+$0xFFFFFFD0] =	vst v4;
	v2 =	vld [tilespmem:s16+$0x20]  }
0x292: {  	[tilespmem:s16+$0xFFFFFFE0] =	vst v5;
	v5 =	vld [tilespmem:s17+$0x20]  }
0x293: {  	s18 =	simm.s32 $0x0;
	s20 =	simm.s32 $0x148C0;
	v4 =	vld [tilespmem:s16+$0xFFFFFFC0];
	[tilespmem:s16+$0xFFFFFFF0] =	vst v6;
	v6 =	vadd.f32 v10, v9  }
.LBB2_47:
0x294: {  	v7 =	vld [tilespmem:s20+$0x30];
	s17 =	sadd.s32 $0x80, s17  }
0x295: {  	s18 =	sadd.s32 $0x80, s18;
	v8 =	vld [tilespmem:s17+$0x30];
	[tilespmem:s16+$0x0] =	vst v6;
	v1 =	vadd.f32 v3, v1  }
0x296: {  	p3 =	slt.u32 s18, $0x3F80;
	v3 =	vld [tilespmem:s17+$0xFFFFFFC0]  }
0x297: {  	v6 =	vld [tilespmem:s20+$0xFFFFFFD0];
	[tilespmem:s16+$0x10] =	vst v1;
	v1 =	vadd.f32 v5, v2  }
0x298: {  	v2 =	vld [tilespmem:s17+$0xFFFFFFD0];
	v9 =	vadd.f32 v0, v4  }
0x299: {  	v4 =	vld [tilespmem:s20+$0xFFFFFFE0];
	[tilespmem:s16+$0x20] =	vst v1  }
0x29a: {  	v1 =	vld [tilespmem:s17+$0xFFFFFFE0];
	v5 =	vadd.f32 v8, v7;
	[tilespmem:s16+$0xFFFFFFC0] =	vst v9;
	s16 =	smov.u32 s20  }
0x29b: {  	v7 =	vld [tilespmem:s20+$0xFFFFFFF0];
	v0 =	vmov v3  }
0x29c: {  	v8 =	vld [tilespmem:s17+$0xFFFFFFF0];
	[tilespmem:s20+$0x30] =	vst v5  }
0x29d: {  	v2 =	vadd.f32 v2, v6;
	v6 =	vld [tilespmem:s20+$0x0]  }
0x29e: {  	v9 =	vld [tilespmem:s17+$0x0]  }
.Ltmp26:
0x29f: {  	[tilespmem:s20+$0xFFFFFFD0] =	vst v2;
	v2 =	vadd.f32 v1, v4;
	v1 =	vld [tilespmem:s20+$0x10];
	(pc) =	sbr.rel @p3 .LBB2_47-.Ltmp26, $4  }
0x2a0: {  	v3 =	vld [tilespmem:s17+$0x10]  }
0x2a1: {  	[tilespmem:s20+$0xFFFFFFE0] =	vst v2;
	v7 =	vadd.f32 v8, v7;
	v2 =	vld [tilespmem:s20+$0x20]  }
0x2a2: {  	v5 =	vld [tilespmem:s17+$0x20]  }
0x2a3: {  	s20 =	sadd.s32 $0x80, s20;
	v4 =	vld [tilespmem:s16+$0xFFFFFFC0];
	[tilespmem:s16+$0xFFFFFFF0] =	vst v7;
	v6 =	vadd.f32 v9, v6  }
0x2a4: {  	_ =	sdelay $0x1  }
0x2a5: {  	v1 =	vadd.f32 v3, v1  }
0x2a6: {  	[tilespmem:s16+$0x0] =	vst v6;
	v2 =	vadd.f32 v5, v2  }
0x2a7: {  	[tilespmem:s16+$0x10] =	vst v1;
	v0 =	vadd.f32 v0, v4  }
0x2a8: {  	[tilespmem:s16+$0x20] =	vst v2  }
0x2a9: {  	[tilespmem:s16+$0xFFFFFFC0] =	vst v0  }
0x2aa: {  	s17 =	simm.s32 $0x0;
	s18 =	simm.s32 $0x0;
	s0 =	rddreg [dreg:$0xa]  }
0x2ab: {  	[hbm4b:s0+s17] =	stream.linear.scatter [tilespmem:s6], [sflag:$0x8], $0x4000, $0x38;
	[tilespmem:$0x18800] =	vst v63  }
.LBB2_49:
0x2ac: {  	v5 =	vld [tilespmem:s17+$0x430]  }
0x2ad: {  	v9 =	vld [tilespmem:s17+$0x410]  }
0x2ae: {  	v10 =	vld [tilespmem:s17+$0x420]  }
0x2af: {  	v0 =	vld [tilespmem:s17+$0x30]  }
0x2b0: {  	v3 =	vld [tilespmem:s17+$0x20]  }
0x2b1: {  	s20 =	simm.s32 $0x0;
	s6 =	simm.s32 $0x820;
	s24 =	sor.u32 s4, s18;
	v7 =	vld [tilespmem:s17+$0x10]  }
0x2b2: {  	v13 =	vld [tilespmem:s17+$0x0];
	s0 =	sand.u32 $0x380, s20;
	s16 =	sand.u32 $0x40, s20;
	s21 =	ssub.s32 $0xFF0, s24  }
0x2b3: {  	v4 =	vld [tilespmem:s6+$0x10];
	s5 =	sor.u32 s16, s0;
	s21 =	scvt.s32.f32 s21  }
0x2b4: {  	v8 =	vld [tilespmem:s5+$0x400];
	s5 =	sadd.s32 $0xFFFFFFF1, s24  }
0x2b5: {  	v11 =	vld [tilespmem:s6+$0x0];
	s24 =	smul.f32 $2.441406250e-04, s21;
	s5 =	scvt.s32.f32 s5;
	s21 =	simm.s32 $0x40  }
0x2b6: {  	v12 =	vld [tilespmem:s6+$0xFFFFFFF0];
	s26 =	sand.u32 $0x380, s21;
	s29 =	sand.u32 $0x40, s21  }
0x2b7: {  	v14 =	vld [tilespmem:s6+$0xFFFFFFE0];
	s5 =	smul.f32 $2.441406250e-04, s5;
	v2 =	vmov s24;
	s25 =	sor.u32 s29, s26  }
0x2b8: {  	s24 =	simm.s32 $0x860;
	v1 =	vld [tilespmem:s25+$0x400];
	v15 =	vmul.f32 v0, v2  }
0x2b9: {  	s31 =	sshll.u32 s18, $0xA;
	v6 =	vld [tilespmem:s24+$0x10];
	v16 =	vmul.f32 v3, v2;
	s25 =	simm.s32 $0x40;
	v0 =	vmov s5  }
0x2ba: {  	v17 =	vmul.f32 v7, v2;
	s5 =	sand.u32 $0x3FFFFC00, s31;
	v3 =	vld [tilespmem:s25+$0x430];
	v15 =	vadd.f32 v15, v4;
	v5 =	vmul.f32 v5, v0  }
0x2bb: {  	s6 =	simm.s32 $0x30;
	v13 =	vmul.f32 v13, v2;
	v7 =	vld [tilespmem:s25+$0x410];
	s28 =	sadd.s32 $0x4800, s5;
	v11 =	vadd.f32 v16, v11;
	v10 =	vmul.f32 v10, v0  }
0x2bc: {  	s31 =	simm.s32 $0x20;
	v4 =	vld [tilespmem:s25+$0x420];
	v12 =	vadd.f32 v17, v12;
	v9 =	vmul.f32 v9, v0;
	s5 =	sand.u32 $0x70, s6;
	s0 =	sadd.s32 s0, s28;
	v15 =	vadd.f32 v5, v15  }
0x2bd: {  	s30 =	simm.s32 $0x10;
	s6 =	sand.u32 $0x60, s31;
	v63 =	vmul.f32 v8, v0;
	v8 =	vld [tilespmem:s24+$0xFFFFFFF0];
	v10 =	vadd.f32 v10, v11;
	s5 =	sadd.s32 s5, s0;
	v11 =	vadd.f32 v13, v14  }
0x2be: {  	s30 =	sand.u32 $0x50, s30;
	v5 =	vld [tilespmem:s24+$0x0];
	v12 =	vadd.f32 v9, v12;
	s6 =	sadd.s32 s6, s0;
	[tilespmem:s5+$0x0] =	vst v15  }
0x2bf: {  	s26 =	sadd.s32 s26, s28;
	v9 =	vld [tilespmem:s25+$0x30];
	s31 =	sadd.s32 s30, s0;
	[tilespmem:s6+$0x0] =	vst v10;
	v11 =	vadd.f32 v63, v11  }
0x2c0: {  	s16 =	sadd.s32 s16, s0;
	s30 =	sadd.s32 s29, s26;
	v10 =	vld [tilespmem:s25+$0x20];
	[tilespmem:s31+$0x0] =	vst v12  }
.LBB2_50:
0x2c1: {  	v12 =	vld [tilespmem:s25+$0x10];
	[tilespmem:s16+$0x0] =	vst v11;
	s0 =	smov.u32 s21;
	s21 =	sadd.s32 $0x40, s21;
	s16 =	smov.u32 s30  }
0x2c2: {  	s5 =	sand.u32 $0x380, s21;
	s6 =	sand.u32 $0x40, s21;
	p3 =	slt.u32 s21, $0x3C0;
	v11 =	vld [tilespmem:s25+$0x0]  }
0x2c3: {  	s29 =	sor.u32 s6, s5;
	s5 =	sadd.s32 s5, s28;
	v13 =	vld [tilespmem:s24+$0xFFFFFFE0]  }
0x2c4: {  	s24 =	sadd.s32 $0x40, s24;
	v14 =	vld [tilespmem:s29+$0x400];
	s30 =	sadd.s32 s6, s5;
	v9 =	vmul.f32 v9, v2  }
0x2c5: {  	s25 =	sadd.s32 $0x40, s25;
	v15 =	vld [tilespmem:s24+$0x10];
	v10 =	vmul.f32 v10, v2  }
0x2c6: {  	v12 =	vmul.f32 v12, v2;
	v6 =	vadd.f32 v9, v6;
	v9 =	vmul.f32 v3, v0;
	v3 =	vld [tilespmem:s25+$0x430]  }
0x2c7: {  	v17 =	vmul.f32 v4, v0;
	s6 =	sadd.s32 $0x70, s20;
	v16 =	vld [tilespmem:s25+$0x410];
	v11 =	vmul.f32 v11, v2;
	v10 =	vadd.f32 v10, v5  }
.Ltmp27:
0x2c8: {  	v7 =	vmul.f32 v7, v0;
	s29 =	sadd.s32 $0x60, s20;
	s6 =	sand.u32 $0x70, s6;
	v4 =	vld [tilespmem:s25+$0x420];
	v12 =	vadd.f32 v12, v8;
	v9 =	vadd.f32 v9, v6;
	(pc) =	sbr.rel @p3 .LBB2_50-.Ltmp27, $4  }
0x2c9: {  	s20 =	sadd.s32 $0x50, s20;
	s29 =	sand.u32 $0x60, s29;
	s6 =	sadd.s32 s6, s26;
	v5 =	vld [tilespmem:s24+$0x0];
	v11 =	vadd.f32 v11, v13;
	v13 =	vmul.f32 v1, v0;
	v10 =	vadd.f32 v17, v10;
	v1 =	vmovc v14  }
0x2ca: {  	s31 =	sand.u32 $0x50, s20;
	s20 =	smov.u32 s0;
	s29 =	sadd.s32 s29, s26;
	v8 =	vld [tilespmem:s24+$0xFFFFFFF0];
	v12 =	vadd.f32 v7, v12;
	[tilespmem:s6+$0x0] =	vst v9;
	v6 =	vmov v15  }
0x2cb: {  	s0 =	sadd.s32 s31, s26;
	s26 =	smov.u32 s5;
	v9 =	vld [tilespmem:s25+$0x30];
	v11 =	vadd.f32 v13, v11;
	[tilespmem:s29+$0x0] =	vst v10  }
0x2cc: {  	v10 =	vld [tilespmem:s25+$0x20];
	[tilespmem:s0+$0x0] =	vst v12;
	v7 =	vmov v16  }
0x2cd: {  	v12 =	vld [tilespmem:s25+$0x10]  }
0x2ce: {  	v13 =	vld [tilespmem:s25+$0x0];
	_ =	sdelay $0x1  }
0x2cf: {  	v14 =	vld [tilespmem:s24+$0xFFFFFFE0];
	v9 =	vmul.f32 v9, v2  }
0x2d0: {  	v10 =	vmul.f32 v10, v2  }
0x2d1: {  	v3 =	vmul.f32 v3, v0;
	v6 =	vadd.f32 v9, v6;
	v59 =	vmul.f32 v12, v2  }
0x2d2: {  	v4 =	vmul.f32 v4, v0;
	s0 =	sadd.s32 $0x70, s20;
	s5 =	sadd.s32 $0x60, s20;
	s18 =	sadd.s32 $0x1, s18;
	v60 =	vmul.f32 v13, v2;
	v5 =	vadd.f32 v10, v5  }
0x2d3: {  	v7 =	vmul.f32 v7, v0;
	s6 =	sadd.s32 $0x50, s20;
	s0 =	sand.u32 $0x70, s0;
	p3 =	sne.s32 s18, $0x10;
	v8 =	vadd.f32 v59, v8;
	v3 =	vadd.f32 v3, v6  }
.Ltmp28:
0x2d4: {  	[tilespmem:s16+$0x0] =	vst v11;
	v61 =	vmul.f32 v1, v0;
	s5 =	sand.u32 $0x60, s5;
	s0 =	sadd.s32 s0, s26;
	v2 =	vadd.f32 v60, v14;
	v62 =	vadd.f32 v4, v5;
	(pc) =	sbr.rel @p3 .LBB2_49-.Ltmp28, $4  }
0x2d5: {  	s6 =	sand.u32 $0x50, s6;
	s5 =	sadd.s32 s5, s26;
	v63 =	vadd.f32 v7, v8;
	[tilespmem:s0+$0x0] =	vst v3  }
0x2d6: {  	s31 =	sadd.s32 s6, s26;
	v0 =	vadd.f32 v61, v2;
	[tilespmem:s5+$0x0] =	vst v62  }
0x2d7: {  	[tilespmem:s31+$0x0] =	vst v63  }
0x2d8: {  	[tilespmem:s30+$0x0] =	vst v0  }
0x2d9: {  	_ =	swait.ge [sflag:s13], $0x4000  }
0x2da: {  	s5 =	simm.s32 $0x10800;
	[sflag:s13] =	ssyncset.done $0x0  }
0x2db: {  	s31 =	simm.s32 $0x1;
	s0 =	rddreg [dreg:$0xb];
	[sflag:s13] =	ssyncadd.s32 $0xFFFFC000  }
0x2dc: {  	[tilespmem:s5], [sflag:$0x3] =	stream.linear.gather [hbm4b:s0+s19], $0x4000, $0x38;
	[tilespmem:$0x18800] =	vst v63  }
0x2dd: {  	_ =	swait.ge [sflag:s31], $0x4000  }
0x2de: {  	[sflag:s31] =	ssyncset.done $0x0  }
0x2df: {  	s16 =	simm.s32 $0x8840;
	[sflag:s31] =	ssyncadd.s32 $0xFFFFC000  }
0x2e0: {  	s17 =	simm.s32 $0x4840;
	v1 =	vld [tilespmem:s16+$0x30]  }
0x2e1: {  	v2 =	vld [tilespmem:s17+$0x30]  }
0x2e2: {  	v0 =	vld [tilespmem:s17+$0xFFFFFFC0]  }
0x2e3: {  	v3 =	vld [tilespmem:s16+$0xFFFFFFD0]  }
0x2e4: {  	v4 =	vld [tilespmem:s17+$0xFFFFFFD0]  }
0x2e5: {  	v5 =	vld [tilespmem:s16+$0xFFFFFFE0]  }
0x2e6: {  	v6 =	vld [tilespmem:s17+$0xFFFFFFE0]  }
0x2e7: {  	v7 =	vld [tilespmem:s16+$0xFFFFFFF0]  }
0x2e8: {  	v8 =	vld [tilespmem:s17+$0xFFFFFFF0]  }
0x2e9: {  	v9 =	vld [tilespmem:s16+$0x0]  }
0x2ea: {  	v10 =	vld [tilespmem:s17+$0x0];
	v2 =	vadd.f32 v2, v1  }
0x2eb: {  	v4 =	vadd.f32 v4, v3;
	v1 =	vld [tilespmem:s16+$0x10]  }
0x2ec: {  	v5 =	vadd.f32 v6, v5;
	v3 =	vld [tilespmem:s17+$0x10];
	[tilespmem:s16+$0x30] =	vst v2  }
0x2ed: {  	v6 =	vadd.f32 v8, v7;
	[tilespmem:s16+$0xFFFFFFD0] =	vst v4;
	v2 =	vld [tilespmem:s16+$0x20]  }
0x2ee: {  	[tilespmem:s16+$0xFFFFFFE0] =	vst v5;
	v5 =	vld [tilespmem:s17+$0x20]  }
0x2ef: {  	s18 =	simm.s32 $0x0;
	s20 =	simm.s32 $0x88C0;
	v4 =	vld [tilespmem:s16+$0xFFFFFFC0];
	[tilespmem:s16+$0xFFFFFFF0] =	vst v6;
	v6 =	vadd.f32 v10, v9  }
.LBB2_53:
0x2f0: {  	v7 =	vld [tilespmem:s20+$0x30];
	s17 =	sadd.s32 $0x80, s17  }
0x2f1: {  	s18 =	sadd.s32 $0x80, s18;
	v8 =	vld [tilespmem:s17+$0x30];
	[tilespmem:s16+$0x0] =	vst v6;
	v1 =	vadd.f32 v3, v1  }
0x2f2: {  	p3 =	slt.u32 s18, $0x3F80;
	v3 =	vld [tilespmem:s17+$0xFFFFFFC0]  }
0x2f3: {  	v6 =	vld [tilespmem:s20+$0xFFFFFFD0];
	[tilespmem:s16+$0x10] =	vst v1;
	v1 =	vadd.f32 v5, v2  }
0x2f4: {  	v2 =	vld [tilespmem:s17+$0xFFFFFFD0];
	v9 =	vadd.f32 v0, v4  }
0x2f5: {  	v4 =	vld [tilespmem:s20+$0xFFFFFFE0];
	[tilespmem:s16+$0x20] =	vst v1  }
0x2f6: {  	v1 =	vld [tilespmem:s17+$0xFFFFFFE0];
	v5 =	vadd.f32 v8, v7;
	[tilespmem:s16+$0xFFFFFFC0] =	vst v9;
	s16 =	smov.u32 s20  }
0x2f7: {  	v7 =	vld [tilespmem:s20+$0xFFFFFFF0];
	v0 =	vmov v3  }
0x2f8: {  	v8 =	vld [tilespmem:s17+$0xFFFFFFF0];
	[tilespmem:s20+$0x30] =	vst v5  }
0x2f9: {  	v2 =	vadd.f32 v2, v6;
	v6 =	vld [tilespmem:s20+$0x0]  }
0x2fa: {  	v9 =	vld [tilespmem:s17+$0x0]  }
.Ltmp29:
0x2fb: {  	[tilespmem:s20+$0xFFFFFFD0] =	vst v2;
	v2 =	vadd.f32 v1, v4;
	v1 =	vld [tilespmem:s20+$0x10];
	(pc) =	sbr.rel @p3 .LBB2_53-.Ltmp29, $4  }
0x2fc: {  	v3 =	vld [tilespmem:s17+$0x10]  }
0x2fd: {  	[tilespmem:s20+$0xFFFFFFE0] =	vst v2;
	v7 =	vadd.f32 v8, v7;
	v2 =	vld [tilespmem:s20+$0x20]  }
0x2fe: {  	v5 =	vld [tilespmem:s17+$0x20]  }
0x2ff: {  	s20 =	sadd.s32 $0x80, s20;
	v4 =	vld [tilespmem:s16+$0xFFFFFFC0];
	[tilespmem:s16+$0xFFFFFFF0] =	vst v7;
	v6 =	vadd.f32 v9, v6  }
0x300: {  	_ =	sdelay $0x1  }
0x301: {  	v1 =	vadd.f32 v3, v1  }
0x302: {  	[tilespmem:s16+$0x0] =	vst v6;
	v2 =	vadd.f32 v5, v2  }
0x303: {  	[tilespmem:s16+$0x10] =	vst v1;
	v0 =	vadd.f32 v0, v4  }
0x304: {  	[tilespmem:s16+$0x20] =	vst v2  }
0x305: {  	[tilespmem:s16+$0xFFFFFFC0] =	vst v0  }
0x306: {  	s0 =	rddreg [dreg:$0xc]  }
0x307: {  	[hbm4b:s0+s19] =	stream.linear.scatter [tilespmem:s7], [sflag:$0x5], $0x4000, $0x38;
	[tilespmem:$0x18800] =	vst v63  }
0x308: {  	_ =	swait.ge [sflag:s15], $0x4000  }
0x309: {  	s6 =	simm.s32 $0x14800;
	[sflag:s15] =	ssyncset.done $0x0  }
0x30a: {  	s31 =	simm.s32 $0x2;
	s30 =	rddreg [dreg:$0xd];
	[sflag:s15] =	ssyncadd.s32 $0xFFFFC000  }
0x30b: {  	[tilespmem:s6], [sflag:$0x4] =	stream.linear.gather [hbm4b:s30+s19], $0x4000, $0x38;
	[tilespmem:$0x18800] =	vst v63  }
0x30c: {  	_ =	swait.ge [sflag:s31], $0x4000  }
0x30d: {  	[sflag:s31] =	ssyncset.done $0x0  }
0x30e: {  	s16 =	simm.s32 $0xC840;
	[sflag:s31] =	ssyncadd.s32 $0xFFFFC000  }
0x30f: {  	s17 =	simm.s32 $0x4840;
	v1 =	vld [tilespmem:s16+$0x30]  }
0x310: {  	v2 =	vld [tilespmem:s17+$0x30]  }
0x311: {  	v0 =	vld [tilespmem:s17+$0xFFFFFFC0]  }
0x312: {  	v3 =	vld [tilespmem:s16+$0xFFFFFFD0]  }
0x313: {  	v4 =	vld [tilespmem:s17+$0xFFFFFFD0]  }
0x314: {  	v5 =	vld [tilespmem:s16+$0xFFFFFFE0]  }
0x315: {  	v6 =	vld [tilespmem:s17+$0xFFFFFFE0]  }
0x316: {  	v7 =	vld [tilespmem:s16+$0xFFFFFFF0]  }
0x317: {  	v8 =	vld [tilespmem:s17+$0xFFFFFFF0]  }
0x318: {  	v9 =	vld [tilespmem:s16+$0x0]  }
0x319: {  	v10 =	vld [tilespmem:s17+$0x0];
	v2 =	vadd.f32 v2, v1  }
0x31a: {  	v4 =	vadd.f32 v4, v3;
	v1 =	vld [tilespmem:s16+$0x10]  }
0x31b: {  	v5 =	vadd.f32 v6, v5;
	v3 =	vld [tilespmem:s17+$0x10];
	[tilespmem:s16+$0x30] =	vst v2  }
0x31c: {  	v6 =	vadd.f32 v8, v7;
	[tilespmem:s16+$0xFFFFFFD0] =	vst v4;
	v2 =	vld [tilespmem:s16+$0x20]  }
0x31d: {  	[tilespmem:s16+$0xFFFFFFE0] =	vst v5;
	v5 =	vld [tilespmem:s17+$0x20]  }
0x31e: {  	s18 =	simm.s32 $0x0;
	s20 =	simm.s32 $0xC8C0;
	v4 =	vld [tilespmem:s16+$0xFFFFFFC0];
	[tilespmem:s16+$0xFFFFFFF0] =	vst v6;
	v6 =	vadd.f32 v10, v9  }
.LBB2_55:
0x31f: {  	v7 =	vld [tilespmem:s20+$0x30];
	s17 =	sadd.s32 $0x80, s17  }
0x320: {  	s18 =	sadd.s32 $0x80, s18;
	v8 =	vld [tilespmem:s17+$0x30];
	[tilespmem:s16+$0x0] =	vst v6;
	v1 =	vadd.f32 v3, v1  }
0x321: {  	p3 =	slt.u32 s18, $0x3F80;
	v3 =	vld [tilespmem:s17+$0xFFFFFFC0]  }
0x322: {  	v6 =	vld [tilespmem:s20+$0xFFFFFFD0];
	[tilespmem:s16+$0x10] =	vst v1;
	v1 =	vadd.f32 v5, v2  }
0x323: {  	v2 =	vld [tilespmem:s17+$0xFFFFFFD0];
	v9 =	vadd.f32 v0, v4  }
0x324: {  	v4 =	vld [tilespmem:s20+$0xFFFFFFE0];
	[tilespmem:s16+$0x20] =	vst v1  }
0x325: {  	v1 =	vld [tilespmem:s17+$0xFFFFFFE0];
	v5 =	vadd.f32 v8, v7;
	[tilespmem:s16+$0xFFFFFFC0] =	vst v9;
	s16 =	smov.u32 s20  }
0x326: {  	v7 =	vld [tilespmem:s20+$0xFFFFFFF0];
	v0 =	vmov v3  }
0x327: {  	v8 =	vld [tilespmem:s17+$0xFFFFFFF0];
	[tilespmem:s20+$0x30] =	vst v5  }
0x328: {  	v2 =	vadd.f32 v2, v6;
	v6 =	vld [tilespmem:s20+$0x0]  }
0x329: {  	v9 =	vld [tilespmem:s17+$0x0]  }
.Ltmp30:
0x32a: {  	[tilespmem:s20+$0xFFFFFFD0] =	vst v2;
	v2 =	vadd.f32 v1, v4;
	v1 =	vld [tilespmem:s20+$0x10];
	(pc) =	sbr.rel @p3 .LBB2_55-.Ltmp30, $4  }
0x32b: {  	v3 =	vld [tilespmem:s17+$0x10]  }
0x32c: {  	[tilespmem:s20+$0xFFFFFFE0] =	vst v2;
	v7 =	vadd.f32 v8, v7;
	v2 =	vld [tilespmem:s20+$0x20]  }
0x32d: {  	v5 =	vld [tilespmem:s17+$0x20]  }
0x32e: {  	s20 =	sadd.s32 $0x80, s20;
	v4 =	vld [tilespmem:s16+$0xFFFFFFC0];
	[tilespmem:s16+$0xFFFFFFF0] =	vst v7;
	v6 =	vadd.f32 v9, v6  }
0x32f: {  	_ =	sdelay $0x1  }
0x330: {  	v1 =	vadd.f32 v3, v1  }
0x331: {  	[tilespmem:s16+$0x0] =	vst v6;
	v2 =	vadd.f32 v5, v2  }
0x332: {  	[tilespmem:s16+$0x10] =	vst v1;
	v0 =	vadd.f32 v0, v4  }
0x333: {  	[tilespmem:s16+$0x20] =	vst v2  }
0x334: {  	[tilespmem:s16+$0xFFFFFFC0] =	vst v0  }
0x335: {  	s30 =	simm.s32 $0x5;
	s0 =	rddreg [dreg:$0xe]  }
0x336: {  	[hbm4b:s0+s19] =	stream.linear.scatter [tilespmem:s8], [sflag:$0x6], $0x4000, $0x38;
	[tilespmem:$0x18800] =	vst v63  }
0x337: {  	_ =	swait.ge [sflag:s30], $0x4000  }
0x338: {  	[sflag:s30] =	ssyncset.done $0x0  }
0x339: {  	s31 =	rddreg [dreg:$0xf];
	[sflag:s30] =	ssyncadd.s32 $0xFFFFC000  }
0x33a: {  	[tilespmem:s7], [sflag:$0x1] =	stream.linear.gather [hbm4b:s31+s19], $0x4000, $0x38;
	[tilespmem:$0x18800] =	vst v63  }
0x33b: {  	_ =	swait.ge [sflag:s9], $0x4000  }
0x33c: {  	[sflag:s9] =	ssyncset.done $0x0  }
0x33d: {  	s16 =	simm.s32 $0x10840;
	[sflag:s9] =	ssyncadd.s32 $0xFFFFC000  }
0x33e: {  	s17 =	simm.s32 $0x4840;
	v1 =	vld [tilespmem:s16+$0x30]  }
0x33f: {  	v2 =	vld [tilespmem:s17+$0x30]  }
0x340: {  	v0 =	vld [tilespmem:s17+$0xFFFFFFC0]  }
0x341: {  	v3 =	vld [tilespmem:s16+$0xFFFFFFD0]  }
0x342: {  	v4 =	vld [tilespmem:s17+$0xFFFFFFD0]  }
0x343: {  	v5 =	vld [tilespmem:s16+$0xFFFFFFE0]  }
0x344: {  	v6 =	vld [tilespmem:s17+$0xFFFFFFE0]  }
0x345: {  	v7 =	vld [tilespmem:s16+$0xFFFFFFF0]  }
0x346: {  	v8 =	vld [tilespmem:s17+$0xFFFFFFF0]  }
0x347: {  	v9 =	vld [tilespmem:s16+$0x0]  }
0x348: {  	v10 =	vld [tilespmem:s17+$0x0];
	v2 =	vadd.f32 v2, v1  }
0x349: {  	v4 =	vadd.f32 v4, v3;
	v1 =	vld [tilespmem:s16+$0x10]  }
0x34a: {  	v5 =	vadd.f32 v6, v5;
	v3 =	vld [tilespmem:s17+$0x10];
	[tilespmem:s16+$0x30] =	vst v2  }
0x34b: {  	v6 =	vadd.f32 v8, v7;
	[tilespmem:s16+$0xFFFFFFD0] =	vst v4;
	v2 =	vld [tilespmem:s16+$0x20]  }
0x34c: {  	[tilespmem:s16+$0xFFFFFFE0] =	vst v5;
	v5 =	vld [tilespmem:s17+$0x20]  }
0x34d: {  	s18 =	simm.s32 $0x0;
	s20 =	simm.s32 $0x108C0;
	v4 =	vld [tilespmem:s16+$0xFFFFFFC0];
	[tilespmem:s16+$0xFFFFFFF0] =	vst v6;
	v6 =	vadd.f32 v10, v9  }
.LBB2_57:
0x34e: {  	v7 =	vld [tilespmem:s20+$0x30];
	s17 =	sadd.s32 $0x80, s17  }
0x34f: {  	s18 =	sadd.s32 $0x80, s18;
	v8 =	vld [tilespmem:s17+$0x30];
	[tilespmem:s16+$0x0] =	vst v6;
	v1 =	vadd.f32 v3, v1  }
0x350: {  	p3 =	slt.u32 s18, $0x3F80;
	v3 =	vld [tilespmem:s17+$0xFFFFFFC0]  }
0x351: {  	v6 =	vld [tilespmem:s20+$0xFFFFFFD0];
	[tilespmem:s16+$0x10] =	vst v1;
	v1 =	vadd.f32 v5, v2  }
0x352: {  	v2 =	vld [tilespmem:s17+$0xFFFFFFD0];
	v9 =	vadd.f32 v0, v4  }
0x353: {  	v4 =	vld [tilespmem:s20+$0xFFFFFFE0];
	[tilespmem:s16+$0x20] =	vst v1  }
0x354: {  	v1 =	vld [tilespmem:s17+$0xFFFFFFE0];
	v5 =	vadd.f32 v8, v7;
	[tilespmem:s16+$0xFFFFFFC0] =	vst v9;
	s16 =	smov.u32 s20  }
0x355: {  	v7 =	vld [tilespmem:s20+$0xFFFFFFF0];
	v0 =	vmov v3  }
0x356: {  	v8 =	vld [tilespmem:s17+$0xFFFFFFF0];
	[tilespmem:s20+$0x30] =	vst v5  }
0x357: {  	v2 =	vadd.f32 v2, v6;
	v6 =	vld [tilespmem:s20+$0x0]  }
0x358: {  	v9 =	vld [tilespmem:s17+$0x0]  }
.Ltmp31:
0x359: {  	[tilespmem:s20+$0xFFFFFFD0] =	vst v2;
	v2 =	vadd.f32 v1, v4;
	v1 =	vld [tilespmem:s20+$0x10];
	(pc) =	sbr.rel @p3 .LBB2_57-.Ltmp31, $4  }
0x35a: {  	v3 =	vld [tilespmem:s17+$0x10]  }
0x35b: {  	[tilespmem:s20+$0xFFFFFFE0] =	vst v2;
	v7 =	vadd.f32 v8, v7;
	v2 =	vld [tilespmem:s20+$0x20]  }
0x35c: {  	v5 =	vld [tilespmem:s17+$0x20]  }
0x35d: {  	s20 =	sadd.s32 $0x80, s20;
	v4 =	vld [tilespmem:s16+$0xFFFFFFC0];
	[tilespmem:s16+$0xFFFFFFF0] =	vst v7;
	v6 =	vadd.f32 v9, v6  }
0x35e: {  	_ =	sdelay $0x1  }
0x35f: {  	v1 =	vadd.f32 v3, v1  }
0x360: {  	[tilespmem:s16+$0x0] =	vst v6;
	v2 =	vadd.f32 v5, v2  }
0x361: {  	[tilespmem:s16+$0x10] =	vst v1;
	v0 =	vadd.f32 v0, v4  }
0x362: {  	[tilespmem:s16+$0x20] =	vst v2  }
0x363: {  	[tilespmem:s16+$0xFFFFFFC0] =	vst v0  }
0x364: {  	s0 =	rddreg [dreg:$0x10]  }
0x365: {  	[hbm4b:s0+s19] =	stream.linear.scatter [tilespmem:s5], [sflag:$0x7], $0x4000, $0x38;
	[tilespmem:$0x18800] =	vst v63  }
0x366: {  	_ =	swait.ge [sflag:s10], $0x4000  }
0x367: {  	[sflag:s10] =	ssyncset.done $0x0  }
0x368: {  	s31 =	rddreg [dreg:$0x13];
	[sflag:s10] =	ssyncadd.s32 $0xFFFFC000  }
0x369: {  	[tilespmem:s8], [sflag:$0x2] =	stream.linear.gather [hbm4b:s31+s19], $0x4000, $0x38;
	[tilespmem:$0x18800] =	vst v63  }
0x36a: {  	_ =	swait.ge [sflag:s11], $0x4000  }
0x36b: {  	[sflag:s11] =	ssyncset.done $0x0  }
0x36c: {  	s16 =	simm.s32 $0x14840;
	[sflag:s11] =	ssyncadd.s32 $0xFFFFC000  }
0x36d: {  	s17 =	simm.s32 $0x4840;
	v1 =	vld [tilespmem:s16+$0x30]  }
0x36e: {  	v2 =	vld [tilespmem:s17+$0x30]  }
0x36f: {  	v0 =	vld [tilespmem:s17+$0xFFFFFFC0]  }
0x370: {  	v3 =	vld [tilespmem:s16+$0xFFFFFFD0]  }
0x371: {  	v4 =	vld [tilespmem:s17+$0xFFFFFFD0]  }
0x372: {  	v5 =	vld [tilespmem:s16+$0xFFFFFFE0]  }
0x373: {  	v6 =	vld [tilespmem:s17+$0xFFFFFFE0]  }
0x374: {  	v7 =	vld [tilespmem:s16+$0xFFFFFFF0]  }
0x375: {  	v8 =	vld [tilespmem:s17+$0xFFFFFFF0]  }
0x376: {  	v9 =	vld [tilespmem:s16+$0x0]  }
0x377: {  	v10 =	vld [tilespmem:s17+$0x0];
	v2 =	vadd.f32 v2, v1  }
0x378: {  	v4 =	vadd.f32 v4, v3;
	v1 =	vld [tilespmem:s16+$0x10]  }
0x379: {  	v5 =	vadd.f32 v6, v5;
	v3 =	vld [tilespmem:s17+$0x10];
	[tilespmem:s16+$0x30] =	vst v2  }
0x37a: {  	v6 =	vadd.f32 v8, v7;
	[tilespmem:s16+$0xFFFFFFD0] =	vst v4;
	v2 =	vld [tilespmem:s16+$0x20]  }
0x37b: {  	[tilespmem:s16+$0xFFFFFFE0] =	vst v5;
	v5 =	vld [tilespmem:s17+$0x20]  }
0x37c: {  	s18 =	simm.s32 $0x0;
	s20 =	simm.s32 $0x148C0;
	v4 =	vld [tilespmem:s16+$0xFFFFFFC0];
	[tilespmem:s16+$0xFFFFFFF0] =	vst v6;
	v6 =	vadd.f32 v10, v9  }
.LBB2_59:
0x37d: {  	v7 =	vld [tilespmem:s20+$0x30];
	s17 =	sadd.s32 $0x80, s17  }
0x37e: {  	s18 =	sadd.s32 $0x80, s18;
	v8 =	vld [tilespmem:s17+$0x30];
	[tilespmem:s16+$0x0] =	vst v6;
	v1 =	vadd.f32 v3, v1  }
0x37f: {  	p3 =	slt.u32 s18, $0x3F80;
	v3 =	vld [tilespmem:s17+$0xFFFFFFC0]  }
0x380: {  	v6 =	vld [tilespmem:s20+$0xFFFFFFD0];
	[tilespmem:s16+$0x10] =	vst v1;
	v1 =	vadd.f32 v5, v2  }
0x381: {  	v2 =	vld [tilespmem:s17+$0xFFFFFFD0];
	v9 =	vadd.f32 v0, v4  }
0x382: {  	v4 =	vld [tilespmem:s20+$0xFFFFFFE0];
	[tilespmem:s16+$0x20] =	vst v1  }
0x383: {  	v1 =	vld [tilespmem:s17+$0xFFFFFFE0];
	v5 =	vadd.f32 v8, v7;
	[tilespmem:s16+$0xFFFFFFC0] =	vst v9;
	s16 =	smov.u32 s20  }
0x384: {  	v7 =	vld [tilespmem:s20+$0xFFFFFFF0];
	v0 =	vmov v3  }
0x385: {  	v8 =	vld [tilespmem:s17+$0xFFFFFFF0];
	[tilespmem:s20+$0x30] =	vst v5  }
0x386: {  	v2 =	vadd.f32 v2, v6;
	v6 =	vld [tilespmem:s20+$0x0]  }
0x387: {  	v9 =	vld [tilespmem:s17+$0x0]  }
.Ltmp32:
0x388: {  	[tilespmem:s20+$0xFFFFFFD0] =	vst v2;
	v2 =	vadd.f32 v1, v4;
	v1 =	vld [tilespmem:s20+$0x10];
	(pc) =	sbr.rel @p3 .LBB2_59-.Ltmp32, $4  }
0x389: {  	v3 =	vld [tilespmem:s17+$0x10]  }
0x38a: {  	[tilespmem:s20+$0xFFFFFFE0] =	vst v2;
	v7 =	vadd.f32 v8, v7;
	v2 =	vld [tilespmem:s20+$0x20]  }
0x38b: {  	v5 =	vld [tilespmem:s17+$0x20]  }
0x38c: {  	s20 =	sadd.s32 $0x80, s20;
	v4 =	vld [tilespmem:s16+$0xFFFFFFC0];
	[tilespmem:s16+$0xFFFFFFF0] =	vst v7;
	v6 =	vadd.f32 v9, v6  }
0x38d: {  	_ =	sdelay $0x1  }
0x38e: {  	v1 =	vadd.f32 v3, v1  }
0x38f: {  	[tilespmem:s16+$0x0] =	vst v6;
	v2 =	vadd.f32 v5, v2  }
0x390: {  	[tilespmem:s16+$0x10] =	vst v1;
	v0 =	vadd.f32 v0, v4  }
0x391: {  	[tilespmem:s16+$0x20] =	vst v2  }
0x392: {  	[tilespmem:s16+$0xFFFFFFC0] =	vst v0  }
0x393: {  	s17 =	simm.s32 $0x0;
	s18 =	simm.s32 $0x0;
	s0 =	rddreg [dreg:$0x11]  }
0x394: {  	[hbm4b:s0+s17] =	stream.linear.scatter [tilespmem:s6], [sflag:$0x8], $0x4000, $0x38;
	[tilespmem:$0x18800] =	vst v63  }
.LBB2_61:
0x395: {  	v5 =	vld [tilespmem:s17+$0x430]  }
0x396: {  	v9 =	vld [tilespmem:s17+$0x410]  }
0x397: {  	v10 =	vld [tilespmem:s17+$0x420]  }
0x398: {  	v0 =	vld [tilespmem:s17+$0x30]  }
0x399: {  	v3 =	vld [tilespmem:s17+$0x20]  }
0x39a: {  	s20 =	simm.s32 $0x0;
	s6 =	simm.s32 $0x820;
	s24 =	sor.u32 s12, s18;
	v7 =	vld [tilespmem:s17+$0x10]  }
0x39b: {  	v13 =	vld [tilespmem:s17+$0x0];
	s0 =	sand.u32 $0x380, s20;
	s16 =	sand.u32 $0x40, s20;
	s21 =	ssub.s32 $0xFF0, s24  }
0x39c: {  	v4 =	vld [tilespmem:s6+$0x10];
	s5 =	sor.u32 s16, s0;
	s21 =	scvt.s32.f32 s21  }
0x39d: {  	v8 =	vld [tilespmem:s5+$0x400];
	s5 =	sadd.s32 $0xFFFFFFF1, s24  }
0x39e: {  	v11 =	vld [tilespmem:s6+$0x0];
	s24 =	smul.f32 $2.441406250e-04, s21;
	s5 =	scvt.s32.f32 s5;
	s21 =	simm.s32 $0x40  }
0x39f: {  	v12 =	vld [tilespmem:s6+$0xFFFFFFF0];
	s26 =	sand.u32 $0x380, s21;
	s29 =	sand.u32 $0x40, s21  }
0x3a0: {  	v14 =	vld [tilespmem:s6+$0xFFFFFFE0];
	s5 =	smul.f32 $2.441406250e-04, s5;
	v2 =	vmov s24;
	s25 =	sor.u32 s29, s26  }
0x3a1: {  	s24 =	simm.s32 $0x860;
	v1 =	vld [tilespmem:s25+$0x400];
	v15 =	vmul.f32 v0, v2  }
0x3a2: {  	s31 =	sshll.u32 s18, $0xA;
	v6 =	vld [tilespmem:s24+$0x10];
	v16 =	vmul.f32 v3, v2;
	s25 =	simm.s32 $0x40;
	v0 =	vmov s5  }
0x3a3: {  	v17 =	vmul.f32 v7, v2;
	s5 =	sand.u32 $0x3FFFFC00, s31;
	v3 =	vld [tilespmem:s25+$0x430];
	v15 =	vadd.f32 v15, v4;
	v5 =	vmul.f32 v5, v0  }
0x3a4: {  	s6 =	simm.s32 $0x30;
	v13 =	vmul.f32 v13, v2;
	v7 =	vld [tilespmem:s25+$0x410];
	s28 =	sadd.s32 $0x4800, s5;
	v11 =	vadd.f32 v16, v11;
	v10 =	vmul.f32 v10, v0  }
0x3a5: {  	s31 =	simm.s32 $0x20;
	v4 =	vld [tilespmem:s25+$0x420];
	v12 =	vadd.f32 v17, v12;
	v9 =	vmul.f32 v9, v0;
	s5 =	sand.u32 $0x70, s6;
	s0 =	sadd.s32 s0, s28;
	v15 =	vadd.f32 v5, v15  }
0x3a6: {  	s30 =	simm.s32 $0x10;
	s6 =	sand.u32 $0x60, s31;
	v63 =	vmul.f32 v8, v0;
	v8 =	vld [tilespmem:s24+$0xFFFFFFF0];
	v10 =	vadd.f32 v10, v11;
	s5 =	sadd.s32 s5, s0;
	v11 =	vadd.f32 v13, v14  }
0x3a7: {  	s30 =	sand.u32 $0x50, s30;
	v5 =	vld [tilespmem:s24+$0x0];
	v12 =	vadd.f32 v9, v12;
	s6 =	sadd.s32 s6, s0;
	[tilespmem:s5+$0x0] =	vst v15  }
0x3a8: {  	s26 =	sadd.s32 s26, s28;
	v9 =	vld [tilespmem:s25+$0x30];
	s31 =	sadd.s32 s30, s0;
	[tilespmem:s6+$0x0] =	vst v10;
	v11 =	vadd.f32 v63, v11  }
0x3a9: {  	s16 =	sadd.s32 s16, s0;
	s30 =	sadd.s32 s29, s26;
	v10 =	vld [tilespmem:s25+$0x20];
	[tilespmem:s31+$0x0] =	vst v12  }
.LBB2_62:
0x3aa: {  	v12 =	vld [tilespmem:s25+$0x10];
	[tilespmem:s16+$0x0] =	vst v11;
	s0 =	smov.u32 s21;
	s21 =	sadd.s32 $0x40, s21;
	s16 =	smov.u32 s30  }
0x3ab: {  	s5 =	sand.u32 $0x380, s21;
	s6 =	sand.u32 $0x40, s21;
	p3 =	slt.u32 s21, $0x3C0;
	v11 =	vld [tilespmem:s25+$0x0]  }
0x3ac: {  	s29 =	sor.u32 s6, s5;
	s5 =	sadd.s32 s5, s28;
	v13 =	vld [tilespmem:s24+$0xFFFFFFE0]  }
0x3ad: {  	s24 =	sadd.s32 $0x40, s24;
	v14 =	vld [tilespmem:s29+$0x400];
	s30 =	sadd.s32 s6, s5;
	v9 =	vmul.f32 v9, v2  }
0x3ae: {  	s25 =	sadd.s32 $0x40, s25;
	v15 =	vld [tilespmem:s24+$0x10];
	v10 =	vmul.f32 v10, v2  }
0x3af: {  	v12 =	vmul.f32 v12, v2;
	v6 =	vadd.f32 v9, v6;
	v9 =	vmul.f32 v3, v0;
	v3 =	vld [tilespmem:s25+$0x430]  }
0x3b0: {  	v17 =	vmul.f32 v4, v0;
	s6 =	sadd.s32 $0x70, s20;
	v16 =	vld [tilespmem:s25+$0x410];
	v11 =	vmul.f32 v11, v2;
	v10 =	vadd.f32 v10, v5  }
.Ltmp33:
0x3b1: {  	v7 =	vmul.f32 v7, v0;
	s29 =	sadd.s32 $0x60, s20;
	s6 =	sand.u32 $0x70, s6;
	v4 =	vld [tilespmem:s25+$0x420];
	v12 =	vadd.f32 v12, v8;
	v9 =	vadd.f32 v9, v6;
	(pc) =	sbr.rel @p3 .LBB2_62-.Ltmp33, $4  }
0x3b2: {  	s20 =	sadd.s32 $0x50, s20;
	s29 =	sand.u32 $0x60, s29;
	s6 =	sadd.s32 s6, s26;
	v5 =	vld [tilespmem:s24+$0x0];
	v11 =	vadd.f32 v11, v13;
	v13 =	vmul.f32 v1, v0;
	v10 =	vadd.f32 v17, v10;
	v1 =	vmovc v14  }
0x3b3: {  	s31 =	sand.u32 $0x50, s20;
	s20 =	smov.u32 s0;
	s29 =	sadd.s32 s29, s26;
	v8 =	vld [tilespmem:s24+$0xFFFFFFF0];
	v12 =	vadd.f32 v7, v12;
	[tilespmem:s6+$0x0] =	vst v9;
	v6 =	vmov v15  }
0x3b4: {  	s0 =	sadd.s32 s31, s26;
	s26 =	smov.u32 s5;
	v9 =	vld [tilespmem:s25+$0x30];
	v11 =	vadd.f32 v13, v11;
	[tilespmem:s29+$0x0] =	vst v10  }
0x3b5: {  	v10 =	vld [tilespmem:s25+$0x20];
	[tilespmem:s0+$0x0] =	vst v12;
	v7 =	vmov v16  }
0x3b6: {  	v12 =	vld [tilespmem:s25+$0x10]  }
0x3b7: {  	v13 =	vld [tilespmem:s25+$0x0];
	_ =	sdelay $0x1  }
0x3b8: {  	v14 =	vld [tilespmem:s24+$0xFFFFFFE0];
	v9 =	vmul.f32 v9, v2  }
0x3b9: {  	v10 =	vmul.f32 v10, v2  }
0x3ba: {  	v3 =	vmul.f32 v3, v0;
	v6 =	vadd.f32 v9, v6;
	v59 =	vmul.f32 v12, v2  }
0x3bb: {  	v4 =	vmul.f32 v4, v0;
	s0 =	sadd.s32 $0x70, s20;
	s5 =	sadd.s32 $0x60, s20;
	s18 =	sadd.s32 $0x1, s18;
	v60 =	vmul.f32 v13, v2;
	v5 =	vadd.f32 v10, v5  }
0x3bc: {  	v7 =	vmul.f32 v7, v0;
	s6 =	sadd.s32 $0x50, s20;
	s0 =	sand.u32 $0x70, s0;
	p3 =	sne.s32 s18, $0x10;
	v8 =	vadd.f32 v59, v8;
	v3 =	vadd.f32 v3, v6  }
.Ltmp34:
0x3bd: {  	[tilespmem:s16+$0x0] =	vst v11;
	v61 =	vmul.f32 v1, v0;
	s5 =	sand.u32 $0x60, s5;
	s0 =	sadd.s32 s0, s26;
	v2 =	vadd.f32 v60, v14;
	v62 =	vadd.f32 v4, v5;
	(pc) =	sbr.rel @p3 .LBB2_61-.Ltmp34, $4  }
0x3be: {  	s6 =	sand.u32 $0x50, s6;
	s5 =	sadd.s32 s5, s26;
	v63 =	vadd.f32 v7, v8;
	[tilespmem:s0+$0x0] =	vst v3  }
0x3bf: {  	s31 =	sadd.s32 s6, s26;
	v0 =	vadd.f32 v61, v2;
	[tilespmem:s5+$0x0] =	vst v62  }
0x3c0: {  	[tilespmem:s31+$0x0] =	vst v63  }
0x3c1: {  	[tilespmem:s30+$0x0] =	vst v0  }
0x3c2: {  	_ =	swait.ge [sflag:s13], $0x4000  }
0x3c3: {  	s5 =	simm.s32 $0x10800;
	[sflag:s13] =	ssyncset.done $0x0  }
0x3c4: {  	s31 =	simm.s32 $0x1;
	s0 =	rddreg [dreg:$0x15];
	[sflag:s13] =	ssyncadd.s32 $0xFFFFC000  }
0x3c5: {  	[tilespmem:s5], [sflag:$0x3] =	stream.linear.gather [hbm4b:s0+s19], $0x4000, $0x38;
	[tilespmem:$0x18800] =	vst v63  }
0x3c6: {  	_ =	swait.ge [sflag:s31], $0x4000  }
0x3c7: {  	[sflag:s31] =	ssyncset.done $0x0  }
0x3c8: {  	s16 =	simm.s32 $0x8840;
	[sflag:s31] =	ssyncadd.s32 $0xFFFFC000  }
0x3c9: {  	s17 =	simm.s32 $0x4840;
	v1 =	vld [tilespmem:s16+$0x30]  }
0x3ca: {  	v2 =	vld [tilespmem:s17+$0x30]  }
0x3cb: {  	v0 =	vld [tilespmem:s17+$0xFFFFFFC0]  }
0x3cc: {  	v3 =	vld [tilespmem:s16+$0xFFFFFFD0]  }
0x3cd: {  	v4 =	vld [tilespmem:s17+$0xFFFFFFD0]  }
0x3ce: {  	v5 =	vld [tilespmem:s16+$0xFFFFFFE0]  }
0x3cf: {  	v6 =	vld [tilespmem:s17+$0xFFFFFFE0]  }
0x3d0: {  	v7 =	vld [tilespmem:s16+$0xFFFFFFF0]  }
0x3d1: {  	v8 =	vld [tilespmem:s17+$0xFFFFFFF0]  }
0x3d2: {  	v9 =	vld [tilespmem:s16+$0x0]  }
0x3d3: {  	v10 =	vld [tilespmem:s17+$0x0];
	v2 =	vadd.f32 v2, v1  }
0x3d4: {  	v4 =	vadd.f32 v4, v3;
	v1 =	vld [tilespmem:s16+$0x10]  }
0x3d5: {  	v5 =	vadd.f32 v6, v5;
	v3 =	vld [tilespmem:s17+$0x10];
	[tilespmem:s16+$0x30] =	vst v2  }
0x3d6: {  	v6 =	vadd.f32 v8, v7;
	[tilespmem:s16+$0xFFFFFFD0] =	vst v4;
	v2 =	vld [tilespmem:s16+$0x20]  }
0x3d7: {  	[tilespmem:s16+$0xFFFFFFE0] =	vst v5;
	v5 =	vld [tilespmem:s17+$0x20]  }
0x3d8: {  	s18 =	simm.s32 $0x0;
	s20 =	simm.s32 $0x88C0;
	v4 =	vld [tilespmem:s16+$0xFFFFFFC0];
	[tilespmem:s16+$0xFFFFFFF0] =	vst v6;
	v6 =	vadd.f32 v10, v9  }
.LBB2_65:
0x3d9: {  	v7 =	vld [tilespmem:s20+$0x30];
	s17 =	sadd.s32 $0x80, s17  }
0x3da: {  	s18 =	sadd.s32 $0x80, s18;
	v8 =	vld [tilespmem:s17+$0x30];
	[tilespmem:s16+$0x0] =	vst v6;
	v1 =	vadd.f32 v3, v1  }
0x3db: {  	p3 =	slt.u32 s18, $0x3F80;
	v3 =	vld [tilespmem:s17+$0xFFFFFFC0]  }
0x3dc: {  	v6 =	vld [tilespmem:s20+$0xFFFFFFD0];
	[tilespmem:s16+$0x10] =	vst v1;
	v1 =	vadd.f32 v5, v2  }
0x3dd: {  	v2 =	vld [tilespmem:s17+$0xFFFFFFD0];
	v9 =	vadd.f32 v0, v4  }
0x3de: {  	v4 =	vld [tilespmem:s20+$0xFFFFFFE0];
	[tilespmem:s16+$0x20] =	vst v1  }
0x3df: {  	v1 =	vld [tilespmem:s17+$0xFFFFFFE0];
	v5 =	vadd.f32 v8, v7;
	[tilespmem:s16+$0xFFFFFFC0] =	vst v9;
	s16 =	smov.u32 s20  }
0x3e0: {  	v7 =	vld [tilespmem:s20+$0xFFFFFFF0];
	v0 =	vmov v3  }
0x3e1: {  	v8 =	vld [tilespmem:s17+$0xFFFFFFF0];
	[tilespmem:s20+$0x30] =	vst v5  }
0x3e2: {  	v2 =	vadd.f32 v2, v6;
	v6 =	vld [tilespmem:s20+$0x0]  }
0x3e3: {  	v9 =	vld [tilespmem:s17+$0x0]  }
.Ltmp35:
0x3e4: {  	[tilespmem:s20+$0xFFFFFFD0] =	vst v2;
	v2 =	vadd.f32 v1, v4;
	v1 =	vld [tilespmem:s20+$0x10];
	(pc) =	sbr.rel @p3 .LBB2_65-.Ltmp35, $4  }
0x3e5: {  	v3 =	vld [tilespmem:s17+$0x10]  }
0x3e6: {  	[tilespmem:s20+$0xFFFFFFE0] =	vst v2;
	v7 =	vadd.f32 v8, v7;
	v2 =	vld [tilespmem:s20+$0x20]  }
0x3e7: {  	v5 =	vld [tilespmem:s17+$0x20]  }
0x3e8: {  	s20 =	sadd.s32 $0x80, s20;
	v4 =	vld [tilespmem:s16+$0xFFFFFFC0];
	[tilespmem:s16+$0xFFFFFFF0] =	vst v7;
	v6 =	vadd.f32 v9, v6  }
0x3e9: {  	_ =	sdelay $0x1  }
0x3ea: {  	v1 =	vadd.f32 v3, v1  }
0x3eb: {  	[tilespmem:s16+$0x0] =	vst v6;
	v2 =	vadd.f32 v5, v2  }
0x3ec: {  	[tilespmem:s16+$0x10] =	vst v1;
	v0 =	vadd.f32 v0, v4  }
0x3ed: {  	[tilespmem:s16+$0x20] =	vst v2  }
0x3ee: {  	[tilespmem:s16+$0xFFFFFFC0] =	vst v0  }
0x3ef: {  	s0 =	rddreg [dreg:$0x12]  }
0x3f0: {  	[hbm4b:s0+s19] =	stream.linear.scatter [tilespmem:s7], [sflag:$0x5], $0x4000, $0x38;
	[tilespmem:$0x18800] =	vst v63  }
0x3f1: {  	_ =	swait.ge [sflag:s15], $0x4000  }
0x3f2: {  	s6 =	simm.s32 $0x14800;
	[sflag:s15] =	ssyncset.done $0x0  }
0x3f3: {  	s31 =	simm.s32 $0x2;
	s30 =	rddreg [dreg:$0x17];
	[sflag:s15] =	ssyncadd.s32 $0xFFFFC000  }
0x3f4: {  	[tilespmem:s6], [sflag:$0x4] =	stream.linear.gather [hbm4b:s30+s19], $0x4000, $0x38;
	[tilespmem:$0x18800] =	vst v63  }
0x3f5: {  	_ =	swait.ge [sflag:s31], $0x4000  }
0x3f6: {  	[sflag:s31] =	ssyncset.done $0x0  }
0x3f7: {  	s16 =	simm.s32 $0xC840;
	[sflag:s31] =	ssyncadd.s32 $0xFFFFC000  }
0x3f8: {  	s17 =	simm.s32 $0x4840;
	v1 =	vld [tilespmem:s16+$0x30]  }
0x3f9: {  	v2 =	vld [tilespmem:s17+$0x30]  }
0x3fa: {  	v0 =	vld [tilespmem:s17+$0xFFFFFFC0]  }
0x3fb: {  	v3 =	vld [tilespmem:s16+$0xFFFFFFD0]  }
0x3fc: {  	v4 =	vld [tilespmem:s17+$0xFFFFFFD0]  }
0x3fd: {  	v5 =	vld [tilespmem:s16+$0xFFFFFFE0]  }
0x3fe: {  	v6 =	vld [tilespmem:s17+$0xFFFFFFE0]  }
0x3ff: {  	v7 =	vld [tilespmem:s16+$0xFFFFFFF0]  }
0x400: {  	v8 =	vld [tilespmem:s17+$0xFFFFFFF0]  }
0x401: {  	v9 =	vld [tilespmem:s16+$0x0]  }
0x402: {  	v10 =	vld [tilespmem:s17+$0x0];
	v2 =	vadd.f32 v2, v1  }
0x403: {  	v4 =	vadd.f32 v4, v3;
	v1 =	vld [tilespmem:s16+$0x10]  }
0x404: {  	v5 =	vadd.f32 v6, v5;
	v3 =	vld [tilespmem:s17+$0x10];
	[tilespmem:s16+$0x30] =	vst v2  }
0x405: {  	v6 =	vadd.f32 v8, v7;
	[tilespmem:s16+$0xFFFFFFD0] =	vst v4;
	v2 =	vld [tilespmem:s16+$0x20]  }
0x406: {  	[tilespmem:s16+$0xFFFFFFE0] =	vst v5;
	v5 =	vld [tilespmem:s17+$0x20]  }
0x407: {  	s18 =	simm.s32 $0x0;
	s20 =	simm.s32 $0xC8C0;
	v4 =	vld [tilespmem:s16+$0xFFFFFFC0];
	[tilespmem:s16+$0xFFFFFFF0] =	vst v6;
	v6 =	vadd.f32 v10, v9  }
.LBB2_67:
0x408: {  	v7 =	vld [tilespmem:s20+$0x30];
	s17 =	sadd.s32 $0x80, s17  }
0x409: {  	s18 =	sadd.s32 $0x80, s18;
	v8 =	vld [tilespmem:s17+$0x30];
	[tilespmem:s16+$0x0] =	vst v6;
	v1 =	vadd.f32 v3, v1  }
0x40a: {  	p3 =	slt.u32 s18, $0x3F80;
	v3 =	vld [tilespmem:s17+$0xFFFFFFC0]  }
0x40b: {  	v6 =	vld [tilespmem:s20+$0xFFFFFFD0];
	[tilespmem:s16+$0x10] =	vst v1;
	v1 =	vadd.f32 v5, v2  }
0x40c: {  	v2 =	vld [tilespmem:s17+$0xFFFFFFD0];
	v9 =	vadd.f32 v0, v4  }
0x40d: {  	v4 =	vld [tilespmem:s20+$0xFFFFFFE0];
	[tilespmem:s16+$0x20] =	vst v1  }
0x40e: {  	v1 =	vld [tilespmem:s17+$0xFFFFFFE0];
	v5 =	vadd.f32 v8, v7;
	[tilespmem:s16+$0xFFFFFFC0] =	vst v9;
	s16 =	smov.u32 s20  }
0x40f: {  	v7 =	vld [tilespmem:s20+$0xFFFFFFF0];
	v0 =	vmov v3  }
0x410: {  	v8 =	vld [tilespmem:s17+$0xFFFFFFF0];
	[tilespmem:s20+$0x30] =	vst v5  }
0x411: {  	v2 =	vadd.f32 v2, v6;
	v6 =	vld [tilespmem:s20+$0x0]  }
0x412: {  	v9 =	vld [tilespmem:s17+$0x0]  }
.Ltmp36:
0x413: {  	[tilespmem:s20+$0xFFFFFFD0] =	vst v2;
	v2 =	vadd.f32 v1, v4;
	v1 =	vld [tilespmem:s20+$0x10];
	(pc) =	sbr.rel @p3 .LBB2_67-.Ltmp36, $4  }
0x414: {  	v3 =	vld [tilespmem:s17+$0x10]  }
0x415: {  	[tilespmem:s20+$0xFFFFFFE0] =	vst v2;
	v7 =	vadd.f32 v8, v7;
	v2 =	vld [tilespmem:s20+$0x20]  }
0x416: {  	v5 =	vld [tilespmem:s17+$0x20]  }
0x417: {  	s20 =	sadd.s32 $0x80, s20;
	v4 =	vld [tilespmem:s16+$0xFFFFFFC0];
	[tilespmem:s16+$0xFFFFFFF0] =	vst v7;
	v6 =	vadd.f32 v9, v6  }
0x418: {  	_ =	sdelay $0x1  }
0x419: {  	v1 =	vadd.f32 v3, v1  }
0x41a: {  	[tilespmem:s16+$0x0] =	vst v6;
	v2 =	vadd.f32 v5, v2  }
0x41b: {  	[tilespmem:s16+$0x10] =	vst v1;
	v0 =	vadd.f32 v0, v4  }
0x41c: {  	[tilespmem:s16+$0x20] =	vst v2  }
0x41d: {  	[tilespmem:s16+$0xFFFFFFC0] =	vst v0  }
0x41e: {  	s30 =	simm.s32 $0x5;
	s0 =	rddreg [dreg:$0x14]  }
0x41f: {  	[hbm4b:s0+s19] =	stream.linear.scatter [tilespmem:s8], [sflag:$0x6], $0x4000, $0x38;
	[tilespmem:$0x18800] =	vst v63  }
0x420: {  	_ =	swait.ge [sflag:s30], $0x4000  }
0x421: {  	[sflag:s30] =	ssyncset.done $0x0  }
0x422: {  	s31 =	rddreg [dreg:$0x19];
	[sflag:s30] =	ssyncadd.s32 $0xFFFFC000  }
0x423: {  	[tilespmem:s7], [sflag:$0x1] =	stream.linear.gather [hbm4b:s31+s19], $0x4000, $0x38;
	[tilespmem:$0x18800] =	vst v63  }
0x424: {  	_ =	swait.ge [sflag:s9], $0x4000  }
0x425: {  	[sflag:s9] =	ssyncset.done $0x0  }
0x426: {  	s16 =	simm.s32 $0x10840;
	[sflag:s9] =	ssyncadd.s32 $0xFFFFC000  }
0x427: {  	s17 =	simm.s32 $0x4840;
	v1 =	vld [tilespmem:s16+$0x30]  }
0x428: {  	v2 =	vld [tilespmem:s17+$0x30]  }
0x429: {  	v0 =	vld [tilespmem:s17+$0xFFFFFFC0]  }
0x42a: {  	v3 =	vld [tilespmem:s16+$0xFFFFFFD0]  }
0x42b: {  	v4 =	vld [tilespmem:s17+$0xFFFFFFD0]  }
0x42c: {  	v5 =	vld [tilespmem:s16+$0xFFFFFFE0]  }
0x42d: {  	v6 =	vld [tilespmem:s17+$0xFFFFFFE0]  }
0x42e: {  	v7 =	vld [tilespmem:s16+$0xFFFFFFF0]  }
0x42f: {  	v8 =	vld [tilespmem:s17+$0xFFFFFFF0]  }
0x430: {  	v9 =	vld [tilespmem:s16+$0x0]  }
0x431: {  	v10 =	vld [tilespmem:s17+$0x0];
	v2 =	vadd.f32 v2, v1  }
0x432: {  	v4 =	vadd.f32 v4, v3;
	v1 =	vld [tilespmem:s16+$0x10]  }
0x433: {  	v5 =	vadd.f32 v6, v5;
	v3 =	vld [tilespmem:s17+$0x10];
	[tilespmem:s16+$0x30] =	vst v2  }
0x434: {  	v6 =	vadd.f32 v8, v7;
	[tilespmem:s16+$0xFFFFFFD0] =	vst v4;
	v2 =	vld [tilespmem:s16+$0x20]  }
0x435: {  	[tilespmem:s16+$0xFFFFFFE0] =	vst v5;
	v5 =	vld [tilespmem:s17+$0x20]  }
0x436: {  	s18 =	simm.s32 $0x0;
	s20 =	simm.s32 $0x108C0;
	v4 =	vld [tilespmem:s16+$0xFFFFFFC0];
	[tilespmem:s16+$0xFFFFFFF0] =	vst v6;
	v6 =	vadd.f32 v10, v9  }
.LBB2_69:
0x437: {  	v7 =	vld [tilespmem:s20+$0x30];
	s17 =	sadd.s32 $0x80, s17  }
0x438: {  	s18 =	sadd.s32 $0x80, s18;
	v8 =	vld [tilespmem:s17+$0x30];
	[tilespmem:s16+$0x0] =	vst v6;
	v1 =	vadd.f32 v3, v1  }
0x439: {  	p3 =	slt.u32 s18, $0x3F80;
	v3 =	vld [tilespmem:s17+$0xFFFFFFC0]  }
0x43a: {  	v6 =	vld [tilespmem:s20+$0xFFFFFFD0];
	[tilespmem:s16+$0x10] =	vst v1;
	v1 =	vadd.f32 v5, v2  }
0x43b: {  	v2 =	vld [tilespmem:s17+$0xFFFFFFD0];
	v9 =	vadd.f32 v0, v4  }
0x43c: {  	v4 =	vld [tilespmem:s20+$0xFFFFFFE0];
	[tilespmem:s16+$0x20] =	vst v1  }
0x43d: {  	v1 =	vld [tilespmem:s17+$0xFFFFFFE0];
	v5 =	vadd.f32 v8, v7;
	[tilespmem:s16+$0xFFFFFFC0] =	vst v9;
	s16 =	smov.u32 s20  }
0x43e: {  	v7 =	vld [tilespmem:s20+$0xFFFFFFF0];
	v0 =	vmov v3  }
0x43f: {  	v8 =	vld [tilespmem:s17+$0xFFFFFFF0];
	[tilespmem:s20+$0x30] =	vst v5  }
0x440: {  	v2 =	vadd.f32 v2, v6;
	v6 =	vld [tilespmem:s20+$0x0]  }
0x441: {  	v9 =	vld [tilespmem:s17+$0x0]  }
.Ltmp37:
0x442: {  	[tilespmem:s20+$0xFFFFFFD0] =	vst v2;
	v2 =	vadd.f32 v1, v4;
	v1 =	vld [tilespmem:s20+$0x10];
	(pc) =	sbr.rel @p3 .LBB2_69-.Ltmp37, $4  }
0x443: {  	v3 =	vld [tilespmem:s17+$0x10]  }
0x444: {  	[tilespmem:s20+$0xFFFFFFE0] =	vst v2;
	v7 =	vadd.f32 v8, v7;
	v2 =	vld [tilespmem:s20+$0x20]  }
0x445: {  	v5 =	vld [tilespmem:s17+$0x20]  }
0x446: {  	s20 =	sadd.s32 $0x80, s20;
	v4 =	vld [tilespmem:s16+$0xFFFFFFC0];
	[tilespmem:s16+$0xFFFFFFF0] =	vst v7;
	v6 =	vadd.f32 v9, v6  }
0x447: {  	_ =	sdelay $0x1  }
0x448: {  	v1 =	vadd.f32 v3, v1  }
0x449: {  	[tilespmem:s16+$0x0] =	vst v6;
	v2 =	vadd.f32 v5, v2  }
0x44a: {  	[tilespmem:s16+$0x10] =	vst v1;
	v0 =	vadd.f32 v0, v4  }
0x44b: {  	[tilespmem:s16+$0x20] =	vst v2  }
0x44c: {  	[tilespmem:s16+$0xFFFFFFC0] =	vst v0  }
0x44d: {  	s0 =	rddreg [dreg:$0x16]  }
0x44e: {  	[hbm4b:s0+s19] =	stream.linear.scatter [tilespmem:s5], [sflag:$0x7], $0x4000, $0x38;
	[tilespmem:$0x18800] =	vst v63  }
0x44f: {  	_ =	swait.ge [sflag:s10], $0x4000  }
0x450: {  	[sflag:s10] =	ssyncset.done $0x0  }
0x451: {  	s31 =	rddreg [dreg:$0x1b];
	[sflag:s10] =	ssyncadd.s32 $0xFFFFC000  }
0x452: {  	[tilespmem:s8], [sflag:$0x2] =	stream.linear.gather [hbm4b:s31+s19], $0x4000, $0x38;
	[tilespmem:$0x18800] =	vst v63  }
0x453: {  	_ =	swait.ge [sflag:s11], $0x4000  }
0x454: {  	[sflag:s11] =	ssyncset.done $0x0  }
0x455: {  	s16 =	simm.s32 $0x14840;
	[sflag:s11] =	ssyncadd.s32 $0xFFFFC000  }
0x456: {  	s17 =	simm.s32 $0x4840;
	v1 =	vld [tilespmem:s16+$0x30]  }
0x457: {  	v2 =	vld [tilespmem:s17+$0x30]  }
0x458: {  	v0 =	vld [tilespmem:s17+$0xFFFFFFC0]  }
0x459: {  	v3 =	vld [tilespmem:s16+$0xFFFFFFD0]  }
0x45a: {  	v4 =	vld [tilespmem:s17+$0xFFFFFFD0]  }
0x45b: {  	v5 =	vld [tilespmem:s16+$0xFFFFFFE0]  }
0x45c: {  	v6 =	vld [tilespmem:s17+$0xFFFFFFE0]  }
0x45d: {  	v7 =	vld [tilespmem:s16+$0xFFFFFFF0]  }
0x45e: {  	v8 =	vld [tilespmem:s17+$0xFFFFFFF0]  }
0x45f: {  	v9 =	vld [tilespmem:s16+$0x0]  }
0x460: {  	v10 =	vld [tilespmem:s17+$0x0];
	v2 =	vadd.f32 v2, v1  }
0x461: {  	v4 =	vadd.f32 v4, v3;
	v1 =	vld [tilespmem:s16+$0x10]  }
0x462: {  	v5 =	vadd.f32 v6, v5;
	v3 =	vld [tilespmem:s17+$0x10];
	[tilespmem:s16+$0x30] =	vst v2  }
0x463: {  	v6 =	vadd.f32 v8, v7;
	[tilespmem:s16+$0xFFFFFFD0] =	vst v4;
	v2 =	vld [tilespmem:s16+$0x20]  }
0x464: {  	[tilespmem:s16+$0xFFFFFFE0] =	vst v5;
	v5 =	vld [tilespmem:s17+$0x20]  }
0x465: {  	s18 =	simm.s32 $0x0;
	s20 =	simm.s32 $0x148C0;
	v4 =	vld [tilespmem:s16+$0xFFFFFFC0];
	[tilespmem:s16+$0xFFFFFFF0] =	vst v6;
	v6 =	vadd.f32 v10, v9  }
.LBB2_71:
0x466: {  	v7 =	vld [tilespmem:s20+$0x30];
	s17 =	sadd.s32 $0x80, s17  }
0x467: {  	s18 =	sadd.s32 $0x80, s18;
	v8 =	vld [tilespmem:s17+$0x30];
	[tilespmem:s16+$0x0] =	vst v6;
	v1 =	vadd.f32 v3, v1  }
0x468: {  	p3 =	slt.u32 s18, $0x3F80;
	v3 =	vld [tilespmem:s17+$0xFFFFFFC0]  }
0x469: {  	v6 =	vld [tilespmem:s20+$0xFFFFFFD0];
	[tilespmem:s16+$0x10] =	vst v1;
	v1 =	vadd.f32 v5, v2  }
0x46a: {  	v2 =	vld [tilespmem:s17+$0xFFFFFFD0];
	v9 =	vadd.f32 v0, v4  }
0x46b: {  	v4 =	vld [tilespmem:s20+$0xFFFFFFE0];
	[tilespmem:s16+$0x20] =	vst v1  }
0x46c: {  	v1 =	vld [tilespmem:s17+$0xFFFFFFE0];
	v5 =	vadd.f32 v8, v7;
	[tilespmem:s16+$0xFFFFFFC0] =	vst v9;
	s16 =	smov.u32 s20  }
0x46d: {  	v7 =	vld [tilespmem:s20+$0xFFFFFFF0];
	v0 =	vmov v3  }
0x46e: {  	v8 =	vld [tilespmem:s17+$0xFFFFFFF0];
	[tilespmem:s20+$0x30] =	vst v5  }
0x46f: {  	v2 =	vadd.f32 v2, v6;
	v6 =	vld [tilespmem:s20+$0x0]  }
0x470: {  	v9 =	vld [tilespmem:s17+$0x0]  }
.Ltmp38:
0x471: {  	[tilespmem:s20+$0xFFFFFFD0] =	vst v2;
	v2 =	vadd.f32 v1, v4;
	v1 =	vld [tilespmem:s20+$0x10];
	(pc) =	sbr.rel @p3 .LBB2_71-.Ltmp38, $4  }
0x472: {  	v3 =	vld [tilespmem:s17+$0x10]  }
0x473: {  	[tilespmem:s20+$0xFFFFFFE0] =	vst v2;
	v7 =	vadd.f32 v8, v7;
	v2 =	vld [tilespmem:s20+$0x20]  }
0x474: {  	v5 =	vld [tilespmem:s17+$0x20]  }
0x475: {  	s20 =	sadd.s32 $0x80, s20;
	v4 =	vld [tilespmem:s16+$0xFFFFFFC0];
	[tilespmem:s16+$0xFFFFFFF0] =	vst v7;
	v6 =	vadd.f32 v9, v6  }
0x476: {  	_ =	sdelay $0x1  }
0x477: {  	v1 =	vadd.f32 v3, v1  }
0x478: {  	[tilespmem:s16+$0x0] =	vst v6;
	v2 =	vadd.f32 v5, v2  }
0x479: {  	[tilespmem:s16+$0x10] =	vst v1;
	v0 =	vadd.f32 v0, v4  }
0x47a: {  	[tilespmem:s16+$0x20] =	vst v2  }
0x47b: {  	[tilespmem:s16+$0xFFFFFFC0] =	vst v0  }
0x47c: {  	s17 =	simm.s32 $0x0;
	s18 =	simm.s32 $0x0;
	s0 =	rddreg [dreg:$0x18]  }
0x47d: {  	[hbm4b:s0+s17] =	stream.linear.scatter [tilespmem:s6], [sflag:$0x8], $0x4000, $0x38;
	[tilespmem:$0x18800] =	vst v63  }
.LBB2_73:
0x47e: {  	v5 =	vld [tilespmem:s17+$0x430]  }
0x47f: {  	v9 =	vld [tilespmem:s17+$0x410]  }
0x480: {  	v10 =	vld [tilespmem:s17+$0x420]  }
0x481: {  	v0 =	vld [tilespmem:s17+$0x30]  }
0x482: {  	v3 =	vld [tilespmem:s17+$0x20]  }
0x483: {  	s20 =	simm.s32 $0x0;
	s6 =	simm.s32 $0x820;
	s24 =	sor.u32 s23, s18;
	v7 =	vld [tilespmem:s17+$0x10]  }
0x484: {  	v13 =	vld [tilespmem:s17+$0x0];
	s0 =	sand.u32 $0x380, s20;
	s16 =	sand.u32 $0x40, s20;
	s21 =	ssub.s32 $0xFF0, s24  }
0x485: {  	v4 =	vld [tilespmem:s6+$0x10];
	s5 =	sor.u32 s16, s0;
	s21 =	scvt.s32.f32 s21  }
0x486: {  	v8 =	vld [tilespmem:s5+$0x400];
	s5 =	sadd.s32 $0xFFFFFFF1, s24  }
0x487: {  	v11 =	vld [tilespmem:s6+$0x0];
	s24 =	smul.f32 $2.441406250e-04, s21;
	s5 =	scvt.s32.f32 s5;
	s21 =	simm.s32 $0x40  }
0x488: {  	v12 =	vld [tilespmem:s6+$0xFFFFFFF0];
	s26 =	sand.u32 $0x380, s21;
	s29 =	sand.u32 $0x40, s21  }
0x489: {  	v14 =	vld [tilespmem:s6+$0xFFFFFFE0];
	s5 =	smul.f32 $2.441406250e-04, s5;
	v2 =	vmov s24;
	s25 =	sor.u32 s29, s26  }
0x48a: {  	s24 =	simm.s32 $0x860;
	v1 =	vld [tilespmem:s25+$0x400];
	v15 =	vmul.f32 v0, v2  }
0x48b: {  	s31 =	sshll.u32 s18, $0xA;
	v6 =	vld [tilespmem:s24+$0x10];
	v16 =	vmul.f32 v3, v2;
	s25 =	simm.s32 $0x40;
	v0 =	vmov s5  }
0x48c: {  	v17 =	vmul.f32 v7, v2;
	s5 =	sand.u32 $0x3FFFFC00, s31;
	v3 =	vld [tilespmem:s25+$0x430];
	v15 =	vadd.f32 v15, v4;
	v5 =	vmul.f32 v5, v0  }
0x48d: {  	s6 =	simm.s32 $0x30;
	v13 =	vmul.f32 v13, v2;
	v7 =	vld [tilespmem:s25+$0x410];
	s28 =	sadd.s32 $0x4800, s5;
	v11 =	vadd.f32 v16, v11;
	v10 =	vmul.f32 v10, v0  }
0x48e: {  	s31 =	simm.s32 $0x20;
	v4 =	vld [tilespmem:s25+$0x420];
	v12 =	vadd.f32 v17, v12;
	v9 =	vmul.f32 v9, v0;
	s5 =	sand.u32 $0x70, s6;
	s0 =	sadd.s32 s0, s28;
	v15 =	vadd.f32 v5, v15  }
0x48f: {  	s30 =	simm.s32 $0x10;
	s6 =	sand.u32 $0x60, s31;
	v63 =	vmul.f32 v8, v0;
	v8 =	vld [tilespmem:s24+$0xFFFFFFF0];
	v10 =	vadd.f32 v10, v11;
	s5 =	sadd.s32 s5, s0;
	v11 =	vadd.f32 v13, v14  }
0x490: {  	s30 =	sand.u32 $0x50, s30;
	v5 =	vld [tilespmem:s24+$0x0];
	v12 =	vadd.f32 v9, v12;
	s6 =	sadd.s32 s6, s0;
	[tilespmem:s5+$0x0] =	vst v15  }
0x491: {  	s26 =	sadd.s32 s26, s28;
	v9 =	vld [tilespmem:s25+$0x30];
	s31 =	sadd.s32 s30, s0;
	[tilespmem:s6+$0x0] =	vst v10;
	v11 =	vadd.f32 v63, v11  }
0x492: {  	s16 =	sadd.s32 s16, s0;
	s30 =	sadd.s32 s29, s26;
	v10 =	vld [tilespmem:s25+$0x20];
	[tilespmem:s31+$0x0] =	vst v12  }
.LBB2_74:
0x493: {  	v12 =	vld [tilespmem:s25+$0x10];
	[tilespmem:s16+$0x0] =	vst v11;
	s0 =	smov.u32 s21;
	s21 =	sadd.s32 $0x40, s21;
	s16 =	smov.u32 s30  }
0x494: {  	s5 =	sand.u32 $0x380, s21;
	s6 =	sand.u32 $0x40, s21;
	p3 =	slt.u32 s21, $0x3C0;
	v11 =	vld [tilespmem:s25+$0x0]  }
0x495: {  	s29 =	sor.u32 s6, s5;
	s5 =	sadd.s32 s5, s28;
	v13 =	vld [tilespmem:s24+$0xFFFFFFE0]  }
0x496: {  	s24 =	sadd.s32 $0x40, s24;
	v14 =	vld [tilespmem:s29+$0x400];
	s30 =	sadd.s32 s6, s5;
	v9 =	vmul.f32 v9, v2  }
0x497: {  	s25 =	sadd.s32 $0x40, s25;
	v15 =	vld [tilespmem:s24+$0x10];
	v10 =	vmul.f32 v10, v2  }
0x498: {  	v12 =	vmul.f32 v12, v2;
	v6 =	vadd.f32 v9, v6;
	v9 =	vmul.f32 v3, v0;
	v3 =	vld [tilespmem:s25+$0x430]  }
0x499: {  	v17 =	vmul.f32 v4, v0;
	s6 =	sadd.s32 $0x70, s20;
	v16 =	vld [tilespmem:s25+$0x410];
	v11 =	vmul.f32 v11, v2;
	v10 =	vadd.f32 v10, v5  }
.Ltmp39:
0x49a: {  	v7 =	vmul.f32 v7, v0;
	s29 =	sadd.s32 $0x60, s20;
	s6 =	sand.u32 $0x70, s6;
	v4 =	vld [tilespmem:s25+$0x420];
	v12 =	vadd.f32 v12, v8;
	v9 =	vadd.f32 v9, v6;
	(pc) =	sbr.rel @p3 .LBB2_74-.Ltmp39, $4  }
0x49b: {  	s20 =	sadd.s32 $0x50, s20;
	s29 =	sand.u32 $0x60, s29;
	s6 =	sadd.s32 s6, s26;
	v5 =	vld [tilespmem:s24+$0x0];
	v11 =	vadd.f32 v11, v13;
	v13 =	vmul.f32 v1, v0;
	v10 =	vadd.f32 v17, v10;
	v1 =	vmovc v14  }
0x49c: {  	s31 =	sand.u32 $0x50, s20;
	s20 =	smov.u32 s0;
	s29 =	sadd.s32 s29, s26;
	v8 =	vld [tilespmem:s24+$0xFFFFFFF0];
	v12 =	vadd.f32 v7, v12;
	[tilespmem:s6+$0x0] =	vst v9;
	v6 =	vmov v15  }
0x49d: {  	s0 =	sadd.s32 s31, s26;
	s26 =	smov.u32 s5;
	v9 =	vld [tilespmem:s25+$0x30];
	v11 =	vadd.f32 v13, v11;
	[tilespmem:s29+$0x0] =	vst v10  }
0x49e: {  	v10 =	vld [tilespmem:s25+$0x20];
	[tilespmem:s0+$0x0] =	vst v12;
	v7 =	vmov v16  }
0x49f: {  	v12 =	vld [tilespmem:s25+$0x10]  }
0x4a0: {  	v13 =	vld [tilespmem:s25+$0x0];
	_ =	sdelay $0x1  }
0x4a1: {  	v14 =	vld [tilespmem:s24+$0xFFFFFFE0];
	v9 =	vmul.f32 v9, v2  }
0x4a2: {  	v10 =	vmul.f32 v10, v2  }
0x4a3: {  	v3 =	vmul.f32 v3, v0;
	v6 =	vadd.f32 v9, v6;
	v59 =	vmul.f32 v12, v2  }
0x4a4: {  	v4 =	vmul.f32 v4, v0;
	s0 =	sadd.s32 $0x70, s20;
	s5 =	sadd.s32 $0x60, s20;
	s18 =	sadd.s32 $0x1, s18;
	v60 =	vmul.f32 v13, v2;
	v5 =	vadd.f32 v10, v5  }
0x4a5: {  	v7 =	vmul.f32 v7, v0;
	s6 =	sadd.s32 $0x50, s20;
	s0 =	sand.u32 $0x70, s0;
	p3 =	sne.s32 s18, $0x10;
	v8 =	vadd.f32 v59, v8;
	v3 =	vadd.f32 v3, v6  }
.Ltmp40:
0x4a6: {  	[tilespmem:s16+$0x0] =	vst v11;
	v61 =	vmul.f32 v1, v0;
	s5 =	sand.u32 $0x60, s5;
	s0 =	sadd.s32 s0, s26;
	v2 =	vadd.f32 v60, v14;
	v62 =	vadd.f32 v4, v5;
	(pc) =	sbr.rel @p3 .LBB2_73-.Ltmp40, $4  }
0x4a7: {  	s6 =	sand.u32 $0x50, s6;
	s5 =	sadd.s32 s5, s26;
	v63 =	vadd.f32 v7, v8;
	[tilespmem:s0+$0x0] =	vst v3  }
0x4a8: {  	s31 =	sadd.s32 s6, s26;
	v0 =	vadd.f32 v61, v2;
	[tilespmem:s5+$0x0] =	vst v62  }
0x4a9: {  	[tilespmem:s31+$0x0] =	vst v63  }
0x4aa: {  	[tilespmem:s30+$0x0] =	vst v0  }
0x4ab: {  	_ =	swait.ge [sflag:s13], $0x4000  }
0x4ac: {  	s5 =	simm.s32 $0x10800;
	[sflag:s13] =	ssyncset.done $0x0  }
0x4ad: {  	s31 =	simm.s32 $0x1;
	s0 =	rddreg [dreg:$0x1d];
	[sflag:s13] =	ssyncadd.s32 $0xFFFFC000  }
0x4ae: {  	[tilespmem:s5], [sflag:$0x3] =	stream.linear.gather [hbm4b:s0+s19], $0x4000, $0x38;
	[tilespmem:$0x18800] =	vst v63  }
0x4af: {  	_ =	swait.ge [sflag:s31], $0x4000  }
0x4b0: {  	[sflag:s31] =	ssyncset.done $0x0  }
0x4b1: {  	s16 =	simm.s32 $0x8840;
	[sflag:s31] =	ssyncadd.s32 $0xFFFFC000  }
0x4b2: {  	s17 =	simm.s32 $0x4840;
	v1 =	vld [tilespmem:s16+$0x30]  }
0x4b3: {  	v2 =	vld [tilespmem:s17+$0x30]  }
0x4b4: {  	v0 =	vld [tilespmem:s17+$0xFFFFFFC0]  }
0x4b5: {  	v3 =	vld [tilespmem:s16+$0xFFFFFFD0]  }
0x4b6: {  	v4 =	vld [tilespmem:s17+$0xFFFFFFD0]  }
0x4b7: {  	v5 =	vld [tilespmem:s16+$0xFFFFFFE0]  }
0x4b8: {  	v6 =	vld [tilespmem:s17+$0xFFFFFFE0]  }
0x4b9: {  	v7 =	vld [tilespmem:s16+$0xFFFFFFF0]  }
0x4ba: {  	v8 =	vld [tilespmem:s17+$0xFFFFFFF0]  }
0x4bb: {  	v9 =	vld [tilespmem:s16+$0x0]  }
0x4bc: {  	v10 =	vld [tilespmem:s17+$0x0];
	v2 =	vadd.f32 v2, v1  }
0x4bd: {  	v4 =	vadd.f32 v4, v3;
	v1 =	vld [tilespmem:s16+$0x10]  }
0x4be: {  	v5 =	vadd.f32 v6, v5;
	v3 =	vld [tilespmem:s17+$0x10];
	[tilespmem:s16+$0x30] =	vst v2  }
0x4bf: {  	v6 =	vadd.f32 v8, v7;
	[tilespmem:s16+$0xFFFFFFD0] =	vst v4;
	v2 =	vld [tilespmem:s16+$0x20]  }
0x4c0: {  	[tilespmem:s16+$0xFFFFFFE0] =	vst v5;
	v5 =	vld [tilespmem:s17+$0x20]  }
0x4c1: {  	s18 =	simm.s32 $0x0;
	s20 =	simm.s32 $0x88C0;
	v4 =	vld [tilespmem:s16+$0xFFFFFFC0];
	[tilespmem:s16+$0xFFFFFFF0] =	vst v6;
	v6 =	vadd.f32 v10, v9  }
.LBB2_77:
0x4c2: {  	v7 =	vld [tilespmem:s20+$0x30];
	s17 =	sadd.s32 $0x80, s17  }
0x4c3: {  	s18 =	sadd.s32 $0x80, s18;
	v8 =	vld [tilespmem:s17+$0x30];
	[tilespmem:s16+$0x0] =	vst v6;
	v1 =	vadd.f32 v3, v1  }
0x4c4: {  	p3 =	slt.u32 s18, $0x3F80;
	v3 =	vld [tilespmem:s17+$0xFFFFFFC0]  }
0x4c5: {  	v6 =	vld [tilespmem:s20+$0xFFFFFFD0];
	[tilespmem:s16+$0x10] =	vst v1;
	v1 =	vadd.f32 v5, v2  }
0x4c6: {  	v2 =	vld [tilespmem:s17+$0xFFFFFFD0];
	v9 =	vadd.f32 v0, v4  }
0x4c7: {  	v4 =	vld [tilespmem:s20+$0xFFFFFFE0];
	[tilespmem:s16+$0x20] =	vst v1  }
0x4c8: {  	v1 =	vld [tilespmem:s17+$0xFFFFFFE0];
	v5 =	vadd.f32 v8, v7;
	[tilespmem:s16+$0xFFFFFFC0] =	vst v9;
	s16 =	smov.u32 s20  }
0x4c9: {  	v7 =	vld [tilespmem:s20+$0xFFFFFFF0];
	v0 =	vmov v3  }
0x4ca: {  	v8 =	vld [tilespmem:s17+$0xFFFFFFF0];
	[tilespmem:s20+$0x30] =	vst v5  }
0x4cb: {  	v2 =	vadd.f32 v2, v6;
	v6 =	vld [tilespmem:s20+$0x0]  }
0x4cc: {  	v9 =	vld [tilespmem:s17+$0x0]  }
.Ltmp41:
0x4cd: {  	[tilespmem:s20+$0xFFFFFFD0] =	vst v2;
	v2 =	vadd.f32 v1, v4;
	v1 =	vld [tilespmem:s20+$0x10];
	(pc) =	sbr.rel @p3 .LBB2_77-.Ltmp41, $4  }
0x4ce: {  	v3 =	vld [tilespmem:s17+$0x10]  }
0x4cf: {  	[tilespmem:s20+$0xFFFFFFE0] =	vst v2;
	v7 =	vadd.f32 v8, v7;
	v2 =	vld [tilespmem:s20+$0x20]  }
0x4d0: {  	v5 =	vld [tilespmem:s17+$0x20]  }
0x4d1: {  	s20 =	sadd.s32 $0x80, s20;
	v4 =	vld [tilespmem:s16+$0xFFFFFFC0];
	[tilespmem:s16+$0xFFFFFFF0] =	vst v7;
	v6 =	vadd.f32 v9, v6  }
0x4d2: {  	_ =	sdelay $0x1  }
0x4d3: {  	v1 =	vadd.f32 v3, v1  }
0x4d4: {  	[tilespmem:s16+$0x0] =	vst v6;
	v2 =	vadd.f32 v5, v2  }
0x4d5: {  	[tilespmem:s16+$0x10] =	vst v1;
	v0 =	vadd.f32 v0, v4  }
0x4d6: {  	[tilespmem:s16+$0x20] =	vst v2  }
0x4d7: {  	[tilespmem:s16+$0xFFFFFFC0] =	vst v0  }
0x4d8: {  	s0 =	rddreg [dreg:$0x1a]  }
0x4d9: {  	[hbm4b:s0+s19] =	stream.linear.scatter [tilespmem:s7], [sflag:$0x5], $0x4000, $0x38;
	[tilespmem:$0x18800] =	vst v63  }
0x4da: {  	_ =	swait.ge [sflag:s15], $0x4000  }
0x4db: {  	s6 =	simm.s32 $0x14800;
	[sflag:s15] =	ssyncset.done $0x0  }
0x4dc: {  	s31 =	simm.s32 $0x2;
	s30 =	rddreg [dreg:$0x1f];
	[sflag:s15] =	ssyncadd.s32 $0xFFFFC000  }
0x4dd: {  	[tilespmem:s6], [sflag:$0x4] =	stream.linear.gather [hbm4b:s30+s19], $0x4000, $0x38;
	[tilespmem:$0x18800] =	vst v63  }
0x4de: {  	_ =	swait.ge [sflag:s31], $0x4000  }
0x4df: {  	[sflag:s31] =	ssyncset.done $0x0  }
0x4e0: {  	s16 =	simm.s32 $0xC840;
	[sflag:s31] =	ssyncadd.s32 $0xFFFFC000  }
0x4e1: {  	s17 =	simm.s32 $0x4840;
	v1 =	vld [tilespmem:s16+$0x30]  }
0x4e2: {  	v2 =	vld [tilespmem:s17+$0x30]  }
0x4e3: {  	v0 =	vld [tilespmem:s17+$0xFFFFFFC0]  }
0x4e4: {  	v3 =	vld [tilespmem:s16+$0xFFFFFFD0]  }
0x4e5: {  	v4 =	vld [tilespmem:s17+$0xFFFFFFD0]  }
0x4e6: {  	v5 =	vld [tilespmem:s16+$0xFFFFFFE0]  }
0x4e7: {  	v6 =	vld [tilespmem:s17+$0xFFFFFFE0]  }
0x4e8: {  	v7 =	vld [tilespmem:s16+$0xFFFFFFF0]  }
0x4e9: {  	v8 =	vld [tilespmem:s17+$0xFFFFFFF0]  }
0x4ea: {  	v9 =	vld [tilespmem:s16+$0x0]  }
0x4eb: {  	v10 =	vld [tilespmem:s17+$0x0];
	v2 =	vadd.f32 v2, v1  }
0x4ec: {  	v4 =	vadd.f32 v4, v3;
	v1 =	vld [tilespmem:s16+$0x10]  }
0x4ed: {  	v5 =	vadd.f32 v6, v5;
	v3 =	vld [tilespmem:s17+$0x10];
	[tilespmem:s16+$0x30] =	vst v2  }
0x4ee: {  	v6 =	vadd.f32 v8, v7;
	[tilespmem:s16+$0xFFFFFFD0] =	vst v4;
	v2 =	vld [tilespmem:s16+$0x20]  }
0x4ef: {  	[tilespmem:s16+$0xFFFFFFE0] =	vst v5;
	v5 =	vld [tilespmem:s17+$0x20]  }
0x4f0: {  	s18 =	simm.s32 $0x0;
	s20 =	simm.s32 $0xC8C0;
	v4 =	vld [tilespmem:s16+$0xFFFFFFC0];
	[tilespmem:s16+$0xFFFFFFF0] =	vst v6;
	v6 =	vadd.f32 v10, v9  }
.LBB2_79:
0x4f1: {  	v7 =	vld [tilespmem:s20+$0x30];
	s17 =	sadd.s32 $0x80, s17  }
0x4f2: {  	s18 =	sadd.s32 $0x80, s18;
	v8 =	vld [tilespmem:s17+$0x30];
	[tilespmem:s16+$0x0] =	vst v6;
	v1 =	vadd.f32 v3, v1  }
0x4f3: {  	p3 =	slt.u32 s18, $0x3F80;
	v3 =	vld [tilespmem:s17+$0xFFFFFFC0]  }
0x4f4: {  	v6 =	vld [tilespmem:s20+$0xFFFFFFD0];
	[tilespmem:s16+$0x10] =	vst v1;
	v1 =	vadd.f32 v5, v2  }
0x4f5: {  	v2 =	vld [tilespmem:s17+$0xFFFFFFD0];
	v9 =	vadd.f32 v0, v4  }
0x4f6: {  	v4 =	vld [tilespmem:s20+$0xFFFFFFE0];
	[tilespmem:s16+$0x20] =	vst v1  }
0x4f7: {  	v1 =	vld [tilespmem:s17+$0xFFFFFFE0];
	v5 =	vadd.f32 v8, v7;
	[tilespmem:s16+$0xFFFFFFC0] =	vst v9;
	s16 =	smov.u32 s20  }
0x4f8: {  	v7 =	vld [tilespmem:s20+$0xFFFFFFF0];
	v0 =	vmov v3  }
0x4f9: {  	v8 =	vld [tilespmem:s17+$0xFFFFFFF0];
	[tilespmem:s20+$0x30] =	vst v5  }
0x4fa: {  	v2 =	vadd.f32 v2, v6;
	v6 =	vld [tilespmem:s20+$0x0]  }
0x4fb: {  	v9 =	vld [tilespmem:s17+$0x0]  }
.Ltmp42:
0x4fc: {  	[tilespmem:s20+$0xFFFFFFD0] =	vst v2;
	v2 =	vadd.f32 v1, v4;
	v1 =	vld [tilespmem:s20+$0x10];
	(pc) =	sbr.rel @p3 .LBB2_79-.Ltmp42, $4  }
0x4fd: {  	v3 =	vld [tilespmem:s17+$0x10]  }
0x4fe: {  	[tilespmem:s20+$0xFFFFFFE0] =	vst v2;
	v7 =	vadd.f32 v8, v7;
	v2 =	vld [tilespmem:s20+$0x20]  }
0x4ff: {  	v5 =	vld [tilespmem:s17+$0x20]  }
0x500: {  	s20 =	sadd.s32 $0x80, s20;
	v4 =	vld [tilespmem:s16+$0xFFFFFFC0];
	[tilespmem:s16+$0xFFFFFFF0] =	vst v7;
	v6 =	vadd.f32 v9, v6  }
0x501: {  	_ =	sdelay $0x1  }
0x502: {  	v1 =	vadd.f32 v3, v1  }
0x503: {  	[tilespmem:s16+$0x0] =	vst v6;
	v2 =	vadd.f32 v5, v2  }
0x504: {  	[tilespmem:s16+$0x10] =	vst v1;
	v0 =	vadd.f32 v0, v4  }
0x505: {  	[tilespmem:s16+$0x20] =	vst v2  }
0x506: {  	[tilespmem:s16+$0xFFFFFFC0] =	vst v0  }
0x507: {  	s30 =	simm.s32 $0x5;
	s0 =	rddreg [dreg:$0x1c]  }
0x508: {  	[hbm4b:s0+s19] =	stream.linear.scatter [tilespmem:s8], [sflag:$0x6], $0x4000, $0x38;
	[tilespmem:$0x18800] =	vst v63  }
0x509: {  	_ =	swait.ge [sflag:s30], $0x4000  }
0x50a: {  	s31 =	sld [smem:$0x7D7]  }
0x50b: {  	[sflag:s30] =	ssyncset.done $0x0  }
0x50c: {  	[sflag:s30] =	ssyncadd.s32 $0xFFFFC000  }
0x50d: {  	[tilespmem:s7], [sflag:$0x1] =	stream.linear.gather [hbm4b:s31+s19], $0x4000, $0x38;
	[tilespmem:$0x18800] =	vst v63  }
0x50e: {  	_ =	swait.ge [sflag:s9], $0x4000  }
0x50f: {  	[sflag:s9] =	ssyncset.done $0x0  }
0x510: {  	s16 =	simm.s32 $0x10840;
	[sflag:s9] =	ssyncadd.s32 $0xFFFFC000  }
0x511: {  	s17 =	simm.s32 $0x4840;
	v1 =	vld [tilespmem:s16+$0x30]  }
0x512: {  	v2 =	vld [tilespmem:s17+$0x30]  }
0x513: {  	v0 =	vld [tilespmem:s17+$0xFFFFFFC0]  }
0x514: {  	v3 =	vld [tilespmem:s16+$0xFFFFFFD0]  }
0x515: {  	v4 =	vld [tilespmem:s17+$0xFFFFFFD0]  }
0x516: {  	v5 =	vld [tilespmem:s16+$0xFFFFFFE0]  }
0x517: {  	v6 =	vld [tilespmem:s17+$0xFFFFFFE0]  }
0x518: {  	v7 =	vld [tilespmem:s16+$0xFFFFFFF0]  }
0x519: {  	v8 =	vld [tilespmem:s17+$0xFFFFFFF0]  }
0x51a: {  	v9 =	vld [tilespmem:s16+$0x0]  }
0x51b: {  	v10 =	vld [tilespmem:s17+$0x0];
	v2 =	vadd.f32 v2, v1  }
0x51c: {  	v4 =	vadd.f32 v4, v3;
	v1 =	vld [tilespmem:s16+$0x10]  }
0x51d: {  	v5 =	vadd.f32 v6, v5;
	v3 =	vld [tilespmem:s17+$0x10];
	[tilespmem:s16+$0x30] =	vst v2  }
0x51e: {  	v6 =	vadd.f32 v8, v7;
	[tilespmem:s16+$0xFFFFFFD0] =	vst v4;
	v2 =	vld [tilespmem:s16+$0x20]  }
0x51f: {  	[tilespmem:s16+$0xFFFFFFE0] =	vst v5;
	v5 =	vld [tilespmem:s17+$0x20]  }
0x520: {  	s18 =	simm.s32 $0x0;
	s20 =	simm.s32 $0x108C0;
	v4 =	vld [tilespmem:s16+$0xFFFFFFC0];
	[tilespmem:s16+$0xFFFFFFF0] =	vst v6;
	v6 =	vadd.f32 v10, v9  }
.LBB2_81:
0x521: {  	v7 =	vld [tilespmem:s20+$0x30];
	s17 =	sadd.s32 $0x80, s17  }
0x522: {  	s18 =	sadd.s32 $0x80, s18;
	v8 =	vld [tilespmem:s17+$0x30];
	[tilespmem:s16+$0x0] =	vst v6;
	v1 =	vadd.f32 v3, v1  }
0x523: {  	p3 =	slt.u32 s18, $0x3F80;
	v3 =	vld [tilespmem:s17+$0xFFFFFFC0]  }
0x524: {  	v6 =	vld [tilespmem:s20+$0xFFFFFFD0];
	[tilespmem:s16+$0x10] =	vst v1;
	v1 =	vadd.f32 v5, v2  }
0x525: {  	v2 =	vld [tilespmem:s17+$0xFFFFFFD0];
	v9 =	vadd.f32 v0, v4  }
0x526: {  	v4 =	vld [tilespmem:s20+$0xFFFFFFE0];
	[tilespmem:s16+$0x20] =	vst v1  }
0x527: {  	v1 =	vld [tilespmem:s17+$0xFFFFFFE0];
	v5 =	vadd.f32 v8, v7;
	[tilespmem:s16+$0xFFFFFFC0] =	vst v9;
	s16 =	smov.u32 s20  }
0x528: {  	v7 =	vld [tilespmem:s20+$0xFFFFFFF0];
	v0 =	vmov v3  }
0x529: {  	v8 =	vld [tilespmem:s17+$0xFFFFFFF0];
	[tilespmem:s20+$0x30] =	vst v5  }
0x52a: {  	v2 =	vadd.f32 v2, v6;
	v6 =	vld [tilespmem:s20+$0x0]  }
0x52b: {  	v9 =	vld [tilespmem:s17+$0x0]  }
.Ltmp43:
0x52c: {  	[tilespmem:s20+$0xFFFFFFD0] =	vst v2;
	v2 =	vadd.f32 v1, v4;
	v1 =	vld [tilespmem:s20+$0x10];
	(pc) =	sbr.rel @p3 .LBB2_81-.Ltmp43, $4  }
0x52d: {  	v3 =	vld [tilespmem:s17+$0x10]  }
0x52e: {  	[tilespmem:s20+$0xFFFFFFE0] =	vst v2;
	v7 =	vadd.f32 v8, v7;
	v2 =	vld [tilespmem:s20+$0x20]  }
0x52f: {  	v5 =	vld [tilespmem:s17+$0x20]  }
0x530: {  	s20 =	sadd.s32 $0x80, s20;
	v4 =	vld [tilespmem:s16+$0xFFFFFFC0];
	[tilespmem:s16+$0xFFFFFFF0] =	vst v7;
	v6 =	vadd.f32 v9, v6  }
0x531: {  	_ =	sdelay $0x1  }
0x532: {  	v1 =	vadd.f32 v3, v1  }
0x533: {  	[tilespmem:s16+$0x0] =	vst v6;
	v2 =	vadd.f32 v5, v2  }
0x534: {  	[tilespmem:s16+$0x10] =	vst v1;
	v0 =	vadd.f32 v0, v4  }
0x535: {  	[tilespmem:s16+$0x20] =	vst v2  }
0x536: {  	[tilespmem:s16+$0xFFFFFFC0] =	vst v0  }
0x537: {  	s0 =	rddreg [dreg:$0x1e]  }
0x538: {  	[hbm4b:s0+s19] =	stream.linear.scatter [tilespmem:s5], [sflag:$0x7], $0x4000, $0x38;
	[tilespmem:$0x18800] =	vst v63  }
0x539: {  	_ =	swait.ge [sflag:s10], $0x4000  }
0x53a: {  	s31 =	sld [smem:$0x7D9]  }
0x53b: {  	[sflag:s10] =	ssyncset.done $0x0  }
0x53c: {  	[sflag:s10] =	ssyncadd.s32 $0xFFFFC000  }
0x53d: {  	[tilespmem:s8], [sflag:$0x2] =	stream.linear.gather [hbm4b:s31+s19], $0x4000, $0x38;
	[tilespmem:$0x18800] =	vst v63  }
0x53e: {  	_ =	swait.ge [sflag:s11], $0x4000  }
0x53f: {  	[sflag:s11] =	ssyncset.done $0x0  }
0x540: {  	s16 =	simm.s32 $0x14840;
	[sflag:s11] =	ssyncadd.s32 $0xFFFFC000  }
0x541: {  	s17 =	simm.s32 $0x4840;
	v1 =	vld [tilespmem:s16+$0x30]  }
0x542: {  	v2 =	vld [tilespmem:s17+$0x30]  }
0x543: {  	v0 =	vld [tilespmem:s17+$0xFFFFFFC0]  }
0x544: {  	v3 =	vld [tilespmem:s16+$0xFFFFFFD0]  }
0x545: {  	v4 =	vld [tilespmem:s17+$0xFFFFFFD0]  }
0x546: {  	v5 =	vld [tilespmem:s16+$0xFFFFFFE0]  }
0x547: {  	v6 =	vld [tilespmem:s17+$0xFFFFFFE0]  }
0x548: {  	v7 =	vld [tilespmem:s16+$0xFFFFFFF0]  }
0x549: {  	v8 =	vld [tilespmem:s17+$0xFFFFFFF0]  }
0x54a: {  	v9 =	vld [tilespmem:s16+$0x0]  }
0x54b: {  	v10 =	vld [tilespmem:s17+$0x0];
	v2 =	vadd.f32 v2, v1  }
0x54c: {  	v4 =	vadd.f32 v4, v3;
	v1 =	vld [tilespmem:s16+$0x10]  }
0x54d: {  	v5 =	vadd.f32 v6, v5;
	v3 =	vld [tilespmem:s17+$0x10];
	[tilespmem:s16+$0x30] =	vst v2  }
0x54e: {  	v6 =	vadd.f32 v8, v7;
	[tilespmem:s16+$0xFFFFFFD0] =	vst v4;
	v2 =	vld [tilespmem:s16+$0x20]  }
0x54f: {  	[tilespmem:s16+$0xFFFFFFE0] =	vst v5;
	v5 =	vld [tilespmem:s17+$0x20]  }
0x550: {  	s18 =	simm.s32 $0x0;
	s20 =	simm.s32 $0x148C0;
	v4 =	vld [tilespmem:s16+$0xFFFFFFC0];
	[tilespmem:s16+$0xFFFFFFF0] =	vst v6;
	v6 =	vadd.f32 v10, v9  }
.LBB2_83:
0x551: {  	v7 =	vld [tilespmem:s20+$0x30];
	s17 =	sadd.s32 $0x80, s17  }
0x552: {  	s18 =	sadd.s32 $0x80, s18;
	v8 =	vld [tilespmem:s17+$0x30];
	[tilespmem:s16+$0x0] =	vst v6;
	v1 =	vadd.f32 v3, v1  }
0x553: {  	p3 =	slt.u32 s18, $0x3F80;
	v3 =	vld [tilespmem:s17+$0xFFFFFFC0]  }
0x554: {  	v6 =	vld [tilespmem:s20+$0xFFFFFFD0];
	[tilespmem:s16+$0x10] =	vst v1;
	v1 =	vadd.f32 v5, v2  }
0x555: {  	v2 =	vld [tilespmem:s17+$0xFFFFFFD0];
	v9 =	vadd.f32 v0, v4  }
0x556: {  	v4 =	vld [tilespmem:s20+$0xFFFFFFE0];
	[tilespmem:s16+$0x20] =	vst v1  }
0x557: {  	v1 =	vld [tilespmem:s17+$0xFFFFFFE0];
	v5 =	vadd.f32 v8, v7;
	[tilespmem:s16+$0xFFFFFFC0] =	vst v9;
	s16 =	smov.u32 s20  }
0x558: {  	v7 =	vld [tilespmem:s20+$0xFFFFFFF0];
	v0 =	vmov v3  }
0x559: {  	v8 =	vld [tilespmem:s17+$0xFFFFFFF0];
	[tilespmem:s20+$0x30] =	vst v5  }
0x55a: {  	v2 =	vadd.f32 v2, v6;
	v6 =	vld [tilespmem:s20+$0x0]  }
0x55b: {  	v9 =	vld [tilespmem:s17+$0x0]  }
.Ltmp44:
0x55c: {  	[tilespmem:s20+$0xFFFFFFD0] =	vst v2;
	v2 =	vadd.f32 v1, v4;
	v1 =	vld [tilespmem:s20+$0x10];
	(pc) =	sbr.rel @p3 .LBB2_83-.Ltmp44, $4  }
0x55d: {  	v3 =	vld [tilespmem:s17+$0x10]  }
0x55e: {  	[tilespmem:s20+$0xFFFFFFE0] =	vst v2;
	v7 =	vadd.f32 v8, v7;
	v2 =	vld [tilespmem:s20+$0x20]  }
0x55f: {  	v5 =	vld [tilespmem:s17+$0x20]  }
0x560: {  	s20 =	sadd.s32 $0x80, s20;
	v4 =	vld [tilespmem:s16+$0xFFFFFFC0];
	[tilespmem:s16+$0xFFFFFFF0] =	vst v7;
	v6 =	vadd.f32 v9, v6  }
0x561: {  	_ =	sdelay $0x1  }
0x562: {  	v1 =	vadd.f32 v3, v1  }
0x563: {  	[tilespmem:s16+$0x0] =	vst v6;
	v2 =	vadd.f32 v5, v2  }
0x564: {  	[tilespmem:s16+$0x10] =	vst v1;
	v0 =	vadd.f32 v0, v4  }
0x565: {  	[tilespmem:s16+$0x20] =	vst v2  }
0x566: {  	[tilespmem:s16+$0xFFFFFFC0] =	vst v0  }
0x567: {  	s0 =	sld [smem:$0x7D6];
	_ =	sdelay $0x1  }
0x568: {  	s17 =	simm.s32 $0x0;
	s18 =	simm.s32 $0x0  }
0x569: {  	[hbm4b:s0+s17] =	stream.linear.scatter [tilespmem:s6], [sflag:$0x8], $0x4000, $0x38;
	[tilespmem:$0x18800] =	vst v63  }
.LBB2_85:
0x56a: {  	v5 =	vld [tilespmem:s17+$0x430]  }
0x56b: {  	v9 =	vld [tilespmem:s17+$0x410]  }
0x56c: {  	v10 =	vld [tilespmem:s17+$0x420]  }
0x56d: {  	v0 =	vld [tilespmem:s17+$0x30]  }
0x56e: {  	v3 =	vld [tilespmem:s17+$0x20]  }
0x56f: {  	s20 =	simm.s32 $0x0;
	s6 =	simm.s32 $0x820;
	s24 =	sor.u32 s2, s18;
	v7 =	vld [tilespmem:s17+$0x10]  }
0x570: {  	v13 =	vld [tilespmem:s17+$0x0];
	s0 =	sand.u32 $0x380, s20;
	s16 =	sand.u32 $0x40, s20;
	s21 =	ssub.s32 $0xFF0, s24  }
0x571: {  	v4 =	vld [tilespmem:s6+$0x10];
	s5 =	sor.u32 s16, s0;
	s21 =	scvt.s32.f32 s21  }
0x572: {  	v8 =	vld [tilespmem:s5+$0x400];
	s5 =	sadd.s32 $0xFFFFFFF1, s24  }
0x573: {  	v11 =	vld [tilespmem:s6+$0x0];
	s24 =	smul.f32 $2.441406250e-04, s21;
	s5 =	scvt.s32.f32 s5;
	s21 =	simm.s32 $0x40  }
0x574: {  	v12 =	vld [tilespmem:s6+$0xFFFFFFF0];
	s26 =	sand.u32 $0x380, s21;
	s29 =	sand.u32 $0x40, s21  }
0x575: {  	v14 =	vld [tilespmem:s6+$0xFFFFFFE0];
	s5 =	smul.f32 $2.441406250e-04, s5;
	v2 =	vmov s24;
	s25 =	sor.u32 s29, s26  }
0x576: {  	s24 =	simm.s32 $0x860;
	v1 =	vld [tilespmem:s25+$0x400];
	v15 =	vmul.f32 v0, v2  }
0x577: {  	s31 =	sshll.u32 s18, $0xA;
	v6 =	vld [tilespmem:s24+$0x10];
	v16 =	vmul.f32 v3, v2;
	s25 =	simm.s32 $0x40;
	v0 =	vmov s5  }
0x578: {  	v17 =	vmul.f32 v7, v2;
	s5 =	sand.u32 $0x3FFFFC00, s31;
	v3 =	vld [tilespmem:s25+$0x430];
	v15 =	vadd.f32 v15, v4;
	v5 =	vmul.f32 v5, v0  }
0x579: {  	s6 =	simm.s32 $0x30;
	v13 =	vmul.f32 v13, v2;
	v7 =	vld [tilespmem:s25+$0x410];
	s28 =	sadd.s32 $0x4800, s5;
	v11 =	vadd.f32 v16, v11;
	v10 =	vmul.f32 v10, v0  }
0x57a: {  	s31 =	simm.s32 $0x20;
	v4 =	vld [tilespmem:s25+$0x420];
	v12 =	vadd.f32 v17, v12;
	v9 =	vmul.f32 v9, v0;
	s5 =	sand.u32 $0x70, s6;
	s0 =	sadd.s32 s0, s28;
	v15 =	vadd.f32 v5, v15  }
0x57b: {  	s30 =	simm.s32 $0x10;
	s6 =	sand.u32 $0x60, s31;
	v63 =	vmul.f32 v8, v0;
	v8 =	vld [tilespmem:s24+$0xFFFFFFF0];
	v10 =	vadd.f32 v10, v11;
	s5 =	sadd.s32 s5, s0;
	v11 =	vadd.f32 v13, v14  }
0x57c: {  	s30 =	sand.u32 $0x50, s30;
	v5 =	vld [tilespmem:s24+$0x0];
	v12 =	vadd.f32 v9, v12;
	s6 =	sadd.s32 s6, s0;
	[tilespmem:s5+$0x0] =	vst v15  }
0x57d: {  	s26 =	sadd.s32 s26, s28;
	v9 =	vld [tilespmem:s25+$0x30];
	s31 =	sadd.s32 s30, s0;
	[tilespmem:s6+$0x0] =	vst v10;
	v11 =	vadd.f32 v63, v11  }
0x57e: {  	s16 =	sadd.s32 s16, s0;
	s30 =	sadd.s32 s29, s26;
	v10 =	vld [tilespmem:s25+$0x20];
	[tilespmem:s31+$0x0] =	vst v12  }
.LBB2_86:
0x57f: {  	v12 =	vld [tilespmem:s25+$0x10];
	[tilespmem:s16+$0x0] =	vst v11;
	s0 =	smov.u32 s21;
	s21 =	sadd.s32 $0x40, s21;
	s16 =	smov.u32 s30  }
0x580: {  	s5 =	sand.u32 $0x380, s21;
	s6 =	sand.u32 $0x40, s21;
	p3 =	slt.u32 s21, $0x3C0;
	v11 =	vld [tilespmem:s25+$0x0]  }
0x581: {  	s29 =	sor.u32 s6, s5;
	s5 =	sadd.s32 s5, s28;
	v13 =	vld [tilespmem:s24+$0xFFFFFFE0]  }
0x582: {  	s24 =	sadd.s32 $0x40, s24;
	v14 =	vld [tilespmem:s29+$0x400];
	s30 =	sadd.s32 s6, s5;
	v9 =	vmul.f32 v9, v2  }
0x583: {  	s25 =	sadd.s32 $0x40, s25;
	v15 =	vld [tilespmem:s24+$0x10];
	v10 =	vmul.f32 v10, v2  }
0x584: {  	v12 =	vmul.f32 v12, v2;
	v6 =	vadd.f32 v9, v6;
	v9 =	vmul.f32 v3, v0;
	v3 =	vld [tilespmem:s25+$0x430]  }
0x585: {  	v17 =	vmul.f32 v4, v0;
	s6 =	sadd.s32 $0x70, s20;
	v16 =	vld [tilespmem:s25+$0x410];
	v11 =	vmul.f32 v11, v2;
	v10 =	vadd.f32 v10, v5  }
.Ltmp45:
0x586: {  	v7 =	vmul.f32 v7, v0;
	s29 =	sadd.s32 $0x60, s20;
	s6 =	sand.u32 $0x70, s6;
	v4 =	vld [tilespmem:s25+$0x420];
	v12 =	vadd.f32 v12, v8;
	v9 =	vadd.f32 v9, v6;
	(pc) =	sbr.rel @p3 .LBB2_86-.Ltmp45, $4  }
0x587: {  	s20 =	sadd.s32 $0x50, s20;
	s29 =	sand.u32 $0x60, s29;
	s6 =	sadd.s32 s6, s26;
	v5 =	vld [tilespmem:s24+$0x0];
	v11 =	vadd.f32 v11, v13;
	v13 =	vmul.f32 v1, v0;
	v10 =	vadd.f32 v17, v10;
	v1 =	vmovc v14  }
0x588: {  	s31 =	sand.u32 $0x50, s20;
	s20 =	smov.u32 s0;
	s29 =	sadd.s32 s29, s26;
	v8 =	vld [tilespmem:s24+$0xFFFFFFF0];
	v12 =	vadd.f32 v7, v12;
	[tilespmem:s6+$0x0] =	vst v9;
	v6 =	vmov v15  }
0x589: {  	s0 =	sadd.s32 s31, s26;
	s26 =	smov.u32 s5;
	v9 =	vld [tilespmem:s25+$0x30];
	v11 =	vadd.f32 v13, v11;
	[tilespmem:s29+$0x0] =	vst v10  }
0x58a: {  	v10 =	vld [tilespmem:s25+$0x20];
	[tilespmem:s0+$0x0] =	vst v12;
	v7 =	vmov v16  }
0x58b: {  	v12 =	vld [tilespmem:s25+$0x10]  }
0x58c: {  	v13 =	vld [tilespmem:s25+$0x0];
	_ =	sdelay $0x1  }
0x58d: {  	v14 =	vld [tilespmem:s24+$0xFFFFFFE0];
	v9 =	vmul.f32 v9, v2  }
0x58e: {  	v10 =	vmul.f32 v10, v2  }
0x58f: {  	v3 =	vmul.f32 v3, v0;
	v6 =	vadd.f32 v9, v6;
	v59 =	vmul.f32 v12, v2  }
0x590: {  	v4 =	vmul.f32 v4, v0;
	s0 =	sadd.s32 $0x70, s20;
	s5 =	sadd.s32 $0x60, s20;
	s18 =	sadd.s32 $0x1, s18;
	v60 =	vmul.f32 v13, v2;
	v5 =	vadd.f32 v10, v5  }
0x591: {  	v7 =	vmul.f32 v7, v0;
	s6 =	sadd.s32 $0x50, s20;
	s0 =	sand.u32 $0x70, s0;
	p3 =	sne.s32 s18, $0x10;
	v8 =	vadd.f32 v59, v8;
	v3 =	vadd.f32 v3, v6  }
.Ltmp46:
0x592: {  	[tilespmem:s16+$0x0] =	vst v11;
	v61 =	vmul.f32 v1, v0;
	s5 =	sand.u32 $0x60, s5;
	s0 =	sadd.s32 s0, s26;
	v2 =	vadd.f32 v60, v14;
	v62 =	vadd.f32 v4, v5;
	(pc) =	sbr.rel @p3 .LBB2_85-.Ltmp46, $4  }
0x593: {  	s6 =	sand.u32 $0x50, s6;
	s5 =	sadd.s32 s5, s26;
	v63 =	vadd.f32 v7, v8;
	[tilespmem:s0+$0x0] =	vst v3  }
0x594: {  	s31 =	sadd.s32 s6, s26;
	v0 =	vadd.f32 v61, v2;
	[tilespmem:s5+$0x0] =	vst v62  }
0x595: {  	[tilespmem:s31+$0x0] =	vst v63  }
0x596: {  	[tilespmem:s30+$0x0] =	vst v0  }
0x597: {  	_ =	swait.ge [sflag:s13], $0x4000  }
0x598: {  	s0 =	sld [smem:$0x7DB]  }
0x599: {  	[sflag:s13] =	ssyncset.done $0x0  }
0x59a: {  	s5 =	simm.s32 $0x10800;
	s31 =	simm.s32 $0x1;
	[sflag:s13] =	ssyncadd.s32 $0xFFFFC000  }
0x59b: {  	[tilespmem:s5], [sflag:$0x3] =	stream.linear.gather [hbm4b:s0+s19], $0x4000, $0x38;
	[tilespmem:$0x18800] =	vst v63  }
0x59c: {  	_ =	swait.ge [sflag:s31], $0x4000  }
0x59d: {  	[sflag:s31] =	ssyncset.done $0x0  }
0x59e: {  	s16 =	simm.s32 $0x8840;
	[sflag:s31] =	ssyncadd.s32 $0xFFFFC000  }
0x59f: {  	s17 =	simm.s32 $0x4840;
	v1 =	vld [tilespmem:s16+$0x30]  }
0x5a0: {  	v2 =	vld [tilespmem:s17+$0x30]  }
0x5a1: {  	v0 =	vld [tilespmem:s17+$0xFFFFFFC0]  }
0x5a2: {  	v3 =	vld [tilespmem:s16+$0xFFFFFFD0]  }
0x5a3: {  	v4 =	vld [tilespmem:s17+$0xFFFFFFD0]  }
0x5a4: {  	v5 =	vld [tilespmem:s16+$0xFFFFFFE0]  }
0x5a5: {  	v6 =	vld [tilespmem:s17+$0xFFFFFFE0]  }
0x5a6: {  	v7 =	vld [tilespmem:s16+$0xFFFFFFF0]  }
0x5a7: {  	v8 =	vld [tilespmem:s17+$0xFFFFFFF0]  }
0x5a8: {  	v9 =	vld [tilespmem:s16+$0x0]  }
0x5a9: {  	v10 =	vld [tilespmem:s17+$0x0];
	v2 =	vadd.f32 v2, v1  }
0x5aa: {  	v4 =	vadd.f32 v4, v3;
	v1 =	vld [tilespmem:s16+$0x10]  }
0x5ab: {  	v5 =	vadd.f32 v6, v5;
	v3 =	vld [tilespmem:s17+$0x10];
	[tilespmem:s16+$0x30] =	vst v2  }
0x5ac: {  	v6 =	vadd.f32 v8, v7;
	[tilespmem:s16+$0xFFFFFFD0] =	vst v4;
	v2 =	vld [tilespmem:s16+$0x20]  }
0x5ad: {  	[tilespmem:s16+$0xFFFFFFE0] =	vst v5;
	v5 =	vld [tilespmem:s17+$0x20]  }
0x5ae: {  	s18 =	simm.s32 $0x0;
	s20 =	simm.s32 $0x88C0;
	v4 =	vld [tilespmem:s16+$0xFFFFFFC0];
	[tilespmem:s16+$0xFFFFFFF0] =	vst v6;
	v6 =	vadd.f32 v10, v9  }
.LBB2_89:
0x5af: {  	v7 =	vld [tilespmem:s20+$0x30];
	s17 =	sadd.s32 $0x80, s17  }
0x5b0: {  	s18 =	sadd.s32 $0x80, s18;
	v8 =	vld [tilespmem:s17+$0x30];
	[tilespmem:s16+$0x0] =	vst v6;
	v1 =	vadd.f32 v3, v1  }
0x5b1: {  	p3 =	slt.u32 s18, $0x3F80;
	v3 =	vld [tilespmem:s17+$0xFFFFFFC0]  }
0x5b2: {  	v6 =	vld [tilespmem:s20+$0xFFFFFFD0];
	[tilespmem:s16+$0x10] =	vst v1;
	v1 =	vadd.f32 v5, v2  }
0x5b3: {  	v2 =	vld [tilespmem:s17+$0xFFFFFFD0];
	v9 =	vadd.f32 v0, v4  }
0x5b4: {  	v4 =	vld [tilespmem:s20+$0xFFFFFFE0];
	[tilespmem:s16+$0x20] =	vst v1  }
0x5b5: {  	v1 =	vld [tilespmem:s17+$0xFFFFFFE0];
	v5 =	vadd.f32 v8, v7;
	[tilespmem:s16+$0xFFFFFFC0] =	vst v9;
	s16 =	smov.u32 s20  }
0x5b6: {  	v7 =	vld [tilespmem:s20+$0xFFFFFFF0];
	v0 =	vmov v3  }
0x5b7: {  	v8 =	vld [tilespmem:s17+$0xFFFFFFF0];
	[tilespmem:s20+$0x30] =	vst v5  }
0x5b8: {  	v2 =	vadd.f32 v2, v6;
	v6 =	vld [tilespmem:s20+$0x0]  }
0x5b9: {  	v9 =	vld [tilespmem:s17+$0x0]  }
.Ltmp47:
0x5ba: {  	[tilespmem:s20+$0xFFFFFFD0] =	vst v2;
	v2 =	vadd.f32 v1, v4;
	v1 =	vld [tilespmem:s20+$0x10];
	(pc) =	sbr.rel @p3 .LBB2_89-.Ltmp47, $4  }
0x5bb: {  	v3 =	vld [tilespmem:s17+$0x10]  }
0x5bc: {  	[tilespmem:s20+$0xFFFFFFE0] =	vst v2;
	v7 =	vadd.f32 v8, v7;
	v2 =	vld [tilespmem:s20+$0x20]  }
0x5bd: {  	v5 =	vld [tilespmem:s17+$0x20]  }
0x5be: {  	s20 =	sadd.s32 $0x80, s20;
	v4 =	vld [tilespmem:s16+$0xFFFFFFC0];
	[tilespmem:s16+$0xFFFFFFF0] =	vst v7;
	v6 =	vadd.f32 v9, v6  }
0x5bf: {  	_ =	sdelay $0x1  }
0x5c0: {  	v1 =	vadd.f32 v3, v1  }
0x5c1: {  	[tilespmem:s16+$0x0] =	vst v6;
	v2 =	vadd.f32 v5, v2  }
0x5c2: {  	[tilespmem:s16+$0x10] =	vst v1;
	v0 =	vadd.f32 v0, v4  }
0x5c3: {  	[tilespmem:s16+$0x20] =	vst v2  }
0x5c4: {  	[tilespmem:s16+$0xFFFFFFC0] =	vst v0  }
0x5c5: {  	s0 =	sld [smem:$0x7D8];
	_ =	sdelay $0x2  }
0x5c6: {  	[hbm4b:s0+s19] =	stream.linear.scatter [tilespmem:s7], [sflag:$0x5], $0x4000, $0x38;
	[tilespmem:$0x18800] =	vst v63  }
0x5c7: {  	_ =	swait.ge [sflag:s15], $0x4000  }
0x5c8: {  	s30 =	sld [smem:$0x7DD]  }
0x5c9: {  	[sflag:s15] =	ssyncset.done $0x0  }
0x5ca: {  	s6 =	simm.s32 $0x14800;
	s31 =	simm.s32 $0x2;
	[sflag:s15] =	ssyncadd.s32 $0xFFFFC000  }
0x5cb: {  	[tilespmem:s6], [sflag:$0x4] =	stream.linear.gather [hbm4b:s30+s19], $0x4000, $0x38;
	[tilespmem:$0x18800] =	vst v63  }
0x5cc: {  	_ =	swait.ge [sflag:s31], $0x4000  }
0x5cd: {  	[sflag:s31] =	ssyncset.done $0x0  }
0x5ce: {  	s16 =	simm.s32 $0xC840;
	[sflag:s31] =	ssyncadd.s32 $0xFFFFC000  }
0x5cf: {  	s17 =	simm.s32 $0x4840;
	v1 =	vld [tilespmem:s16+$0x30]  }
0x5d0: {  	v2 =	vld [tilespmem:s17+$0x30]  }
0x5d1: {  	v0 =	vld [tilespmem:s17+$0xFFFFFFC0]  }
0x5d2: {  	v3 =	vld [tilespmem:s16+$0xFFFFFFD0]  }
0x5d3: {  	v4 =	vld [tilespmem:s17+$0xFFFFFFD0]  }
0x5d4: {  	v5 =	vld [tilespmem:s16+$0xFFFFFFE0]  }
0x5d5: {  	v6 =	vld [tilespmem:s17+$0xFFFFFFE0]  }
0x5d6: {  	v7 =	vld [tilespmem:s16+$0xFFFFFFF0]  }
0x5d7: {  	v8 =	vld [tilespmem:s17+$0xFFFFFFF0]  }
0x5d8: {  	v9 =	vld [tilespmem:s16+$0x0]  }
0x5d9: {  	v10 =	vld [tilespmem:s17+$0x0];
	v2 =	vadd.f32 v2, v1  }
0x5da: {  	v4 =	vadd.f32 v4, v3;
	v1 =	vld [tilespmem:s16+$0x10]  }
0x5db: {  	v5 =	vadd.f32 v6, v5;
	v3 =	vld [tilespmem:s17+$0x10];
	[tilespmem:s16+$0x30] =	vst v2  }
0x5dc: {  	v6 =	vadd.f32 v8, v7;
	[tilespmem:s16+$0xFFFFFFD0] =	vst v4;
	v2 =	vld [tilespmem:s16+$0x20]  }
0x5dd: {  	[tilespmem:s16+$0xFFFFFFE0] =	vst v5;
	v5 =	vld [tilespmem:s17+$0x20]  }
0x5de: {  	s18 =	simm.s32 $0x0;
	s20 =	simm.s32 $0xC8C0;
	v4 =	vld [tilespmem:s16+$0xFFFFFFC0];
	[tilespmem:s16+$0xFFFFFFF0] =	vst v6;
	v6 =	vadd.f32 v10, v9  }
.LBB2_91:
0x5df: {  	v7 =	vld [tilespmem:s20+$0x30];
	s17 =	sadd.s32 $0x80, s17  }
0x5e0: {  	s18 =	sadd.s32 $0x80, s18;
	v8 =	vld [tilespmem:s17+$0x30];
	[tilespmem:s16+$0x0] =	vst v6;
	v1 =	vadd.f32 v3, v1  }
0x5e1: {  	p3 =	slt.u32 s18, $0x3F80;
	v3 =	vld [tilespmem:s17+$0xFFFFFFC0]  }
0x5e2: {  	v6 =	vld [tilespmem:s20+$0xFFFFFFD0];
	[tilespmem:s16+$0x10] =	vst v1;
	v1 =	vadd.f32 v5, v2  }
0x5e3: {  	v2 =	vld [tilespmem:s17+$0xFFFFFFD0];
	v9 =	vadd.f32 v0, v4  }
0x5e4: {  	v4 =	vld [tilespmem:s20+$0xFFFFFFE0];
	[tilespmem:s16+$0x20] =	vst v1  }
0x5e5: {  	v1 =	vld [tilespmem:s17+$0xFFFFFFE0];
	v5 =	vadd.f32 v8, v7;
	[tilespmem:s16+$0xFFFFFFC0] =	vst v9;
	s16 =	smov.u32 s20  }
0x5e6: {  	v7 =	vld [tilespmem:s20+$0xFFFFFFF0];
	v0 =	vmov v3  }
0x5e7: {  	v8 =	vld [tilespmem:s17+$0xFFFFFFF0];
	[tilespmem:s20+$0x30] =	vst v5  }
0x5e8: {  	v2 =	vadd.f32 v2, v6;
	v6 =	vld [tilespmem:s20+$0x0]  }
0x5e9: {  	v9 =	vld [tilespmem:s17+$0x0]  }
.Ltmp48:
0x5ea: {  	[tilespmem:s20+$0xFFFFFFD0] =	vst v2;
	v2 =	vadd.f32 v1, v4;
	v1 =	vld [tilespmem:s20+$0x10];
	(pc) =	sbr.rel @p3 .LBB2_91-.Ltmp48, $4  }
0x5eb: {  	v3 =	vld [tilespmem:s17+$0x10]  }
0x5ec: {  	[tilespmem:s20+$0xFFFFFFE0] =	vst v2;
	v7 =	vadd.f32 v8, v7;
	v2 =	vld [tilespmem:s20+$0x20]  }
0x5ed: {  	v5 =	vld [tilespmem:s17+$0x20]  }
0x5ee: {  	s20 =	sadd.s32 $0x80, s20;
	v4 =	vld [tilespmem:s16+$0xFFFFFFC0];
	[tilespmem:s16+$0xFFFFFFF0] =	vst v7;
	v6 =	vadd.f32 v9, v6  }
0x5ef: {  	_ =	sdelay $0x1  }
0x5f0: {  	v1 =	vadd.f32 v3, v1  }
0x5f1: {  	[tilespmem:s16+$0x0] =	vst v6;
	v2 =	vadd.f32 v5, v2  }
0x5f2: {  	[tilespmem:s16+$0x10] =	vst v1;
	v0 =	vadd.f32 v0, v4  }
0x5f3: {  	[tilespmem:s16+$0x20] =	vst v2  }
0x5f4: {  	[tilespmem:s16+$0xFFFFFFC0] =	vst v0  }
0x5f5: {  	s0 =	sld [smem:$0x7DA];
	_ =	sdelay $0x1  }
0x5f6: {  	s30 =	simm.s32 $0x5  }
0x5f7: {  	[hbm4b:s0+s19] =	stream.linear.scatter [tilespmem:s8], [sflag:$0x6], $0x4000, $0x38;
	[tilespmem:$0x18800] =	vst v63  }
0x5f8: {  	_ =	swait.ge [sflag:s30], $0x4000  }
0x5f9: {  	s31 =	sld [smem:$0x7DF]  }
0x5fa: {  	[sflag:s30] =	ssyncset.done $0x0  }
0x5fb: {  	[sflag:s30] =	ssyncadd.s32 $0xFFFFC000  }
0x5fc: {  	[tilespmem:s7], [sflag:$0x1] =	stream.linear.gather [hbm4b:s31+s19], $0x4000, $0x38;
	[tilespmem:$0x18800] =	vst v63  }
0x5fd: {  	_ =	swait.ge [sflag:s9], $0x4000  }
0x5fe: {  	[sflag:s9] =	ssyncset.done $0x0  }
0x5ff: {  	s16 =	simm.s32 $0x10840;
	[sflag:s9] =	ssyncadd.s32 $0xFFFFC000  }
0x600: {  	s17 =	simm.s32 $0x4840;
	v1 =	vld [tilespmem:s16+$0x30]  }
0x601: {  	v2 =	vld [tilespmem:s17+$0x30]  }
0x602: {  	v0 =	vld [tilespmem:s17+$0xFFFFFFC0]  }
0x603: {  	v3 =	vld [tilespmem:s16+$0xFFFFFFD0]  }
0x604: {  	v4 =	vld [tilespmem:s17+$0xFFFFFFD0]  }
0x605: {  	v5 =	vld [tilespmem:s16+$0xFFFFFFE0]  }
0x606: {  	v6 =	vld [tilespmem:s17+$0xFFFFFFE0]  }
0x607: {  	v7 =	vld [tilespmem:s16+$0xFFFFFFF0]  }
0x608: {  	v8 =	vld [tilespmem:s17+$0xFFFFFFF0]  }
0x609: {  	v9 =	vld [tilespmem:s16+$0x0]  }
0x60a: {  	v10 =	vld [tilespmem:s17+$0x0];
	v2 =	vadd.f32 v2, v1  }
0x60b: {  	v4 =	vadd.f32 v4, v3;
	v1 =	vld [tilespmem:s16+$0x10]  }
0x60c: {  	v5 =	vadd.f32 v6, v5;
	v3 =	vld [tilespmem:s17+$0x10];
	[tilespmem:s16+$0x30] =	vst v2  }
0x60d: {  	v6 =	vadd.f32 v8, v7;
	[tilespmem:s16+$0xFFFFFFD0] =	vst v4;
	v2 =	vld [tilespmem:s16+$0x20]  }
0x60e: {  	[tilespmem:s16+$0xFFFFFFE0] =	vst v5;
	v5 =	vld [tilespmem:s17+$0x20]  }
0x60f: {  	s18 =	simm.s32 $0x0;
	s20 =	simm.s32 $0x108C0;
	v4 =	vld [tilespmem:s16+$0xFFFFFFC0];
	[tilespmem:s16+$0xFFFFFFF0] =	vst v6;
	v6 =	vadd.f32 v10, v9  }
.LBB2_93:
0x610: {  	v7 =	vld [tilespmem:s20+$0x30];
	s17 =	sadd.s32 $0x80, s17  }
0x611: {  	s18 =	sadd.s32 $0x80, s18;
	v8 =	vld [tilespmem:s17+$0x30];
	[tilespmem:s16+$0x0] =	vst v6;
	v1 =	vadd.f32 v3, v1  }
0x612: {  	p3 =	slt.u32 s18, $0x3F80;
	v3 =	vld [tilespmem:s17+$0xFFFFFFC0]  }
0x613: {  	v6 =	vld [tilespmem:s20+$0xFFFFFFD0];
	[tilespmem:s16+$0x10] =	vst v1;
	v1 =	vadd.f32 v5, v2  }
0x614: {  	v2 =	vld [tilespmem:s17+$0xFFFFFFD0];
	v9 =	vadd.f32 v0, v4  }
0x615: {  	v4 =	vld [tilespmem:s20+$0xFFFFFFE0];
	[tilespmem:s16+$0x20] =	vst v1  }
0x616: {  	v1 =	vld [tilespmem:s17+$0xFFFFFFE0];
	v5 =	vadd.f32 v8, v7;
	[tilespmem:s16+$0xFFFFFFC0] =	vst v9;
	s16 =	smov.u32 s20  }
0x617: {  	v7 =	vld [tilespmem:s20+$0xFFFFFFF0];
	v0 =	vmov v3  }
0x618: {  	v8 =	vld [tilespmem:s17+$0xFFFFFFF0];
	[tilespmem:s20+$0x30] =	vst v5  }
0x619: {  	v2 =	vadd.f32 v2, v6;
	v6 =	vld [tilespmem:s20+$0x0]  }
0x61a: {  	v9 =	vld [tilespmem:s17+$0x0]  }
.Ltmp49:
0x61b: {  	[tilespmem:s20+$0xFFFFFFD0] =	vst v2;
	v2 =	vadd.f32 v1, v4;
	v1 =	vld [tilespmem:s20+$0x10];
	(pc) =	sbr.rel @p3 .LBB2_93-.Ltmp49, $4  }
0x61c: {  	v3 =	vld [tilespmem:s17+$0x10]  }
0x61d: {  	[tilespmem:s20+$0xFFFFFFE0] =	vst v2;
	v7 =	vadd.f32 v8, v7;
	v2 =	vld [tilespmem:s20+$0x20]  }
0x61e: {  	v5 =	vld [tilespmem:s17+$0x20]  }
0x61f: {  	s20 =	sadd.s32 $0x80, s20;
	v4 =	vld [tilespmem:s16+$0xFFFFFFC0];
	[tilespmem:s16+$0xFFFFFFF0] =	vst v7;
	v6 =	vadd.f32 v9, v6  }
0x620: {  	_ =	sdelay $0x1  }
0x621: {  	v1 =	vadd.f32 v3, v1  }
0x622: {  	[tilespmem:s16+$0x0] =	vst v6;
	v2 =	vadd.f32 v5, v2  }
0x623: {  	[tilespmem:s16+$0x10] =	vst v1;
	v0 =	vadd.f32 v0, v4  }
0x624: {  	[tilespmem:s16+$0x20] =	vst v2  }
0x625: {  	[tilespmem:s16+$0xFFFFFFC0] =	vst v0  }
0x626: {  	s0 =	sld [smem:$0x7DC];
	_ =	sdelay $0x2  }
0x627: {  	[hbm4b:s0+s19] =	stream.linear.scatter [tilespmem:s5], [sflag:$0x7], $0x4000, $0x38;
	[tilespmem:$0x18800] =	vst v63  }
0x628: {  	_ =	swait.ge [sflag:s10], $0x4000  }
0x629: {  	s31 =	sld [smem:$0x7E1]  }
0x62a: {  	[sflag:s10] =	ssyncset.done $0x0  }
0x62b: {  	[sflag:s10] =	ssyncadd.s32 $0xFFFFC000  }
0x62c: {  	[tilespmem:s8], [sflag:$0x2] =	stream.linear.gather [hbm4b:s31+s19], $0x4000, $0x38;
	[tilespmem:$0x18800] =	vst v63  }
0x62d: {  	_ =	swait.ge [sflag:s11], $0x4000  }
0x62e: {  	[sflag:s11] =	ssyncset.done $0x0  }
0x62f: {  	s16 =	simm.s32 $0x14840;
	[sflag:s11] =	ssyncadd.s32 $0xFFFFC000  }
0x630: {  	s17 =	simm.s32 $0x4840;
	v1 =	vld [tilespmem:s16+$0x30]  }
0x631: {  	v2 =	vld [tilespmem:s17+$0x30]  }
0x632: {  	v0 =	vld [tilespmem:s17+$0xFFFFFFC0]  }
0x633: {  	v3 =	vld [tilespmem:s16+$0xFFFFFFD0]  }
0x634: {  	v4 =	vld [tilespmem:s17+$0xFFFFFFD0]  }
0x635: {  	v5 =	vld [tilespmem:s16+$0xFFFFFFE0]  }
0x636: {  	v6 =	vld [tilespmem:s17+$0xFFFFFFE0]  }
0x637: {  	v7 =	vld [tilespmem:s16+$0xFFFFFFF0]  }
0x638: {  	v8 =	vld [tilespmem:s17+$0xFFFFFFF0]  }
0x639: {  	v9 =	vld [tilespmem:s16+$0x0]  }
0x63a: {  	v10 =	vld [tilespmem:s17+$0x0];
	v2 =	vadd.f32 v2, v1  }
0x63b: {  	v4 =	vadd.f32 v4, v3;
	v1 =	vld [tilespmem:s16+$0x10]  }
0x63c: {  	v5 =	vadd.f32 v6, v5;
	v3 =	vld [tilespmem:s17+$0x10];
	[tilespmem:s16+$0x30] =	vst v2  }
0x63d: {  	v6 =	vadd.f32 v8, v7;
	[tilespmem:s16+$0xFFFFFFD0] =	vst v4;
	v2 =	vld [tilespmem:s16+$0x20]  }
0x63e: {  	[tilespmem:s16+$0xFFFFFFE0] =	vst v5;
	v5 =	vld [tilespmem:s17+$0x20]  }
0x63f: {  	s18 =	simm.s32 $0x0;
	s20 =	simm.s32 $0x148C0;
	v4 =	vld [tilespmem:s16+$0xFFFFFFC0];
	[tilespmem:s16+$0xFFFFFFF0] =	vst v6;
	v6 =	vadd.f32 v10, v9  }
.LBB2_95:
0x640: {  	v7 =	vld [tilespmem:s20+$0x30];
	s17 =	sadd.s32 $0x80, s17  }
0x641: {  	s18 =	sadd.s32 $0x80, s18;
	v8 =	vld [tilespmem:s17+$0x30];
	[tilespmem:s16+$0x0] =	vst v6;
	v1 =	vadd.f32 v3, v1  }
0x642: {  	p3 =	slt.u32 s18, $0x3F80;
	v3 =	vld [tilespmem:s17+$0xFFFFFFC0]  }
0x643: {  	v6 =	vld [tilespmem:s20+$0xFFFFFFD0];
	[tilespmem:s16+$0x10] =	vst v1;
	v1 =	vadd.f32 v5, v2  }
0x644: {  	v2 =	vld [tilespmem:s17+$0xFFFFFFD0];
	v9 =	vadd.f32 v0, v4  }
0x645: {  	v4 =	vld [tilespmem:s20+$0xFFFFFFE0];
	[tilespmem:s16+$0x20] =	vst v1  }
0x646: {  	v1 =	vld [tilespmem:s17+$0xFFFFFFE0];
	v5 =	vadd.f32 v8, v7;
	[tilespmem:s16+$0xFFFFFFC0] =	vst v9;
	s16 =	smov.u32 s20  }
0x647: {  	v7 =	vld [tilespmem:s20+$0xFFFFFFF0];
	v0 =	vmov v3  }
0x648: {  	v8 =	vld [tilespmem:s17+$0xFFFFFFF0];
	[tilespmem:s20+$0x30] =	vst v5  }
0x649: {  	v2 =	vadd.f32 v2, v6;
	v6 =	vld [tilespmem:s20+$0x0]  }
0x64a: {  	v9 =	vld [tilespmem:s17+$0x0]  }
.Ltmp50:
0x64b: {  	[tilespmem:s20+$0xFFFFFFD0] =	vst v2;
	v2 =	vadd.f32 v1, v4;
	v1 =	vld [tilespmem:s20+$0x10];
	(pc) =	sbr.rel @p3 .LBB2_95-.Ltmp50, $4  }
0x64c: {  	v3 =	vld [tilespmem:s17+$0x10]  }
0x64d: {  	[tilespmem:s20+$0xFFFFFFE0] =	vst v2;
	v7 =	vadd.f32 v8, v7;
	v2 =	vld [tilespmem:s20+$0x20]  }
0x64e: {  	v5 =	vld [tilespmem:s17+$0x20]  }
0x64f: {  	s20 =	sadd.s32 $0x80, s20;
	v4 =	vld [tilespmem:s16+$0xFFFFFFC0];
	[tilespmem:s16+$0xFFFFFFF0] =	vst v7;
	v6 =	vadd.f32 v9, v6  }
0x650: {  	_ =	sdelay $0x1  }
0x651: {  	v1 =	vadd.f32 v3, v1  }
0x652: {  	[tilespmem:s16+$0x0] =	vst v6;
	v2 =	vadd.f32 v5, v2  }
0x653: {  	[tilespmem:s16+$0x10] =	vst v1;
	v0 =	vadd.f32 v0, v4  }
0x654: {  	[tilespmem:s16+$0x20] =	vst v2  }
0x655: {  	[tilespmem:s16+$0xFFFFFFC0] =	vst v0  }
0x656: {  	s0 =	sld [smem:$0x7DE];
	_ =	sdelay $0x1  }
0x657: {  	s17 =	simm.s32 $0x0;
	s18 =	simm.s32 $0x0  }
0x658: {  	[hbm4b:s0+s17] =	stream.linear.scatter [tilespmem:s6], [sflag:$0x8], $0x4000, $0x38;
	[tilespmem:$0x18800] =	vst v63  }
.LBB2_97:
0x659: {  	v5 =	vld [tilespmem:s17+$0x430]  }
0x65a: {  	v9 =	vld [tilespmem:s17+$0x410]  }
0x65b: {  	v10 =	vld [tilespmem:s17+$0x420]  }
0x65c: {  	v0 =	vld [tilespmem:s17+$0x30]  }
0x65d: {  	v3 =	vld [tilespmem:s17+$0x20]  }
0x65e: {  	s20 =	simm.s32 $0x0;
	s6 =	simm.s32 $0x820;
	s24 =	sor.u32 s14, s18;
	v7 =	vld [tilespmem:s17+$0x10]  }
0x65f: {  	v13 =	vld [tilespmem:s17+$0x0];
	s0 =	sand.u32 $0x380, s20;
	s16 =	sand.u32 $0x40, s20;
	s21 =	ssub.s32 $0xFF0, s24  }
0x660: {  	v4 =	vld [tilespmem:s6+$0x10];
	s5 =	sor.u32 s16, s0;
	s21 =	scvt.s32.f32 s21  }
0x661: {  	v8 =	vld [tilespmem:s5+$0x400];
	s5 =	sadd.s32 $0xFFFFFFF1, s24  }
0x662: {  	v11 =	vld [tilespmem:s6+$0x0];
	s24 =	smul.f32 $2.441406250e-04, s21;
	s5 =	scvt.s32.f32 s5;
	s21 =	simm.s32 $0x40  }
0x663: {  	v12 =	vld [tilespmem:s6+$0xFFFFFFF0];
	s26 =	sand.u32 $0x380, s21;
	s29 =	sand.u32 $0x40, s21  }
0x664: {  	v14 =	vld [tilespmem:s6+$0xFFFFFFE0];
	s5 =	smul.f32 $2.441406250e-04, s5;
	v2 =	vmov s24;
	s25 =	sor.u32 s29, s26  }
0x665: {  	s24 =	simm.s32 $0x860;
	v1 =	vld [tilespmem:s25+$0x400];
	v15 =	vmul.f32 v0, v2  }
0x666: {  	s31 =	sshll.u32 s18, $0xA;
	v6 =	vld [tilespmem:s24+$0x10];
	v16 =	vmul.f32 v3, v2;
	s25 =	simm.s32 $0x40;
	v0 =	vmov s5  }
0x667: {  	v17 =	vmul.f32 v7, v2;
	s5 =	sand.u32 $0x3FFFFC00, s31;
	v3 =	vld [tilespmem:s25+$0x430];
	v15 =	vadd.f32 v15, v4;
	v5 =	vmul.f32 v5, v0  }
0x668: {  	s6 =	simm.s32 $0x30;
	v13 =	vmul.f32 v13, v2;
	v7 =	vld [tilespmem:s25+$0x410];
	s28 =	sadd.s32 $0x4800, s5;
	v11 =	vadd.f32 v16, v11;
	v10 =	vmul.f32 v10, v0  }
0x669: {  	s31 =	simm.s32 $0x20;
	v4 =	vld [tilespmem:s25+$0x420];
	v12 =	vadd.f32 v17, v12;
	v9 =	vmul.f32 v9, v0;
	s5 =	sand.u32 $0x70, s6;
	s0 =	sadd.s32 s0, s28;
	v15 =	vadd.f32 v5, v15  }
0x66a: {  	s30 =	simm.s32 $0x10;
	s6 =	sand.u32 $0x60, s31;
	v63 =	vmul.f32 v8, v0;
	v8 =	vld [tilespmem:s24+$0xFFFFFFF0];
	v10 =	vadd.f32 v10, v11;
	s5 =	sadd.s32 s5, s0;
	v11 =	vadd.f32 v13, v14  }
0x66b: {  	s30 =	sand.u32 $0x50, s30;
	v5 =	vld [tilespmem:s24+$0x0];
	v12 =	vadd.f32 v9, v12;
	s6 =	sadd.s32 s6, s0;
	[tilespmem:s5+$0x0] =	vst v15  }
0x66c: {  	s26 =	sadd.s32 s26, s28;
	v9 =	vld [tilespmem:s25+$0x30];
	s31 =	sadd.s32 s30, s0;
	[tilespmem:s6+$0x0] =	vst v10;
	v11 =	vadd.f32 v63, v11  }
0x66d: {  	s16 =	sadd.s32 s16, s0;
	s30 =	sadd.s32 s29, s26;
	v10 =	vld [tilespmem:s25+$0x20];
	[tilespmem:s31+$0x0] =	vst v12  }
.LBB2_98:
0x66e: {  	v12 =	vld [tilespmem:s25+$0x10];
	[tilespmem:s16+$0x0] =	vst v11;
	s0 =	smov.u32 s21;
	s21 =	sadd.s32 $0x40, s21;
	s16 =	smov.u32 s30  }
0x66f: {  	s5 =	sand.u32 $0x380, s21;
	s6 =	sand.u32 $0x40, s21;
	p3 =	slt.u32 s21, $0x3C0;
	v11 =	vld [tilespmem:s25+$0x0]  }
0x670: {  	s29 =	sor.u32 s6, s5;
	s5 =	sadd.s32 s5, s28;
	v13 =	vld [tilespmem:s24+$0xFFFFFFE0]  }
0x671: {  	s24 =	sadd.s32 $0x40, s24;
	v14 =	vld [tilespmem:s29+$0x400];
	s30 =	sadd.s32 s6, s5;
	v9 =	vmul.f32 v9, v2  }
0x672: {  	s25 =	sadd.s32 $0x40, s25;
	v15 =	vld [tilespmem:s24+$0x10];
	v10 =	vmul.f32 v10, v2  }
0x673: {  	v12 =	vmul.f32 v12, v2;
	v6 =	vadd.f32 v9, v6;
	v9 =	vmul.f32 v3, v0;
	v3 =	vld [tilespmem:s25+$0x430]  }
0x674: {  	v17 =	vmul.f32 v4, v0;
	s6 =	sadd.s32 $0x70, s20;
	v16 =	vld [tilespmem:s25+$0x410];
	v11 =	vmul.f32 v11, v2;
	v10 =	vadd.f32 v10, v5  }
.Ltmp51:
0x675: {  	v7 =	vmul.f32 v7, v0;
	s29 =	sadd.s32 $0x60, s20;
	s6 =	sand.u32 $0x70, s6;
	v4 =	vld [tilespmem:s25+$0x420];
	v12 =	vadd.f32 v12, v8;
	v9 =	vadd.f32 v9, v6;
	(pc) =	sbr.rel @p3 .LBB2_98-.Ltmp51, $4  }
0x676: {  	s20 =	sadd.s32 $0x50, s20;
	s29 =	sand.u32 $0x60, s29;
	s6 =	sadd.s32 s6, s26;
	v5 =	vld [tilespmem:s24+$0x0];
	v11 =	vadd.f32 v11, v13;
	v13 =	vmul.f32 v1, v0;
	v10 =	vadd.f32 v17, v10;
	v1 =	vmovc v14  }
0x677: {  	s31 =	sand.u32 $0x50, s20;
	s20 =	smov.u32 s0;
	s29 =	sadd.s32 s29, s26;
	v8 =	vld [tilespmem:s24+$0xFFFFFFF0];
	v12 =	vadd.f32 v7, v12;
	[tilespmem:s6+$0x0] =	vst v9;
	v6 =	vmov v15  }
0x678: {  	s0 =	sadd.s32 s31, s26;
	s26 =	smov.u32 s5;
	v9 =	vld [tilespmem:s25+$0x30];
	v11 =	vadd.f32 v13, v11;
	[tilespmem:s29+$0x0] =	vst v10  }
0x679: {  	v10 =	vld [tilespmem:s25+$0x20];
	[tilespmem:s0+$0x0] =	vst v12;
	v7 =	vmov v16  }
0x67a: {  	v12 =	vld [tilespmem:s25+$0x10]  }
0x67b: {  	v13 =	vld [tilespmem:s25+$0x0];
	_ =	sdelay $0x1  }
0x67c: {  	v14 =	vld [tilespmem:s24+$0xFFFFFFE0];
	v9 =	vmul.f32 v9, v2  }
0x67d: {  	v10 =	vmul.f32 v10, v2  }
0x67e: {  	v3 =	vmul.f32 v3, v0;
	v6 =	vadd.f32 v9, v6;
	v59 =	vmul.f32 v12, v2  }
0x67f: {  	v4 =	vmul.f32 v4, v0;
	s0 =	sadd.s32 $0x70, s20;
	s5 =	sadd.s32 $0x60, s20;
	s18 =	sadd.s32 $0x1, s18;
	v60 =	vmul.f32 v13, v2;
	v5 =	vadd.f32 v10, v5  }
0x680: {  	v7 =	vmul.f32 v7, v0;
	s6 =	sadd.s32 $0x50, s20;
	s0 =	sand.u32 $0x70, s0;
	p3 =	sne.s32 s18, $0x10;
	v8 =	vadd.f32 v59, v8;
	v3 =	vadd.f32 v3, v6  }
.Ltmp52:
0x681: {  	[tilespmem:s16+$0x0] =	vst v11;
	v61 =	vmul.f32 v1, v0;
	s5 =	sand.u32 $0x60, s5;
	s0 =	sadd.s32 s0, s26;
	v2 =	vadd.f32 v60, v14;
	v62 =	vadd.f32 v4, v5;
	(pc) =	sbr.rel @p3 .LBB2_97-.Ltmp52, $4  }
0x682: {  	s6 =	sand.u32 $0x50, s6;
	s5 =	sadd.s32 s5, s26;
	v63 =	vadd.f32 v7, v8;
	[tilespmem:s0+$0x0] =	vst v3  }
0x683: {  	s31 =	sadd.s32 s6, s26;
	v0 =	vadd.f32 v61, v2;
	[tilespmem:s5+$0x0] =	vst v62  }
0x684: {  	[tilespmem:s31+$0x0] =	vst v63  }
0x685: {  	[tilespmem:s30+$0x0] =	vst v0  }
0x686: {  	_ =	swait.ge [sflag:s13], $0x4000  }
0x687: {  	s0 =	sld [smem:$0x7E3]  }
0x688: {  	[sflag:s13] =	ssyncset.done $0x0  }
0x689: {  	s5 =	simm.s32 $0x10800;
	s31 =	simm.s32 $0x1;
	[sflag:s13] =	ssyncadd.s32 $0xFFFFC000  }
0x68a: {  	[tilespmem:s5], [sflag:$0x3] =	stream.linear.gather [hbm4b:s0+s19], $0x4000, $0x38;
	[tilespmem:$0x18800] =	vst v63  }
0x68b: {  	_ =	swait.ge [sflag:s31], $0x4000  }
0x68c: {  	[sflag:s31] =	ssyncset.done $0x0  }
0x68d: {  	s16 =	simm.s32 $0x8840;
	[sflag:s31] =	ssyncadd.s32 $0xFFFFC000  }
0x68e: {  	s17 =	simm.s32 $0x4840;
	v1 =	vld [tilespmem:s16+$0x30]  }
0x68f: {  	v2 =	vld [tilespmem:s17+$0x30]  }
0x690: {  	v0 =	vld [tilespmem:s17+$0xFFFFFFC0]  }
0x691: {  	v3 =	vld [tilespmem:s16+$0xFFFFFFD0]  }
0x692: {  	v4 =	vld [tilespmem:s17+$0xFFFFFFD0]  }
0x693: {  	v5 =	vld [tilespmem:s16+$0xFFFFFFE0]  }
0x694: {  	v6 =	vld [tilespmem:s17+$0xFFFFFFE0]  }
0x695: {  	v7 =	vld [tilespmem:s16+$0xFFFFFFF0]  }
0x696: {  	v8 =	vld [tilespmem:s17+$0xFFFFFFF0]  }
0x697: {  	v9 =	vld [tilespmem:s16+$0x0]  }
0x698: {  	v10 =	vld [tilespmem:s17+$0x0];
	v2 =	vadd.f32 v2, v1  }
0x699: {  	v4 =	vadd.f32 v4, v3;
	v1 =	vld [tilespmem:s16+$0x10]  }
0x69a: {  	v5 =	vadd.f32 v6, v5;
	v3 =	vld [tilespmem:s17+$0x10];
	[tilespmem:s16+$0x30] =	vst v2  }
0x69b: {  	v6 =	vadd.f32 v8, v7;
	[tilespmem:s16+$0xFFFFFFD0] =	vst v4;
	v2 =	vld [tilespmem:s16+$0x20]  }
0x69c: {  	[tilespmem:s16+$0xFFFFFFE0] =	vst v5;
	v5 =	vld [tilespmem:s17+$0x20]  }
0x69d: {  	s18 =	simm.s32 $0x0;
	s20 =	simm.s32 $0x88C0;
	v4 =	vld [tilespmem:s16+$0xFFFFFFC0];
	[tilespmem:s16+$0xFFFFFFF0] =	vst v6;
	v6 =	vadd.f32 v10, v9  }
.LBB2_101:
0x69e: {  	v7 =	vld [tilespmem:s20+$0x30];
	s17 =	sadd.s32 $0x80, s17  }
0x69f: {  	s18 =	sadd.s32 $0x80, s18;
	v8 =	vld [tilespmem:s17+$0x30];
	[tilespmem:s16+$0x0] =	vst v6;
	v1 =	vadd.f32 v3, v1  }
0x6a0: {  	p3 =	slt.u32 s18, $0x3F80;
	v3 =	vld [tilespmem:s17+$0xFFFFFFC0]  }
0x6a1: {  	v6 =	vld [tilespmem:s20+$0xFFFFFFD0];
	[tilespmem:s16+$0x10] =	vst v1;
	v1 =	vadd.f32 v5, v2  }
0x6a2: {  	v2 =	vld [tilespmem:s17+$0xFFFFFFD0];
	v9 =	vadd.f32 v0, v4  }
0x6a3: {  	v4 =	vld [tilespmem:s20+$0xFFFFFFE0];
	[tilespmem:s16+$0x20] =	vst v1  }
0x6a4: {  	v1 =	vld [tilespmem:s17+$0xFFFFFFE0];
	v5 =	vadd.f32 v8, v7;
	[tilespmem:s16+$0xFFFFFFC0] =	vst v9;
	s16 =	smov.u32 s20  }
0x6a5: {  	v7 =	vld [tilespmem:s20+$0xFFFFFFF0];
	v0 =	vmov v3  }
0x6a6: {  	v8 =	vld [tilespmem:s17+$0xFFFFFFF0];
	[tilespmem:s20+$0x30] =	vst v5  }
0x6a7: {  	v2 =	vadd.f32 v2, v6;
	v6 =	vld [tilespmem:s20+$0x0]  }
0x6a8: {  	v9 =	vld [tilespmem:s17+$0x0]  }
.Ltmp53:
0x6a9: {  	[tilespmem:s20+$0xFFFFFFD0] =	vst v2;
	v2 =	vadd.f32 v1, v4;
	v1 =	vld [tilespmem:s20+$0x10];
	(pc) =	sbr.rel @p3 .LBB2_101-.Ltmp53, $4  }
0x6aa: {  	v3 =	vld [tilespmem:s17+$0x10]  }
0x6ab: {  	[tilespmem:s20+$0xFFFFFFE0] =	vst v2;
	v7 =	vadd.f32 v8, v7;
	v2 =	vld [tilespmem:s20+$0x20]  }
0x6ac: {  	v5 =	vld [tilespmem:s17+$0x20]  }
0x6ad: {  	s20 =	sadd.s32 $0x80, s20;
	v4 =	vld [tilespmem:s16+$0xFFFFFFC0];
	[tilespmem:s16+$0xFFFFFFF0] =	vst v7;
	v6 =	vadd.f32 v9, v6  }
0x6ae: {  	_ =	sdelay $0x1  }
0x6af: {  	v1 =	vadd.f32 v3, v1  }
0x6b0: {  	[tilespmem:s16+$0x0] =	vst v6;
	v2 =	vadd.f32 v5, v2  }
0x6b1: {  	[tilespmem:s16+$0x10] =	vst v1;
	v0 =	vadd.f32 v0, v4  }
0x6b2: {  	[tilespmem:s16+$0x20] =	vst v2  }
0x6b3: {  	[tilespmem:s16+$0xFFFFFFC0] =	vst v0  }
0x6b4: {  	s0 =	sld [smem:$0x7E0];
	_ =	sdelay $0x2  }
0x6b5: {  	[hbm4b:s0+s19] =	stream.linear.scatter [tilespmem:s7], [sflag:$0x5], $0x4000, $0x38;
	[tilespmem:$0x18800] =	vst v63  }
0x6b6: {  	_ =	swait.ge [sflag:s15], $0x4000  }
0x6b7: {  	s30 =	sld [smem:$0x7E5]  }
0x6b8: {  	[sflag:s15] =	ssyncset.done $0x0  }
0x6b9: {  	s6 =	simm.s32 $0x14800;
	s31 =	simm.s32 $0x2;
	[sflag:s15] =	ssyncadd.s32 $0xFFFFC000  }
0x6ba: {  	[tilespmem:s6], [sflag:$0x4] =	stream.linear.gather [hbm4b:s30+s19], $0x4000, $0x38;
	[tilespmem:$0x18800] =	vst v63  }
0x6bb: {  	_ =	swait.ge [sflag:s31], $0x4000  }
0x6bc: {  	[sflag:s31] =	ssyncset.done $0x0  }
0x6bd: {  	s16 =	simm.s32 $0xC840;
	[sflag:s31] =	ssyncadd.s32 $0xFFFFC000  }
0x6be: {  	s17 =	simm.s32 $0x4840;
	v1 =	vld [tilespmem:s16+$0x30]  }
0x6bf: {  	v2 =	vld [tilespmem:s17+$0x30]  }
0x6c0: {  	v0 =	vld [tilespmem:s17+$0xFFFFFFC0]  }
0x6c1: {  	v3 =	vld [tilespmem:s16+$0xFFFFFFD0]  }
0x6c2: {  	v4 =	vld [tilespmem:s17+$0xFFFFFFD0]  }
0x6c3: {  	v5 =	vld [tilespmem:s16+$0xFFFFFFE0]  }
0x6c4: {  	v6 =	vld [tilespmem:s17+$0xFFFFFFE0]  }
0x6c5: {  	v7 =	vld [tilespmem:s16+$0xFFFFFFF0]  }
0x6c6: {  	v8 =	vld [tilespmem:s17+$0xFFFFFFF0]  }
0x6c7: {  	v9 =	vld [tilespmem:s16+$0x0]  }
0x6c8: {  	v10 =	vld [tilespmem:s17+$0x0];
	v2 =	vadd.f32 v2, v1  }
0x6c9: {  	v4 =	vadd.f32 v4, v3;
	v1 =	vld [tilespmem:s16+$0x10]  }
0x6ca: {  	v5 =	vadd.f32 v6, v5;
	v3 =	vld [tilespmem:s17+$0x10];
	[tilespmem:s16+$0x30] =	vst v2  }
0x6cb: {  	v6 =	vadd.f32 v8, v7;
	[tilespmem:s16+$0xFFFFFFD0] =	vst v4;
	v2 =	vld [tilespmem:s16+$0x20]  }
0x6cc: {  	[tilespmem:s16+$0xFFFFFFE0] =	vst v5;
	v5 =	vld [tilespmem:s17+$0x20]  }
0x6cd: {  	s18 =	simm.s32 $0x0;
	s20 =	simm.s32 $0xC8C0;
	v4 =	vld [tilespmem:s16+$0xFFFFFFC0];
	[tilespmem:s16+$0xFFFFFFF0] =	vst v6;
	v6 =	vadd.f32 v10, v9  }
.LBB2_103:
0x6ce: {  	v7 =	vld [tilespmem:s20+$0x30];
	s17 =	sadd.s32 $0x80, s17  }
0x6cf: {  	s18 =	sadd.s32 $0x80, s18;
	v8 =	vld [tilespmem:s17+$0x30];
	[tilespmem:s16+$0x0] =	vst v6;
	v1 =	vadd.f32 v3, v1  }
0x6d0: {  	p3 =	slt.u32 s18, $0x3F80;
	v3 =	vld [tilespmem:s17+$0xFFFFFFC0]  }
0x6d1: {  	v6 =	vld [tilespmem:s20+$0xFFFFFFD0];
	[tilespmem:s16+$0x10] =	vst v1;
	v1 =	vadd.f32 v5, v2  }
0x6d2: {  	v2 =	vld [tilespmem:s17+$0xFFFFFFD0];
	v9 =	vadd.f32 v0, v4  }
0x6d3: {  	v4 =	vld [tilespmem:s20+$0xFFFFFFE0];
	[tilespmem:s16+$0x20] =	vst v1  }
0x6d4: {  	v1 =	vld [tilespmem:s17+$0xFFFFFFE0];
	v5 =	vadd.f32 v8, v7;
	[tilespmem:s16+$0xFFFFFFC0] =	vst v9;
	s16 =	smov.u32 s20  }
0x6d5: {  	v7 =	vld [tilespmem:s20+$0xFFFFFFF0];
	v0 =	vmov v3  }
0x6d6: {  	v8 =	vld [tilespmem:s17+$0xFFFFFFF0];
	[tilespmem:s20+$0x30] =	vst v5  }
0x6d7: {  	v2 =	vadd.f32 v2, v6;
	v6 =	vld [tilespmem:s20+$0x0]  }
0x6d8: {  	v9 =	vld [tilespmem:s17+$0x0]  }
.Ltmp54:
0x6d9: {  	[tilespmem:s20+$0xFFFFFFD0] =	vst v2;
	v2 =	vadd.f32 v1, v4;
	v1 =	vld [tilespmem:s20+$0x10];
	(pc) =	sbr.rel @p3 .LBB2_103-.Ltmp54, $4  }
0x6da: {  	v3 =	vld [tilespmem:s17+$0x10]  }
0x6db: {  	[tilespmem:s20+$0xFFFFFFE0] =	vst v2;
	v7 =	vadd.f32 v8, v7;
	v2 =	vld [tilespmem:s20+$0x20]  }
0x6dc: {  	v5 =	vld [tilespmem:s17+$0x20]  }
0x6dd: {  	s20 =	sadd.s32 $0x80, s20;
	v4 =	vld [tilespmem:s16+$0xFFFFFFC0];
	[tilespmem:s16+$0xFFFFFFF0] =	vst v7;
	v6 =	vadd.f32 v9, v6  }
0x6de: {  	_ =	sdelay $0x1  }
0x6df: {  	v1 =	vadd.f32 v3, v1  }
0x6e0: {  	[tilespmem:s16+$0x0] =	vst v6;
	v2 =	vadd.f32 v5, v2  }
0x6e1: {  	[tilespmem:s16+$0x10] =	vst v1;
	v0 =	vadd.f32 v0, v4  }
0x6e2: {  	[tilespmem:s16+$0x20] =	vst v2  }
0x6e3: {  	[tilespmem:s16+$0xFFFFFFC0] =	vst v0  }
0x6e4: {  	s0 =	sld [smem:$0x7E2];
	_ =	sdelay $0x1  }
0x6e5: {  	s30 =	simm.s32 $0x5  }
0x6e6: {  	[hbm4b:s0+s19] =	stream.linear.scatter [tilespmem:s8], [sflag:$0x6], $0x4000, $0x38;
	[tilespmem:$0x18800] =	vst v63  }
0x6e7: {  	_ =	swait.ge [sflag:s30], $0x4000  }
0x6e8: {  	s31 =	sld [smem:$0x7E7]  }
0x6e9: {  	[sflag:s30] =	ssyncset.done $0x0  }
0x6ea: {  	[sflag:s30] =	ssyncadd.s32 $0xFFFFC000  }
0x6eb: {  	[tilespmem:s7], [sflag:$0x1] =	stream.linear.gather [hbm4b:s31+s19], $0x4000, $0x38;
	[tilespmem:$0x18800] =	vst v63  }
0x6ec: {  	_ =	swait.ge [sflag:s9], $0x4000  }
0x6ed: {  	[sflag:s9] =	ssyncset.done $0x0  }
0x6ee: {  	s16 =	simm.s32 $0x10840;
	[sflag:s9] =	ssyncadd.s32 $0xFFFFC000  }
0x6ef: {  	s17 =	simm.s32 $0x4840;
	v1 =	vld [tilespmem:s16+$0x30]  }
0x6f0: {  	v2 =	vld [tilespmem:s17+$0x30]  }
0x6f1: {  	v0 =	vld [tilespmem:s17+$0xFFFFFFC0]  }
0x6f2: {  	v3 =	vld [tilespmem:s16+$0xFFFFFFD0]  }
0x6f3: {  	v4 =	vld [tilespmem:s17+$0xFFFFFFD0]  }
0x6f4: {  	v5 =	vld [tilespmem:s16+$0xFFFFFFE0]  }
0x6f5: {  	v6 =	vld [tilespmem:s17+$0xFFFFFFE0]  }
0x6f6: {  	v7 =	vld [tilespmem:s16+$0xFFFFFFF0]  }
0x6f7: {  	v8 =	vld [tilespmem:s17+$0xFFFFFFF0]  }
0x6f8: {  	v9 =	vld [tilespmem:s16+$0x0]  }
0x6f9: {  	v10 =	vld [tilespmem:s17+$0x0];
	v2 =	vadd.f32 v2, v1  }
0x6fa: {  	v4 =	vadd.f32 v4, v3;
	v1 =	vld [tilespmem:s16+$0x10]  }
0x6fb: {  	v5 =	vadd.f32 v6, v5;
	v3 =	vld [tilespmem:s17+$0x10];
	[tilespmem:s16+$0x30] =	vst v2  }
0x6fc: {  	v6 =	vadd.f32 v8, v7;
	[tilespmem:s16+$0xFFFFFFD0] =	vst v4;
	v2 =	vld [tilespmem:s16+$0x20]  }
0x6fd: {  	[tilespmem:s16+$0xFFFFFFE0] =	vst v5;
	v5 =	vld [tilespmem:s17+$0x20]  }
0x6fe: {  	s18 =	simm.s32 $0x0;
	s20 =	simm.s32 $0x108C0;
	v4 =	vld [tilespmem:s16+$0xFFFFFFC0];
	[tilespmem:s16+$0xFFFFFFF0] =	vst v6;
	v6 =	vadd.f32 v10, v9  }
.LBB2_105:
0x6ff: {  	v7 =	vld [tilespmem:s20+$0x30];
	s17 =	sadd.s32 $0x80, s17  }
0x700: {  	s18 =	sadd.s32 $0x80, s18;
	v8 =	vld [tilespmem:s17+$0x30];
	[tilespmem:s16+$0x0] =	vst v6;
	v1 =	vadd.f32 v3, v1  }
0x701: {  	p3 =	slt.u32 s18, $0x3F80;
	v3 =	vld [tilespmem:s17+$0xFFFFFFC0]  }
0x702: {  	v6 =	vld [tilespmem:s20+$0xFFFFFFD0];
	[tilespmem:s16+$0x10] =	vst v1;
	v1 =	vadd.f32 v5, v2  }
0x703: {  	v2 =	vld [tilespmem:s17+$0xFFFFFFD0];
	v9 =	vadd.f32 v0, v4  }
0x704: {  	v4 =	vld [tilespmem:s20+$0xFFFFFFE0];
	[tilespmem:s16+$0x20] =	vst v1  }
0x705: {  	v1 =	vld [tilespmem:s17+$0xFFFFFFE0];
	v5 =	vadd.f32 v8, v7;
	[tilespmem:s16+$0xFFFFFFC0] =	vst v9;
	s16 =	smov.u32 s20  }
0x706: {  	v7 =	vld [tilespmem:s20+$0xFFFFFFF0];
	v0 =	vmov v3  }
0x707: {  	v8 =	vld [tilespmem:s17+$0xFFFFFFF0];
	[tilespmem:s20+$0x30] =	vst v5  }
0x708: {  	v2 =	vadd.f32 v2, v6;
	v6 =	vld [tilespmem:s20+$0x0]  }
0x709: {  	v9 =	vld [tilespmem:s17+$0x0]  }
.Ltmp55:
0x70a: {  	[tilespmem:s20+$0xFFFFFFD0] =	vst v2;
	v2 =	vadd.f32 v1, v4;
	v1 =	vld [tilespmem:s20+$0x10];
	(pc) =	sbr.rel @p3 .LBB2_105-.Ltmp55, $4  }
0x70b: {  	v3 =	vld [tilespmem:s17+$0x10]  }
0x70c: {  	[tilespmem:s20+$0xFFFFFFE0] =	vst v2;
	v7 =	vadd.f32 v8, v7;
	v2 =	vld [tilespmem:s20+$0x20]  }
0x70d: {  	v5 =	vld [tilespmem:s17+$0x20]  }
0x70e: {  	s20 =	sadd.s32 $0x80, s20;
	v4 =	vld [tilespmem:s16+$0xFFFFFFC0];
	[tilespmem:s16+$0xFFFFFFF0] =	vst v7;
	v6 =	vadd.f32 v9, v6  }
0x70f: {  	_ =	sdelay $0x1  }
0x710: {  	v1 =	vadd.f32 v3, v1  }
0x711: {  	[tilespmem:s16+$0x0] =	vst v6;
	v2 =	vadd.f32 v5, v2  }
0x712: {  	[tilespmem:s16+$0x10] =	vst v1;
	v0 =	vadd.f32 v0, v4  }
0x713: {  	[tilespmem:s16+$0x20] =	vst v2  }
0x714: {  	[tilespmem:s16+$0xFFFFFFC0] =	vst v0  }
0x715: {  	s0 =	sld [smem:$0x7E4];
	_ =	sdelay $0x2  }
0x716: {  	[hbm4b:s0+s19] =	stream.linear.scatter [tilespmem:s5], [sflag:$0x7], $0x4000, $0x38;
	[tilespmem:$0x18800] =	vst v63  }
0x717: {  	_ =	swait.ge [sflag:s10], $0x4000  }
0x718: {  	s31 =	sld [smem:$0x7E9]  }
0x719: {  	[sflag:s10] =	ssyncset.done $0x0  }
0x71a: {  	[sflag:s10] =	ssyncadd.s32 $0xFFFFC000  }
0x71b: {  	[tilespmem:s8], [sflag:$0x2] =	stream.linear.gather [hbm4b:s31+s19], $0x4000, $0x38;
	[tilespmem:$0x18800] =	vst v63  }
0x71c: {  	_ =	swait.ge [sflag:s11], $0x4000  }
0x71d: {  	[sflag:s11] =	ssyncset.done $0x0  }
0x71e: {  	s16 =	simm.s32 $0x14840;
	[sflag:s11] =	ssyncadd.s32 $0xFFFFC000  }
0x71f: {  	s17 =	simm.s32 $0x4840;
	v1 =	vld [tilespmem:s16+$0x30]  }
0x720: {  	v2 =	vld [tilespmem:s17+$0x30]  }
0x721: {  	v0 =	vld [tilespmem:s17+$0xFFFFFFC0]  }
0x722: {  	v3 =	vld [tilespmem:s16+$0xFFFFFFD0]  }
0x723: {  	v4 =	vld [tilespmem:s17+$0xFFFFFFD0]  }
0x724: {  	v5 =	vld [tilespmem:s16+$0xFFFFFFE0]  }
0x725: {  	v6 =	vld [tilespmem:s17+$0xFFFFFFE0]  }
0x726: {  	v7 =	vld [tilespmem:s16+$0xFFFFFFF0]  }
0x727: {  	v8 =	vld [tilespmem:s17+$0xFFFFFFF0]  }
0x728: {  	v9 =	vld [tilespmem:s16+$0x0]  }
0x729: {  	v10 =	vld [tilespmem:s17+$0x0];
	v2 =	vadd.f32 v2, v1  }
0x72a: {  	v4 =	vadd.f32 v4, v3;
	v1 =	vld [tilespmem:s16+$0x10]  }
0x72b: {  	v5 =	vadd.f32 v6, v5;
	v3 =	vld [tilespmem:s17+$0x10];
	[tilespmem:s16+$0x30] =	vst v2  }
0x72c: {  	v6 =	vadd.f32 v8, v7;
	[tilespmem:s16+$0xFFFFFFD0] =	vst v4;
	v2 =	vld [tilespmem:s16+$0x20]  }
0x72d: {  	[tilespmem:s16+$0xFFFFFFE0] =	vst v5;
	v5 =	vld [tilespmem:s17+$0x20]  }
0x72e: {  	s18 =	simm.s32 $0x0;
	s20 =	simm.s32 $0x148C0;
	v4 =	vld [tilespmem:s16+$0xFFFFFFC0];
	[tilespmem:s16+$0xFFFFFFF0] =	vst v6;
	v6 =	vadd.f32 v10, v9  }
.LBB2_107:
0x72f: {  	v7 =	vld [tilespmem:s20+$0x30];
	s17 =	sadd.s32 $0x80, s17  }
0x730: {  	s18 =	sadd.s32 $0x80, s18;
	v8 =	vld [tilespmem:s17+$0x30];
	[tilespmem:s16+$0x0] =	vst v6;
	v1 =	vadd.f32 v3, v1  }
0x731: {  	p3 =	slt.u32 s18, $0x3F80;
	v3 =	vld [tilespmem:s17+$0xFFFFFFC0]  }
0x732: {  	v6 =	vld [tilespmem:s20+$0xFFFFFFD0];
	[tilespmem:s16+$0x10] =	vst v1;
	v1 =	vadd.f32 v5, v2  }
0x733: {  	v2 =	vld [tilespmem:s17+$0xFFFFFFD0];
	v9 =	vadd.f32 v0, v4  }
0x734: {  	v4 =	vld [tilespmem:s20+$0xFFFFFFE0];
	[tilespmem:s16+$0x20] =	vst v1  }
0x735: {  	v1 =	vld [tilespmem:s17+$0xFFFFFFE0];
	v5 =	vadd.f32 v8, v7;
	[tilespmem:s16+$0xFFFFFFC0] =	vst v9;
	s16 =	smov.u32 s20  }
0x736: {  	v7 =	vld [tilespmem:s20+$0xFFFFFFF0];
	v0 =	vmov v3  }
0x737: {  	v8 =	vld [tilespmem:s17+$0xFFFFFFF0];
	[tilespmem:s20+$0x30] =	vst v5  }
0x738: {  	v2 =	vadd.f32 v2, v6;
	v6 =	vld [tilespmem:s20+$0x0]  }
0x739: {  	v9 =	vld [tilespmem:s17+$0x0]  }
.Ltmp56:
0x73a: {  	[tilespmem:s20+$0xFFFFFFD0] =	vst v2;
	v2 =	vadd.f32 v1, v4;
	v1 =	vld [tilespmem:s20+$0x10];
	(pc) =	sbr.rel @p3 .LBB2_107-.Ltmp56, $4  }
0x73b: {  	v3 =	vld [tilespmem:s17+$0x10]  }
0x73c: {  	[tilespmem:s20+$0xFFFFFFE0] =	vst v2;
	v7 =	vadd.f32 v8, v7;
	v2 =	vld [tilespmem:s20+$0x20]  }
0x73d: {  	v5 =	vld [tilespmem:s17+$0x20]  }
0x73e: {  	s20 =	sadd.s32 $0x80, s20;
	v4 =	vld [tilespmem:s16+$0xFFFFFFC0];
	[tilespmem:s16+$0xFFFFFFF0] =	vst v7;
	v6 =	vadd.f32 v9, v6  }
0x73f: {  	_ =	sdelay $0x1  }
0x740: {  	v1 =	vadd.f32 v3, v1  }
0x741: {  	[tilespmem:s16+$0x0] =	vst v6;
	v2 =	vadd.f32 v5, v2  }
0x742: {  	[tilespmem:s16+$0x10] =	vst v1;
	v0 =	vadd.f32 v0, v4  }
0x743: {  	[tilespmem:s16+$0x20] =	vst v2  }
0x744: {  	[tilespmem:s16+$0xFFFFFFC0] =	vst v0  }
0x745: {  	s0 =	sld [smem:$0x7E6];
	_ =	sdelay $0x1  }
0x746: {  	s17 =	simm.s32 $0x0;
	s18 =	simm.s32 $0x0  }
0x747: {  	[hbm4b:s0+s17] =	stream.linear.scatter [tilespmem:s6], [sflag:$0x8], $0x4000, $0x38;
	[tilespmem:$0x18800] =	vst v63  }
.LBB2_109:
0x748: {  	v5 =	vld [tilespmem:s17+$0x430]  }
0x749: {  	v9 =	vld [tilespmem:s17+$0x410]  }
0x74a: {  	v10 =	vld [tilespmem:s17+$0x420]  }
0x74b: {  	v0 =	vld [tilespmem:s17+$0x30]  }
0x74c: {  	v3 =	vld [tilespmem:s17+$0x20]  }
0x74d: {  	s20 =	simm.s32 $0x0;
	s6 =	simm.s32 $0x820;
	s24 =	sor.u32 s22, s18;
	v7 =	vld [tilespmem:s17+$0x10]  }
0x74e: {  	v13 =	vld [tilespmem:s17+$0x0];
	s0 =	sand.u32 $0x380, s20;
	s16 =	sand.u32 $0x40, s20;
	s21 =	ssub.s32 $0xFF0, s24  }
0x74f: {  	v4 =	vld [tilespmem:s6+$0x10];
	s5 =	sor.u32 s16, s0;
	s21 =	scvt.s32.f32 s21  }
0x750: {  	v8 =	vld [tilespmem:s5+$0x400];
	s5 =	sadd.s32 $0xFFFFFFF1, s24  }
0x751: {  	v11 =	vld [tilespmem:s6+$0x0];
	s24 =	smul.f32 $2.441406250e-04, s21;
	s5 =	scvt.s32.f32 s5;
	s21 =	simm.s32 $0x40  }
0x752: {  	v12 =	vld [tilespmem:s6+$0xFFFFFFF0];
	s26 =	sand.u32 $0x380, s21;
	s29 =	sand.u32 $0x40, s21  }
0x753: {  	v14 =	vld [tilespmem:s6+$0xFFFFFFE0];
	s5 =	smul.f32 $2.441406250e-04, s5;
	v2 =	vmov s24;
	s25 =	sor.u32 s29, s26  }
0x754: {  	s24 =	simm.s32 $0x860;
	v1 =	vld [tilespmem:s25+$0x400];
	v15 =	vmul.f32 v0, v2  }
0x755: {  	s31 =	sshll.u32 s18, $0xA;
	v6 =	vld [tilespmem:s24+$0x10];
	v16 =	vmul.f32 v3, v2;
	s25 =	simm.s32 $0x40;
	v0 =	vmov s5  }
0x756: {  	v17 =	vmul.f32 v7, v2;
	s5 =	sand.u32 $0x3FFFFC00, s31;
	v3 =	vld [tilespmem:s25+$0x430];
	v15 =	vadd.f32 v15, v4;
	v5 =	vmul.f32 v5, v0  }
0x757: {  	s6 =	simm.s32 $0x30;
	v13 =	vmul.f32 v13, v2;
	v7 =	vld [tilespmem:s25+$0x410];
	s28 =	sadd.s32 $0x4800, s5;
	v11 =	vadd.f32 v16, v11;
	v10 =	vmul.f32 v10, v0  }
0x758: {  	s31 =	simm.s32 $0x20;
	v4 =	vld [tilespmem:s25+$0x420];
	v12 =	vadd.f32 v17, v12;
	v9 =	vmul.f32 v9, v0;
	s5 =	sand.u32 $0x70, s6;
	s0 =	sadd.s32 s0, s28;
	v15 =	vadd.f32 v5, v15  }
0x759: {  	s30 =	simm.s32 $0x10;
	s6 =	sand.u32 $0x60, s31;
	v63 =	vmul.f32 v8, v0;
	v8 =	vld [tilespmem:s24+$0xFFFFFFF0];
	v10 =	vadd.f32 v10, v11;
	s5 =	sadd.s32 s5, s0;
	v11 =	vadd.f32 v13, v14  }
0x75a: {  	s30 =	sand.u32 $0x50, s30;
	v5 =	vld [tilespmem:s24+$0x0];
	v12 =	vadd.f32 v9, v12;
	s6 =	sadd.s32 s6, s0;
	[tilespmem:s5+$0x0] =	vst v15  }
0x75b: {  	s26 =	sadd.s32 s26, s28;
	v9 =	vld [tilespmem:s25+$0x30];
	s31 =	sadd.s32 s30, s0;
	[tilespmem:s6+$0x0] =	vst v10;
	v11 =	vadd.f32 v63, v11  }
0x75c: {  	s16 =	sadd.s32 s16, s0;
	s30 =	sadd.s32 s29, s26;
	v10 =	vld [tilespmem:s25+$0x20];
	[tilespmem:s31+$0x0] =	vst v12  }
.LBB2_110:
0x75d: {  	v12 =	vld [tilespmem:s25+$0x10];
	[tilespmem:s16+$0x0] =	vst v11;
	s0 =	smov.u32 s21;
	s21 =	sadd.s32 $0x40, s21;
	s16 =	smov.u32 s30  }
0x75e: {  	s5 =	sand.u32 $0x380, s21;
	s6 =	sand.u32 $0x40, s21;
	p3 =	slt.u32 s21, $0x3C0;
	v11 =	vld [tilespmem:s25+$0x0]  }
0x75f: {  	s29 =	sor.u32 s6, s5;
	s5 =	sadd.s32 s5, s28;
	v13 =	vld [tilespmem:s24+$0xFFFFFFE0]  }
0x760: {  	s24 =	sadd.s32 $0x40, s24;
	v14 =	vld [tilespmem:s29+$0x400];
	s30 =	sadd.s32 s6, s5;
	v9 =	vmul.f32 v9, v2  }
0x761: {  	s25 =	sadd.s32 $0x40, s25;
	v15 =	vld [tilespmem:s24+$0x10];
	v10 =	vmul.f32 v10, v2  }
0x762: {  	v12 =	vmul.f32 v12, v2;
	v6 =	vadd.f32 v9, v6;
	v9 =	vmul.f32 v3, v0;
	v3 =	vld [tilespmem:s25+$0x430]  }
0x763: {  	v17 =	vmul.f32 v4, v0;
	s6 =	sadd.s32 $0x70, s20;
	v16 =	vld [tilespmem:s25+$0x410];
	v11 =	vmul.f32 v11, v2;
	v10 =	vadd.f32 v10, v5  }
.Ltmp57:
0x764: {  	v7 =	vmul.f32 v7, v0;
	s29 =	sadd.s32 $0x60, s20;
	s6 =	sand.u32 $0x70, s6;
	v4 =	vld [tilespmem:s25+$0x420];
	v12 =	vadd.f32 v12, v8;
	v9 =	vadd.f32 v9, v6;
	(pc) =	sbr.rel @p3 .LBB2_110-.Ltmp57, $4  }
0x765: {  	s20 =	sadd.s32 $0x50, s20;
	s29 =	sand.u32 $0x60, s29;
	s6 =	sadd.s32 s6, s26;
	v5 =	vld [tilespmem:s24+$0x0];
	v11 =	vadd.f32 v11, v13;
	v13 =	vmul.f32 v1, v0;
	v10 =	vadd.f32 v17, v10;
	v1 =	vmovc v14  }
0x766: {  	s31 =	sand.u32 $0x50, s20;
	s20 =	smov.u32 s0;
	s29 =	sadd.s32 s29, s26;
	v8 =	vld [tilespmem:s24+$0xFFFFFFF0];
	v12 =	vadd.f32 v7, v12;
	[tilespmem:s6+$0x0] =	vst v9;
	v6 =	vmov v15  }
0x767: {  	s0 =	sadd.s32 s31, s26;
	s26 =	smov.u32 s5;
	v9 =	vld [tilespmem:s25+$0x30];
	v11 =	vadd.f32 v13, v11;
	[tilespmem:s29+$0x0] =	vst v10  }
0x768: {  	v10 =	vld [tilespmem:s25+$0x20];
	[tilespmem:s0+$0x0] =	vst v12;
	v7 =	vmov v16  }
0x769: {  	v12 =	vld [tilespmem:s25+$0x10]  }
0x76a: {  	v13 =	vld [tilespmem:s25+$0x0];
	_ =	sdelay $0x1  }
0x76b: {  	v14 =	vld [tilespmem:s24+$0xFFFFFFE0];
	v9 =	vmul.f32 v9, v2  }
0x76c: {  	v10 =	vmul.f32 v10, v2  }
0x76d: {  	v3 =	vmul.f32 v3, v0;
	v6 =	vadd.f32 v9, v6;
	v59 =	vmul.f32 v12, v2  }
0x76e: {  	v4 =	vmul.f32 v4, v0;
	s0 =	sadd.s32 $0x70, s20;
	s5 =	sadd.s32 $0x60, s20;
	s18 =	sadd.s32 $0x1, s18;
	v60 =	vmul.f32 v13, v2;
	v5 =	vadd.f32 v10, v5  }
0x76f: {  	v7 =	vmul.f32 v7, v0;
	s6 =	sadd.s32 $0x50, s20;
	s0 =	sand.u32 $0x70, s0;
	p3 =	sne.s32 s18, $0x10;
	v8 =	vadd.f32 v59, v8;
	v3 =	vadd.f32 v3, v6  }
.Ltmp58:
0x770: {  	[tilespmem:s16+$0x0] =	vst v11;
	v61 =	vmul.f32 v1, v0;
	s5 =	sand.u32 $0x60, s5;
	s0 =	sadd.s32 s0, s26;
	v2 =	vadd.f32 v60, v14;
	v62 =	vadd.f32 v4, v5;
	(pc) =	sbr.rel @p3 .LBB2_109-.Ltmp58, $4  }
0x771: {  	s6 =	sand.u32 $0x50, s6;
	s5 =	sadd.s32 s5, s26;
	v63 =	vadd.f32 v7, v8;
	[tilespmem:s0+$0x0] =	vst v3  }
0x772: {  	s31 =	sadd.s32 s6, s26;
	v0 =	vadd.f32 v61, v2;
	[tilespmem:s5+$0x0] =	vst v62  }
0x773: {  	[tilespmem:s31+$0x0] =	vst v63  }
0x774: {  	[tilespmem:s30+$0x0] =	vst v0  }
0x775: {  	_ =	swait.ge [sflag:s13], $0x4000  }
0x776: {  	s0 =	sld [smem:$0x7EB]  }
0x777: {  	[sflag:s13] =	ssyncset.done $0x0  }
0x778: {  	s5 =	simm.s32 $0x10800;
	s31 =	simm.s32 $0x1;
	[sflag:s13] =	ssyncadd.s32 $0xFFFFC000  }
0x779: {  	[tilespmem:s5], [sflag:$0x3] =	stream.linear.gather [hbm4b:s0+s19], $0x4000, $0x38;
	[tilespmem:$0x18800] =	vst v63  }
0x77a: {  	_ =	swait.ge [sflag:s31], $0x4000  }
0x77b: {  	[sflag:s31] =	ssyncset.done $0x0  }
0x77c: {  	s16 =	simm.s32 $0x8840;
	[sflag:s31] =	ssyncadd.s32 $0xFFFFC000  }
0x77d: {  	s17 =	simm.s32 $0x4840;
	v1 =	vld [tilespmem:s16+$0x30]  }
0x77e: {  	v2 =	vld [tilespmem:s17+$0x30]  }
0x77f: {  	v0 =	vld [tilespmem:s17+$0xFFFFFFC0]  }
0x780: {  	v3 =	vld [tilespmem:s16+$0xFFFFFFD0]  }
0x781: {  	v4 =	vld [tilespmem:s17+$0xFFFFFFD0]  }
0x782: {  	v5 =	vld [tilespmem:s16+$0xFFFFFFE0]  }
0x783: {  	v6 =	vld [tilespmem:s17+$0xFFFFFFE0]  }
0x784: {  	v7 =	vld [tilespmem:s16+$0xFFFFFFF0]  }
0x785: {  	v8 =	vld [tilespmem:s17+$0xFFFFFFF0]  }
0x786: {  	v9 =	vld [tilespmem:s16+$0x0]  }
0x787: {  	v10 =	vld [tilespmem:s17+$0x0];
	v2 =	vadd.f32 v2, v1  }
0x788: {  	v4 =	vadd.f32 v4, v3;
	v1 =	vld [tilespmem:s16+$0x10]  }
0x789: {  	v5 =	vadd.f32 v6, v5;
	v3 =	vld [tilespmem:s17+$0x10];
	[tilespmem:s16+$0x30] =	vst v2  }
0x78a: {  	v6 =	vadd.f32 v8, v7;
	[tilespmem:s16+$0xFFFFFFD0] =	vst v4;
	v2 =	vld [tilespmem:s16+$0x20]  }
0x78b: {  	[tilespmem:s16+$0xFFFFFFE0] =	vst v5;
	v5 =	vld [tilespmem:s17+$0x20]  }
0x78c: {  	s18 =	simm.s32 $0x0;
	s20 =	simm.s32 $0x88C0;
	v4 =	vld [tilespmem:s16+$0xFFFFFFC0];
	[tilespmem:s16+$0xFFFFFFF0] =	vst v6;
	v6 =	vadd.f32 v10, v9  }
.LBB2_113:
0x78d: {  	v7 =	vld [tilespmem:s20+$0x30];
	s17 =	sadd.s32 $0x80, s17  }
0x78e: {  	s18 =	sadd.s32 $0x80, s18;
	v8 =	vld [tilespmem:s17+$0x30];
	[tilespmem:s16+$0x0] =	vst v6;
	v1 =	vadd.f32 v3, v1  }
0x78f: {  	p3 =	slt.u32 s18, $0x3F80;
	v3 =	vld [tilespmem:s17+$0xFFFFFFC0]  }
0x790: {  	v6 =	vld [tilespmem:s20+$0xFFFFFFD0];
	[tilespmem:s16+$0x10] =	vst v1;
	v1 =	vadd.f32 v5, v2  }
0x791: {  	v2 =	vld [tilespmem:s17+$0xFFFFFFD0];
	v9 =	vadd.f32 v0, v4  }
0x792: {  	v4 =	vld [tilespmem:s20+$0xFFFFFFE0];
	[tilespmem:s16+$0x20] =	vst v1  }
0x793: {  	v1 =	vld [tilespmem:s17+$0xFFFFFFE0];
	v5 =	vadd.f32 v8, v7;
	[tilespmem:s16+$0xFFFFFFC0] =	vst v9;
	s16 =	smov.u32 s20  }
0x794: {  	v7 =	vld [tilespmem:s20+$0xFFFFFFF0];
	v0 =	vmov v3  }
0x795: {  	v8 =	vld [tilespmem:s17+$0xFFFFFFF0];
	[tilespmem:s20+$0x30] =	vst v5  }
0x796: {  	v2 =	vadd.f32 v2, v6;
	v6 =	vld [tilespmem:s20+$0x0]  }
0x797: {  	v9 =	vld [tilespmem:s17+$0x0]  }
.Ltmp59:
0x798: {  	[tilespmem:s20+$0xFFFFFFD0] =	vst v2;
	v2 =	vadd.f32 v1, v4;
	v1 =	vld [tilespmem:s20+$0x10];
	(pc) =	sbr.rel @p3 .LBB2_113-.Ltmp59, $4  }
0x799: {  	v3 =	vld [tilespmem:s17+$0x10]  }
0x79a: {  	[tilespmem:s20+$0xFFFFFFE0] =	vst v2;
	v7 =	vadd.f32 v8, v7;
	v2 =	vld [tilespmem:s20+$0x20]  }
0x79b: {  	v5 =	vld [tilespmem:s17+$0x20]  }
0x79c: {  	s20 =	sadd.s32 $0x80, s20;
	v4 =	vld [tilespmem:s16+$0xFFFFFFC0];
	[tilespmem:s16+$0xFFFFFFF0] =	vst v7;
	v6 =	vadd.f32 v9, v6  }
0x79d: {  	_ =	sdelay $0x1  }
0x79e: {  	v1 =	vadd.f32 v3, v1  }
0x79f: {  	[tilespmem:s16+$0x0] =	vst v6;
	v2 =	vadd.f32 v5, v2  }
0x7a0: {  	[tilespmem:s16+$0x10] =	vst v1;
	v0 =	vadd.f32 v0, v4  }
0x7a1: {  	[tilespmem:s16+$0x20] =	vst v2  }
0x7a2: {  	[tilespmem:s16+$0xFFFFFFC0] =	vst v0  }
0x7a3: {  	s0 =	sld [smem:$0x7E8];
	_ =	sdelay $0x2  }
0x7a4: {  	[hbm4b:s0+s19] =	stream.linear.scatter [tilespmem:s7], [sflag:$0x5], $0x4000, $0x38;
	[tilespmem:$0x18800] =	vst v63  }
0x7a5: {  	_ =	swait.ge [sflag:s15], $0x4000  }
0x7a6: {  	s30 =	sld [smem:$0x7ED]  }
0x7a7: {  	[sflag:s15] =	ssyncset.done $0x0  }
0x7a8: {  	s6 =	simm.s32 $0x14800;
	s31 =	simm.s32 $0x2;
	[sflag:s15] =	ssyncadd.s32 $0xFFFFC000  }
0x7a9: {  	[tilespmem:s6], [sflag:$0x4] =	stream.linear.gather [hbm4b:s30+s19], $0x4000, $0x38;
	[tilespmem:$0x18800] =	vst v63  }
0x7aa: {  	_ =	swait.ge [sflag:s31], $0x4000  }
0x7ab: {  	[sflag:s31] =	ssyncset.done $0x0  }
0x7ac: {  	s16 =	simm.s32 $0xC840;
	[sflag:s31] =	ssyncadd.s32 $0xFFFFC000  }
0x7ad: {  	s17 =	simm.s32 $0x4840;
	v1 =	vld [tilespmem:s16+$0x30]  }
0x7ae: {  	v2 =	vld [tilespmem:s17+$0x30]  }
0x7af: {  	v0 =	vld [tilespmem:s17+$0xFFFFFFC0]  }
0x7b0: {  	v3 =	vld [tilespmem:s16+$0xFFFFFFD0]  }
0x7b1: {  	v4 =	vld [tilespmem:s17+$0xFFFFFFD0]  }
0x7b2: {  	v5 =	vld [tilespmem:s16+$0xFFFFFFE0]  }
0x7b3: {  	v6 =	vld [tilespmem:s17+$0xFFFFFFE0]  }
0x7b4: {  	v7 =	vld [tilespmem:s16+$0xFFFFFFF0]  }
0x7b5: {  	v8 =	vld [tilespmem:s17+$0xFFFFFFF0]  }
0x7b6: {  	v9 =	vld [tilespmem:s16+$0x0]  }
0x7b7: {  	v10 =	vld [tilespmem:s17+$0x0];
	v2 =	vadd.f32 v2, v1  }
0x7b8: {  	v4 =	vadd.f32 v4, v3;
	v1 =	vld [tilespmem:s16+$0x10]  }
0x7b9: {  	v5 =	vadd.f32 v6, v5;
	v3 =	vld [tilespmem:s17+$0x10];
	[tilespmem:s16+$0x30] =	vst v2  }
0x7ba: {  	v6 =	vadd.f32 v8, v7;
	[tilespmem:s16+$0xFFFFFFD0] =	vst v4;
	v2 =	vld [tilespmem:s16+$0x20]  }
0x7bb: {  	[tilespmem:s16+$0xFFFFFFE0] =	vst v5;
	v5 =	vld [tilespmem:s17+$0x20]  }
0x7bc: {  	s18 =	simm.s32 $0x0;
	s20 =	simm.s32 $0xC8C0;
	v4 =	vld [tilespmem:s16+$0xFFFFFFC0];
	[tilespmem:s16+$0xFFFFFFF0] =	vst v6;
	v6 =	vadd.f32 v10, v9  }
.LBB2_115:
0x7bd: {  	v7 =	vld [tilespmem:s20+$0x30];
	s17 =	sadd.s32 $0x80, s17  }
0x7be: {  	s18 =	sadd.s32 $0x80, s18;
	v8 =	vld [tilespmem:s17+$0x30];
	[tilespmem:s16+$0x0] =	vst v6;
	v1 =	vadd.f32 v3, v1  }
0x7bf: {  	p3 =	slt.u32 s18, $0x3F80;
	v3 =	vld [tilespmem:s17+$0xFFFFFFC0]  }
0x7c0: {  	v6 =	vld [tilespmem:s20+$0xFFFFFFD0];
	[tilespmem:s16+$0x10] =	vst v1;
	v1 =	vadd.f32 v5, v2  }
0x7c1: {  	v2 =	vld [tilespmem:s17+$0xFFFFFFD0];
	v9 =	vadd.f32 v0, v4  }
0x7c2: {  	v4 =	vld [tilespmem:s20+$0xFFFFFFE0];
	[tilespmem:s16+$0x20] =	vst v1  }
0x7c3: {  	v1 =	vld [tilespmem:s17+$0xFFFFFFE0];
	v5 =	vadd.f32 v8, v7;
	[tilespmem:s16+$0xFFFFFFC0] =	vst v9;
	s16 =	smov.u32 s20  }
0x7c4: {  	v7 =	vld [tilespmem:s20+$0xFFFFFFF0];
	v0 =	vmov v3  }
0x7c5: {  	v8 =	vld [tilespmem:s17+$0xFFFFFFF0];
	[tilespmem:s20+$0x30] =	vst v5  }
0x7c6: {  	v2 =	vadd.f32 v2, v6;
	v6 =	vld [tilespmem:s20+$0x0]  }
0x7c7: {  	v9 =	vld [tilespmem:s17+$0x0]  }
.Ltmp60:
0x7c8: {  	[tilespmem:s20+$0xFFFFFFD0] =	vst v2;
	v2 =	vadd.f32 v1, v4;
	v1 =	vld [tilespmem:s20+$0x10];
	(pc) =	sbr.rel @p3 .LBB2_115-.Ltmp60, $4  }
0x7c9: {  	v3 =	vld [tilespmem:s17+$0x10]  }
0x7ca: {  	[tilespmem:s20+$0xFFFFFFE0] =	vst v2;
	v7 =	vadd.f32 v8, v7;
	v2 =	vld [tilespmem:s20+$0x20]  }
0x7cb: {  	v5 =	vld [tilespmem:s17+$0x20]  }
0x7cc: {  	s20 =	sadd.s32 $0x80, s20;
	v4 =	vld [tilespmem:s16+$0xFFFFFFC0];
	[tilespmem:s16+$0xFFFFFFF0] =	vst v7;
	v6 =	vadd.f32 v9, v6  }
0x7cd: {  	_ =	sdelay $0x1  }
0x7ce: {  	v1 =	vadd.f32 v3, v1  }
0x7cf: {  	[tilespmem:s16+$0x0] =	vst v6;
	v2 =	vadd.f32 v5, v2  }
0x7d0: {  	[tilespmem:s16+$0x10] =	vst v1;
	v0 =	vadd.f32 v0, v4  }
0x7d1: {  	[tilespmem:s16+$0x20] =	vst v2  }
0x7d2: {  	[tilespmem:s16+$0xFFFFFFC0] =	vst v0  }
0x7d3: {  	s0 =	sld [smem:$0x7EA];
	_ =	sdelay $0x1  }
0x7d4: {  	s30 =	simm.s32 $0x5  }
0x7d5: {  	[hbm4b:s0+s19] =	stream.linear.scatter [tilespmem:s8], [sflag:$0x6], $0x4000, $0x38;
	[tilespmem:$0x18800] =	vst v63  }
0x7d6: {  	_ =	swait.ge [sflag:s30], $0x4000  }
0x7d7: {  	s31 =	sld [smem:$0x7EF]  }
0x7d8: {  	[sflag:s30] =	ssyncset.done $0x0  }
0x7d9: {  	[sflag:s30] =	ssyncadd.s32 $0xFFFFC000  }
0x7da: {  	[tilespmem:s7], [sflag:$0x1] =	stream.linear.gather [hbm4b:s31+s19], $0x4000, $0x38;
	[tilespmem:$0x18800] =	vst v63  }
0x7db: {  	_ =	swait.ge [sflag:s9], $0x4000  }
0x7dc: {  	[sflag:s9] =	ssyncset.done $0x0  }
0x7dd: {  	s16 =	simm.s32 $0x10840;
	[sflag:s9] =	ssyncadd.s32 $0xFFFFC000  }
0x7de: {  	s17 =	simm.s32 $0x4840;
	v1 =	vld [tilespmem:s16+$0x30]  }
0x7df: {  	v2 =	vld [tilespmem:s17+$0x30]  }
0x7e0: {  	v0 =	vld [tilespmem:s17+$0xFFFFFFC0]  }
0x7e1: {  	v3 =	vld [tilespmem:s16+$0xFFFFFFD0]  }
0x7e2: {  	v4 =	vld [tilespmem:s17+$0xFFFFFFD0]  }
0x7e3: {  	v5 =	vld [tilespmem:s16+$0xFFFFFFE0]  }
0x7e4: {  	v6 =	vld [tilespmem:s17+$0xFFFFFFE0]  }
0x7e5: {  	v7 =	vld [tilespmem:s16+$0xFFFFFFF0]  }
0x7e6: {  	v8 =	vld [tilespmem:s17+$0xFFFFFFF0]  }
0x7e7: {  	v9 =	vld [tilespmem:s16+$0x0]  }
0x7e8: {  	v10 =	vld [tilespmem:s17+$0x0];
	v2 =	vadd.f32 v2, v1  }
0x7e9: {  	v4 =	vadd.f32 v4, v3;
	v1 =	vld [tilespmem:s16+$0x10]  }
0x7ea: {  	v5 =	vadd.f32 v6, v5;
	v3 =	vld [tilespmem:s17+$0x10];
	[tilespmem:s16+$0x30] =	vst v2  }
0x7eb: {  	v6 =	vadd.f32 v8, v7;
	[tilespmem:s16+$0xFFFFFFD0] =	vst v4;
	v2 =	vld [tilespmem:s16+$0x20]  }
0x7ec: {  	[tilespmem:s16+$0xFFFFFFE0] =	vst v5;
	v5 =	vld [tilespmem:s17+$0x20]  }
0x7ed: {  	s18 =	simm.s32 $0x0;
	s20 =	simm.s32 $0x108C0;
	v4 =	vld [tilespmem:s16+$0xFFFFFFC0];
	[tilespmem:s16+$0xFFFFFFF0] =	vst v6;
	v6 =	vadd.f32 v10, v9  }
.LBB2_117:
0x7ee: {  	v7 =	vld [tilespmem:s20+$0x30];
	s17 =	sadd.s32 $0x80, s17  }
0x7ef: {  	s18 =	sadd.s32 $0x80, s18;
	v8 =	vld [tilespmem:s17+$0x30];
	[tilespmem:s16+$0x0] =	vst v6;
	v1 =	vadd.f32 v3, v1  }
0x7f0: {  	p3 =	slt.u32 s18, $0x3F80;
	v3 =	vld [tilespmem:s17+$0xFFFFFFC0]  }
0x7f1: {  	v6 =	vld [tilespmem:s20+$0xFFFFFFD0];
	[tilespmem:s16+$0x10] =	vst v1;
	v1 =	vadd.f32 v5, v2  }
0x7f2: {  	v2 =	vld [tilespmem:s17+$0xFFFFFFD0];
	v9 =	vadd.f32 v0, v4  }
0x7f3: {  	v4 =	vld [tilespmem:s20+$0xFFFFFFE0];
	[tilespmem:s16+$0x20] =	vst v1  }
0x7f4: {  	v1 =	vld [tilespmem:s17+$0xFFFFFFE0];
	v5 =	vadd.f32 v8, v7;
	[tilespmem:s16+$0xFFFFFFC0] =	vst v9;
	s16 =	smov.u32 s20  }
0x7f5: {  	v7 =	vld [tilespmem:s20+$0xFFFFFFF0];
	v0 =	vmov v3  }
0x7f6: {  	v8 =	vld [tilespmem:s17+$0xFFFFFFF0];
	[tilespmem:s20+$0x30] =	vst v5  }
0x7f7: {  	v2 =	vadd.f32 v2, v6;
	v6 =	vld [tilespmem:s20+$0x0]  }
0x7f8: {  	v9 =	vld [tilespmem:s17+$0x0]  }
.Ltmp61:
0x7f9: {  	[tilespmem:s20+$0xFFFFFFD0] =	vst v2;
	v2 =	vadd.f32 v1, v4;
	v1 =	vld [tilespmem:s20+$0x10];
	(pc) =	sbr.rel @p3 .LBB2_117-.Ltmp61, $4  }
0x7fa: {  	v3 =	vld [tilespmem:s17+$0x10]  }
0x7fb: {  	[tilespmem:s20+$0xFFFFFFE0] =	vst v2;
	v7 =	vadd.f32 v8, v7;
	v2 =	vld [tilespmem:s20+$0x20]  }
0x7fc: {  	v5 =	vld [tilespmem:s17+$0x20]  }
0x7fd: {  	s20 =	sadd.s32 $0x80, s20;
	v4 =	vld [tilespmem:s16+$0xFFFFFFC0];
	[tilespmem:s16+$0xFFFFFFF0] =	vst v7;
	v6 =	vadd.f32 v9, v6  }
0x7fe: {  	_ =	sdelay $0x1  }
0x7ff: {  	v1 =	vadd.f32 v3, v1  }
0x800: {  	[tilespmem:s16+$0x0] =	vst v6;
	v2 =	vadd.f32 v5, v2  }
0x801: {  	[tilespmem:s16+$0x10] =	vst v1;
	v0 =	vadd.f32 v0, v4  }
0x802: {  	[tilespmem:s16+$0x20] =	vst v2  }
0x803: {  	[tilespmem:s16+$0xFFFFFFC0] =	vst v0  }
0x804: {  	s0 =	sld [smem:$0x7EC];
	_ =	sdelay $0x2  }
0x805: {  	[hbm4b:s0+s19] =	stream.linear.scatter [tilespmem:s5], [sflag:$0x7], $0x4000, $0x38;
	[tilespmem:$0x18800] =	vst v63  }
0x806: {  	_ =	swait.ge [sflag:s10], $0x4000  }
0x807: {  	s31 =	sld [smem:$0x7F3]  }
0x808: {  	[sflag:s10] =	ssyncset.done $0x0  }
0x809: {  	[sflag:s10] =	ssyncadd.s32 $0xFFFFC000  }
0x80a: {  	[tilespmem:s8], [sflag:$0x2] =	stream.linear.gather [hbm4b:s31+s19], $0x4000, $0x38;
	[tilespmem:$0x18800] =	vst v63  }
0x80b: {  	_ =	swait.ge [sflag:s11], $0x4000  }
0x80c: {  	[sflag:s11] =	ssyncset.done $0x0  }
0x80d: {  	s16 =	simm.s32 $0x14840;
	[sflag:s11] =	ssyncadd.s32 $0xFFFFC000  }
0x80e: {  	s17 =	simm.s32 $0x4840;
	v1 =	vld [tilespmem:s16+$0x30]  }
0x80f: {  	v2 =	vld [tilespmem:s17+$0x30]  }
0x810: {  	v0 =	vld [tilespmem:s17+$0xFFFFFFC0]  }
0x811: {  	v3 =	vld [tilespmem:s16+$0xFFFFFFD0]  }
0x812: {  	v4 =	vld [tilespmem:s17+$0xFFFFFFD0]  }
0x813: {  	v5 =	vld [tilespmem:s16+$0xFFFFFFE0]  }
0x814: {  	v6 =	vld [tilespmem:s17+$0xFFFFFFE0]  }
0x815: {  	v7 =	vld [tilespmem:s16+$0xFFFFFFF0]  }
0x816: {  	v8 =	vld [tilespmem:s17+$0xFFFFFFF0]  }
0x817: {  	v9 =	vld [tilespmem:s16+$0x0]  }
0x818: {  	v10 =	vld [tilespmem:s17+$0x0];
	v2 =	vadd.f32 v2, v1  }
0x819: {  	v4 =	vadd.f32 v4, v3;
	v1 =	vld [tilespmem:s16+$0x10]  }
0x81a: {  	v5 =	vadd.f32 v6, v5;
	v3 =	vld [tilespmem:s17+$0x10];
	[tilespmem:s16+$0x30] =	vst v2  }
0x81b: {  	v6 =	vadd.f32 v8, v7;
	[tilespmem:s16+$0xFFFFFFD0] =	vst v4;
	v2 =	vld [tilespmem:s16+$0x20]  }
0x81c: {  	[tilespmem:s16+$0xFFFFFFE0] =	vst v5;
	v5 =	vld [tilespmem:s17+$0x20]  }
0x81d: {  	s18 =	simm.s32 $0x0;
	s20 =	simm.s32 $0x148C0;
	v4 =	vld [tilespmem:s16+$0xFFFFFFC0];
	[tilespmem:s16+$0xFFFFFFF0] =	vst v6;
	v6 =	vadd.f32 v10, v9  }
.LBB2_119:
0x81e: {  	v7 =	vld [tilespmem:s20+$0x30];
	s17 =	sadd.s32 $0x80, s17  }
0x81f: {  	s18 =	sadd.s32 $0x80, s18;
	v8 =	vld [tilespmem:s17+$0x30];
	[tilespmem:s16+$0x0] =	vst v6;
	v1 =	vadd.f32 v3, v1  }
0x820: {  	p3 =	slt.u32 s18, $0x3F80;
	v3 =	vld [tilespmem:s17+$0xFFFFFFC0]  }
0x821: {  	v6 =	vld [tilespmem:s20+$0xFFFFFFD0];
	[tilespmem:s16+$0x10] =	vst v1;
	v1 =	vadd.f32 v5, v2  }
0x822: {  	v2 =	vld [tilespmem:s17+$0xFFFFFFD0];
	v9 =	vadd.f32 v0, v4  }
0x823: {  	v4 =	vld [tilespmem:s20+$0xFFFFFFE0];
	[tilespmem:s16+$0x20] =	vst v1  }
0x824: {  	v1 =	vld [tilespmem:s17+$0xFFFFFFE0];
	v5 =	vadd.f32 v8, v7;
	[tilespmem:s16+$0xFFFFFFC0] =	vst v9;
	s16 =	smov.u32 s20  }
0x825: {  	v7 =	vld [tilespmem:s20+$0xFFFFFFF0];
	v0 =	vmov v3  }
0x826: {  	v8 =	vld [tilespmem:s17+$0xFFFFFFF0];
	[tilespmem:s20+$0x30] =	vst v5  }
0x827: {  	v2 =	vadd.f32 v2, v6;
	v6 =	vld [tilespmem:s20+$0x0]  }
0x828: {  	v9 =	vld [tilespmem:s17+$0x0]  }
.Ltmp62:
0x829: {  	[tilespmem:s20+$0xFFFFFFD0] =	vst v2;
	v2 =	vadd.f32 v1, v4;
	v1 =	vld [tilespmem:s20+$0x10];
	(pc) =	sbr.rel @p3 .LBB2_119-.Ltmp62, $4  }
0x82a: {  	v3 =	vld [tilespmem:s17+$0x10]  }
0x82b: {  	[tilespmem:s20+$0xFFFFFFE0] =	vst v2;
	v7 =	vadd.f32 v8, v7;
	v2 =	vld [tilespmem:s20+$0x20]  }
0x82c: {  	v5 =	vld [tilespmem:s17+$0x20]  }
0x82d: {  	s20 =	sadd.s32 $0x80, s20;
	v4 =	vld [tilespmem:s16+$0xFFFFFFC0];
	[tilespmem:s16+$0xFFFFFFF0] =	vst v7;
	v6 =	vadd.f32 v9, v6  }
0x82e: {  	_ =	sdelay $0x1  }
0x82f: {  	v1 =	vadd.f32 v3, v1  }
0x830: {  	[tilespmem:s16+$0x0] =	vst v6;
	v2 =	vadd.f32 v5, v2  }
0x831: {  	[tilespmem:s16+$0x10] =	vst v1;
	v0 =	vadd.f32 v0, v4  }
0x832: {  	[tilespmem:s16+$0x20] =	vst v2  }
0x833: {  	[tilespmem:s16+$0xFFFFFFC0] =	vst v0  }
0x834: {  	s0 =	sld [smem:$0x7EE];
	_ =	sdelay $0x1  }
0x835: {  	s17 =	simm.s32 $0x0;
	s18 =	simm.s32 $0x0  }
0x836: {  	[hbm4b:s0+s17] =	stream.linear.scatter [tilespmem:s6], [sflag:$0x8], $0x4000, $0x38;
	[tilespmem:$0x18800] =	vst v63  }
.LBB2_121:
0x837: {  	v5 =	vld [tilespmem:s17+$0x430]  }
0x838: {  	v9 =	vld [tilespmem:s17+$0x410]  }
0x839: {  	v10 =	vld [tilespmem:s17+$0x420]  }
0x83a: {  	s29 =	sor.u32 s3, s18;
	v0 =	vld [tilespmem:s17+$0x30]  }
0x83b: {  	v3 =	vld [tilespmem:s17+$0x20];
	s21 =	ssub.s32 $0xFF0, s29  }
0x83c: {  	s20 =	simm.s32 $0x0;
	s6 =	simm.s32 $0x820;
	v7 =	vld [tilespmem:s17+$0x10];
	p3 =	sgt.s32 s21, $0x0  }
0x83d: {  	v13 =	vld [tilespmem:s17+$0x0];
	s0 =	sand.u32 $0x380, s20;
	s16 =	sand.u32 $0x40, s20;
	s21 =	simm.s32 @!p3 $0x0  }
0x83e: {  	v4 =	vld [tilespmem:s6+$0x10];
	s5 =	sor.u32 s16, s0;
	s21 =	scvt.s32.f32 s21  }
0x83f: {  	v8 =	vld [tilespmem:s5+$0x400];
	s5 =	sadd.s32 $0xFFFFFFF1, s29  }
0x840: {  	v11 =	vld [tilespmem:s6+$0x0];
	s5 =	scvt.s32.f32 s5;
	s24 =	smul.f32 $2.441406250e-04, s21;
	s21 =	simm.s32 $0x40  }
0x841: {  	v12 =	vld [tilespmem:s6+$0xFFFFFFF0];
	s26 =	sand.u32 $0x380, s21;
	s29 =	sand.u32 $0x40, s21  }
0x842: {  	v14 =	vld [tilespmem:s6+$0xFFFFFFE0];
	s5 =	smul.f32 $2.441406250e-04, s5;
	v2 =	vmov s24;
	s31 =	sor.u32 s29, s26  }
0x843: {  	s24 =	simm.s32 $0x860;
	v1 =	vld [tilespmem:s31+$0x400];
	v15 =	vmul.f32 v0, v2  }
0x844: {  	s25 =	simm.s32 $0x40;
	s6 =	sshll.u32 s18, $0xA;
	v0 =	vmov s5;
	v6 =	vld [tilespmem:s24+$0x10];
	v16 =	vmul.f32 v3, v2;
	v17 =	vmul.f32 v7, v2  }
0x845: {  	s5 =	sand.u32 $0x3FFFFC00, s6;
	v3 =	vld [tilespmem:s25+$0x430];
	v13 =	vmul.f32 v13, v2;
	v5 =	vmul.f32 v5, v0;
	v15 =	vadd.f32 v15, v4  }
0x846: {  	s7 =	simm.s32 $0x30;
	v7 =	vld [tilespmem:s25+$0x410];
	s28 =	sadd.s32 $0x4800, s5;
	v10 =	vmul.f32 v10, v0;
	v9 =	vmul.f32 v9, v0;
	v11 =	vadd.f32 v16, v11  }
0x847: {  	s8 =	simm.s32 $0x20;
	s5 =	sand.u32 $0x70, s7;
	v63 =	vmul.f32 v8, v0;
	v8 =	vld [tilespmem:s24+$0xFFFFFFF0];
	s0 =	sadd.s32 s0, s28;
	v12 =	vadd.f32 v17, v12;
	v15 =	vadd.f32 v5, v15  }
0x848: {  	s30 =	simm.s32 $0x10;
	s6 =	sand.u32 $0x60, s8;
	v4 =	vld [tilespmem:s25+$0x420];
	s5 =	sadd.s32 s5, s0;
	v10 =	vadd.f32 v10, v11;
	v11 =	vadd.f32 v13, v14  }
0x849: {  	s30 =	sand.u32 $0x50, s30;
	s6 =	sadd.s32 s6, s0;
	v5 =	vld [tilespmem:s24+$0x0];
	v12 =	vadd.f32 v9, v12;
	[tilespmem:s5+$0x0] =	vst v15  }
0x84a: {  	s26 =	sadd.s32 s26, s28;
	s31 =	sadd.s32 s30, s0;
	v9 =	vld [tilespmem:s25+$0x30];
	[tilespmem:s6+$0x0] =	vst v10;
	v11 =	vadd.f32 v63, v11  }
0x84b: {  	s16 =	sadd.s32 s16, s0;
	s30 =	sadd.s32 s29, s26;
	v10 =	vld [tilespmem:s25+$0x20];
	[tilespmem:s31+$0x0] =	vst v12  }
.LBB2_122:
0x84c: {  	v12 =	vld [tilespmem:s25+$0x10];
	[tilespmem:s16+$0x0] =	vst v11;
	s0 =	smov.u32 s21;
	s21 =	sadd.s32 $0x40, s21;
	s16 =	smov.u32 s30  }
0x84d: {  	s5 =	sand.u32 $0x380, s21;
	s6 =	sand.u32 $0x40, s21;
	p3 =	slt.u32 s21, $0x3C0;
	v11 =	vld [tilespmem:s25+$0x0]  }
0x84e: {  	s29 =	sor.u32 s6, s5;
	s5 =	sadd.s32 s5, s28;
	v13 =	vld [tilespmem:s24+$0xFFFFFFE0]  }
0x84f: {  	s24 =	sadd.s32 $0x40, s24;
	v14 =	vld [tilespmem:s29+$0x400];
	s30 =	sadd.s32 s6, s5;
	v9 =	vmul.f32 v9, v2  }
0x850: {  	s25 =	sadd.s32 $0x40, s25;
	v15 =	vld [tilespmem:s24+$0x10];
	v10 =	vmul.f32 v10, v2  }
0x851: {  	v12 =	vmul.f32 v12, v2;
	v6 =	vadd.f32 v9, v6;
	v9 =	vmul.f32 v3, v0;
	v3 =	vld [tilespmem:s25+$0x430]  }
0x852: {  	v17 =	vmul.f32 v4, v0;
	s6 =	sadd.s32 $0x70, s20;
	v16 =	vld [tilespmem:s25+$0x410];
	v11 =	vmul.f32 v11, v2;
	v10 =	vadd.f32 v10, v5  }
.Ltmp63:
0x853: {  	v7 =	vmul.f32 v7, v0;
	s29 =	sadd.s32 $0x60, s20;
	s6 =	sand.u32 $0x70, s6;
	v4 =	vld [tilespmem:s25+$0x420];
	v12 =	vadd.f32 v12, v8;
	v9 =	vadd.f32 v9, v6;
	(pc) =	sbr.rel @p3 .LBB2_122-.Ltmp63, $4  }
0x854: {  	s20 =	sadd.s32 $0x50, s20;
	s29 =	sand.u32 $0x60, s29;
	s6 =	sadd.s32 s6, s26;
	v5 =	vld [tilespmem:s24+$0x0];
	v11 =	vadd.f32 v11, v13;
	v13 =	vmul.f32 v1, v0;
	v10 =	vadd.f32 v17, v10;
	v1 =	vmovc v14  }
0x855: {  	s31 =	sand.u32 $0x50, s20;
	s20 =	smov.u32 s0;
	s29 =	sadd.s32 s29, s26;
	v8 =	vld [tilespmem:s24+$0xFFFFFFF0];
	v12 =	vadd.f32 v7, v12;
	[tilespmem:s6+$0x0] =	vst v9;
	v6 =	vmov v15  }
0x856: {  	s0 =	sadd.s32 s31, s26;
	s26 =	smov.u32 s5;
	v9 =	vld [tilespmem:s25+$0x30];
	v11 =	vadd.f32 v13, v11;
	[tilespmem:s29+$0x0] =	vst v10  }
0x857: {  	v10 =	vld [tilespmem:s25+$0x20];
	[tilespmem:s0+$0x0] =	vst v12;
	v7 =	vmov v16  }
0x858: {  	v12 =	vld [tilespmem:s25+$0x10]  }
0x859: {  	v13 =	vld [tilespmem:s25+$0x0];
	_ =	sdelay $0x1  }
0x85a: {  	v14 =	vld [tilespmem:s24+$0xFFFFFFE0];
	v9 =	vmul.f32 v9, v2  }
0x85b: {  	v10 =	vmul.f32 v10, v2  }
0x85c: {  	v3 =	vmul.f32 v3, v0;
	v6 =	vadd.f32 v9, v6;
	v59 =	vmul.f32 v12, v2  }
0x85d: {  	v4 =	vmul.f32 v4, v0;
	s0 =	sadd.s32 $0x70, s20;
	s5 =	sadd.s32 $0x60, s20;
	s18 =	sadd.s32 $0x1, s18;
	v60 =	vmul.f32 v13, v2;
	v5 =	vadd.f32 v10, v5  }
0x85e: {  	v7 =	vmul.f32 v7, v0;
	s6 =	sadd.s32 $0x50, s20;
	s0 =	sand.u32 $0x70, s0;
	p3 =	sne.s32 s18, $0x10;
	v8 =	vadd.f32 v59, v8;
	v3 =	vadd.f32 v3, v6  }
.Ltmp64:
0x85f: {  	[tilespmem:s16+$0x0] =	vst v11;
	v61 =	vmul.f32 v1, v0;
	s5 =	sand.u32 $0x60, s5;
	s0 =	sadd.s32 s0, s26;
	v2 =	vadd.f32 v60, v14;
	v62 =	vadd.f32 v4, v5;
	(pc) =	sbr.rel @p3 .LBB2_121-.Ltmp64, $4  }
0x860: {  	s6 =	sand.u32 $0x50, s6;
	s5 =	sadd.s32 s5, s26;
	v63 =	vadd.f32 v7, v8;
	[tilespmem:s0+$0x0] =	vst v3  }
0x861: {  	s31 =	sadd.s32 s6, s26;
	v0 =	vadd.f32 v61, v2;
	[tilespmem:s5+$0x0] =	vst v62  }
0x862: {  	[tilespmem:s31+$0x0] =	vst v63  }
0x863: {  	[tilespmem:s30+$0x0] =	vst v0  }
.Ltmp65:
0x864: {  	(pc) =	sbr.rel @p2 .LBB2_128-.Ltmp65, $2  }
0x865: {  	_ =	sdelay $0x2  }
0x866: {  	s17 =	simm.s32 $0x0  }
.LBB2_125:
0x867: {  	s0 =	sshll.u32 s17, $0xA;
	s5 =	simm.s32 $0x0  }
0x868: {  	s18 =	sadd.s32 $0xC00, s0;
	s6 =	sand.u32 $0x380, s5;
	s5 =	sand.u32 $0x40, s5  }
0x869: {  	s16 =	sadd.s32 s6, s18;
	s21 =	sor.u32 $0x30, s5  }
0x86a: {  	s20 =	sadd.s32 $0x4C00, s0;
	s7 =	sadd.s32 s21, s16  }
0x86b: {  	s6 =	sadd.s32 s6, s20;
	s24 =	sadd.s32 s5, s16;
	v0 =	vld [tilespmem:s7+$0x0]  }
0x86c: {  	s8 =	sor.u32 $0x10, s5;
	s25 =	sadd.s32 s21, s6;
	v2 =	vld [tilespmem:s24+$0x0]  }
0x86d: {  	s29 =	sor.u32 $0x20, s5;
	s31 =	sadd.s32 s8, s16;
	v3 =	vld [tilespmem:s25+$0x0]  }
0x86e: {  	s26 =	sadd.s32 s29, s16;
	s16 =	sadd.s32 s5, s6;
	s21 =	simm.s32 $0x40;
	v4 =	vld [tilespmem:s31+$0x0]  }
0x86f: {  	s30 =	sadd.s32 s8, s6;
	v5 =	vld [tilespmem:s26+$0x0];
	s7 =	sand.u32 $0x380, s21;
	s5 =	sand.u32 $0x40, s21  }
0x870: {  	s28 =	sadd.s32 s29, s6;
	v6 =	vld [tilespmem:s16+$0x0];
	s6 =	sadd.s32 s7, s18;
	s8 =	sor.u32 $0x30, s5  }
0x871: {  	v8 =	vld [tilespmem:s30+$0x0];
	s31 =	sadd.s32 s8, s6  }
0x872: {  	v1 =	vld [tilespmem:s31+$0x0];
	v7 =	vmul.f32 $2.441406250e-04, v0  }
0x873: {  	s0 =	sadd.s32 s7, s20;
	s7 =	sor.u32 $0x10, s5;
	s29 =	sadd.s32 s5, s6;
	v0 =	vld [tilespmem:s28+$0x0]  }
0x874: {  	s24 =	sadd.s32 s8, s0;
	s8 =	sadd.s32 s7, s6;
	v9 =	vmul.f32 $2.441406250e-04, v2;
	v10 =	vmul.f32 $2.441406250e-04, v4;
	v2 =	vld [tilespmem:s29+$0x0];
	v7 =	vsub.f32 v3, v7  }
0x875: {  	s31 =	sor.u32 $0x20, s5;
	s5 =	sadd.s32 s5, s0;
	v4 =	vld [tilespmem:s8+$0x0]  }
0x876: {  	s6 =	sadd.s32 s31, s6;
	s26 =	sadd.s32 s31, s0;
	v5 =	vmul.f32 $2.441406250e-04, v5;
	v3 =	vld [tilespmem:s24+$0x0];
	[tilespmem:s25+$0x0] =	vst v7;
	s25 =	sadd.s32 s7, s0;
	v7 =	vsub.f32 v6, v9;
	v6 =	vsub.f32 v8, v10  }
.LBB2_126:
0x877: {  	s21 =	sadd.s32 $0x40, s21  }
0x878: {  	v8 =	vld [tilespmem:s6+$0x0];
	[tilespmem:s16+$0x0] =	vst v7;
	v0 =	vsub.f32 v0, v5;
	s16 =	smov.u32 s5;
	s0 =	sand.u32 $0x380, s21  }
0x879: {  	s5 =	sand.u32 $0x40, s21;
	p3 =	slt.u32 s21, $0x3C0;
	v7 =	vld [tilespmem:s16+$0x0];
	v1 =	vmul.f32 $2.441406250e-04, v1;
	[tilespmem:s30+$0x0] =	vst v6;
	s6 =	sadd.s32 s0, s18  }
0x87a: {  	s29 =	sor.u32 $0x10, s5;
	s30 =	sor.u32 $0x30, s5;
	v6 =	vmul.f32 $2.441406250e-04, v2;
	v9 =	vld [tilespmem:s25+$0x0];
	[tilespmem:s28+$0x0] =	vst v0;
	s31 =	sor.u32 $0x20, s5  }
.Ltmp66:
0x87b: {  	s28 =	sadd.s32 s5, s6;
	s7 =	sadd.s32 s30, s6;
	v0 =	vld [tilespmem:s26+$0x0];
	v3 =	vsub.f32 v3, v1;
	(pc) =	sbr.rel @p3 .LBB2_126-.Ltmp66, $4  }
0x87c: {  	s0 =	sadd.s32 s0, s20;
	s8 =	sadd.s32 s29, s6;
	s6 =	sadd.s32 s31, s6;
	v1 =	vld [tilespmem:s7+$0x0];
	v10 =	vmul.f32 $2.441406250e-04, v4  }
0x87d: {  	s5 =	sadd.s32 s5, s0;
	s7 =	sadd.s32 s29, s0;
	v2 =	vld [tilespmem:s28+$0x0];
	v5 =	vmul.f32 $2.441406250e-04, v8;
	[tilespmem:s24+$0x0] =	vst v3;
	s24 =	sadd.s32 s30, s0  }
0x87e: {  	s0 =	sadd.s32 s31, s0;
	s30 =	smov.u32 s25;
	s25 =	smov.u32 s7;
	v3 =	vld [tilespmem:s24+$0x0];
	v7 =	vsub.f32 v7, v6  }
0x87f: {  	s28 =	smov.u32 s26;
	s26 =	smov.u32 s0;
	v4 =	vld [tilespmem:s8+$0x0];
	v6 =	vsub.f32 v9, v10  }
0x880: {  	v8 =	vld [tilespmem:s6+$0x0]  }
0x881: {  	v9 =	vld [tilespmem:s5+$0x0]  }
0x882: {  	v10 =	vld [tilespmem:s25+$0x0]  }
0x883: {  	v11 =	vld [tilespmem:s26+$0x0];
	v1 =	vmul.f32 $2.441406250e-04, v1  }
0x884: {  	[tilespmem:s16+$0x0] =	vst v7;
	v0 =	vsub.f32 v0, v5;
	s17 =	sadd.s32 $0x1, s17;
	v2 =	vmul.f32 $2.441406250e-04, v2  }
0x885: {  	[tilespmem:s30+$0x0] =	vst v6;
	p3 =	sne.s32 s17, $0xF;
	v1 =	vsub.f32 v3, v1;
	v61 =	vmul.f32 $2.441406250e-04, v4  }
.Ltmp67:
0x886: {  	[tilespmem:s28+$0x0] =	vst v0;
	v62 =	vmul.f32 $2.441406250e-04, v8;
	v2 =	vsub.f32 v9, v2;
	(pc) =	sbr.rel @p3 .LBB2_125-.Ltmp67, $4  }
0x887: {  	[tilespmem:s24+$0x0] =	vst v1;
	v63 =	vsub.f32 v10, v61  }
0x888: {  	[tilespmem:s5+$0x0] =	vst v2;
	v0 =	vsub.f32 v11, v62  }
0x889: {  	[tilespmem:s25+$0x0] =	vst v63  }
0x88a: {  	[tilespmem:s26+$0x0] =	vst v0  }
.LBB2_128:
0x88b: {  	_ =	swait.ge [sflag:s13], $0x4000  }
0x88c: {  	s0 =	sld [smem:$0x7F4]  }
0x88d: {  	[sflag:s13] =	ssyncset.done $0x0  }
0x88e: {  	s5 =	simm.s32 $0x10800;
	s31 =	simm.s32 $0x1;
	[sflag:s13] =	ssyncadd.s32 $0xFFFFC000  }
0x88f: {  	[tilespmem:s5], [sflag:$0x3] =	stream.linear.gather [hbm4b:s0+s19], $0x4000, $0x38;
	[tilespmem:$0x18800] =	vst v63  }
0x890: {  	_ =	swait.ge [sflag:s31], $0x4000  }
0x891: {  	[sflag:s31] =	ssyncset.done $0x0  }
0x892: {  	s16 =	simm.s32 $0x8840;
	[sflag:s31] =	ssyncadd.s32 $0xFFFFC000  }
0x893: {  	s17 =	simm.s32 $0x4840;
	v1 =	vld [tilespmem:s16+$0x30]  }
0x894: {  	v2 =	vld [tilespmem:s17+$0x30]  }
0x895: {  	v0 =	vld [tilespmem:s17+$0xFFFFFFC0]  }
0x896: {  	v3 =	vld [tilespmem:s16+$0xFFFFFFD0]  }
0x897: {  	v4 =	vld [tilespmem:s17+$0xFFFFFFD0]  }
0x898: {  	v5 =	vld [tilespmem:s16+$0xFFFFFFE0]  }
0x899: {  	v6 =	vld [tilespmem:s17+$0xFFFFFFE0]  }
0x89a: {  	v7 =	vld [tilespmem:s16+$0xFFFFFFF0]  }
0x89b: {  	v8 =	vld [tilespmem:s17+$0xFFFFFFF0]  }
0x89c: {  	v9 =	vld [tilespmem:s16+$0x0]  }
0x89d: {  	v10 =	vld [tilespmem:s17+$0x0];
	v2 =	vadd.f32 v2, v1  }
0x89e: {  	v4 =	vadd.f32 v4, v3;
	v1 =	vld [tilespmem:s16+$0x10]  }
0x89f: {  	v5 =	vadd.f32 v6, v5;
	v3 =	vld [tilespmem:s17+$0x10];
	[tilespmem:s16+$0x30] =	vst v2  }
0x8a0: {  	v6 =	vadd.f32 v8, v7;
	[tilespmem:s16+$0xFFFFFFD0] =	vst v4;
	v2 =	vld [tilespmem:s16+$0x20]  }
0x8a1: {  	[tilespmem:s16+$0xFFFFFFE0] =	vst v5;
	v5 =	vld [tilespmem:s17+$0x20]  }
0x8a2: {  	s18 =	simm.s32 $0x0;
	s20 =	simm.s32 $0x88C0;
	s6 =	simm.s32 $0x14800;
	v4 =	vld [tilespmem:s16+$0xFFFFFFC0];
	[tilespmem:s16+$0xFFFFFFF0] =	vst v6;
	v6 =	vadd.f32 v10, v9  }
.LBB2_129:
0x8a3: {  	v7 =	vld [tilespmem:s20+$0x30];
	s17 =	sadd.s32 $0x80, s17  }
0x8a4: {  	s18 =	sadd.s32 $0x80, s18;
	v8 =	vld [tilespmem:s17+$0x30];
	[tilespmem:s16+$0x0] =	vst v6;
	v1 =	vadd.f32 v3, v1  }
0x8a5: {  	p3 =	slt.u32 s18, $0x3F80;
	v3 =	vld [tilespmem:s17+$0xFFFFFFC0]  }
0x8a6: {  	v6 =	vld [tilespmem:s20+$0xFFFFFFD0];
	[tilespmem:s16+$0x10] =	vst v1;
	v1 =	vadd.f32 v5, v2  }
0x8a7: {  	v2 =	vld [tilespmem:s17+$0xFFFFFFD0];
	v9 =	vadd.f32 v0, v4  }
0x8a8: {  	v4 =	vld [tilespmem:s20+$0xFFFFFFE0];
	[tilespmem:s16+$0x20] =	vst v1  }
0x8a9: {  	v1 =	vld [tilespmem:s17+$0xFFFFFFE0];
	v5 =	vadd.f32 v8, v7;
	[tilespmem:s16+$0xFFFFFFC0] =	vst v9;
	s16 =	smov.u32 s20  }
0x8aa: {  	v7 =	vld [tilespmem:s20+$0xFFFFFFF0];
	v0 =	vmov v3  }
0x8ab: {  	v8 =	vld [tilespmem:s17+$0xFFFFFFF0];
	[tilespmem:s20+$0x30] =	vst v5  }
0x8ac: {  	v2 =	vadd.f32 v2, v6;
	v6 =	vld [tilespmem:s20+$0x0]  }
0x8ad: {  	v9 =	vld [tilespmem:s17+$0x0]  }
.Ltmp68:
0x8ae: {  	[tilespmem:s20+$0xFFFFFFD0] =	vst v2;
	v2 =	vadd.f32 v1, v4;
	v1 =	vld [tilespmem:s20+$0x10];
	(pc) =	sbr.rel @p3 .LBB2_129-.Ltmp68, $4  }
0x8af: {  	v3 =	vld [tilespmem:s17+$0x10]  }
0x8b0: {  	[tilespmem:s20+$0xFFFFFFE0] =	vst v2;
	v7 =	vadd.f32 v8, v7;
	v2 =	vld [tilespmem:s20+$0x20]  }
0x8b1: {  	v5 =	vld [tilespmem:s17+$0x20]  }
0x8b2: {  	s20 =	sadd.s32 $0x80, s20;
	v4 =	vld [tilespmem:s16+$0xFFFFFFC0];
	[tilespmem:s16+$0xFFFFFFF0] =	vst v7;
	v6 =	vadd.f32 v9, v6  }
0x8b3: {  	_ =	sdelay $0x1  }
0x8b4: {  	v1 =	vadd.f32 v3, v1  }
0x8b5: {  	[tilespmem:s16+$0x0] =	vst v6;
	v2 =	vadd.f32 v5, v2  }
0x8b6: {  	[tilespmem:s16+$0x10] =	vst v1;
	v0 =	vadd.f32 v0, v4  }
0x8b7: {  	[tilespmem:s16+$0x20] =	vst v2  }
0x8b8: {  	[tilespmem:s16+$0xFFFFFFC0] =	vst v0  }
0x8b9: {  	s0 =	sld [smem:$0x7F0];
	_ =	sdelay $0x1  }
0x8ba: {  	s7 =	simm.s32 $0x8800  }
0x8bb: {  	[hbm4b:s0+s19] =	stream.linear.scatter [tilespmem:s7], [sflag:$0x5], $0x4000, $0x38;
	[tilespmem:$0x18800] =	vst v63  }
0x8bc: {  	_ =	swait.ge [sflag:s15], $0x4000  }
0x8bd: {  	s30 =	sld [smem:$0x7F5]  }
0x8be: {  	[sflag:s15] =	ssyncset.done $0x0  }
0x8bf: {  	s31 =	simm.s32 $0x2;
	[sflag:s15] =	ssyncadd.s32 $0xFFFFC000  }
0x8c0: {  	[tilespmem:s6], [sflag:$0x4] =	stream.linear.gather [hbm4b:s30+s19], $0x4000, $0x38;
	[tilespmem:$0x18800] =	vst v63  }
0x8c1: {  	_ =	swait.ge [sflag:s31], $0x4000  }
0x8c2: {  	[sflag:s31] =	ssyncset.done $0x0  }
0x8c3: {  	s16 =	simm.s32 $0xC840;
	[sflag:s31] =	ssyncadd.s32 $0xFFFFC000  }
0x8c4: {  	s17 =	simm.s32 $0x4840;
	v1 =	vld [tilespmem:s16+$0x30]  }
0x8c5: {  	v2 =	vld [tilespmem:s17+$0x30]  }
0x8c6: {  	v0 =	vld [tilespmem:s17+$0xFFFFFFC0]  }
0x8c7: {  	v3 =	vld [tilespmem:s16+$0xFFFFFFD0]  }
0x8c8: {  	v4 =	vld [tilespmem:s17+$0xFFFFFFD0]  }
0x8c9: {  	v5 =	vld [tilespmem:s16+$0xFFFFFFE0]  }
0x8ca: {  	v6 =	vld [tilespmem:s17+$0xFFFFFFE0]  }
0x8cb: {  	v7 =	vld [tilespmem:s16+$0xFFFFFFF0]  }
0x8cc: {  	v8 =	vld [tilespmem:s17+$0xFFFFFFF0]  }
0x8cd: {  	v9 =	vld [tilespmem:s16+$0x0]  }
0x8ce: {  	v10 =	vld [tilespmem:s17+$0x0];
	v2 =	vadd.f32 v2, v1  }
0x8cf: {  	v4 =	vadd.f32 v4, v3;
	v1 =	vld [tilespmem:s16+$0x10]  }
0x8d0: {  	v5 =	vadd.f32 v6, v5;
	v3 =	vld [tilespmem:s17+$0x10];
	[tilespmem:s16+$0x30] =	vst v2  }
0x8d1: {  	v6 =	vadd.f32 v8, v7;
	[tilespmem:s16+$0xFFFFFFD0] =	vst v4;
	v2 =	vld [tilespmem:s16+$0x20]  }
0x8d2: {  	[tilespmem:s16+$0xFFFFFFE0] =	vst v5;
	v5 =	vld [tilespmem:s17+$0x20]  }
0x8d3: {  	s18 =	simm.s32 $0x0;
	s20 =	simm.s32 $0xC8C0;
	s8 =	simm.s32 $0xC800;
	v4 =	vld [tilespmem:s16+$0xFFFFFFC0];
	[tilespmem:s16+$0xFFFFFFF0] =	vst v6;
	v6 =	vadd.f32 v10, v9  }
.LBB2_131:
0x8d4: {  	v7 =	vld [tilespmem:s20+$0x30];
	s17 =	sadd.s32 $0x80, s17  }
0x8d5: {  	s18 =	sadd.s32 $0x80, s18;
	v8 =	vld [tilespmem:s17+$0x30];
	[tilespmem:s16+$0x0] =	vst v6;
	v1 =	vadd.f32 v3, v1  }
0x8d6: {  	p3 =	slt.u32 s18, $0x3F80;
	v3 =	vld [tilespmem:s17+$0xFFFFFFC0]  }
0x8d7: {  	v6 =	vld [tilespmem:s20+$0xFFFFFFD0];
	[tilespmem:s16+$0x10] =	vst v1;
	v1 =	vadd.f32 v5, v2  }
0x8d8: {  	v2 =	vld [tilespmem:s17+$0xFFFFFFD0];
	v9 =	vadd.f32 v0, v4  }
0x8d9: {  	v4 =	vld [tilespmem:s20+$0xFFFFFFE0];
	[tilespmem:s16+$0x20] =	vst v1  }
0x8da: {  	v1 =	vld [tilespmem:s17+$0xFFFFFFE0];
	v5 =	vadd.f32 v8, v7;
	[tilespmem:s16+$0xFFFFFFC0] =	vst v9;
	s16 =	smov.u32 s20  }
0x8db: {  	v7 =	vld [tilespmem:s20+$0xFFFFFFF0];
	v0 =	vmov v3  }
0x8dc: {  	v8 =	vld [tilespmem:s17+$0xFFFFFFF0];
	[tilespmem:s20+$0x30] =	vst v5  }
0x8dd: {  	v2 =	vadd.f32 v2, v6;
	v6 =	vld [tilespmem:s20+$0x0]  }
0x8de: {  	v9 =	vld [tilespmem:s17+$0x0]  }
.Ltmp69:
0x8df: {  	[tilespmem:s20+$0xFFFFFFD0] =	vst v2;
	v2 =	vadd.f32 v1, v4;
	v1 =	vld [tilespmem:s20+$0x10];
	(pc) =	sbr.rel @p3 .LBB2_131-.Ltmp69, $4  }
0x8e0: {  	v3 =	vld [tilespmem:s17+$0x10]  }
0x8e1: {  	[tilespmem:s20+$0xFFFFFFE0] =	vst v2;
	v7 =	vadd.f32 v8, v7;
	v2 =	vld [tilespmem:s20+$0x20]  }
0x8e2: {  	v5 =	vld [tilespmem:s17+$0x20]  }
0x8e3: {  	s20 =	sadd.s32 $0x80, s20;
	v4 =	vld [tilespmem:s16+$0xFFFFFFC0];
	[tilespmem:s16+$0xFFFFFFF0] =	vst v7;
	v6 =	vadd.f32 v9, v6  }
0x8e4: {  	_ =	sdelay $0x1  }
0x8e5: {  	v1 =	vadd.f32 v3, v1  }
0x8e6: {  	[tilespmem:s16+$0x0] =	vst v6;
	v2 =	vadd.f32 v5, v2  }
0x8e7: {  	[tilespmem:s16+$0x10] =	vst v1;
	v0 =	vadd.f32 v0, v4  }
0x8e8: {  	[tilespmem:s16+$0x20] =	vst v2  }
0x8e9: {  	[tilespmem:s16+$0xFFFFFFC0] =	vst v0  }
0x8ea: {  	s0 =	sld [smem:$0x7F6];
	_ =	sdelay $0x1  }
0x8eb: {  	s31 =	simm.s32 $0x5  }
0x8ec: {  	[hbm4b:s0+s19] =	stream.linear.scatter [tilespmem:s8], [sflag:$0x6], $0x4000, $0x38;
	[tilespmem:$0x18800] =	vst v63  }
0x8ed: {  	_ =	swait.ge [sflag:s31], $0x4000  }
0x8ee: {  	[sflag:s31] =	ssyncset.done $0x0  }
0x8ef: {  	[sflag:s31] =	ssyncadd.s32 $0xFFFFC000  }
0x8f0: {  	_ =	swait.ge [sflag:s9], $0x4000  }
0x8f1: {  	[sflag:s9] =	ssyncset.done $0x0  }
0x8f2: {  	s16 =	simm.s32 $0x10840;
	[sflag:s9] =	ssyncadd.s32 $0xFFFFC000  }
0x8f3: {  	s17 =	simm.s32 $0x4840;
	v1 =	vld [tilespmem:s16+$0x30]  }
0x8f4: {  	v2 =	vld [tilespmem:s17+$0x30]  }
0x8f5: {  	v0 =	vld [tilespmem:s17+$0xFFFFFFC0]  }
0x8f6: {  	v3 =	vld [tilespmem:s16+$0xFFFFFFD0]  }
0x8f7: {  	v4 =	vld [tilespmem:s17+$0xFFFFFFD0]  }
0x8f8: {  	v5 =	vld [tilespmem:s16+$0xFFFFFFE0]  }
0x8f9: {  	v6 =	vld [tilespmem:s17+$0xFFFFFFE0]  }
0x8fa: {  	v7 =	vld [tilespmem:s16+$0xFFFFFFF0]  }
0x8fb: {  	v8 =	vld [tilespmem:s17+$0xFFFFFFF0]  }
0x8fc: {  	v9 =	vld [tilespmem:s16+$0x0]  }
0x8fd: {  	v10 =	vld [tilespmem:s17+$0x0];
	v2 =	vadd.f32 v2, v1  }
0x8fe: {  	v4 =	vadd.f32 v4, v3;
	v1 =	vld [tilespmem:s16+$0x10]  }
0x8ff: {  	v5 =	vadd.f32 v6, v5;
	v3 =	vld [tilespmem:s17+$0x10];
	[tilespmem:s16+$0x30] =	vst v2  }
0x900: {  	v6 =	vadd.f32 v8, v7;
	[tilespmem:s16+$0xFFFFFFD0] =	vst v4;
	v2 =	vld [tilespmem:s16+$0x20]  }
0x901: {  	[tilespmem:s16+$0xFFFFFFE0] =	vst v5;
	v5 =	vld [tilespmem:s17+$0x20]  }
0x902: {  	s18 =	simm.s32 $0x0;
	s20 =	simm.s32 $0x108C0;
	v4 =	vld [tilespmem:s16+$0xFFFFFFC0];
	[tilespmem:s16+$0xFFFFFFF0] =	vst v6;
	v6 =	vadd.f32 v10, v9  }
.LBB2_133:
0x903: {  	v7 =	vld [tilespmem:s20+$0x30];
	s17 =	sadd.s32 $0x80, s17  }
0x904: {  	s18 =	sadd.s32 $0x80, s18;
	v8 =	vld [tilespmem:s17+$0x30];
	[tilespmem:s16+$0x0] =	vst v6;
	v1 =	vadd.f32 v3, v1  }
0x905: {  	p3 =	slt.u32 s18, $0x3F80;
	v3 =	vld [tilespmem:s17+$0xFFFFFFC0]  }
0x906: {  	v6 =	vld [tilespmem:s20+$0xFFFFFFD0];
	[tilespmem:s16+$0x10] =	vst v1;
	v1 =	vadd.f32 v5, v2  }
0x907: {  	v2 =	vld [tilespmem:s17+$0xFFFFFFD0];
	v9 =	vadd.f32 v0, v4  }
0x908: {  	v4 =	vld [tilespmem:s20+$0xFFFFFFE0];
	[tilespmem:s16+$0x20] =	vst v1  }
0x909: {  	v1 =	vld [tilespmem:s17+$0xFFFFFFE0];
	v5 =	vadd.f32 v8, v7;
	[tilespmem:s16+$0xFFFFFFC0] =	vst v9;
	s16 =	smov.u32 s20  }
0x90a: {  	v7 =	vld [tilespmem:s20+$0xFFFFFFF0];
	v0 =	vmov v3  }
0x90b: {  	v8 =	vld [tilespmem:s17+$0xFFFFFFF0];
	[tilespmem:s20+$0x30] =	vst v5  }
0x90c: {  	v2 =	vadd.f32 v2, v6;
	v6 =	vld [tilespmem:s20+$0x0]  }
0x90d: {  	v9 =	vld [tilespmem:s17+$0x0]  }
.Ltmp70:
0x90e: {  	[tilespmem:s20+$0xFFFFFFD0] =	vst v2;
	v2 =	vadd.f32 v1, v4;
	v1 =	vld [tilespmem:s20+$0x10];
	(pc) =	sbr.rel @p3 .LBB2_133-.Ltmp70, $4  }
0x90f: {  	v3 =	vld [tilespmem:s17+$0x10]  }
0x910: {  	[tilespmem:s20+$0xFFFFFFE0] =	vst v2;
	v7 =	vadd.f32 v8, v7;
	v2 =	vld [tilespmem:s20+$0x20]  }
0x911: {  	v5 =	vld [tilespmem:s17+$0x20]  }
0x912: {  	s20 =	sadd.s32 $0x80, s20;
	v4 =	vld [tilespmem:s16+$0xFFFFFFC0];
	[tilespmem:s16+$0xFFFFFFF0] =	vst v7;
	v6 =	vadd.f32 v9, v6  }
0x913: {  	_ =	sdelay $0x1  }
0x914: {  	v1 =	vadd.f32 v3, v1  }
0x915: {  	[tilespmem:s16+$0x0] =	vst v6;
	v2 =	vadd.f32 v5, v2  }
0x916: {  	[tilespmem:s16+$0x10] =	vst v1;
	v0 =	vadd.f32 v0, v4  }
0x917: {  	[tilespmem:s16+$0x20] =	vst v2  }
0x918: {  	[tilespmem:s16+$0xFFFFFFC0] =	vst v0  }
0x919: {  	s0 =	sld [smem:$0x7F7];
	_ =	sdelay $0x2  }
0x91a: {  	[hbm4b:s0+s19] =	stream.linear.scatter [tilespmem:s5], [sflag:$0x7], $0x4000, $0x38;
	[tilespmem:$0x18800] =	vst v63  }
0x91b: {  	_ =	swait.ge [sflag:s10], $0x4000  }
0x91c: {  	[sflag:s10] =	ssyncset.done $0x0  }
0x91d: {  	[sflag:s10] =	ssyncadd.s32 $0xFFFFC000  }
0x91e: {  	_ =	swait.ge [sflag:s11], $0x4000  }
0x91f: {  	[sflag:s11] =	ssyncset.done $0x0  }
0x920: {  	s16 =	simm.s32 $0x14840;
	[sflag:s11] =	ssyncadd.s32 $0xFFFFC000  }
0x921: {  	s17 =	simm.s32 $0x4840;
	v1 =	vld [tilespmem:s16+$0x30]  }
0x922: {  	v2 =	vld [tilespmem:s17+$0x30]  }
0x923: {  	v0 =	vld [tilespmem:s17+$0xFFFFFFC0]  }
0x924: {  	v3 =	vld [tilespmem:s16+$0xFFFFFFD0]  }
0x925: {  	v4 =	vld [tilespmem:s17+$0xFFFFFFD0]  }
0x926: {  	v5 =	vld [tilespmem:s16+$0xFFFFFFE0]  }
0x927: {  	v6 =	vld [tilespmem:s17+$0xFFFFFFE0]  }
0x928: {  	v7 =	vld [tilespmem:s16+$0xFFFFFFF0]  }
0x929: {  	v8 =	vld [tilespmem:s17+$0xFFFFFFF0]  }
0x92a: {  	v9 =	vld [tilespmem:s16+$0x0]  }
0x92b: {  	v10 =	vld [tilespmem:s17+$0x0];
	v2 =	vadd.f32 v2, v1  }
0x92c: {  	v4 =	vadd.f32 v4, v3;
	v1 =	vld [tilespmem:s16+$0x10]  }
0x92d: {  	v5 =	vadd.f32 v6, v5;
	v3 =	vld [tilespmem:s17+$0x10];
	[tilespmem:s16+$0x30] =	vst v2  }
0x92e: {  	v6 =	vadd.f32 v8, v7;
	[tilespmem:s16+$0xFFFFFFD0] =	vst v4;
	v2 =	vld [tilespmem:s16+$0x20]  }
0x92f: {  	[tilespmem:s16+$0xFFFFFFE0] =	vst v5;
	v5 =	vld [tilespmem:s17+$0x20]  }
0x930: {  	s18 =	simm.s32 $0x0;
	s20 =	simm.s32 $0x148C0;
	v4 =	vld [tilespmem:s16+$0xFFFFFFC0];
	[tilespmem:s16+$0xFFFFFFF0] =	vst v6;
	v6 =	vadd.f32 v10, v9  }
.LBB2_135:
0x931: {  	v7 =	vld [tilespmem:s20+$0x30];
	s17 =	sadd.s32 $0x80, s17  }
0x932: {  	s18 =	sadd.s32 $0x80, s18;
	v8 =	vld [tilespmem:s17+$0x30];
	[tilespmem:s16+$0x0] =	vst v6;
	v1 =	vadd.f32 v3, v1  }
0x933: {  	p3 =	slt.u32 s18, $0x3F80;
	v3 =	vld [tilespmem:s17+$0xFFFFFFC0]  }
0x934: {  	v6 =	vld [tilespmem:s20+$0xFFFFFFD0];
	[tilespmem:s16+$0x10] =	vst v1;
	v1 =	vadd.f32 v5, v2  }
0x935: {  	v2 =	vld [tilespmem:s17+$0xFFFFFFD0];
	v9 =	vadd.f32 v0, v4  }
0x936: {  	v4 =	vld [tilespmem:s20+$0xFFFFFFE0];
	[tilespmem:s16+$0x20] =	vst v1  }
0x937: {  	v1 =	vld [tilespmem:s17+$0xFFFFFFE0];
	v5 =	vadd.f32 v8, v7;
	[tilespmem:s16+$0xFFFFFFC0] =	vst v9;
	s16 =	smov.u32 s20  }
0x938: {  	v7 =	vld [tilespmem:s20+$0xFFFFFFF0];
	v0 =	vmov v3  }
0x939: {  	v8 =	vld [tilespmem:s17+$0xFFFFFFF0];
	[tilespmem:s20+$0x30] =	vst v5  }
0x93a: {  	v2 =	vadd.f32 v2, v6;
	v6 =	vld [tilespmem:s20+$0x0]  }
0x93b: {  	v9 =	vld [tilespmem:s17+$0x0]  }
.Ltmp71:
0x93c: {  	[tilespmem:s20+$0xFFFFFFD0] =	vst v2;
	v2 =	vadd.f32 v1, v4;
	v1 =	vld [tilespmem:s20+$0x10];
	(pc) =	sbr.rel @p3 .LBB2_135-.Ltmp71, $4  }
0x93d: {  	v3 =	vld [tilespmem:s17+$0x10]  }
0x93e: {  	[tilespmem:s20+$0xFFFFFFE0] =	vst v2;
	v7 =	vadd.f32 v8, v7;
	v2 =	vld [tilespmem:s20+$0x20]  }
0x93f: {  	v5 =	vld [tilespmem:s17+$0x20]  }
0x940: {  	s20 =	sadd.s32 $0x80, s20;
	v4 =	vld [tilespmem:s16+$0xFFFFFFC0];
	[tilespmem:s16+$0xFFFFFFF0] =	vst v7;
	v6 =	vadd.f32 v9, v6  }
0x941: {  	_ =	sdelay $0x1  }
0x942: {  	v1 =	vadd.f32 v3, v1  }
0x943: {  	[tilespmem:s16+$0x0] =	vst v6;
	v2 =	vadd.f32 v5, v2  }
0x944: {  	[tilespmem:s16+$0x10] =	vst v1;
	v0 =	vadd.f32 v0, v4  }
0x945: {  	[tilespmem:s16+$0x20] =	vst v2  }
0x946: {  	[tilespmem:s16+$0xFFFFFFC0] =	vst v0  }
0x947: {  	s0 =	sld [smem:$0x7F8];
	_ =	sdelay $0x2  }
0x948: {  	[hbm4b:s0+s19] =	stream.linear.scatter [tilespmem:s6], [sflag:$0x8], $0x4000, $0x38;
	[tilespmem:$0x18800] =	vst v63  }
0x949: {  	_ =	swait.ge [sflag:s13], $0x4000  }
0x94a: {  	[sflag:s13] =	ssyncset.done $0x0  }
0x94b: {  	[sflag:s13] =	ssyncadd.s32 $0xFFFFC000  }
0x94c: {  	_ =	swait.ge [sflag:s15], $0x4000  }
0x94d: {  	s5 =	sld [smem:$0x7D5]  }
0x94e: {  	s31 =	sld [smem:$0x7FD];
	_ =	sdelay $0x1  }
0x94f: {  	s5 =	sadd.s32 $0x1, s5  }
0x950: {  	p3 =	sne.s32 s5, s31  }
.Ltmp72:
0x951: {  	_ = 	snop;
	(pc) =	sbr.rel @p3 .LBB2_1-.Ltmp72, $3  }
0x952: {  	_ =	sdelay $0x1  }
0x953: {  	[sflag:s15] =	ssyncset.done $0x0  }
0x954: {  	[sflag:s15] =	ssyncadd.s32 $0xFFFFC000  }
0x955: {  	_ =	sfence.sel $0x180000  }
0x956: {  	[bflag:$0x0] =	sbarrier.arrive $0xFFFF  }
0x957: {  	_ =	strace $0x9000004A  }
0x958: {  	s0 =	stileid.u32;
	[bflag:$0x2] =	sbarrier.arrive $0xFFFF  }
0x959: {  	p0 =	sne.s32 s0, $0x0;
	s0 =	rddreg [dreg:$0x2]  }
0x95a: {  	s0 =	sadd.s32 @!p0 $0x100000, s0  }
0x95b: {  	[sflag:s0] =	ssyncadd.tile.s32 @!p0 $0x1;
	_ =	shalt  }
.Lfunc_end2:
_tile_overlayer_lowered:
.L_overlay_start_2:
0x95c: {  	(tag) =	ssettag $0x2  }
0x95d: {  	s0 =	rddreg [dreg:$0x0];
	s2 =	stileid.u32  }
0x95e: {  	s1 =	rddreg [dreg:$0x1];
	p0 =	sne.s32 s2, $0x0  }
0x95f: {  	s3 =	rddreg [dreg:$0x2];
	[bflag:$0x3] =	sbarrier.arrive $0xFFFF;
	s2 =	simm.s32 @!p0 $0x1C09  }
0x960: {  	[timem:s3], [sflag:s2] =	dma.local @!p0 [hbm:s0], s1  }
0x961: {  	s0 =	simm.s32 @!p0 $0x9  }
0x962: {  	_ =	swait.ge @!p0 [sflag:s0], s1  }
0x963: {  	s1 =	ssub.s32 @!p0 $0x0, s1;
	[sflag:s0] =	ssyncset.done @!p0 $0x0  }
0x964: {  	[sflag:s0] =	ssyncadd.s32 @!p0 s1  }
0x965: {  	[bflag:$0x3] =	sbarrier.arrive $0xFFFF  }
0x966: {  	_ =	shalt  }

// kernel: sparse-core-data-format-call.cloned.1.call-start
scs
called_computation_lowered:
.L_overlay_start_0:
0x0: {  	s2 =	sld [smem:$0x3FD9]  }
0x1: {  	s3 =	sld [smem:$0x3FFE];
	_ =	sdelay $0x1  }
0x2: {  	s1 =	srdreg.scid  }
0x3: {  	s0 =	sand.u32 $0x1, s1  }
0x4: {  	s19 =	sshll.u32 s0, $0xA;
	s2 =	sadd.s32 s3, s2  }
0x5: {  	s2 =	sadd.s32 s2, s19  }
0x6: {  	[smem:$0x3FC6] =	sst s2  }
0x7: {  	_ = 	snop  }
0x8: {  	s2 =	sld [smem:$0x3FC9]  }
0x9: {  	s20 =	sld [smem:$0x3FD0];
	(tm) =	ssettm $0x1  }
0xa: {  	s4 =	sld [smem:$0x3FFB];
	_ =	sdelay $0x3  }
0xb: {  	_ =	strace s4  }
0xc: {  	s4 =	sld [smem:$0x3FFC];
	_ =	sdelay $0x3  }
0xd: {  	_ =	strace s4  }
0xe: {  	s4 =	sld [smem:$0x3FFD];
	_ =	sdelay $0x3  }
0xf: {  	_ =	strace s4  }
0x10: {  	_ =	strace $0x8FFFFFFF  }
0x11: {  	s21 =	sld [smem:$0x3FDB];
	_ =	sdelay $0x1  }
0x12: {  	s5 =	simm.s32 $_scs_section_size  }
0x13: {  	s6 =	simm.s32 $_size__tile_overlayer_lowered;
	s7 =	simm.s32 $_tile_overlayer_lowered  }
0x14: {  	s24 =	simm.s32 $0x1BFF;
	s23 =	sshll.u32 s7, $0x1;
	s4 =	sadd.s32 s5, s21  }
0x15: {  	s8 =	simm.s32 $0x0;
	s22 =	sshll.u32 s6, $0x1;
	s6 =	sadd.s32 s23, s4  }
0x16: {  	[timem:s8], [sflag:s24] =	dma.local [hbm:s6], s22  }
0x17: {  	_ =	swait.ge [sflag:s24], s22  }
0x18: {  	s5 =	ssub.s32 $0x0, s22;
	[sflag:s24] =	ssyncset.done $0x0  }
0x19: {  	[sflag:s24] =	ssyncadd.s32 s5;
	_ =	sdelay $0x1  }
0x1a: {  	s25 =	simm.s32 $0x1B8B  }
0x1b: {  	_ =	swait.ge [sflag:s25], $0x1  }
0x1c: {  	[sflag:s25] =	ssyncset.done $0x0  }
0x1d: {  	s26 =	simm.s32 $0x1B8E;
	[sflag:s25] =	ssyncadd.s32 $0xFFFFFFFF  }
0x1e: {  	s27 =	simm.s32 $execute0_lowered;
	[smem:$0x3FD2] =	sst s26  }
0x1f: {  	s5 =	sshll.u32 s27, $0x1;
	_ =	strace $0x80000046;
	[dreg:$0x1] =	wrdreg $0xFFFFFFFF  }
0x20: {  	s28 =	simm.s32 $_size_execute0_lowered;
	s4 =	sadd.s32 s4, s5;
	[dreg:$0x0] =	wrdreg $0x0  }
0x21: {  	s5 =	sshll.u32 s28, $0x1;
	[dreg:$0x2] =	wrdreg s4  }
0x22: {  	[dreg:$0x3] =	wrdreg s5  }
0x23: {  	[dreg:$0x4] =	wrdreg $0xC0  }
0x24: {  	_ =	task [dreg:s8], $0x5FFFF  }
0x25: {  	[dreg:$0x1] =	wrdreg $0xFFFFFFFF  }
0x26: {  	[dreg:$0x0] =	wrdreg $0x60  }
0x27: {  	[dreg:$0x2] =	wrdreg s2  }
0x28: {  	[dreg:$0x3] =	wrdreg s20  }
0x29: {  	[dreg:$0x4] =	wrdreg $0x9  }
0x2a: {  	_ =	task.clear_ibuf [dreg:s8], $0x5FFFF;
	_ =	strace $0x90000046  }
0x2b: {  	s29 =	simm.s32 $0x9;
	_ =	strace $0x80000048  }
0x2c: {  	_ =	swait.ge [sflag:s29], $0x1  }
0x2d: {  	[sflag:s29] =	ssyncadd.s32 $0xFFFFFFFF  }
0x2e: {  	_ =	strace $0x90000048  }
0x2f: {  	_ =	sfence  }
0x30: {  	s30 =	sld [smem:$0x0];
	_ =	sdelay $0x2  }
0x31: {  	s31 =	sshll.u32 s1, $0xD;
	s1 =	sshrl.u32 s1, $0x2  }
0x32: {  	s3 =	sand.u32 $0x4000, s31;
	s1 =	sadd.s32 s1, s30  }
0x33: {  	s0 =	sor.u32 s3, s0;
	s1 =	sshll.u32 s1, $0x11  }
0x34: {  	s0 =	sor.u32 s1, s0  }
0x35: {  	s0 =	sadd.s32 $0x8F2B, s0  }
0x36: {  	[sflag:s0] =	ssyncadd.remote.s32 $0x1  }
0x37: {  	_ =	sfence.sel $0xFFFF  }
0x38: {  	[dreg:$0x0] =	wrdreg $0xFFFFFFFF;
	(pc) =	sbr.abs _section_cstart, $3  }
0x39: {  	[dreg:$0x1] =	wrdreg $0xFFFFFFFF  }
0x3a: {  	_ =	task.clear_ibuf [dreg:s8], $0x2FFFF;
	_ =	strace $0x9FFFFFFF  }
0x3b: {  	(tm) =	ssettm $0x7FFFFFFF  }
tec
execute0_lowered:
.L_overlay_start_1:
0x0: {  	(tag) =	ssettag $0x1  }
0x1: {  	s0 =	srdreg.scid  }
0x2: {  	s1 =	sshll.u32 s0, $0x4  }
0x3: {  	s2 =	rddreg [dreg:$0x0];
	s0 =	stileid.u32;
	s1 =	sand.u32 $0x10, s1  }
0x4: {  	s4 =	rddreg [dreg:$0x1];
	s1 =	sor.u32 s0, s1  }
0x5: {  	s7 =	simm.s32 $0x1;
	s8 =	simm.s32 $0x2;
	s3 =	sshll.u32 s1, $0x1  }
0x6: {  	s9 =	simm.s32 $0x0;
	s12 =	simm.s32 $0x0;
	s6 =	ssub.s32 $0x800, s3  }
.Ltmp0:
0x7: {  	s11 =	simm.s32 $0x0;
	s5 =	sand.u32 $0x3E, s6;
	(pc) =	sbr.rel .LBB1_1-.Ltmp0, $4  }
0x8: {  	s1 =	rddreg [dreg:$0x2];
	_ =	strace $0x80000047;
	p0 =	sne.s32 s5, $0x0  }
0x9: {  	s6 =	sshrl.u32 s6, $0x6;
	s5 =	simm.s32 $0x1;
	s7 =	simm.s32 @!p0 $0x0  }
0xa: {  	s10 =	smov.u32 s3;
	[sflag:s5] =	ssyncpa.u1 $0x0;
	s6 =	sadd.s32 s7, s6  }
0xb: {  	[sflag:s8] =	ssyncpa.u1 $0x0;
	s8 =	simm.s32 $0x0;
	s7 =	sadd.s32 $0x1, s6  }
.LBB1_9:
0xc: {  	s14 =	sadd.s32 $0x40, s10  }
0xd: {  	p1 =	sgt.s32 s14, $0x7FF  }
0xe: {  	s14 =	smov.u32 @p1 s3;
	p1 =	sne.s32 s11, s7  }
.Ltmp1:
0xf: {  	p0 =	slt.u32 s11, $0x2;
	(pc) =	sbr.rel @!p1 .LBB1_10-.Ltmp1, $4  }
0x10: {  	s13 =	simm.s32 @!p0 $0x2  }
0x11: {  	s15 =	sadd.s32 $0x1, s11;
	_ =	swait.ge @!p0 [sflag:s13], $0x4000  }
0x12: {  	s12 =	smov.u32 s10;
	s9 =	sadd.s32 $0x4000, s9;
	[sflag:s13] =	ssyncset.done @!p0 $0x0  }
0x13: {  	s11 =	smov.u32 s15;
	s10 =	smov.u32 s14;
	[sflag:s13] =	ssyncadd.s32 @!p0 $0xFFFFC000  }
.LBB1_1:
0x14: {  	p0 =	sge.u32 s11, s6  }
0x15: {  	s13 =	sxor.u32 @!p0 $0xFFFFFFFF, s11  }
0x16: {  	s31 =	sadd.s32 $0xFFFFFFFF, s11;
	s14 =	sshll.u32 @!p0 s10, $0xA;
	s13 =	sshll.u32 @!p0 s13, $0xE  }
0x17: {  	s15 =	simm.s32 @!p0 $0x0;
	s14 =	sadd.s32 @!p0 s2, s14;
	s13 =	sand.u32 @!p0 $0x4000, s13  }
0x18: {  	[tilespmem:s13], [sflag:$0x1] =	stream.linear.gather @!p0 [hbm4b:s14+s15], $0x4000, $0x38;
	[tilespmem:$0x10000] =	vst v63  }
0x19: {  	p0 =	sge.u32 s31, s6  }
.Ltmp2:
0x1a: {  	_ = 	snop;
	(pc) =	sbr.rel @p0 .LBB1_9-.Ltmp2, $1  }
0x1b: {  	_ =	sdelay $0x3  }
0x1c: {  	s13 =	sshll.u32 s9, $0x2  }
0x1d: {  	_ =	swait.ge [sflag:s5], $0x4000;
	s14 =	sshll.u32 s11, $0xE;
	s16 =	simm.s32 $0x0  }
0x1e: {  	p1 =	por $0x1, $0x1;
	s13 =	sand.u32 $0x10000, s13;
	[sflag:s5] =	ssyncset.done $0x0  }
0x1f: {  	s14 =	sand.u32 $0x4000, s14;
	s15 =	sshrl.u32 s13, $0x2;
	[sflag:s5] =	ssyncadd.s32 $0xFFFFC000  }
0x20: {  	s13 =	sor.u32 $0x8000, s14;
	s14 =	sadd.s32 $0x8040, s15;
	s15 =	sadd.s32 $0x40, s15  }
.LBB1_3:
0x21: {  	s16 =	sshll.u32 s16, $0x2  }
0x22: {  	p0 =	por p1, p1;
	s17 =	sshra.s32 s16, $0x2  }
0x23: {  	s18 =	simm.s32 $0x0;
	s16 =	sadd.s32 s17, s14;
	s17 =	sadd.s32 s17, s15  }
.LBB1_4:
0x24: {  	v0 =	vmov s17;
	_ =	sdelay $0x3  }
0x25: {  	s20 =	simm.s32 $0x0  }
0x26: {  	v6 =	vld.idx.msk [tilespmem:v0+s20+$0x30 ss:$0x1], $0xffff  }
0x27: {  	v7 =	vld.idx.msk [tilespmem:v0+s20+$0xFFFFFFC0 ss:$0x1], $0xffff  }
0x28: {  	v5 =	vld.idx.msk [tilespmem:v0+s20+$0xFFFFFFD0 ss:$0x1], $0xffff  }
0x29: {  	v4 =	vld.idx.msk [tilespmem:v0+s20+$0xFFFFFFE0 ss:$0x1], $0xffff  }
0x2a: {  	v3 =	vld.idx.msk [tilespmem:v0+s20+$0xFFFFFFF0 ss:$0x1], $0xffff  }
0x2b: {  	v1 =	vld.idx.msk [tilespmem:v0+s20+$0x0 ss:$0x1], $0xffff  }
0x2c: {  	v2 =	vld.idx.msk [tilespmem:v0+s20+$0x10 ss:$0x1], $0xffff;
	[tilespmem:s16+$0x30] =	vst v6  }
0x2d: {  	s19 =	simm.s32 $0x80;
	s21 =	simm.s32 $0x400;
	[tilespmem:s16+$0xFFFFFFC0] =	vst v7;
	v6 =	vld.idx.msk [tilespmem:v0+s20+$0x20 ss:$0x1], $0xffff;
	s20 =	smov.u32 s16  }
.LBB1_5:
0x2e: {  	p1 =	sne.s32 s21, $0xE00;
	v7 =	vld.idx.msk [tilespmem:v0+s19+$0x30 ss:$0x1], $0xffff;
	[tilespmem:s20+$0xFFFFFFD0] =	vst v5  }
0x2f: {  	v8 =	vld.idx.msk [tilespmem:v0+s19+$0xFFFFFFC0 ss:$0x1], $0xffff;
	[tilespmem:s20+$0xFFFFFFE0] =	vst v4  }
0x30: {  	v5 =	vld.idx.msk [tilespmem:v0+s19+$0xFFFFFFD0 ss:$0x1], $0xffff;
	[tilespmem:s20+$0xFFFFFFF0] =	vst v3  }
.Ltmp3:
0x31: {  	v4 =	vld.idx.msk [tilespmem:v0+s19+$0xFFFFFFE0 ss:$0x1], $0xffff;
	[tilespmem:s20+$0x0] =	vst v1;
	(pc) =	sbr.rel @p1 .LBB1_5-.Ltmp3, $4  }
0x32: {  	v3 =	vld.idx.msk [tilespmem:v0+s19+$0xFFFFFFF0 ss:$0x1], $0xffff;
	[tilespmem:s20+$0x10] =	vst v2  }
0x33: {  	v1 =	vld.idx.msk [tilespmem:v0+s19+$0x0 ss:$0x1], $0xffff;
	[tilespmem:s20+$0x20] =	vst v6;
	s20 =	sadd.s32 $0x400, s20  }
0x34: {  	v2 =	vld.idx.msk [tilespmem:v0+s19+$0x10 ss:$0x1], $0xffff;
	[tilespmem:s20+$0x30] =	vst v7  }
0x35: {  	[tilespmem:s20+$0xFFFFFFC0] =	vst v8;
	v6 =	vld.idx.msk [tilespmem:v0+s19+$0x20 ss:$0x1], $0xffff;
	s19 =	sshra.s32 s21, $0x2;
	s21 =	sadd.s32 $0x200, s21  }
0x36: {  	_ =	sdelay $0x2  }
0x37: {  	[tilespmem:s20+$0xFFFFFFD0] =	vst v5  }
0x38: {  	v56 =	vld.idx.msk [tilespmem:v0+s19+$0x30 ss:$0x1], $0xffff;
	[tilespmem:s20+$0xFFFFFFE0] =	vst v4  }
0x39: {  	v57 =	vld.idx.msk [tilespmem:v0+s19+$0xFFFFFFC0 ss:$0x1], $0xffff;
	[tilespmem:s20+$0xFFFFFFF0] =	vst v3  }
0x3a: {  	v58 =	vld.idx.msk [tilespmem:v0+s19+$0xFFFFFFD0 ss:$0x1], $0xffff;
	[tilespmem:s20+$0x0] =	vst v1  }
0x3b: {  	v59 =	vld.idx.msk [tilespmem:v0+s19+$0xFFFFFFE0 ss:$0x1], $0xffff;
	[tilespmem:s20+$0x10] =	vst v2  }
0x3c: {  	v60 =	vld.idx.msk [tilespmem:v0+s19+$0xFFFFFFF0 ss:$0x1], $0xffff;
	s31 =	sadd.s32 $0x400, s20;
	[tilespmem:s20+$0x20] =	vst v6  }
0x3d: {  	v61 =	vld.idx.msk [tilespmem:v0+s19+$0x0 ss:$0x1], $0xffff;
	[tilespmem:s31+$0x30] =	vst v56  }
0x3e: {  	v62 =	vld.idx.msk [tilespmem:v0+s19+$0x10 ss:$0x1], $0xffff;
	s18 =	sadd.s32 $0x1, s18;
	[tilespmem:s31+$0xFFFFFFC0] =	vst v57  }
0x3f: {  	v63 =	vld.idx.msk [tilespmem:v0+s19+$0x20 ss:$0x1], $0xffff;
	p1 =	sne.s32 s18, $0x8;
	[tilespmem:s31+$0xFFFFFFD0] =	vst v58  }
.Ltmp4:
0x40: {  	[tilespmem:s31+$0xFFFFFFE0] =	vst v59;
	(pc) =	sbr.rel @p1 .LBB1_4-.Ltmp4, $4  }
0x41: {  	[tilespmem:s31+$0xFFFFFFF0] =	vst v60  }
0x42: {  	[tilespmem:s31+$0x0] =	vst v61  }
0x43: {  	[tilespmem:s31+$0x10] =	vst v62  }
0x44: {  	s16 =	sadd.s32 $0x80, s16;
	s17 =	sadd.s32 $0x400, s17;
	[tilespmem:s31+$0x20] =	vst v63  }
.Ltmp5:
0x45: {  	(pc) =	sbr.rel @p0 .LBB1_3-.Ltmp5, $2  }
0x46: {  	_ =	sdelay $0x2  }
0x47: {  	s16 =	simm.s32 $0x2000;
	p1 =	por $0x0, $0x0  }
.Ltmp6:
0x48: {  	(pc) =	sbr.rel .LBB1_9-.Ltmp6, $4  }
0x49: {  	_ = 	snop  }
0x4a: {  	s12 =	sshll.u32 s12, $0xA  }
0x4b: {  	s12 =	sadd.s32 s4, s12  }
0x4c: {  	[hbm4b:s12+s8] =	stream.linear.scatter [tilespmem:s13], [sflag:$0x2], $0x4000, $0x38;
	[tilespmem:$0x10000] =	vst v63  }
.LBB1_10:
0x4d: {  	_ =	sfence.sel $0x180000  }
0x4e: {  	s2 =	simm.s32 $0x1;
	[bflag:$0x0] =	sbarrier.arrive $0xFFFF  }
0x4f: {  	s31 =	simm.s32 $0x2;
	[sflag:s2] =	ssyncpa.u1 $0x1  }
0x50: {  	[sflag:s31] =	ssyncpa.u1 $0x1  }
0x51: {  	p0 =	sne.s32 s0, $0x0;
	_ =	strace $0x90000047  }
0x52: {  	s0 =	sadd.s32 @!p0 $0x100000, s1;
	[bflag:$0x2] =	sbarrier.arrive $0xFFFF  }
0x53: {  	[sflag:s0] =	ssyncadd.tile.s32 @!p0 $0x1;
	_ =	shalt  }
.Lfunc_end1:
_tile_overlayer_lowered:
.L_overlay_start_2:
0x54: {  	(tag) =	ssettag $0x2  }
0x55: {  	s0 =	rddreg [dreg:$0x0];
	s2 =	stileid.u32  }
0x56: {  	s1 =	rddreg [dreg:$0x1];
	p0 =	sne.s32 s2, $0x0  }
0x57: {  	s3 =	rddreg [dreg:$0x2];
	[bflag:$0x3] =	sbarrier.arrive $0xFFFF;
	s2 =	simm.s32 @!p0 $0x1C01  }
0x58: {  	[timem:s3], [sflag:s2] =	dma.local @!p0 [hbm:s0], s1  }
0x59: {  	s0 =	simm.s32 @!p0 $0x1  }
0x5a: {  	_ =	swait.ge @!p0 [sflag:s0], s1  }
0x5b: {  	s1 =	ssub.s32 @!p0 $0x0, s1;
	[sflag:s0] =	ssyncset.done @!p0 $0x0  }
0x5c: {  	[sflag:s0] =	ssyncadd.s32 @!p0 s1  }
0x5d: {  	[bflag:$0x3] =	sbarrier.arrive $0xFFFF  }
0x5e: {  	_ =	shalt  }

</sc_bundles>
